<compile_context>
chip_gen: v7x
topology: tpu7x:2x2x1
jax: 0.10.2.dev20260603
libtpu: 0.0.44.dev20260713+nightly
codegen_flags: <defaults>
</compile_context>

<pallas_src>
import functools

import jax
import jax.numpy as jnp
from jax import lax
from jax.experimental import pallas as pl
from jax.experimental.pallas import tpu as pltpu
from jax.experimental.pallas import tpu_sc as plsc

N = 10000
E = 320000
B = 8
IN = 128
OUT = 16
NET = 25

NW = 32
EPW = E // NW
NPAD = 10240
NPW = NPAD // 16
CH = 80
INNER = 5
CHUNK = CH * INNER
OUTER = EPW // CHUNK

def _mesh():
    return plsc.VectorSubcoreMesh(
        core_axis_name="c", subcore_axis_name="s", num_cores=2, num_subcores=16
    )


def _sc_gather(table, idx2d, D, dtype):

    @functools.partial(
        pl.kernel,
        out_type=jax.ShapeDtypeStruct((E, D), dtype),
        mesh=_mesh(),
        compiler_params=pltpu.CompilerParams(use_tc_tiling_on_sc=False),
        scratch_types=[
            pltpu.VMEM((2, INNER, CH), jnp.int32),
            pltpu.VMEM((2, CHUNK, D), dtype),
            pltpu.SemaphoreType.DMA,
            pltpu.SemaphoreType.DMA,
            pltpu.SemaphoreType.DMA,
        ],
    )
    def g(tab_hbm, idx_hbm, out_hbm, idx_v, rows_v, sem_i, sem_g, sem_o):
        c = lax.axis_index("c")
        s = lax.axis_index("s")
        wid = s * 2 + c
        pltpu.async_copy(idx_hbm.at[wid, 0], idx_v.at[0], sem_i)

        def body(i, carry):
            slot = lax.rem(i, 2)
            pltpu.make_async_copy(idx_hbm.at[wid, i], idx_v.at[slot], sem_i).wait()

            @pl.when(i + 1 < OUTER)
            def _():
                pltpu.async_copy(
                    idx_hbm.at[wid, i + 1], idx_v.at[1 - slot], sem_i
                )

            @pl.when(i >= 2)
            def _():
                pltpu.make_async_copy(
                    rows_v.at[slot], out_hbm.at[pl.ds(0, CHUNK)], sem_o
                ).wait()

            cps = [
                pltpu.async_copy(
                    tab_hbm.at[idx_v.at[slot, j]],
                    rows_v.at[slot, pl.ds(j * CH, CH)],
                    sem_g,
                )
                for j in range(INNER)
            ]
            for cp in cps:
                cp.wait()
            row0 = wid * (EPW // CH) + i * INNER
            pltpu.async_copy(
                rows_v.at[slot], out_hbm.at[pl.ds(row0 * CH, CHUNK)], sem_o
            )
            return carry

        lax.fori_loop(0, OUTER, body, 0)
        for k in range(2):
            pltpu.make_async_copy(
                rows_v.at[k], out_hbm.at[pl.ds(0, CHUNK)], sem_o
            ).wait()

    return g(table, idx2d)


def _sc_scatter_add(msg, idx2d, zeros_init, W):

    @functools.partial(
        pl.kernel,
        out_type=jax.ShapeDtypeStruct((2, NPAD, W), jnp.float32),
        mesh=_mesh(),
        compiler_params=pltpu.CompilerParams(use_tc_tiling_on_sc=False),
        scratch_types=[
            pltpu.VMEM((2, INNER, CH), jnp.int32),
            pltpu.VMEM((2, CHUNK, W), jnp.float32),
            pltpu.VMEM_SHARED((NPAD, W), jnp.float32),
            pltpu.SemaphoreType.DMA,
            pltpu.SemaphoreType.DMA,
            pltpu.SemaphoreType.DMA,
        ],
    )
    def sck(msg_hbm, idx_hbm, zero_hbm, out_hbm, idx_v, rows_v, shared,
            sem_i, sem_m, sem_s):
        c = lax.axis_index("c")
        s = lax.axis_index("s")
        wid = s * 2 + c
        pltpu.sync_copy(zero_hbm, shared.at[pl.ds(s * NPW, NPW)])
        plsc.subcore_barrier()
        pltpu.async_copy(idx_hbm.at[wid, 0], idx_v.at[0], sem_i)
        pltpu.async_copy(
            msg_hbm.at[pl.ds(wid * EPW, CHUNK)], rows_v.at[0], sem_m
        )

        def body(i, carry):
            slot = lax.rem(i, 2)
            row0 = wid * (EPW // CH) + i * INNER
            pltpu.make_async_copy(idx_hbm.at[wid, i], idx_v.at[slot], sem_i).wait()
            pltpu.make_async_copy(
                msg_hbm.at[pl.ds(0, CHUNK)], rows_v.at[slot], sem_m
            ).wait()

            @pl.when(i + 1 < OUTER)
            def _():
                pltpu.async_copy(
                    idx_hbm.at[wid, i + 1], idx_v.at[1 - slot], sem_i
                )
                pltpu.async_copy(
                    msg_hbm.at[pl.ds((row0 + INNER) * CH, CHUNK)],
                    rows_v.at[1 - slot],
                    sem_m,
                )

            cps = [
                pltpu.async_copy(
                    rows_v.at[slot, pl.ds(j * CH, CH)],
                    shared.at[idx_v.at[slot, j]],
                    sem_s,
                    add=True,
                )
                for j in range(INNER)
            ]
            for cp in cps:
                cp.wait()
            return carry

        lax.fori_loop(0, OUTER, body, 0)
        plsc.subcore_barrier()
        pltpu.sync_copy(
            shared.at[pl.ds(s * NPW, NPW)],
            out_hbm.at[c, pl.ds(s * NPW, NPW)],
        )

    return sck(msg, idx2d, zeros_init)


def _msg1_body(xs_ref, ef_ref, et_ref, t_ref, s_ref, out_ref):
    ke = xs_ref.shape[0]
    ci = lax.broadcasted_iota(jnp.int32, (ke, 3 * NET), 1)
    cmod = ci - NET * (ci // NET)
    m = (et_ref[...] == cmod).astype(jnp.float32)
    ef = ef_ref[...]
    fsel = jnp.where(ci < NET, ef[:, 0:1], jnp.where(ci < 2 * NET, ef[:, 1:2], 1.0))
    oh = m * fsel
    z = jnp.dot(oh, t_ref[...], preferred_element_type=jnp.float32)
    xr = jnp.concatenate([xs_ref[...]] * 10, axis=1)
    u = jnp.maximum(z, 0.0) * xr
    msg = jnp.dot(u, s_ref[...], preferred_element_type=jnp.float32)
    msg = msg + (
        lax.broadcasted_iota(jnp.int32, (ke, 32), 1) == 16
    ).astype(jnp.float32)
    out_ref[...] = msg


def _msg1_call(xs, ef, et, table, smat, ke):
    w = IN * 10
    grid = E // ke
    return pl.pallas_call(
        _msg1_body,
        grid=(grid,),
        in_specs=[
            pl.BlockSpec((ke, IN), lambda i: (i, 0)),
            pl.BlockSpec((ke, 2), lambda i: (i, 0)),
            pl.BlockSpec((ke, 1), lambda i: (i, 0)),
            pl.BlockSpec((3 * NET, w), lambda i: (0, 0)),
            pl.BlockSpec((w, 32), lambda i: (0, 0)),
        ],
        out_specs=pl.BlockSpec((ke, 32), lambda i: (i, 0)),
        out_shape=jax.ShapeDtypeStruct((E, 32), jnp.float32),
    )(xs, ef, et, table, smat)


def _msg23_body(wp, hp_ref, eef_ref, pet_ref, pe0_ref, pe1_ref,
                a_ref, b_ref, c_ref, r_ref, s_ref, out_ref):
    kr = hp_ref.shape[0]
    eef = eef_ref[...]
    etb = jnp.dot(eef, pet_ref[...], preferred_element_type=jnp.float32)
    ef0b = jnp.dot(eef, pe0_ref[...], preferred_element_type=jnp.float32)
    ef1b = jnp.dot(eef, pe1_ref[...], preferred_element_type=jnp.float32)
    ci = lax.broadcasted_iota(jnp.int32, (kr, 8 * NET), 1)
    tpat = (ci - NET * (ci // NET)).astype(jnp.float32)
    m = (etb == tpat).astype(jnp.float32)
    z = (
        jnp.dot(m * ef0b, a_ref[...], preferred_element_type=jnp.float32)
        + jnp.dot(m * ef1b, b_ref[...], preferred_element_type=jnp.float32)
        + jnp.dot(m, c_ref[...], preferred_element_type=jnp.float32)
    )
    xr = jnp.dot(hp_ref[...], r_ref[...], preferred_element_type=jnp.float32)
    u = jnp.maximum(z, 0.0) * xr
    out_ref[...] = jnp.dot(u, s_ref[...], preferred_element_type=jnp.float32)


def _msg23_call(hp, eef, pmats, tabs, rmat, smat, oc, kr):
    wp = 8 * 10 * oc
    ep8 = E // 8
    grid = ep8 // kr
    return pl.pallas_call(
        functools.partial(_msg23_body, wp),
        grid=(grid,),
        in_specs=[
            pl.BlockSpec((kr, 128), lambda i: (i, 0)),
            pl.BlockSpec((kr, 128), lambda i: (i, 0)),
            pl.BlockSpec((128, 8 * NET), lambda i: (0, 0)),
            pl.BlockSpec((128, 8 * NET), lambda i: (0, 0)),
            pl.BlockSpec((128, 8 * NET), lambda i: (0, 0)),
            pl.BlockSpec((8 * NET, wp), lambda i: (0, 0)),
            pl.BlockSpec((8 * NET, wp), lambda i: (0, 0)),
            pl.BlockSpec((8 * NET, wp), lambda i: (0, 0)),
            pl.BlockSpec((128, wp), lambda i: (0, 0)),
            pl.BlockSpec((wp, 128), lambda i: (0, 0)),
        ],
        out_specs=pl.BlockSpec((kr, 128), lambda i: (i, 0)),
        out_shape=jax.ShapeDtypeStruct((ep8, 128), jnp.float32),
    )(hp, eef, *pmats, *tabs, rmat, smat)


def _aggr1_body(p_ref, x_ref, root_ref, bias_ref, h_ref, cnt_ref):
    s = p_ref[0] + p_ref[1]
    cnt = s[:, 16:17]
    inv = 1.0 / jnp.maximum(cnt, 1.0)
    aggr = s[:, :16] * inv
    xr = jnp.dot(x_ref[...], root_ref[...], preferred_element_type=jnp.float32)
    h_ref[...] = jnp.maximum(aggr + xr + bias_ref[...], 0.0)
    cnt_ref[...] = cnt


def _aggr1_call(p, x, rootp, biasp, rows):
    grid = N // rows
    return pl.pallas_call(
        _aggr1_body,
        grid=(grid,),
        in_specs=[
            pl.BlockSpec((2, rows, 32), lambda i: (0, i, 0)),
            pl.BlockSpec((rows, IN), lambda i: (i, 0)),
            pl.BlockSpec((IN, 16), lambda i: (0, 0)),
            pl.BlockSpec((1, 16), lambda i: (0, 0)),
        ],
        out_specs=[
            pl.BlockSpec((rows, 16), lambda i: (i, 0)),
            pl.BlockSpec((rows, 1), lambda i: (i, 0)),
        ],
        out_shape=[
            jax.ShapeDtypeStruct((N, 16), jnp.float32),
            jax.ShapeDtypeStruct((N, 1), jnp.float32),
        ],
    )(p, x, rootp, biasp)


def _aggr23_body(p_ref, h_ref, cnt_ref, root_ref, bias_ref, out_ref):
    s = p_ref[0] + p_ref[1]
    inv = 1.0 / jnp.maximum(cnt_ref[...], 1.0)
    hr = jnp.dot(h_ref[...], root_ref[...], preferred_element_type=jnp.float32)
    out_ref[...] = jnp.maximum(s * inv + hr + bias_ref[...], 0.0)


def _aggr23_call(p, h, cnt, rootp, biasp, rows):
    grid = N // rows
    return pl.pallas_call(
        _aggr23_body,
        grid=(grid,),
        in_specs=[
            pl.BlockSpec((2, rows, 16), lambda i: (0, i, 0)),
            pl.BlockSpec((rows, 16), lambda i: (i, 0)),
            pl.BlockSpec((rows, 1), lambda i: (i, 0)),
            pl.BlockSpec((16, 16), lambda i: (0, 0)),
            pl.BlockSpec((1, 16), lambda i: (0, 0)),
        ],
        out_specs=pl.BlockSpec((rows, 16), lambda i: (i, 0)),
        out_shape=jax.ShapeDtypeStruct((N, 16), jnp.float32),
    )(p, h, cnt, rootp, biasp)


def _head_body(
    h3_ref, ct_ref, bt_ref, pt_ref, comp_ref, mic_ref,
    pe_ref, wc_ref, bc_ref, wm_ref, bm_ref,
    wv_ref, bv_ref, wo_ref, bo_ref, wf1_ref, bf1_ref, wf2_ref, bf2_ref,
    out_ref,
):
    h3 = h3_ref[...]
    gate = ct_ref[...] == 1
    bt = bt_ref[...]
    rows = []
    for b in range(B):
        m = jnp.logical_and(gate, bt == b).astype(jnp.float32)
        sb = jnp.sum(h3 * m, axis=0, keepdims=True)
        cb = jnp.maximum(jnp.sum(m), 1.0)
        rows.append(sb / cb)
    gf = jnp.concatenate(rows, axis=0)
    pt = pt_ref[...]
    mpt = (pt == lax.broadcasted_iota(jnp.int32, (B, 6), 1)).astype(jnp.float32)
    pe = jnp.dot(mpt, pe_ref[...], preferred_element_type=jnp.float32)
    comp = (
        jnp.dot(comp_ref[...], wc_ref[...], preferred_element_type=jnp.float32)
        + bc_ref[...]
    )
    mic = (
        jnp.dot(mic_ref[...], wm_ref[...], preferred_element_type=jnp.float32)
        + bm_ref[...]
    )
    c = jnp.concatenate([gf, pe, comp, mic], axis=1)
    v = jnp.dot(c, wv_ref[...], preferred_element_type=jnp.float32) + bv_ref[...]
    att = jnp.dot(v, wo_ref[...], preferred_element_type=jnp.float32) + bo_ref[...]
    f = jnp.maximum(
        jnp.dot(att, wf1_ref[...], preferred_element_type=jnp.float32) + bf1_ref[...],
        0.0,
    )
    out_ref[...] = (
        jnp.dot(f, wf2_ref[...], preferred_element_type=jnp.float32) + bf2_ref[...]
    )


def _edge_tables1(emb, Wh, bh, Wg, bg):
    w = IN * 10
    j = jnp.arange(w)
    old = (j % IN) * 10 + (j // IN)
    e = emb[:, old]
    wh = Wh[old]
    wg = Wg[old]
    a = e * wh[:, 0][None, :] + wg[:, 0][None, :]
    b = e * wh[:, 1][None, :] + wg[:, 1][None, :]
    cc = e * bh[old][None, :] + bg[old][None, :]
    return jnp.concatenate([a, b, cc], axis=0)


def _edge_tables_pad(emb, Wh, bh, Wg, bg, oc):
    w = 10 * oc
    j = jnp.arange(w)
    old = (j % 10) * oc + (j // 10)
    e = emb[:, old]
    wh = Wh[old]
    wg = Wg[old]
    a = e * wh[:, 0][None, :] + wg[:, 0][None, :]
    b = e * wh[:, 1][None, :] + wg[:, 1][None, :]
    cc = e * bh[old][None, :] + bg[old][None, :]
    eye8 = jnp.eye(8, dtype=jnp.float32)
    return tuple(jnp.kron(eye8, t) for t in (a, b, cc))


def kernel(x, edge_index, edge_type, edge_feat, cell_type, batch, patch_type,
           cell_composition, microenv, emb1, Wh1, bh1, Wg1, bg1, root1, bias1,
           emb2, Wh2, bh2, Wg2, bg2, root2, bias2, emb3, Wh3, bh3, Wg3, bg3,
           root3, bias3, patch_emb, Wcomp, bcomp, Wmic, bmic, in_proj_w,
           in_proj_b, out_proj_w, out_proj_b, Wf1, bf1, Wf2, bf2):
    f32 = jnp.float32
    src2d = edge_index[0].astype(jnp.int32).reshape(NW, OUTER, INNER, CH)
    dst2d = edge_index[1].astype(jnp.int32).reshape(NW, OUTER, INNER, CH)
    et = edge_type.astype(jnp.int32).reshape(E, 1)
    ef = edge_feat.astype(f32)

    t1 = _edge_tables1(emb1, Wh1, bh1, Wg1, bg1)
    s1 = jnp.kron(jnp.eye(10, 32, dtype=f32), jnp.ones((IN, 1), f32))

    eye8 = jnp.eye(8, dtype=f32)
    tabs2 = _edge_tables_pad(emb2, Wh2, bh2, Wg2, bg2, 10)
    tabs3 = _edge_tables_pad(emb3, Wh3, bh3, Wg3, bg3, 16)

    def rs_mats(oc):
        w = 10 * oc
        rblk = (jnp.arange(16)[:, None] == (jnp.arange(w)[None, :] % 10)
                ).astype(f32)
        sblk = ((jnp.arange(w)[:, None] // 10) == jnp.arange(16)[None, :]
                ).astype(f32)
        return jnp.kron(eye8, rblk), jnp.kron(eye8, sblk)

    r2, s2 = rs_mats(10)
    r3, s3 = rs_mats(16)

    def sel_mat(row):
        blk = jnp.zeros((16, NET), f32).at[row].set(1.0)
        return jnp.kron(eye8, blk)

    pmats = (sel_mat(0), sel_mat(1), sel_mat(2))
    eef = jnp.concatenate(
        [et.astype(f32), ef, jnp.zeros((E, 13), f32)], axis=1
    ).reshape(E // 8, 128)

    root1p = jnp.zeros((IN, 16), f32).at[:, :10].set(root1)
    bias1p = jnp.zeros((1, 16), f32).at[0, :10].set(bias1)
    root2p = jnp.zeros((16, 16), f32).at[:10, :10].set(root2)
    bias2p = jnp.zeros((1, 16), f32).at[0, :10].set(bias2)
    root3p = jnp.zeros((16, 16), f32).at[:10, :].set(root3)
    bias3p = bias3.reshape(1, 16)

    zeros32 = jnp.zeros((NPW, 32), f32)
    zeros16 = jnp.zeros((NPW, 16), f32)

    xs = _sc_gather(x, src2d, IN, f32)
    msg1 = _msg1_call(xs, ef, et, t1, s1, 1280)
    p1 = _sc_scatter_add(msg1, dst2d, zeros32, 32)[:, :N]
    h1, cnt = _aggr1_call(p1, x, root1p, bias1p, 2000)

    h1g = _sc_gather(h1, src2d, 16, f32)
    msg2 = _msg23_call(
        h1g.reshape(E // 8, 128), eef, pmats, tabs2, r2, s2, 10, 800
    ).reshape(E, 16)
    p2 = _sc_scatter_add(msg2, dst2d, zeros16, 16)[:, :N]
    h2 = _aggr23_call(p2, h1, cnt, root2p, bias2p, 2000)

    h2g = _sc_gather(h2, src2d, 16, f32)
    msg3 = _msg23_call(
        h2g.reshape(E // 8, 128), eef, pmats, tabs3, r3, s3, 16, 800
    ).reshape(E, 16)
    p3 = _sc_scatter_add(msg3, dst2d, zeros16, 16)[:, :N]
    h3 = _aggr23_call(p3, h2, cnt, root3p, bias3p, 2000)

    ct2 = cell_type.astype(jnp.int32).reshape(N, 1)
    bt2 = batch.astype(jnp.int32).reshape(N, 1)
    pt2 = patch_type.astype(jnp.int32).reshape(B, 1)
    d = OUT + 48
    wv = in_proj_w[2 * d:3 * d].T
    bv = in_proj_b[2 * d:].reshape(1, d)
    out = pl.pallas_call(
        _head_body,
        out_shape=jax.ShapeDtypeStruct((B, OUT), f32),
    )(
        h3, ct2, bt2, pt2, cell_composition, microenv,
        patch_emb, Wcomp.T, bcomp.reshape(1, 16), Wmic.T, bmic.reshape(1, 16),
        wv, bv, out_proj_w.T, out_proj_b.reshape(1, d),
        Wf1.T, bf1.reshape(1, 64), Wf2.T, bf2.reshape(1, OUT),
    )
    return out

# --- scband reference (transcript-rebuilt; emitter-appended) ---
"""Pipeline reference for scband-multi-patch-type-cell-net-10041633538771 (READ-ONLY COPY).

The authoritative reference and input builder live on the scoring server;
editing this copy changes nothing except your own understanding.
"""

import jax, jax.numpy as jnp
import numpy as np

N = 10000; E = 320000; B = 8
IN = 128; OUT = 16; EF = 2; NET = 25; NPT = 6; ME = 9


def setup_inputs(seed: int = 0):
    key = jax.random.key(seed)
    ks = jax.random.split(key, 48)
    s = 0.05
    def W(k, shape):
        return jax.random.normal(k, shape, jnp.float32) * s
    inp = {}
    inp["x"] = jax.random.normal(ks[0], (N, IN), jnp.float32)
    inp["edge_index"] = jax.random.randint(ks[1], (2, E), 0, N)
    inp["edge_type"] = jax.random.randint(ks[2], (E,), 0, NET)
    inp["edge_feat"] = jax.random.uniform(ks[3], (E, EF), dtype=jnp.float32)
    inp["cell_type"] = jax.random.randint(ks[4], (N,), 0, 3)
    inp["batch"] = jnp.sort(jax.random.randint(ks[5], (N,), 0, B))
    inp["patch_type"] = jax.random.randint(ks[6], (B,), 0, NPT)
    inp["cell_composition"] = jax.random.uniform(ks[7], (B, 5), dtype=jnp.float32)
    inp["microenv"] = jax.random.normal(ks[8], (B, ME), jnp.float32)
    inp["emb1"] = W(ks[9], (NET, IN * 10)); inp["Wh1"] = W(ks[10], (IN * 10, EF)); inp["bh1"] = jnp.zeros((IN * 10,), jnp.float32); inp["Wg1"] = W(ks[11], (IN * 10, EF)); inp["bg1"] = jnp.zeros((IN * 10,), jnp.float32); inp["root1"] = W(ks[12], (IN, 10)); inp["bias1"] = jnp.zeros((10,), jnp.float32)
    inp["emb2"] = W(ks[13], (NET, 100)); inp["Wh2"] = W(ks[14], (100, EF)); inp["bh2"] = jnp.zeros((100,), jnp.float32); inp["Wg2"] = W(ks[15], (100, EF)); inp["bg2"] = jnp.zeros((100,), jnp.float32); inp["root2"] = W(ks[16], (10, 10)); inp["bias2"] = jnp.zeros((10,), jnp.float32)
    inp["emb3"] = W(ks[17], (NET, 10 * OUT)); inp["Wh3"] = W(ks[18], (10 * OUT, EF)); inp["bh3"] = jnp.zeros((10 * OUT,), jnp.float32); inp["Wg3"] = W(ks[19], (10 * OUT, EF)); inp["bg3"] = jnp.zeros((10 * OUT,), jnp.float32); inp["root3"] = W(ks[20], (10, OUT)); inp["bias3"] = jnp.zeros((OUT,), jnp.float32)
    inp["patch_emb"] = W(ks[21], (NPT, 16))
    inp["Wcomp"] = W(ks[22], (16, 5)); inp["bcomp"] = jnp.zeros((16,), jnp.float32)
    inp["Wmic"] = W(ks[23], (16, ME)); inp["bmic"] = jnp.zeros((16,), jnp.float32)
    D = OUT + 48
    inp["in_proj_w"] = W(ks[24], (3 * D, D)); inp["in_proj_b"] = jnp.zeros((3 * D,), jnp.float32)
    inp["out_proj_w"] = W(ks[25], (D, D)); inp["out_proj_b"] = jnp.zeros((D,), jnp.float32)
    inp["Wf1"] = W(ks[26], (64, D)); inp["bf1"] = jnp.zeros((64,), jnp.float32)
    inp["Wf2"] = W(ks[27], (OUT, 64)); inp["bf2"] = jnp.zeros((OUT,), jnp.float32)
    return inp


def _nnconv(x, ei, et, ef, emb, Wh, bh, Wg, bg, root, bias, ic, oc):
    # EdgeNN: per-edge weight matrix generation
    y = emb[et]
    h = ef @ Wh.T + bh
    g = ef @ Wg.T + bg
    w = jax.nn.relu(y * h + g).reshape(-1, ic, oc)
    src = ei[0]; dst = ei[1]
    msg = jnp.einsum('ei,eio->eo', x[src], w)
    ssum = jax.ops.segment_sum(msg, dst, num_segments=N)
    cnt = jax.ops.segment_sum(jnp.ones((E,), jnp.float32), dst, num_segments=N)
    aggr = ssum / jnp.clip(cnt, 1.0)[:, None]
    return aggr + x @ root + bias


def _forward(x, edge_index, edge_type, edge_feat, cell_type, batch, patch_type, cell_composition, microenv, emb1, Wh1, bh1, Wg1, bg1, root1, bias1, emb2, Wh2, bh2, Wg2, bg2, root2, bias2, emb3, Wh3, bh3, Wg3, bg3, root3, bias3, patch_emb, Wcomp, bcomp, Wmic, bmic, in_proj_w, in_proj_b, out_proj_w, out_proj_b, Wf1, bf1, Wf2, bf2):
    h = jax.nn.relu(_nnconv(x, edge_index, edge_type, edge_feat, emb1, Wh1, bh1, Wg1, bg1, root1, bias1, IN, 10))
    h = jax.nn.relu(_nnconv(h, edge_index, edge_type, edge_feat, emb2, Wh2, bh2, Wg2, bg2, root2, bias2, 10, 10))
    h = jax.nn.relu(_nnconv(h, edge_index, edge_type, edge_feat, emb3, Wh3, bh3, Wg3, bg3, root3, bias3, 10, OUT))
    gate = (cell_type == 1).astype(jnp.int32)
    idx = gate * (batch.astype(jnp.int32) + 1)
    ssum = jax.ops.segment_sum(h, idx, num_segments=B + 1)
    cnt = jax.ops.segment_sum(jnp.ones((N,), jnp.float32), idx, num_segments=B + 1)
    gf = (ssum / jnp.clip(cnt, 1.0)[:, None])[1:B + 1]
    pe = patch_emb[patch_type]
    comp = cell_composition @ Wcomp.T + bcomp
    mic = microenv @ Wmic.T + bmic
    c = jnp.concatenate([gf, pe, comp, mic], axis=1)
    D = OUT + 48; H = 4; dh = D // H
    qkv = c @ in_proj_w.T + in_proj_b
    q, k, v = qkv[:, :D], qkv[:, D:2 * D], qkv[:, 2 * D:]
    qh = q.reshape(-1, H, dh); kh = k.reshape(-1, H, dh); vh = v.reshape(-1, H, dh)
    scores = jnp.sum(qh * kh, axis=-1, keepdims=True) / jnp.sqrt(float(dh))
    attn = jax.nn.softmax(scores, axis=-1)
    o = (attn * vh).reshape(-1, D)
    att_out = o @ out_proj_w.T + out_proj_b
    f = jax.nn.relu(att_out @ Wf1.T + bf1)
    return f @ Wf2.T + bf2


def reference(x, edge_index, edge_type, edge_feat, cell_type, batch, patch_type, cell_composition, microenv, emb1, Wh1, bh1, Wg1, bg1, root1, bias1, emb2, Wh2, bh2, Wg2, bg2, root2, bias2, emb3, Wh3, bh3, Wg3, bg3, root3, bias3, patch_emb, Wcomp, bcomp, Wmic, bmic, in_proj_w, in_proj_b, out_proj_w, out_proj_b, Wf1, bf1, Wf2, bf2):
    return _forward(x, edge_index, edge_type, edge_feat, cell_type, batch, patch_type, cell_composition, microenv, emb1, Wh1, bh1, Wg1, bg1, root1, bias1, emb2, Wh2, bh2, Wg2, bg2, root2, bias2, emb3, Wh3, bh3, Wg3, bg3, root3, bias3, patch_emb, Wcomp, bcomp, Wmic, bmic, in_proj_w, in_proj_b, out_proj_w, out_proj_b, Wf1, bf1, Wf2, bf2)

if __name__ == "__main__":
    import jax
    _d = setup_inputs()
    print(jax.jit(kernel)(*tuple(_d.values())))

</pallas_src>

<mosaic_0001>
#map = affine_map<(d0, d1) -> (0, 0)>
#map1 = affine_map<(d0, d1) -> (0, 0, 0, 0)>
module attributes {stable_mosaic.version = 14 : i64} {
  func.func @g(%arg0: i32, %arg1: i32, %arg2: memref<10000x128xf32, #tpu.memory_space<hbm>>, %arg3: memref<32x25x5x80xi32, #tpu.memory_space<hbm>>, %arg4: memref<320000x128xf32, #tpu.memory_space<hbm>>, %arg5: memref<2x5x80xi32, #tpu.memory_space<vmem>>, %arg6: memref<2x400x128xf32, #tpu.memory_space<vmem>>, %arg7: memref<!tpu.dma_semaphore, #tpu.memory_space<semaphore_mem>>, %arg8: memref<!tpu.dma_semaphore, #tpu.memory_space<semaphore_mem>>, %arg9: memref<!tpu.dma_semaphore, #tpu.memory_space<semaphore_mem>>) attributes {dimension_semantics = [#tpu.dimension_semantics<core_parallel>, #tpu.dimension_semantics<subcore_parallel>], iteration_bounds = array<i64: 2, 16>, scalar_prefetch = 0 : i64, scratch_operands = 5 : i64, tpu.core_type = #tpu.core_type<sc_vector_subcore>, window_params = [{transform_indices = #map}, {transform_indices = #map1}, {transform_indices = #map}]} {
    %mul3A = arith.constant 2 : i32
    %mul3A_0 = arith.muli %arg1, %mul3A : i32
    %add3A = arith.addi %mul3A_0, %arg0 : i32
    %dma_start3A = arith.constant 0 : i32
    %dma_start3A_1 = arith.constant 0 : i32
    %dma_start3A_2 = arith.constant 0 : i32
    %dma_start3A_3 = arith.constant 0 : i32
    %dma_start3A_4 = tpu.memref_slice %arg5[%dma_start3A_1, %dma_start3A_2, %dma_start3A_3] : memref<2x5x80xi32, #tpu.memory_space<vmem>> -> memref<1x5x80xi32, #tpu.memory_space<vmem>>
    %dma_start3A_5 = tpu.memref_squeeze %dma_start3A_4 : memref<1x5x80xi32, #tpu.memory_space<vmem>> -> memref<5x80xi32, #tpu.memory_space<vmem>>
    %dma_start3A_6 = arith.constant 0 : i32
    %dma_start3A_7 = arith.constant 0 : i32
    %dma_start3A_8 = tpu.memref_slice %arg3[%add3A, %dma_start3A, %dma_start3A_6, %dma_start3A_7] : memref<32x25x5x80xi32, #tpu.memory_space<hbm>> -> memref<1x1x5x80xi32, #tpu.memory_space<hbm>>
    %dma_start3A_9 = tpu.memref_squeeze %dma_start3A_8 : memref<1x1x5x80xi32, #tpu.memory_space<hbm>> -> memref<5x80xi32, #tpu.memory_space<hbm>>
    %dma_start3A_10 = arith.constant 0 : i32
    %dma_start3A_11 = arith.constant 0 : i32
    %dma_start3A_12 = tpu.memref_slice %arg5[%dma_start3A_1, %dma_start3A_10, %dma_start3A_11] : memref<2x5x80xi32, #tpu.memory_space<vmem>> -> memref<1x5x80xi32, #tpu.memory_space<vmem>>
    %dma_start3A_13 = tpu.memref_squeeze %dma_start3A_12 : memref<1x5x80xi32, #tpu.memory_space<vmem>> -> memref<5x80xi32, #tpu.memory_space<vmem>>
    %dma_start3A_14 = arith.constant 0 : i32
    %dma_start3A_15 = arith.constant 0 : i32
    %dma_start3A_16 = tpu.memref_slice %arg3[%add3A, %dma_start3A, %dma_start3A_14, %dma_start3A_15] : memref<32x25x5x80xi32, #tpu.memory_space<hbm>> -> memref<1x1x5x80xi32, #tpu.memory_space<hbm>>
    %dma_start3A_17 = tpu.memref_squeeze %dma_start3A_16 : memref<1x1x5x80xi32, #tpu.memory_space<hbm>> -> memref<5x80xi32, #tpu.memory_space<hbm>>
    tpu.enqueue_dma source(%dma_start3A_17 : memref<5x80xi32, #tpu.memory_space<hbm>>) target(%dma_start3A_13 : memref<5x80xi32, #tpu.memory_space<vmem>>) target_semaphore(%arg7 : memref<!tpu.dma_semaphore, #tpu.memory_space<semaphore_mem>>)
    %scan3A = arith.constant 0 : i32
    %scan3A_18 = arith.constant 0 : i32
    %scan3A_19 = arith.constant 25 : i32
    %scan3A_20 = arith.addi %scan3A_18, %scan3A_19 : i32
    %scan3A_21 = arith.constant 1 : i32
    scf.for %scan3A_52 = %scan3A_18 to %scan3A_20 step %scan3A_21  : i32 {
      %rem3A = arith.constant 2 : i32
      %rem3A_53 = arith.remsi %scan3A_52, %rem3A : i32
      %dma_wait3A_54 = arith.constant 0 : i32
      %dma_wait3A_55 = arith.constant 0 : i32
      %dma_wait3A_56 = tpu.memref_slice %arg5[%rem3A_53, %dma_wait3A_54, %dma_wait3A_55] : memref<2x5x80xi32, #tpu.memory_space<vmem>> -> memref<1x5x80xi32, #tpu.memory_space<vmem>>
      %dma_wait3A_57 = tpu.memref_squeeze %dma_wait3A_56 : memref<1x5x80xi32, #tpu.memory_space<vmem>> -> memref<5x80xi32, #tpu.memory_space<vmem>>
      %dma_wait3A_58 = arith.constant 0 : i32
      %dma_wait3A_59 = arith.constant 0 : i32
      %dma_wait3A_60 = tpu.memref_slice %arg3[%add3A, %scan3A_52, %dma_wait3A_58, %dma_wait3A_59] : memref<32x25x5x80xi32, #tpu.memory_space<hbm>> -> memref<1x1x5x80xi32, #tpu.memory_space<hbm>>
      %dma_wait3A_61 = tpu.memref_squeeze %dma_wait3A_60 : memref<1x1x5x80xi32, #tpu.memory_space<hbm>> -> memref<5x80xi32, #tpu.memory_space<hbm>>
      %dma_wait3A_62 = arith.constant 0 : i32
      %dma_wait3A_63 = arith.constant 0 : i32
      %dma_wait3A_64 = tpu.memref_slice %arg5[%rem3A_53, %dma_wait3A_62, %dma_wait3A_63] : memref<2x5x80xi32, #tpu.memory_space<vmem>> -> memref<1x5x80xi32, #tpu.memory_space<vmem>>
      %dma_wait3A_65 = tpu.memref_squeeze %dma_wait3A_64 : memref<1x5x80xi32, #tpu.memory_space<vmem>> -> memref<5x80xi32, #tpu.memory_space<vmem>>
      %dma_wait3A_66 = arith.constant 0 : i32
      %dma_wait3A_67 = arith.constant 0 : i32
      %dma_wait3A_68 = tpu.memref_slice %arg3[%add3A, %scan3A_52, %dma_wait3A_66, %dma_wait3A_67] : memref<32x25x5x80xi32, #tpu.memory_space<hbm>> -> memref<1x1x5x80xi32, #tpu.memory_space<hbm>>
      %dma_wait3A_69 = tpu.memref_squeeze %dma_wait3A_68 : memref<1x1x5x80xi32, #tpu.memory_space<hbm>> -> memref<5x80xi32, #tpu.memory_space<hbm>>
      tpu.wait_dma2 semaphore(%arg7 : memref<!tpu.dma_semaphore, #tpu.memory_space<semaphore_mem>>) src(%dma_wait3A_69 : memref<5x80xi32, #tpu.memory_space<hbm>>) dst(%dma_wait3A_65 : memref<5x80xi32, #tpu.memory_space<vmem>>)
      %add3A_70 = arith.constant 1 : i32
      %add3A_71 = arith.addi %scan3A_52, %add3A_70 : i32
      %lt3A = arith.constant 25 : i32
      %lt3A_72 = arith.cmpi slt, %add3A_71, %lt3A : i32
      %convert_element_type3A = arith.extui %lt3A_72 : i1 to i32
      %cond3A = arith.constant 0 : i32
      %cond3A_73 = arith.cmpi ne, %convert_element_type3A, %cond3A : i32
      scf.if %cond3A_73 {
        %add3A_207 = arith.constant 1 : i32
        %add3A_208 = arith.addi %scan3A_52, %add3A_207 : i32
        %sub3A = arith.constant 1 : i32
        %sub3A_209 = arith.subi %sub3A, %rem3A_53 : i32
        %dma_start3A_210 = arith.constant 0 : i32
        %dma_start3A_211 = arith.constant 0 : i32
        %dma_start3A_212 = tpu.memref_slice %arg5[%sub3A_209, %dma_start3A_210, %dma_start3A_211] : memref<2x5x80xi32, #tpu.memory_space<vmem>> -> memref<1x5x80xi32, #tpu.memory_space<vmem>>
        %dma_start3A_213 = tpu.memref_squeeze %dma_start3A_212 : memref<1x5x80xi32, #tpu.memory_space<vmem>> -> memref<5x80xi32, #tpu.memory_space<vmem>>
        %dma_start3A_214 = arith.constant 0 : i32
        %dma_start3A_215 = arith.constant 0 : i32
        %dma_start3A_216 = tpu.memref_slice %arg3[%add3A, %add3A_208, %dma_start3A_214, %dma_start3A_215] : memref<32x25x5x80xi32, #tpu.memory_space<hbm>> -> memref<1x1x5x80xi32, #tpu.memory_space<hbm>>
        %dma_start3A_217 = tpu.memref_squeeze %dma_start3A_216 : memref<1x1x5x80xi32, #tpu.memory_space<hbm>> -> memref<5x80xi32, #tpu.memory_space<hbm>>
        %dma_start3A_218 = arith.constant 0 : i32
        %dma_start3A_219 = arith.constant 0 : i32
        %dma_start3A_220 = tpu.memref_slice %arg5[%sub3A_209, %dma_start3A_218, %dma_start3A_219] : memref<2x5x80xi32, #tpu.memory_space<vmem>> -> memref<1x5x80xi32, #tpu.memory_space<vmem>>
        %dma_start3A_221 = tpu.memref_squeeze %dma_start3A_220 : memref<1x5x80xi32, #tpu.memory_space<vmem>> -> memref<5x80xi32, #tpu.memory_space<vmem>>
        %dma_start3A_222 = arith.constant 0 : i32
        %dma_start3A_223 = arith.constant 0 : i32
        %dma_start3A_224 = tpu.memref_slice %arg3[%add3A, %add3A_208, %dma_start3A_222, %dma_start3A_223] : memref<32x25x5x80xi32, #tpu.memory_space<hbm>> -> memref<1x1x5x80xi32, #tpu.memory_space<hbm>>
        %dma_start3A_225 = tpu.memref_squeeze %dma_start3A_224 : memref<1x1x5x80xi32, #tpu.memory_space<hbm>> -> memref<5x80xi32, #tpu.memory_space<hbm>>
        tpu.enqueue_dma source(%dma_start3A_225 : memref<5x80xi32, #tpu.memory_space<hbm>>) target(%dma_start3A_221 : memref<5x80xi32, #tpu.memory_space<vmem>>) target_semaphore(%arg7 : memref<!tpu.dma_semaphore, #tpu.memory_space<semaphore_mem>>)
      } else {
      }
      %ge3A = arith.constant 2 : i32
      %ge3A_74 = arith.cmpi sge, %scan3A_52, %ge3A : i32
      %convert_element_type3A_75 = arith.extui %ge3A_74 : i1 to i32
      %cond3A_76 = arith.constant 0 : i32
      %cond3A_77 = arith.cmpi ne, %convert_element_type3A_75, %cond3A_76 : i32
      scf.if %cond3A_77 {
        %dma_wait3A_207 = arith.constant 0 : i32
        %dma_wait3A_208 = arith.constant 0 : i32
        %dma_wait3A_209 = tpu.memref_slice %arg6[%rem3A_53, %dma_wait3A_207, %dma_wait3A_208] : memref<2x400x128xf32, #tpu.memory_space<vmem>> -> memref<1x400x128xf32, #tpu.memory_space<vmem>>
        %dma_wait3A_210 = tpu.memref_squeeze %dma_wait3A_209 : memref<1x400x128xf32, #tpu.memory_space<vmem>> -> memref<400x128xf32, #tpu.memory_space<vmem>>
        %dma_wait3A_211 = arith.constant 0 : i32
        %dma_wait3A_212 = arith.constant 0 : i32
        %dma_wait3A_213 = tpu.memref_slice %arg4[%dma_wait3A_211, %dma_wait3A_212] : memref<320000x128xf32, #tpu.memory_space<hbm>> -> memref<400x128xf32, #tpu.memory_space<hbm>>
        %dma_wait3A_214 = arith.constant 0 : i32
        %dma_wait3A_215 = arith.constant 0 : i32
        %dma_wait3A_216 = tpu.memref_slice %arg4[%dma_wait3A_214, %dma_wait3A_215] : memref<320000x128xf32, #tpu.memory_space<hbm>> -> memref<400x128xf32, #tpu.memory_space<hbm>>
        %dma_wait3A_217 = arith.constant 0 : i32
        %dma_wait3A_218 = arith.constant 0 : i32
        %dma_wait3A_219 = tpu.memref_slice %arg6[%rem3A_53, %dma_wait3A_217, %dma_wait3A_218] : memref<2x400x128xf32, #tpu.memory_space<vmem>> -> memref<1x400x128xf32, #tpu.memory_space<vmem>>
        %dma_wait3A_220 = tpu.memref_squeeze %dma_wait3A_219 : memref<1x400x128xf32, #tpu.memory_space<vmem>> -> memref<400x128xf32, #tpu.memory_space<vmem>>
        tpu.wait_dma2 semaphore(%arg9 : memref<!tpu.dma_semaphore, #tpu.memory_space<semaphore_mem>>) src(%dma_wait3A_220 : memref<400x128xf32, #tpu.memory_space<vmem>>) dst(%dma_wait3A_216 : memref<400x128xf32, #tpu.memory_space<hbm>>)
      } else {
      }
      %dma_start3A_78 = arith.constant 0 : i32
      %dma_start3A_79 = arith.constant 0 : i32
      %dma_start3A_80 = arith.constant 0 : i32
      %dma_start3A_81 = tpu.memref_slice %arg6[%rem3A_53, %dma_start3A_79, %dma_start3A_80] : memref<2x400x128xf32, #tpu.memory_space<vmem>> -> memref<1x80x128xf32, #tpu.memory_space<vmem>>
      %dma_start3A_82 = tpu.memref_squeeze %dma_start3A_81 : memref<1x80x128xf32, #tpu.memory_space<vmem>> -> memref<80x128xf32, #tpu.memory_space<vmem>>
      %dma_start3A_83 = arith.constant 0 : i32
      %dma_start3A_84 = tpu.memref_slice %arg5[%rem3A_53, %dma_start3A_78, %dma_start3A_83] : memref<2x5x80xi32, #tpu.memory_space<vmem>> -> memref<1x1x80xi32, #tpu.memory_space<vmem>>
      %dma_start3A_85 = tpu.memref_squeeze %dma_start3A_84 : memref<1x1x80xi32, #tpu.memory_space<vmem>> -> memref<80xi32, #tpu.memory_space<vmem>>
      %dma_start3A_86 = arith.constant 0 : i32
      %dma_start3A_87 = arith.constant 0 : i32
      %dma_start3A_88 = tpu.memref_slice %arg2[%dma_start3A_86, %dma_start3A_87] : memref<10000x128xf32, #tpu.memory_space<hbm>> -> memref<10000x128xf32, #tpu.memory_space<hbm>>
      tpu.enqueue_indirect_dma source(%dma_start3A_88 : memref<10000x128xf32, #tpu.memory_space<hbm>>) target(%dma_start3A_82 : memref<80x128xf32, #tpu.memory_space<vmem>>) offsets(%dma_start3A_85 : memref<80xi32, #tpu.memory_space<vmem>>) semaphore(%arg8 : memref<!tpu.dma_semaphore, #tpu.memory_space<semaphore_mem>>)
      %dma_start3A_89 = arith.constant 1 : i32
      %dma_start3A_90 = arith.constant 80 : i32
      %dma_start3A_91 = arith.constant 0 : i32
      %dma_start3A_92 = tpu.memref_slice %arg6[%rem3A_53, %dma_start3A_90, %dma_start3A_91] : memref<2x400x128xf32, #tpu.memory_space<vmem>> -> memref<1x80x128xf32, #tpu.memory_space<vmem>>
      %dma_start3A_93 = tpu.memref_squeeze %dma_start3A_92 : memref<1x80x128xf32, #tpu.memory_space<vmem>> -> memref<80x128xf32, #tpu.memory_space<vmem>>
      %dma_start3A_94 = arith.constant 0 : i32
      %dma_start3A_95 = tpu.memref_slice %arg5[%rem3A_53, %dma_start3A_89, %dma_start3A_94] : memref<2x5x80xi32, #tpu.memory_space<vmem>> -> memref<1x1x80xi32, #tpu.memory_space<vmem>>
      %dma_start3A_96 = tpu.memref_squeeze %dma_start3A_95 : memref<1x1x80xi32, #tpu.memory_space<vmem>> -> memref<80xi32, #tpu.memory_space<vmem>>
      %dma_start3A_97 = arith.constant 0 : i32
      %dma_start3A_98 = arith.constant 0 : i32
      %dma_start3A_99 = tpu.memref_slice %arg2[%dma_start3A_97, %dma_start3A_98] : memref<10000x128xf32, #tpu.memory_space<hbm>> -> memref<10000x128xf32, #tpu.memory_space<hbm>>
      tpu.enqueue_indirect_dma source(%dma_start3A_99 : memref<10000x128xf32, #tpu.memory_space<hbm>>) target(%dma_start3A_93 : memref<80x128xf32, #tpu.memory_space<vmem>>) offsets(%dma_start3A_96 : memref<80xi32, #tpu.memory_space<vmem>>) semaphore(%arg8 : memref<!tpu.dma_semaphore, #tpu.memory_space<semaphore_mem>>)
      %dma_start3A_100 = arith.constant 2 : i32
      %dma_start3A_101 = arith.constant 160 : i32
      %dma_start3A_102 = arith.constant 0 : i32
      %dma_start3A_103 = tpu.memref_slice %arg6[%rem3A_53, %dma_start3A_101, %dma_start3A_102] : memref<2x400x128xf32, #tpu.memory_space<vmem>> -> memref<1x80x128xf32, #tpu.memory_space<vmem>>
      %dma_start3A_104 = tpu.memref_squeeze %dma_start3A_103 : memref<1x80x128xf32, #tpu.memory_space<vmem>> -> memref<80x128xf32, #tpu.memory_space<vmem>>
      %dma_start3A_105 = arith.constant 0 : i32
      %dma_start3A_106 = tpu.memref_slice %arg5[%rem3A_53, %dma_start3A_100, %dma_start3A_105] : memref<2x5x80xi32, #tpu.memory_space<vmem>> -> memref<1x1x80xi32, #tpu.memory_space<vmem>>
      %dma_start3A_107 = tpu.memref_squeeze %dma_start3A_106 : memref<1x1x80xi32, #tpu.memory_space<vmem>> -> memref<80xi32, #tpu.memory_space<vmem>>
      %dma_start3A_108 = arith.constant 0 : i32
      %dma_start3A_109 = arith.constant 0 : i32
      %dma_start3A_110 = tpu.memref_slice %arg2[%dma_start3A_108, %dma_start3A_109] : memref<10000x128xf32, #tpu.memory_space<hbm>> -> memref<10000x128xf32, #tpu.memory_space<hbm>>
      tpu.enqueue_indirect_dma source(%dma_start3A_110 : memref<10000x128xf32, #tpu.memory_space<hbm>>) target(%dma_start3A_104 : memref<80x128xf32, #tpu.memory_space<vmem>>) offsets(%dma_start3A_107 : memref<80xi32, #tpu.memory_space<vmem>>) semaphore(%arg8 : memref<!tpu.dma_semaphore, #tpu.memory_space<semaphore_mem>>)
      %dma_start3A_111 = arith.constant 3 : i32
      %dma_start3A_112 = arith.constant 240 : i32
      %dma_start3A_113 = arith.constant 0 : i32
      %dma_start3A_114 = tpu.memref_slice %arg6[%rem3A_53, %dma_start3A_112, %dma_start3A_113] : memref<2x400x128xf32, #tpu.memory_space<vmem>> -> memref<1x80x128xf32, #tpu.memory_space<vmem>>
      %dma_start3A_115 = tpu.memref_squeeze %dma_start3A_114 : memref<1x80x128xf32, #tpu.memory_space<vmem>> -> memref<80x128xf32, #tpu.memory_space<vmem>>
      %dma_start3A_116 = arith.constant 0 : i32
      %dma_start3A_117 = tpu.memref_slice %arg5[%rem3A_53, %dma_start3A_111, %dma_start3A_116] : memref<2x5x80xi32, #tpu.memory_space<vmem>> -> memref<1x1x80xi32, #tpu.memory_space<vmem>>
      %dma_start3A_118 = tpu.memref_squeeze %dma_start3A_117 : memref<1x1x80xi32, #tpu.memory_space<vmem>> -> memref<80xi32, #tpu.memory_space<vmem>>
      %dma_start3A_119 = arith.constant 0 : i32
      %dma_start3A_120 = arith.constant 0 : i32
      %dma_start3A_121 = tpu.memref_slice %arg2[%dma_start3A_119, %dma_start3A_120] : memref<10000x128xf32, #tpu.memory_space<hbm>> -> memref<10000x128xf32, #tpu.memory_space<hbm>>
      tpu.enqueue_indirect_dma source(%dma_start3A_121 : memref<10000x128xf32, #tpu.memory_space<hbm>>) target(%dma_start3A_115 : memref<80x128xf32, #tpu.memory_space<vmem>>) offsets(%dma_start3A_118 : memref<80xi32, #tpu.memory_space<vmem>>) semaphore(%arg8 : memref<!tpu.dma_semaphore, #tpu.memory_space<semaphore_mem>>)
      %dma_start3A_122 = arith.constant 4 : i32
      %dma_start3A_123 = arith.constant 320 : i32
      %dma_start3A_124 = arith.constant 0 : i32
      %dma_start3A_125 = tpu.memref_slice %arg6[%rem3A_53, %dma_start3A_123, %dma_start3A_124] : memref<2x400x128xf32, #tpu.memory_space<vmem>> -> memref<1x80x128xf32, #tpu.memory_space<vmem>>
      %dma_start3A_126 = tpu.memref_squeeze %dma_start3A_125 : memref<1x80x128xf32, #tpu.memory_space<vmem>> -> memref<80x128xf32, #tpu.memory_space<vmem>>
      %dma_start3A_127 = arith.constant 0 : i32
      %dma_start3A_128 = tpu.memref_slice %arg5[%rem3A_53, %dma_start3A_122, %dma_start3A_127] : memref<2x5x80xi32, #tpu.memory_space<vmem>> -> memref<1x1x80xi32, #tpu.memory_space<vmem>>
      %dma_start3A_129 = tpu.memref_squeeze %dma_start3A_128 : memref<1x1x80xi32, #tpu.memory_space<vmem>> -> memref<80xi32, #tpu.memory_space<vmem>>
      %dma_start3A_130 = arith.constant 0 : i32
      %dma_start3A_131 = arith.constant 0 : i32
      %dma_start3A_132 = tpu.memref_slice %arg2[%dma_start3A_130, %dma_start3A_131] : memref<10000x128xf32, #tpu.memory_space<hbm>> -> memref<10000x128xf32, #tpu.memory_space<hbm>>
      tpu.enqueue_indirect_dma source(%dma_start3A_132 : memref<10000x128xf32, #tpu.memory_space<hbm>>) target(%dma_start3A_126 : memref<80x128xf32, #tpu.memory_space<vmem>>) offsets(%dma_start3A_129 : memref<80xi32, #tpu.memory_space<vmem>>) semaphore(%arg8 : memref<!tpu.dma_semaphore, #tpu.memory_space<semaphore_mem>>)
      %dma_wait3A_133 = arith.constant 0 : i32
      %dma_wait3A_134 = arith.constant 0 : i32
      %dma_wait3A_135 = arith.constant 0 : i32
      %dma_wait3A_136 = tpu.memref_slice %arg6[%rem3A_53, %dma_wait3A_134, %dma_wait3A_135] : memref<2x400x128xf32, #tpu.memory_space<vmem>> -> memref<1x80x128xf32, #tpu.memory_space<vmem>>
      %dma_wait3A_137 = tpu.memref_squeeze %dma_wait3A_136 : memref<1x80x128xf32, #tpu.memory_space<vmem>> -> memref<80x128xf32, #tpu.memory_space<vmem>>
      %dma_wait3A_138 = arith.constant 0 : i32
      %dma_wait3A_139 = tpu.memref_slice %arg5[%rem3A_53, %dma_wait3A_133, %dma_wait3A_138] : memref<2x5x80xi32, #tpu.memory_space<vmem>> -> memref<1x1x80xi32, #tpu.memory_space<vmem>>
      %dma_wait3A_140 = tpu.memref_squeeze %dma_wait3A_139 : memref<1x1x80xi32, #tpu.memory_space<vmem>> -> memref<80xi32, #tpu.memory_space<vmem>>
      %dma_wait3A_141 = arith.constant 0 : i32
      %dma_wait3A_142 = arith.constant 0 : i32
      %dma_wait3A_143 = tpu.memref_slice %arg2[%dma_wait3A_141, %dma_wait3A_142] : memref<10000x128xf32, #tpu.memory_space<hbm>> -> memref<10000x128xf32, #tpu.memory_space<hbm>>
      tpu.wait_indirect_dma semaphore(%arg8 : memref<!tpu.dma_semaphore, #tpu.memory_space<semaphore_mem>>) src(%dma_wait3A_143 : memref<10000x128xf32, #tpu.memory_space<hbm>>) dst(%dma_wait3A_137 : memref<80x128xf32, #tpu.memory_space<vmem>>)
      %dma_wait3A_144 = arith.constant 1 : i32
      %dma_wait3A_145 = arith.constant 80 : i32
      %dma_wait3A_146 = arith.constant 0 : i32
      %dma_wait3A_147 = tpu.memref_slice %arg6[%rem3A_53, %dma_wait3A_145, %dma_wait3A_146] : memref<2x400x128xf32, #tpu.memory_space<vmem>> -> memref<1x80x128xf32, #tpu.memory_space<vmem>>
      %dma_wait3A_148 = tpu.memref_squeeze %dma_wait3A_147 : memref<1x80x128xf32, #tpu.memory_space<vmem>> -> memref<80x128xf32, #tpu.memory_space<vmem>>
      %dma_wait3A_149 = arith.constant 0 : i32
      %dma_wait3A_150 = tpu.memref_slice %arg5[%rem3A_53, %dma_wait3A_144, %dma_wait3A_149] : memref<2x5x80xi32, #tpu.memory_space<vmem>> -> memref<1x1x80xi32, #tpu.memory_space<vmem>>
      %dma_wait3A_151 = tpu.memref_squeeze %dma_wait3A_150 : memref<1x1x80xi32, #tpu.memory_space<vmem>> -> memref<80xi32, #tpu.memory_space<vmem>>
      %dma_wait3A_152 = arith.constant 0 : i32
      %dma_wait3A_153 = arith.constant 0 : i32
      %dma_wait3A_154 = tpu.memref_slice %arg2[%dma_wait3A_152, %dma_wait3A_153] : memref<10000x128xf32, #tpu.memory_space<hbm>> -> memref<10000x128xf32, #tpu.memory_space<hbm>>
      tpu.wait_indirect_dma semaphore(%arg8 : memref<!tpu.dma_semaphore, #tpu.memory_space<semaphore_mem>>) src(%dma_wait3A_154 : memref<10000x128xf32, #tpu.memory_space<hbm>>) dst(%dma_wait3A_148 : memref<80x128xf32, #tpu.memory_space<vmem>>)
      %dma_wait3A_155 = arith.constant 2 : i32
      %dma_wait3A_156 = arith.constant 160 : i32
      %dma_wait3A_157 = arith.constant 0 : i32
      %dma_wait3A_158 = tpu.memref_slice %arg6[%rem3A_53, %dma_wait3A_156, %dma_wait3A_157] : memref<2x400x128xf32, #tpu.memory_space<vmem>> -> memref<1x80x128xf32, #tpu.memory_space<vmem>>
      %dma_wait3A_159 = tpu.memref_squeeze %dma_wait3A_158 : memref<1x80x128xf32, #tpu.memory_space<vmem>> -> memref<80x128xf32, #tpu.memory_space<vmem>>
      %dma_wait3A_160 = arith.constant 0 : i32
      %dma_wait3A_161 = tpu.memref_slice %arg5[%rem3A_53, %dma_wait3A_155, %dma_wait3A_160] : memref<2x5x80xi32, #tpu.memory_space<vmem>> -> memref<1x1x80xi32, #tpu.memory_space<vmem>>
      %dma_wait3A_162 = tpu.memref_squeeze %dma_wait3A_161 : memref<1x1x80xi32, #tpu.memory_space<vmem>> -> memref<80xi32, #tpu.memory_space<vmem>>
      %dma_wait3A_163 = arith.constant 0 : i32
      %dma_wait3A_164 = arith.constant 0 : i32
      %dma_wait3A_165 = tpu.memref_slice %arg2[%dma_wait3A_163, %dma_wait3A_164] : memref<10000x128xf32, #tpu.memory_space<hbm>> -> memref<10000x128xf32, #tpu.memory_space<hbm>>
      tpu.wait_indirect_dma semaphore(%arg8 : memref<!tpu.dma_semaphore, #tpu.memory_space<semaphore_mem>>) src(%dma_wait3A_165 : memref<10000x128xf32, #tpu.memory_space<hbm>>) dst(%dma_wait3A_159 : memref<80x128xf32, #tpu.memory_space<vmem>>)
      %dma_wait3A_166 = arith.constant 3 : i32
      %dma_wait3A_167 = arith.constant 240 : i32
      %dma_wait3A_168 = arith.constant 0 : i32
      %dma_wait3A_169 = tpu.memref_slice %arg6[%rem3A_53, %dma_wait3A_167, %dma_wait3A_168] : memref<2x400x128xf32, #tpu.memory_space<vmem>> -> memref<1x80x128xf32, #tpu.memory_space<vmem>>
      %dma_wait3A_170 = tpu.memref_squeeze %dma_wait3A_169 : memref<1x80x128xf32, #tpu.memory_space<vmem>> -> memref<80x128xf32, #tpu.memory_space<vmem>>
      %dma_wait3A_171 = arith.constant 0 : i32
      %dma_wait3A_172 = tpu.memref_slice %arg5[%rem3A_53, %dma_wait3A_166, %dma_wait3A_171] : memref<2x5x80xi32, #tpu.memory_space<vmem>> -> memref<1x1x80xi32, #tpu.memory_space<vmem>>
      %dma_wait3A_173 = tpu.memref_squeeze %dma_wait3A_172 : memref<1x1x80xi32, #tpu.memory_space<vmem>> -> memref<80xi32, #tpu.memory_space<vmem>>
      %dma_wait3A_174 = arith.constant 0 : i32
      %dma_wait3A_175 = arith.constant 0 : i32
      %dma_wait3A_176 = tpu.memref_slice %arg2[%dma_wait3A_174, %dma_wait3A_175] : memref<10000x128xf32, #tpu.memory_space<hbm>> -> memref<10000x128xf32, #tpu.memory_space<hbm>>
      tpu.wait_indirect_dma semaphore(%arg8 : memref<!tpu.dma_semaphore, #tpu.memory_space<semaphore_mem>>) src(%dma_wait3A_176 : memref<10000x128xf32, #tpu.memory_space<hbm>>) dst(%dma_wait3A_170 : memref<80x128xf32, #tpu.memory_space<vmem>>)
      %dma_wait3A_177 = arith.constant 4 : i32
      %dma_wait3A_178 = arith.constant 320 : i32
      %dma_wait3A_179 = arith.constant 0 : i32
      %dma_wait3A_180 = tpu.memref_slice %arg6[%rem3A_53, %dma_wait3A_178, %dma_wait3A_179] : memref<2x400x128xf32, #tpu.memory_space<vmem>> -> memref<1x80x128xf32, #tpu.memory_space<vmem>>
      %dma_wait3A_181 = tpu.memref_squeeze %dma_wait3A_180 : memref<1x80x128xf32, #tpu.memory_space<vmem>> -> memref<80x128xf32, #tpu.memory_space<vmem>>
      %dma_wait3A_182 = arith.constant 0 : i32
      %dma_wait3A_183 = tpu.memref_slice %arg5[%rem3A_53, %dma_wait3A_177, %dma_wait3A_182] : memref<2x5x80xi32, #tpu.memory_space<vmem>> -> memref<1x1x80xi32, #tpu.memory_space<vmem>>
      %dma_wait3A_184 = tpu.memref_squeeze %dma_wait3A_183 : memref<1x1x80xi32, #tpu.memory_space<vmem>> -> memref<80xi32, #tpu.memory_space<vmem>>
      %dma_wait3A_185 = arith.constant 0 : i32
      %dma_wait3A_186 = arith.constant 0 : i32
      %dma_wait3A_187 = tpu.memref_slice %arg2[%dma_wait3A_185, %dma_wait3A_186] : memref<10000x128xf32, #tpu.memory_space<hbm>> -> memref<10000x128xf32, #tpu.memory_space<hbm>>
      tpu.wait_indirect_dma semaphore(%arg8 : memref<!tpu.dma_semaphore, #tpu.memory_space<semaphore_mem>>) src(%dma_wait3A_187 : memref<10000x128xf32, #tpu.memory_space<hbm>>) dst(%dma_wait3A_181 : memref<80x128xf32, #tpu.memory_space<vmem>>)
      %mul3A_188 = arith.constant 125 : i32
      %mul3A_189 = arith.muli %add3A, %mul3A_188 : i32
      %mul3A_190 = arith.constant 5 : i32
      %mul3A_191 = arith.muli %scan3A_52, %mul3A_190 : i32
      %add3A_192 = arith.addi %mul3A_189, %mul3A_191 : i32
      %mul3A_193 = arith.constant 80 : i32
      %mul3A_194 = arith.muli %add3A_192, %mul3A_193 : i32
      %dma_start3A_195 = arith.constant 0 : i32
      %dma_start3A_196 = arith.constant 0 : i32
      %dma_start3A_197 = tpu.memref_slice %arg6[%rem3A_53, %dma_start3A_195, %dma_start3A_196] : memref<2x400x128xf32, #tpu.memory_space<vmem>> -> memref<1x400x128xf32, #tpu.memory_space<vmem>>
      %dma_start3A_198 = tpu.memref_squeeze %dma_start3A_197 : memref<1x400x128xf32, #tpu.memory_space<vmem>> -> memref<400x128xf32, #tpu.memory_space<vmem>>
      %dma_start3A_199 = arith.constant 0 : i32
      %dma_start3A_200 = tpu.memref_slice %arg4[%mul3A_194, %dma_start3A_199] : memref<320000x128xf32, #tpu.memory_space<hbm>> -> memref<400x128xf32, #tpu.memory_space<hbm>>
      %dma_start3A_201 = arith.constant 0 : i32
      %dma_start3A_202 = tpu.memref_slice %arg4[%mul3A_194, %dma_start3A_201] : memref<320000x128xf32, #tpu.memory_space<hbm>> -> memref<400x128xf32, #tpu.memory_space<hbm>>
      %dma_start3A_203 = arith.constant 0 : i32
      %dma_start3A_204 = arith.constant 0 : i32
      %dma_start3A_205 = tpu.memref_slice %arg6[%rem3A_53, %dma_start3A_203, %dma_start3A_204] : memref<2x400x128xf32, #tpu.memory_space<vmem>> -> memref<1x400x128xf32, #tpu.memory_space<vmem>>
      %dma_start3A_206 = tpu.memref_squeeze %dma_start3A_205 : memref<1x400x128xf32, #tpu.memory_space<vmem>> -> memref<400x128xf32, #tpu.memory_space<vmem>>
      tpu.enqueue_dma source(%dma_start3A_206 : memref<400x128xf32, #tpu.memory_space<vmem>>) target(%dma_start3A_202 : memref<400x128xf32, #tpu.memory_space<hbm>>) target_semaphore(%arg9 : memref<!tpu.dma_semaphore, #tpu.memory_space<semaphore_mem>>)
    }
    %scan3A_22 = arith.constant 25 : i32
    %dma_wait3A = arith.constant 0 : i32
    %dma_wait3A_23 = arith.constant 0 : i32
    %dma_wait3A_24 = arith.constant 0 : i32
    %dma_wait3A_25 = tpu.memref_slice %arg6[%dma_wait3A, %dma_wait3A_23, %dma_wait3A_24] : memref<2x400x128xf32, #tpu.memory_space<vmem>> -> memref<1x400x128xf32, #tpu.memory_space<vmem>>
    %dma_wait3A_26 = tpu.memref_squeeze %dma_wait3A_25 : memref<1x400x128xf32, #tpu.memory_space<vmem>> -> memref<400x128xf32, #tpu.memory_space<vmem>>
    %dma_wait3A_27 = arith.constant 0 : i32
    %dma_wait3A_28 = arith.constant 0 : i32
    %dma_wait3A_29 = tpu.memref_slice %arg4[%dma_wait3A_27, %dma_wait3A_28] : memref<320000x128xf32, #tpu.memory_space<hbm>> -> memref<400x128xf32, #tpu.memory_space<hbm>>
    %dma_wait3A_30 = arith.constant 0 : i32
    %dma_wait3A_31 = arith.constant 0 : i32
    %dma_wait3A_32 = tpu.memref_slice %arg4[%dma_wait3A_30, %dma_wait3A_31] : memref<320000x128xf32, #tpu.memory_space<hbm>> -> memref<400x128xf32, #tpu.memory_space<hbm>>
    %dma_wait3A_33 = arith.constant 0 : i32
    %dma_wait3A_34 = arith.constant 0 : i32
    %dma_wait3A_35 = tpu.memref_slice %arg6[%dma_wait3A, %dma_wait3A_33, %dma_wait3A_34] : memref<2x400x128xf32, #tpu.memory_space<vmem>> -> memref<1x400x128xf32, #tpu.memory_space<vmem>>
    %dma_wait3A_36 = tpu.memref_squeeze %dma_wait3A_35 : memref<1x400x128xf32, #tpu.memory_space<vmem>> -> memref<400x128xf32, #tpu.memory_space<vmem>>
    tpu.wait_dma2 semaphore(%arg9 : memref<!tpu.dma_semaphore, #tpu.memory_space<semaphore_mem>>) src(%dma_wait3A_36 : memref<400x128xf32, #tpu.memory_space<vmem>>) dst(%dma_wait3A_32 : memref<400x128xf32, #tpu.memory_space<hbm>>)
    %dma_wait3A_37 = arith.constant 1 : i32
    %dma_wait3A_38 = arith.constant 0 : i32
    %dma_wait3A_39 = arith.constant 0 : i32
    %dma_wait3A_40 = tpu.memref_slice %arg6[%dma_wait3A_37, %dma_wait3A_38, %dma_wait3A_39] : memref<2x400x128xf32, #tpu.memory_space<vmem>> -> memref<1x400x128xf32, #tpu.memory_space<vmem>>
    %dma_wait3A_41 = tpu.memref_squeeze %dma_wait3A_40 : memref<1x400x128xf32, #tpu.memory_space<vmem>> -> memref<400x128xf32, #tpu.memory_space<vmem>>
    %dma_wait3A_42 = arith.constant 0 : i32
    %dma_wait3A_43 = arith.constant 0 : i32
    %dma_wait3A_44 = tpu.memref_slice %arg4[%dma_wait3A_42, %dma_wait3A_43] : memref<320000x128xf32, #tpu.memory_space<hbm>> -> memref<400x128xf32, #tpu.memory_space<hbm>>
    %dma_wait3A_45 = arith.constant 0 : i32
    %dma_wait3A_46 = arith.constant 0 : i32
    %dma_wait3A_47 = tpu.memref_slice %arg4[%dma_wait3A_45, %dma_wait3A_46] : memref<320000x128xf32, #tpu.memory_space<hbm>> -> memref<400x128xf32, #tpu.memory_space<hbm>>
    %dma_wait3A_48 = arith.constant 0 : i32
    %dma_wait3A_49 = arith.constant 0 : i32
    %dma_wait3A_50 = tpu.memref_slice %arg6[%dma_wait3A_37, %dma_wait3A_48, %dma_wait3A_49] : memref<2x400x128xf32, #tpu.memory_space<vmem>> -> memref<1x400x128xf32, #tpu.memory_space<vmem>>
    %dma_wait3A_51 = tpu.memref_squeeze %dma_wait3A_50 : memref<1x400x128xf32, #tpu.memory_space<vmem>> -> memref<400x128xf32, #tpu.memory_space<vmem>>
    tpu.wait_dma2 semaphore(%arg9 : memref<!tpu.dma_semaphore, #tpu.memory_space<semaphore_mem>>) src(%dma_wait3A_51 : memref<400x128xf32, #tpu.memory_space<vmem>>) dst(%dma_wait3A_47 : memref<400x128xf32, #tpu.memory_space<hbm>>)
    return
  }
}

#map = affine_map<(d0, d1) -> (0, 0)>
#map1 = affine_map<(d0, d1) -> (0, 0, 0, 0)>
#map2 = affine_map<(d0, d1) -> (0, 0, 0)>
module attributes {stable_mosaic.version = 14 : i64} {
  func.func @sck(%arg0: i32, %arg1: i32, %arg2: memref<320000x32xf32, #tpu.memory_space<hbm>>, %arg3: memref<32x25x5x80xi32, #tpu.memory_space<hbm>>, %arg4: memref<640x32xf32, #tpu.memory_space<hbm>>, %arg5: memref<2x10240x32xf32, #tpu.memory_space<hbm>>, %arg6: memref<2x5x80xi32, #tpu.memory_space<vmem>>, %arg7: memref<2x400x32xf32, #tpu.memory_space<vmem>>, %arg8: memref<10240x32xf32, #tpu.memory_space<vmem_shared>>, %arg9: memref<!tpu.dma_semaphore, #tpu.memory_space<semaphore_mem>>, %arg10: memref<!tpu.dma_semaphore, #tpu.memory_space<semaphore_mem>>, %arg11: memref<!tpu.dma_semaphore, #tpu.memory_space<semaphore_mem>>) attributes {dimension_semantics = [#tpu.dimension_semantics<core_parallel>, #tpu.dimension_semantics<subcore_parallel>], iteration_bounds = array<i64: 2, 16>, scalar_prefetch = 0 : i64, scratch_operands = 6 : i64, tpu.core_type = #tpu.core_type<sc_vector_subcore>, window_params = [{transform_indices = #map}, {transform_indices = #map1}, {transform_indices = #map}, {transform_indices = #map2}]} {
    %mul3A = arith.constant 2 : i32
    %mul3A_0 = arith.muli %arg1, %mul3A : i32
    %add3A = arith.addi %mul3A_0, %arg0 : i32
    %mul3A_1 = arith.constant 640 : i32
    %mul3A_2 = arith.muli %arg1, %mul3A_1 : i32
    "tpu.region"() ({
      %run_scoped3A = tpu.sem_alloc : memref<!tpu.dma_semaphore, #tpu.memory_space<semaphore_mem>>
      %dma_start3A_45 = arith.constant 0 : i32
      %dma_start3A_46 = tpu.memref_slice %arg8[%mul3A_2, %dma_start3A_45] : memref<10240x32xf32, #tpu.memory_space<vmem_shared>> -> memref<640x32xf32, #tpu.memory_space<vmem_shared>>
      tpu.enqueue_dma source(%arg4 : memref<640x32xf32, #tpu.memory_space<hbm>>) target(%dma_start3A_46 : memref<640x32xf32, #tpu.memory_space<vmem_shared>>) target_semaphore(%run_scoped3A : memref<!tpu.dma_semaphore, #tpu.memory_space<semaphore_mem>>)
      %dma_wait3A = arith.constant 0 : i32
      %dma_wait3A_47 = tpu.memref_slice %arg8[%mul3A_2, %dma_wait3A] : memref<10240x32xf32, #tpu.memory_space<vmem_shared>> -> memref<640x32xf32, #tpu.memory_space<vmem_shared>>
      tpu.wait_dma2 semaphore(%run_scoped3A : memref<!tpu.dma_semaphore, #tpu.memory_space<semaphore_mem>>) src(%arg4 : memref<640x32xf32, #tpu.memory_space<hbm>>) dst(%dma_wait3A_47 : memref<640x32xf32, #tpu.memory_space<vmem_shared>>)
      tpu.yield
    }) : () -> ()
    %barrier3A = arith.constant 0 : index
    tpu.barrier barrier_id(%barrier3A)
    %dma_start3A = arith.constant 0 : i32
    %dma_start3A_3 = arith.constant 0 : i32
    %dma_start3A_4 = arith.constant 0 : i32
    %dma_start3A_5 = arith.constant 0 : i32
    %dma_start3A_6 = tpu.memref_slice %arg6[%dma_start3A_3, %dma_start3A_4, %dma_start3A_5] : memref<2x5x80xi32, #tpu.memory_space<vmem>> -> memref<1x5x80xi32, #tpu.memory_space<vmem>>
    %dma_start3A_7 = tpu.memref_squeeze %dma_start3A_6 : memref<1x5x80xi32, #tpu.memory_space<vmem>> -> memref<5x80xi32, #tpu.memory_space<vmem>>
    %dma_start3A_8 = arith.constant 0 : i32
    %dma_start3A_9 = arith.constant 0 : i32
    %dma_start3A_10 = tpu.memref_slice %arg3[%add3A, %dma_start3A, %dma_start3A_8, %dma_start3A_9] : memref<32x25x5x80xi32, #tpu.memory_space<hbm>> -> memref<1x1x5x80xi32, #tpu.memory_space<hbm>>
    %dma_start3A_11 = tpu.memref_squeeze %dma_start3A_10 : memref<1x1x5x80xi32, #tpu.memory_space<hbm>> -> memref<5x80xi32, #tpu.memory_space<hbm>>
    %dma_start3A_12 = arith.constant 0 : i32
    %dma_start3A_13 = arith.constant 0 : i32
    %dma_start3A_14 = tpu.memref_slice %arg6[%dma_start3A_3, %dma_start3A_12, %dma_start3A_13] : memref<2x5x80xi32, #tpu.memory_space<vmem>> -> memref<1x5x80xi32, #tpu.memory_space<vmem>>
    %dma_start3A_15 = tpu.memref_squeeze %dma_start3A_14 : memref<1x5x80xi32, #tpu.memory_space<vmem>> -> memref<5x80xi32, #tpu.memory_space<vmem>>
    %dma_start3A_16 = arith.constant 0 : i32
    %dma_start3A_17 = arith.constant 0 : i32
    %dma_start3A_18 = tpu.memref_slice %arg3[%add3A, %dma_start3A, %dma_start3A_16, %dma_start3A_17] : memref<32x25x5x80xi32, #tpu.memory_space<hbm>> -> memref<1x1x5x80xi32, #tpu.memory_space<hbm>>
    %dma_start3A_19 = tpu.memref_squeeze %dma_start3A_18 : memref<1x1x5x80xi32, #tpu.memory_space<hbm>> -> memref<5x80xi32, #tpu.memory_space<hbm>>
    tpu.enqueue_dma source(%dma_start3A_19 : memref<5x80xi32, #tpu.memory_space<hbm>>) target(%dma_start3A_15 : memref<5x80xi32, #tpu.memory_space<vmem>>) target_semaphore(%arg9 : memref<!tpu.dma_semaphore, #tpu.memory_space<semaphore_mem>>)
    %mul3A_20 = arith.constant 10000 : i32
    %mul3A_21 = arith.muli %add3A, %mul3A_20 : i32
    %dma_start3A_22 = arith.constant 0 : i32
    %dma_start3A_23 = arith.constant 0 : i32
    %dma_start3A_24 = arith.constant 0 : i32
    %dma_start3A_25 = tpu.memref_slice %arg7[%dma_start3A_22, %dma_start3A_23, %dma_start3A_24] : memref<2x400x32xf32, #tpu.memory_space<vmem>> -> memref<1x400x32xf32, #tpu.memory_space<vmem>>
    %dma_start3A_26 = tpu.memref_squeeze %dma_start3A_25 : memref<1x400x32xf32, #tpu.memory_space<vmem>> -> memref<400x32xf32, #tpu.memory_space<vmem>>
    %dma_start3A_27 = arith.constant 0 : i32
    %dma_start3A_28 = tpu.memref_slice %arg2[%mul3A_21, %dma_start3A_27] : memref<320000x32xf32, #tpu.memory_space<hbm>> -> memref<400x32xf32, #tpu.memory_space<hbm>>
    %dma_start3A_29 = arith.constant 0 : i32
    %dma_start3A_30 = arith.constant 0 : i32
    %dma_start3A_31 = tpu.memref_slice %arg7[%dma_start3A_22, %dma_start3A_29, %dma_start3A_30] : memref<2x400x32xf32, #tpu.memory_space<vmem>> -> memref<1x400x32xf32, #tpu.memory_space<vmem>>
    %dma_start3A_32 = tpu.memref_squeeze %dma_start3A_31 : memref<1x400x32xf32, #tpu.memory_space<vmem>> -> memref<400x32xf32, #tpu.memory_space<vmem>>
    %dma_start3A_33 = arith.constant 0 : i32
    %dma_start3A_34 = tpu.memref_slice %arg2[%mul3A_21, %dma_start3A_33] : memref<320000x32xf32, #tpu.memory_space<hbm>> -> memref<400x32xf32, #tpu.memory_space<hbm>>
    tpu.enqueue_dma source(%dma_start3A_34 : memref<400x32xf32, #tpu.memory_space<hbm>>) target(%dma_start3A_32 : memref<400x32xf32, #tpu.memory_space<vmem>>) target_semaphore(%arg10 : memref<!tpu.dma_semaphore, #tpu.memory_space<semaphore_mem>>)
    %scan3A = arith.constant 0 : i32
    %scan3A_35 = arith.constant 0 : i32
    %scan3A_36 = arith.constant 25 : i32
    %scan3A_37 = arith.addi %scan3A_35, %scan3A_36 : i32
    %scan3A_38 = arith.constant 1 : i32
    scf.for %scan3A_45 = %scan3A_35 to %scan3A_37 step %scan3A_38  : i32 {
      %rem3A = arith.constant 2 : i32
      %rem3A_46 = arith.remsi %scan3A_45, %rem3A : i32
      %mul3A_47 = arith.constant 125 : i32
      %mul3A_48 = arith.muli %add3A, %mul3A_47 : i32
      %mul3A_49 = arith.constant 5 : i32
      %mul3A_50 = arith.muli %scan3A_45, %mul3A_49 : i32
      %add3A_51 = arith.addi %mul3A_48, %mul3A_50 : i32
      %dma_wait3A = arith.constant 0 : i32
      %dma_wait3A_52 = arith.constant 0 : i32
      %dma_wait3A_53 = tpu.memref_slice %arg6[%rem3A_46, %dma_wait3A, %dma_wait3A_52] : memref<2x5x80xi32, #tpu.memory_space<vmem>> -> memref<1x5x80xi32, #tpu.memory_space<vmem>>
      %dma_wait3A_54 = tpu.memref_squeeze %dma_wait3A_53 : memref<1x5x80xi32, #tpu.memory_space<vmem>> -> memref<5x80xi32, #tpu.memory_space<vmem>>
      %dma_wait3A_55 = arith.constant 0 : i32
      %dma_wait3A_56 = arith.constant 0 : i32
      %dma_wait3A_57 = tpu.memref_slice %arg3[%add3A, %scan3A_45, %dma_wait3A_55, %dma_wait3A_56] : memref<32x25x5x80xi32, #tpu.memory_space<hbm>> -> memref<1x1x5x80xi32, #tpu.memory_space<hbm>>
      %dma_wait3A_58 = tpu.memref_squeeze %dma_wait3A_57 : memref<1x1x5x80xi32, #tpu.memory_space<hbm>> -> memref<5x80xi32, #tpu.memory_space<hbm>>
      %dma_wait3A_59 = arith.constant 0 : i32
      %dma_wait3A_60 = arith.constant 0 : i32
      %dma_wait3A_61 = tpu.memref_slice %arg6[%rem3A_46, %dma_wait3A_59, %dma_wait3A_60] : memref<2x5x80xi32, #tpu.memory_space<vmem>> -> memref<1x5x80xi32, #tpu.memory_space<vmem>>
      %dma_wait3A_62 = tpu.memref_squeeze %dma_wait3A_61 : memref<1x5x80xi32, #tpu.memory_space<vmem>> -> memref<5x80xi32, #tpu.memory_space<vmem>>
      %dma_wait3A_63 = arith.constant 0 : i32
      %dma_wait3A_64 = arith.constant 0 : i32
      %dma_wait3A_65 = tpu.memref_slice %arg3[%add3A, %scan3A_45, %dma_wait3A_63, %dma_wait3A_64] : memref<32x25x5x80xi32, #tpu.memory_space<hbm>> -> memref<1x1x5x80xi32, #tpu.memory_space<hbm>>
      %dma_wait3A_66 = tpu.memref_squeeze %dma_wait3A_65 : memref<1x1x5x80xi32, #tpu.memory_space<hbm>> -> memref<5x80xi32, #tpu.memory_space<hbm>>
      tpu.wait_dma2 semaphore(%arg9 : memref<!tpu.dma_semaphore, #tpu.memory_space<semaphore_mem>>) src(%dma_wait3A_66 : memref<5x80xi32, #tpu.memory_space<hbm>>) dst(%dma_wait3A_62 : memref<5x80xi32, #tpu.memory_space<vmem>>)
      %dma_wait3A_67 = arith.constant 0 : i32
      %dma_wait3A_68 = arith.constant 0 : i32
      %dma_wait3A_69 = tpu.memref_slice %arg7[%rem3A_46, %dma_wait3A_67, %dma_wait3A_68] : memref<2x400x32xf32, #tpu.memory_space<vmem>> -> memref<1x400x32xf32, #tpu.memory_space<vmem>>
      %dma_wait3A_70 = tpu.memref_squeeze %dma_wait3A_69 : memref<1x400x32xf32, #tpu.memory_space<vmem>> -> memref<400x32xf32, #tpu.memory_space<vmem>>
      %dma_wait3A_71 = arith.constant 0 : i32
      %dma_wait3A_72 = arith.constant 0 : i32
      %dma_wait3A_73 = tpu.memref_slice %arg2[%dma_wait3A_71, %dma_wait3A_72] : memref<320000x32xf32, #tpu.memory_space<hbm>> -> memref<400x32xf32, #tpu.memory_space<hbm>>
      %dma_wait3A_74 = arith.constant 0 : i32
      %dma_wait3A_75 = arith.constant 0 : i32
      %dma_wait3A_76 = tpu.memref_slice %arg7[%rem3A_46, %dma_wait3A_74, %dma_wait3A_75] : memref<2x400x32xf32, #tpu.memory_space<vmem>> -> memref<1x400x32xf32, #tpu.memory_space<vmem>>
      %dma_wait3A_77 = tpu.memref_squeeze %dma_wait3A_76 : memref<1x400x32xf32, #tpu.memory_space<vmem>> -> memref<400x32xf32, #tpu.memory_space<vmem>>
      %dma_wait3A_78 = arith.constant 0 : i32
      %dma_wait3A_79 = arith.constant 0 : i32
      %dma_wait3A_80 = tpu.memref_slice %arg2[%dma_wait3A_78, %dma_wait3A_79] : memref<320000x32xf32, #tpu.memory_space<hbm>> -> memref<400x32xf32, #tpu.memory_space<hbm>>
      tpu.wait_dma2 semaphore(%arg10 : memref<!tpu.dma_semaphore, #tpu.memory_space<semaphore_mem>>) src(%dma_wait3A_80 : memref<400x32xf32, #tpu.memory_space<hbm>>) dst(%dma_wait3A_77 : memref<400x32xf32, #tpu.memory_space<vmem>>)
      %add3A_81 = arith.constant 1 : i32
      %add3A_82 = arith.addi %scan3A_45, %add3A_81 : i32
      %lt3A = arith.constant 25 : i32
      %lt3A_83 = arith.cmpi slt, %add3A_82, %lt3A : i32
      %convert_element_type3A = arith.extui %lt3A_83 : i1 to i32
      %cond3A = arith.constant 0 : i32
      %cond3A_84 = arith.cmpi ne, %convert_element_type3A, %cond3A : i32
      scf.if %cond3A_84 {
        %add3A_195 = arith.constant 1 : i32
        %add3A_196 = arith.addi %scan3A_45, %add3A_195 : i32
        %sub3A = arith.constant 1 : i32
        %sub3A_197 = arith.subi %sub3A, %rem3A_46 : i32
        %dma_start3A_198 = arith.constant 0 : i32
        %dma_start3A_199 = arith.constant 0 : i32
        %dma_start3A_200 = tpu.memref_slice %arg6[%sub3A_197, %dma_start3A_198, %dma_start3A_199] : memref<2x5x80xi32, #tpu.memory_space<vmem>> -> memref<1x5x80xi32, #tpu.memory_space<vmem>>
        %dma_start3A_201 = tpu.memref_squeeze %dma_start3A_200 : memref<1x5x80xi32, #tpu.memory_space<vmem>> -> memref<5x80xi32, #tpu.memory_space<vmem>>
        %dma_start3A_202 = arith.constant 0 : i32
        %dma_start3A_203 = arith.constant 0 : i32
        %dma_start3A_204 = tpu.memref_slice %arg3[%add3A, %add3A_196, %dma_start3A_202, %dma_start3A_203] : memref<32x25x5x80xi32, #tpu.memory_space<hbm>> -> memref<1x1x5x80xi32, #tpu.memory_space<hbm>>
        %dma_start3A_205 = tpu.memref_squeeze %dma_start3A_204 : memref<1x1x5x80xi32, #tpu.memory_space<hbm>> -> memref<5x80xi32, #tpu.memory_space<hbm>>
        %dma_start3A_206 = arith.constant 0 : i32
        %dma_start3A_207 = arith.constant 0 : i32
        %dma_start3A_208 = tpu.memref_slice %arg6[%sub3A_197, %dma_start3A_206, %dma_start3A_207] : memref<2x5x80xi32, #tpu.memory_space<vmem>> -> memref<1x5x80xi32, #tpu.memory_space<vmem>>
        %dma_start3A_209 = tpu.memref_squeeze %dma_start3A_208 : memref<1x5x80xi32, #tpu.memory_space<vmem>> -> memref<5x80xi32, #tpu.memory_space<vmem>>
        %dma_start3A_210 = arith.constant 0 : i32
        %dma_start3A_211 = arith.constant 0 : i32
        %dma_start3A_212 = tpu.memref_slice %arg3[%add3A, %add3A_196, %dma_start3A_210, %dma_start3A_211] : memref<32x25x5x80xi32, #tpu.memory_space<hbm>> -> memref<1x1x5x80xi32, #tpu.memory_space<hbm>>
        %dma_start3A_213 = tpu.memref_squeeze %dma_start3A_212 : memref<1x1x5x80xi32, #tpu.memory_space<hbm>> -> memref<5x80xi32, #tpu.memory_space<hbm>>
        tpu.enqueue_dma source(%dma_start3A_213 : memref<5x80xi32, #tpu.memory_space<hbm>>) target(%dma_start3A_209 : memref<5x80xi32, #tpu.memory_space<vmem>>) target_semaphore(%arg9 : memref<!tpu.dma_semaphore, #tpu.memory_space<semaphore_mem>>)
        %add3A_214 = arith.constant 5 : i32
        %add3A_215 = arith.addi %add3A_51, %add3A_214 : i32
        %mul3A_216 = arith.constant 80 : i32
        %mul3A_217 = arith.muli %add3A_215, %mul3A_216 : i32
        %sub3A_218 = arith.constant 1 : i32
        %sub3A_219 = arith.subi %sub3A_218, %rem3A_46 : i32
        %dma_start3A_220 = arith.constant 0 : i32
        %dma_start3A_221 = arith.constant 0 : i32
        %dma_start3A_222 = tpu.memref_slice %arg7[%sub3A_219, %dma_start3A_220, %dma_start3A_221] : memref<2x400x32xf32, #tpu.memory_space<vmem>> -> memref<1x400x32xf32, #tpu.memory_space<vmem>>
        %dma_start3A_223 = tpu.memref_squeeze %dma_start3A_222 : memref<1x400x32xf32, #tpu.memory_space<vmem>> -> memref<400x32xf32, #tpu.memory_space<vmem>>
        %dma_start3A_224 = arith.constant 0 : i32
        %dma_start3A_225 = tpu.memref_slice %arg2[%mul3A_217, %dma_start3A_224] : memref<320000x32xf32, #tpu.memory_space<hbm>> -> memref<400x32xf32, #tpu.memory_space<hbm>>
        %dma_start3A_226 = arith.constant 0 : i32
        %dma_start3A_227 = arith.constant 0 : i32
        %dma_start3A_228 = tpu.memref_slice %arg7[%sub3A_219, %dma_start3A_226, %dma_start3A_227] : memref<2x400x32xf32, #tpu.memory_space<vmem>> -> memref<1x400x32xf32, #tpu.memory_space<vmem>>
        %dma_start3A_229 = tpu.memref_squeeze %dma_start3A_228 : memref<1x400x32xf32, #tpu.memory_space<vmem>> -> memref<400x32xf32, #tpu.memory_space<vmem>>
        %dma_start3A_230 = arith.constant 0 : i32
        %dma_start3A_231 = tpu.memref_slice %arg2[%mul3A_217, %dma_start3A_230] : memref<320000x32xf32, #tpu.memory_space<hbm>> -> memref<400x32xf32, #tpu.memory_space<hbm>>
        tpu.enqueue_dma source(%dma_start3A_231 : memref<400x32xf32, #tpu.memory_space<hbm>>) target(%dma_start3A_229 : memref<400x32xf32, #tpu.memory_space<vmem>>) target_semaphore(%arg10 : memref<!tpu.dma_semaphore, #tpu.memory_space<semaphore_mem>>)
      } else {
      }
      %dma_start3A_85 = arith.constant 0 : i32
      %dma_start3A_86 = arith.constant 0 : i32
      %dma_start3A_87 = arith.constant 0 : i32
      %dma_start3A_88 = tpu.memref_slice %arg7[%rem3A_46, %dma_start3A_86, %dma_start3A_87] : memref<2x400x32xf32, #tpu.memory_space<vmem>> -> memref<1x80x32xf32, #tpu.memory_space<vmem>>
      %dma_start3A_89 = tpu.memref_squeeze %dma_start3A_88 : memref<1x80x32xf32, #tpu.memory_space<vmem>> -> memref<80x32xf32, #tpu.memory_space<vmem>>
      %dma_start3A_90 = arith.constant 0 : i32
      %dma_start3A_91 = tpu.memref_slice %arg6[%rem3A_46, %dma_start3A_85, %dma_start3A_90] : memref<2x5x80xi32, #tpu.memory_space<vmem>> -> memref<1x1x80xi32, #tpu.memory_space<vmem>>
      %dma_start3A_92 = tpu.memref_squeeze %dma_start3A_91 : memref<1x1x80xi32, #tpu.memory_space<vmem>> -> memref<80xi32, #tpu.memory_space<vmem>>
      %dma_start3A_93 = arith.constant 0 : i32
      %dma_start3A_94 = arith.constant 0 : i32
      %dma_start3A_95 = tpu.memref_slice %arg8[%dma_start3A_93, %dma_start3A_94] : memref<10240x32xf32, #tpu.memory_space<vmem_shared>> -> memref<10240x32xf32, #tpu.memory_space<vmem_shared>>
      tpu.enqueue_indirect_dma source(%dma_start3A_89 : memref<80x32xf32, #tpu.memory_space<vmem>>) target(%dma_start3A_95 : memref<10240x32xf32, #tpu.memory_space<vmem_shared>>) offsets(%dma_start3A_92 : memref<80xi32, #tpu.memory_space<vmem>>) semaphore(%arg11 : memref<!tpu.dma_semaphore, #tpu.memory_space<semaphore_mem>>) {add = true}
      %dma_start3A_96 = arith.constant 1 : i32
      %dma_start3A_97 = arith.constant 80 : i32
      %dma_start3A_98 = arith.constant 0 : i32
      %dma_start3A_99 = tpu.memref_slice %arg7[%rem3A_46, %dma_start3A_97, %dma_start3A_98] : memref<2x400x32xf32, #tpu.memory_space<vmem>> -> memref<1x80x32xf32, #tpu.memory_space<vmem>>
      %dma_start3A_100 = tpu.memref_squeeze %dma_start3A_99 : memref<1x80x32xf32, #tpu.memory_space<vmem>> -> memref<80x32xf32, #tpu.memory_space<vmem>>
      %dma_start3A_101 = arith.constant 0 : i32
      %dma_start3A_102 = tpu.memref_slice %arg6[%rem3A_46, %dma_start3A_96, %dma_start3A_101] : memref<2x5x80xi32, #tpu.memory_space<vmem>> -> memref<1x1x80xi32, #tpu.memory_space<vmem>>
      %dma_start3A_103 = tpu.memref_squeeze %dma_start3A_102 : memref<1x1x80xi32, #tpu.memory_space<vmem>> -> memref<80xi32, #tpu.memory_space<vmem>>
      %dma_start3A_104 = arith.constant 0 : i32
      %dma_start3A_105 = arith.constant 0 : i32
      %dma_start3A_106 = tpu.memref_slice %arg8[%dma_start3A_104, %dma_start3A_105] : memref<10240x32xf32, #tpu.memory_space<vmem_shared>> -> memref<10240x32xf32, #tpu.memory_space<vmem_shared>>
      tpu.enqueue_indirect_dma source(%dma_start3A_100 : memref<80x32xf32, #tpu.memory_space<vmem>>) target(%dma_start3A_106 : memref<10240x32xf32, #tpu.memory_space<vmem_shared>>) offsets(%dma_start3A_103 : memref<80xi32, #tpu.memory_space<vmem>>) semaphore(%arg11 : memref<!tpu.dma_semaphore, #tpu.memory_space<semaphore_mem>>) {add = true}
      %dma_start3A_107 = arith.constant 2 : i32
      %dma_start3A_108 = arith.constant 160 : i32
      %dma_start3A_109 = arith.constant 0 : i32
      %dma_start3A_110 = tpu.memref_slice %arg7[%rem3A_46, %dma_start3A_108, %dma_start3A_109] : memref<2x400x32xf32, #tpu.memory_space<vmem>> -> memref<1x80x32xf32, #tpu.memory_space<vmem>>
      %dma_start3A_111 = tpu.memref_squeeze %dma_start3A_110 : memref<1x80x32xf32, #tpu.memory_space<vmem>> -> memref<80x32xf32, #tpu.memory_space<vmem>>
      %dma_start3A_112 = arith.constant 0 : i32
      %dma_start3A_113 = tpu.memref_slice %arg6[%rem3A_46, %dma_start3A_107, %dma_start3A_112] : memref<2x5x80xi32, #tpu.memory_space<vmem>> -> memref<1x1x80xi32, #tpu.memory_space<vmem>>
      %dma_start3A_114 = tpu.memref_squeeze %dma_start3A_113 : memref<1x1x80xi32, #tpu.memory_space<vmem>> -> memref<80xi32, #tpu.memory_space<vmem>>
      %dma_start3A_115 = arith.constant 0 : i32
      %dma_start3A_116 = arith.constant 0 : i32
      %dma_start3A_117 = tpu.memref_slice %arg8[%dma_start3A_115, %dma_start3A_116] : memref<10240x32xf32, #tpu.memory_space<vmem_shared>> -> memref<10240x32xf32, #tpu.memory_space<vmem_shared>>
      tpu.enqueue_indirect_dma source(%dma_start3A_111 : memref<80x32xf32, #tpu.memory_space<vmem>>) target(%dma_start3A_117 : memref<10240x32xf32, #tpu.memory_space<vmem_shared>>) offsets(%dma_start3A_114 : memref<80xi32, #tpu.memory_space<vmem>>) semaphore(%arg11 : memref<!tpu.dma_semaphore, #tpu.memory_space<semaphore_mem>>) {add = true}
      %dma_start3A_118 = arith.constant 3 : i32
      %dma_start3A_119 = arith.constant 240 : i32
      %dma_start3A_120 = arith.constant 0 : i32
      %dma_start3A_121 = tpu.memref_slice %arg7[%rem3A_46, %dma_start3A_119, %dma_start3A_120] : memref<2x400x32xf32, #tpu.memory_space<vmem>> -> memref<1x80x32xf32, #tpu.memory_space<vmem>>
      %dma_start3A_122 = tpu.memref_squeeze %dma_start3A_121 : memref<1x80x32xf32, #tpu.memory_space<vmem>> -> memref<80x32xf32, #tpu.memory_space<vmem>>
      %dma_start3A_123 = arith.constant 0 : i32
      %dma_start3A_124 = tpu.memref_slice %arg6[%rem3A_46, %dma_start3A_118, %dma_start3A_123] : memref<2x5x80xi32, #tpu.memory_space<vmem>> -> memref<1x1x80xi32, #tpu.memory_space<vmem>>
      %dma_start3A_125 = tpu.memref_squeeze %dma_start3A_124 : memref<1x1x80xi32, #tpu.memory_space<vmem>> -> memref<80xi32, #tpu.memory_space<vmem>>
      %dma_start3A_126 = arith.constant 0 : i32
      %dma_start3A_127 = arith.constant 0 : i32
      %dma_start3A_128 = tpu.memref_slice %arg8[%dma_start3A_126, %dma_start3A_127] : memref<10240x32xf32, #tpu.memory_space<vmem_shared>> -> memref<10240x32xf32, #tpu.memory_space<vmem_shared>>
      tpu.enqueue_indirect_dma source(%dma_start3A_122 : memref<80x32xf32, #tpu.memory_space<vmem>>) target(%dma_start3A_128 : memref<10240x32xf32, #tpu.memory_space<vmem_shared>>) offsets(%dma_start3A_125 : memref<80xi32, #tpu.memory_space<vmem>>) semaphore(%arg11 : memref<!tpu.dma_semaphore, #tpu.memory_space<semaphore_mem>>) {add = true}
      %dma_start3A_129 = arith.constant 4 : i32
      %dma_start3A_130 = arith.constant 320 : i32
      %dma_start3A_131 = arith.constant 0 : i32
      %dma_start3A_132 = tpu.memref_slice %arg7[%rem3A_46, %dma_start3A_130, %dma_start3A_131] : memref<2x400x32xf32, #tpu.memory_space<vmem>> -> memref<1x80x32xf32, #tpu.memory_space<vmem>>
      %dma_start3A_133 = tpu.memref_squeeze %dma_start3A_132 : memref<1x80x32xf32, #tpu.memory_space<vmem>> -> memref<80x32xf32, #tpu.memory_space<vmem>>
      %dma_start3A_134 = arith.constant 0 : i32
      %dma_start3A_135 = tpu.memref_slice %arg6[%rem3A_46, %dma_start3A_129, %dma_start3A_134] : memref<2x5x80xi32, #tpu.memory_space<vmem>> -> memref<1x1x80xi32, #tpu.memory_space<vmem>>
      %dma_start3A_136 = tpu.memref_squeeze %dma_start3A_135 : memref<1x1x80xi32, #tpu.memory_space<vmem>> -> memref<80xi32, #tpu.memory_space<vmem>>
      %dma_start3A_137 = arith.constant 0 : i32
      %dma_start3A_138 = arith.constant 0 : i32
      %dma_start3A_139 = tpu.memref_slice %arg8[%dma_start3A_137, %dma_start3A_138] : memref<10240x32xf32, #tpu.memory_space<vmem_shared>> -> memref<10240x32xf32, #tpu.memory_space<vmem_shared>>
      tpu.enqueue_indirect_dma source(%dma_start3A_133 : memref<80x32xf32, #tpu.memory_space<vmem>>) target(%dma_start3A_139 : memref<10240x32xf32, #tpu.memory_space<vmem_shared>>) offsets(%dma_start3A_136 : memref<80xi32, #tpu.memory_space<vmem>>) semaphore(%arg11 : memref<!tpu.dma_semaphore, #tpu.memory_space<semaphore_mem>>) {add = true}
      %dma_wait3A_140 = arith.constant 0 : i32
      %dma_wait3A_141 = arith.constant 0 : i32
      %dma_wait3A_142 = arith.constant 0 : i32
      %dma_wait3A_143 = tpu.memref_slice %arg7[%rem3A_46, %dma_wait3A_141, %dma_wait3A_142] : memref<2x400x32xf32, #tpu.memory_space<vmem>> -> memref<1x80x32xf32, #tpu.memory_space<vmem>>
      %dma_wait3A_144 = tpu.memref_squeeze %dma_wait3A_143 : memref<1x80x32xf32, #tpu.memory_space<vmem>> -> memref<80x32xf32, #tpu.memory_space<vmem>>
      %dma_wait3A_145 = arith.constant 0 : i32
      %dma_wait3A_146 = tpu.memref_slice %arg6[%rem3A_46, %dma_wait3A_140, %dma_wait3A_145] : memref<2x5x80xi32, #tpu.memory_space<vmem>> -> memref<1x1x80xi32, #tpu.memory_space<vmem>>
      %dma_wait3A_147 = tpu.memref_squeeze %dma_wait3A_146 : memref<1x1x80xi32, #tpu.memory_space<vmem>> -> memref<80xi32, #tpu.memory_space<vmem>>
      %dma_wait3A_148 = arith.constant 0 : i32
      %dma_wait3A_149 = arith.constant 0 : i32
      %dma_wait3A_150 = tpu.memref_slice %arg8[%dma_wait3A_148, %dma_wait3A_149] : memref<10240x32xf32, #tpu.memory_space<vmem_shared>> -> memref<10240x32xf32, #tpu.memory_space<vmem_shared>>
      tpu.wait_indirect_dma semaphore(%arg11 : memref<!tpu.dma_semaphore, #tpu.memory_space<semaphore_mem>>) src(%dma_wait3A_144 : memref<80x32xf32, #tpu.memory_space<vmem>>) dst(%dma_wait3A_150 : memref<10240x32xf32, #tpu.memory_space<vmem_shared>>)
      %dma_wait3A_151 = arith.constant 1 : i32
      %dma_wait3A_152 = arith.constant 80 : i32
      %dma_wait3A_153 = arith.constant 0 : i32
      %dma_wait3A_154 = tpu.memref_slice %arg7[%rem3A_46, %dma_wait3A_152, %dma_wait3A_153] : memref<2x400x32xf32, #tpu.memory_space<vmem>> -> memref<1x80x32xf32, #tpu.memory_space<vmem>>
      %dma_wait3A_155 = tpu.memref_squeeze %dma_wait3A_154 : memref<1x80x32xf32, #tpu.memory_space<vmem>> -> memref<80x32xf32, #tpu.memory_space<vmem>>
      %dma_wait3A_156 = arith.constant 0 : i32
      %dma_wait3A_157 = tpu.memref_slice %arg6[%rem3A_46, %dma_wait3A_151, %dma_wait3A_156] : memref<2x5x80xi32, #tpu.memory_space<vmem>> -> memref<1x1x80xi32, #tpu.memory_space<vmem>>
      %dma_wait3A_158 = tpu.memref_squeeze %dma_wait3A_157 : memref<1x1x80xi32, #tpu.memory_space<vmem>> -> memref<80xi32, #tpu.memory_space<vmem>>
      %dma_wait3A_159 = arith.constant 0 : i32
      %dma_wait3A_160 = arith.constant 0 : i32
      %dma_wait3A_161 = tpu.memref_slice %arg8[%dma_wait3A_159, %dma_wait3A_160] : memref<10240x32xf32, #tpu.memory_space<vmem_shared>> -> memref<10240x32xf32, #tpu.memory_space<vmem_shared>>
      tpu.wait_indirect_dma semaphore(%arg11 : memref<!tpu.dma_semaphore, #tpu.memory_space<semaphore_mem>>) src(%dma_wait3A_155 : memref<80x32xf32, #tpu.memory_space<vmem>>) dst(%dma_wait3A_161 : memref<10240x32xf32, #tpu.memory_space<vmem_shared>>)
      %dma_wait3A_162 = arith.constant 2 : i32
      %dma_wait3A_163 = arith.constant 160 : i32
      %dma_wait3A_164 = arith.constant 0 : i32
      %dma_wait3A_165 = tpu.memref_slice %arg7[%rem3A_46, %dma_wait3A_163, %dma_wait3A_164] : memref<2x400x32xf32, #tpu.memory_space<vmem>> -> memref<1x80x32xf32, #tpu.memory_space<vmem>>
      %dma_wait3A_166 = tpu.memref_squeeze %dma_wait3A_165 : memref<1x80x32xf32, #tpu.memory_space<vmem>> -> memref<80x32xf32, #tpu.memory_space<vmem>>
      %dma_wait3A_167 = arith.constant 0 : i32
      %dma_wait3A_168 = tpu.memref_slice %arg6[%rem3A_46, %dma_wait3A_162, %dma_wait3A_167] : memref<2x5x80xi32, #tpu.memory_space<vmem>> -> memref<1x1x80xi32, #tpu.memory_space<vmem>>
      %dma_wait3A_169 = tpu.memref_squeeze %dma_wait3A_168 : memref<1x1x80xi32, #tpu.memory_space<vmem>> -> memref<80xi32, #tpu.memory_space<vmem>>
      %dma_wait3A_170 = arith.constant 0 : i32
      %dma_wait3A_171 = arith.constant 0 : i32
      %dma_wait3A_172 = tpu.memref_slice %arg8[%dma_wait3A_170, %dma_wait3A_171] : memref<10240x32xf32, #tpu.memory_space<vmem_shared>> -> memref<10240x32xf32, #tpu.memory_space<vmem_shared>>
      tpu.wait_indirect_dma semaphore(%arg11 : memref<!tpu.dma_semaphore, #tpu.memory_space<semaphore_mem>>) src(%dma_wait3A_166 : memref<80x32xf32, #tpu.memory_space<vmem>>) dst(%dma_wait3A_172 : memref<10240x32xf32, #tpu.memory_space<vmem_shared>>)
      %dma_wait3A_173 = arith.constant 3 : i32
      %dma_wait3A_174 = arith.constant 240 : i32
      %dma_wait3A_175 = arith.constant 0 : i32
      %dma_wait3A_176 = tpu.memref_slice %arg7[%rem3A_46, %dma_wait3A_174, %dma_wait3A_175] : memref<2x400x32xf32, #tpu.memory_space<vmem>> -> memref<1x80x32xf32, #tpu.memory_space<vmem>>
      %dma_wait3A_177 = tpu.memref_squeeze %dma_wait3A_176 : memref<1x80x32xf32, #tpu.memory_space<vmem>> -> memref<80x32xf32, #tpu.memory_space<vmem>>
      %dma_wait3A_178 = arith.constant 0 : i32
      %dma_wait3A_179 = tpu.memref_slice %arg6[%rem3A_46, %dma_wait3A_173, %dma_wait3A_178] : memref<2x5x80xi32, #tpu.memory_space<vmem>> -> memref<1x1x80xi32, #tpu.memory_space<vmem>>
      %dma_wait3A_180 = tpu.memref_squeeze %dma_wait3A_179 : memref<1x1x80xi32, #tpu.memory_space<vmem>> -> memref<80xi32, #tpu.memory_space<vmem>>
      %dma_wait3A_181 = arith.constant 0 : i32
      %dma_wait3A_182 = arith.constant 0 : i32
      %dma_wait3A_183 = tpu.memref_slice %arg8[%dma_wait3A_181, %dma_wait3A_182] : memref<10240x32xf32, #tpu.memory_space<vmem_shared>> -> memref<10240x32xf32, #tpu.memory_space<vmem_shared>>
      tpu.wait_indirect_dma semaphore(%arg11 : memref<!tpu.dma_semaphore, #tpu.memory_space<semaphore_mem>>) src(%dma_wait3A_177 : memref<80x32xf32, #tpu.memory_space<vmem>>) dst(%dma_wait3A_183 : memref<10240x32xf32, #tpu.memory_space<vmem_shared>>)
      %dma_wait3A_184 = arith.constant 4 : i32
      %dma_wait3A_185 = arith.constant 320 : i32
      %dma_wait3A_186 = arith.constant 0 : i32
      %dma_wait3A_187 = tpu.memref_slice %arg7[%rem3A_46, %dma_wait3A_185, %dma_wait3A_186] : memref<2x400x32xf32, #tpu.memory_space<vmem>> -> memref<1x80x32xf32, #tpu.memory_space<vmem>>
      %dma_wait3A_188 = tpu.memref_squeeze %dma_wait3A_187 : memref<1x80x32xf32, #tpu.memory_space<vmem>> -> memref<80x32xf32, #tpu.memory_space<vmem>>
      %dma_wait3A_189 = arith.constant 0 : i32
      %dma_wait3A_190 = tpu.memref_slice %arg6[%rem3A_46, %dma_wait3A_184, %dma_wait3A_189] : memref<2x5x80xi32, #tpu.memory_space<vmem>> -> memref<1x1x80xi32, #tpu.memory_space<vmem>>
      %dma_wait3A_191 = tpu.memref_squeeze %dma_wait3A_190 : memref<1x1x80xi32, #tpu.memory_space<vmem>> -> memref<80xi32, #tpu.memory_space<vmem>>
      %dma_wait3A_192 = arith.constant 0 : i32
      %dma_wait3A_193 = arith.constant 0 : i32
      %dma_wait3A_194 = tpu.memref_slice %arg8[%dma_wait3A_192, %dma_wait3A_193] : memref<10240x32xf32, #tpu.memory_space<vmem_shared>> -> memref<10240x32xf32, #tpu.memory_space<vmem_shared>>
      tpu.wait_indirect_dma semaphore(%arg11 : memref<!tpu.dma_semaphore, #tpu.memory_space<semaphore_mem>>) src(%dma_wait3A_188 : memref<80x32xf32, #tpu.memory_space<vmem>>) dst(%dma_wait3A_194 : memref<10240x32xf32, #tpu.memory_space<vmem_shared>>)
    }
    %scan3A_39 = arith.constant 25 : i32
    %barrier3A_40 = arith.constant 0 : index
    tpu.barrier barrier_id(%barrier3A_40)
    %mul3A_41 = arith.constant 640 : i32
    %mul3A_42 = arith.muli %arg1, %mul3A_41 : i32
    %mul3A_43 = arith.constant 640 : i32
    %mul3A_44 = arith.muli %arg1, %mul3A_43 : i32
    "tpu.region"() ({
      %run_scoped3A = tpu.sem_alloc : memref<!tpu.dma_semaphore, #tpu.memory_space<semaphore_mem>>
      %dma_start3A_45 = arith.constant 0 : i32
      %dma_start3A_46 = tpu.memref_slice %arg5[%arg0, %mul3A_44, %dma_start3A_45] : memref<2x10240x32xf32, #tpu.memory_space<hbm>> -> memref<1x640x32xf32, #tpu.memory_space<hbm>>
      %dma_start3A_47 = tpu.memref_squeeze %dma_start3A_46 : memref<1x640x32xf32, #tpu.memory_space<hbm>> -> memref<640x32xf32, #tpu.memory_space<hbm>>
      %dma_start3A_48 = arith.constant 0 : i32
      %dma_start3A_49 = tpu.memref_slice %arg8[%mul3A_42, %dma_start3A_48] : memref<10240x32xf32, #tpu.memory_space<vmem_shared>> -> memref<640x32xf32, #tpu.memory_space<vmem_shared>>
      tpu.enqueue_dma source(%dma_start3A_49 : memref<640x32xf32, #tpu.memory_space<vmem_shared>>) target(%dma_start3A_47 : memref<640x32xf32, #tpu.memory_space<hbm>>) target_semaphore(%run_scoped3A : memref<!tpu.dma_semaphore, #tpu.memory_space<semaphore_mem>>)
      %dma_wait3A = arith.constant 0 : i32
      %dma_wait3A_50 = tpu.memref_slice %arg5[%arg0, %mul3A_44, %dma_wait3A] : memref<2x10240x32xf32, #tpu.memory_space<hbm>> -> memref<1x640x32xf32, #tpu.memory_space<hbm>>
      %dma_wait3A_51 = tpu.memref_squeeze %dma_wait3A_50 : memref<1x640x32xf32, #tpu.memory_space<hbm>> -> memref<640x32xf32, #tpu.memory_space<hbm>>
      %dma_wait3A_52 = arith.constant 0 : i32
      %dma_wait3A_53 = tpu.memref_slice %arg8[%mul3A_42, %dma_wait3A_52] : memref<10240x32xf32, #tpu.memory_space<vmem_shared>> -> memref<640x32xf32, #tpu.memory_space<vmem_shared>>
      tpu.wait_dma2 semaphore(%run_scoped3A : memref<!tpu.dma_semaphore, #tpu.memory_space<semaphore_mem>>) src(%dma_wait3A_53 : memref<640x32xf32, #tpu.memory_space<vmem_shared>>) dst(%dma_wait3A_51 : memref<640x32xf32, #tpu.memory_space<hbm>>)
      tpu.yield
    }) : () -> ()
    return
  }
}

#map = affine_map<(d0, d1) -> (0, 0)>
#map1 = affine_map<(d0, d1) -> (0, 0, 0, 0)>
module attributes {stable_mosaic.version = 14 : i64} {
  func.func @g(%arg0: i32, %arg1: i32, %arg2: memref<10000x16xf32, #tpu.memory_space<hbm>>, %arg3: memref<32x25x5x80xi32, #tpu.memory_space<hbm>>, %arg4: memref<320000x16xf32, #tpu.memory_space<hbm>>, %arg5: memref<2x5x80xi32, #tpu.memory_space<vmem>>, %arg6: memref<2x400x16xf32, #tpu.memory_space<vmem>>, %arg7: memref<!tpu.dma_semaphore, #tpu.memory_space<semaphore_mem>>, %arg8: memref<!tpu.dma_semaphore, #tpu.memory_space<semaphore_mem>>, %arg9: memref<!tpu.dma_semaphore, #tpu.memory_space<semaphore_mem>>) attributes {dimension_semantics = [#tpu.dimension_semantics<core_parallel>, #tpu.dimension_semantics<subcore_parallel>], iteration_bounds = array<i64: 2, 16>, scalar_prefetch = 0 : i64, scratch_operands = 5 : i64, tpu.core_type = #tpu.core_type<sc_vector_subcore>, window_params = [{transform_indices = #map}, {transform_indices = #map1}, {transform_indices = #map}]} {
    %mul3A = arith.constant 2 : i32
    %mul3A_0 = arith.muli %arg1, %mul3A : i32
    %add3A = arith.addi %mul3A_0, %arg0 : i32
    %dma_start3A = arith.constant 0 : i32
    %dma_start3A_1 = arith.constant 0 : i32
    %dma_start3A_2 = arith.constant 0 : i32
    %dma_start3A_3 = arith.constant 0 : i32
    %dma_start3A_4 = tpu.memref_slice %arg5[%dma_start3A_1, %dma_start3A_2, %dma_start3A_3] : memref<2x5x80xi32, #tpu.memory_space<vmem>> -> memref<1x5x80xi32, #tpu.memory_space<vmem>>
    %dma_start3A_5 = tpu.memref_squeeze %dma_start3A_4 : memref<1x5x80xi32, #tpu.memory_space<vmem>> -> memref<5x80xi32, #tpu.memory_space<vmem>>
    %dma_start3A_6 = arith.constant 0 : i32
    %dma_start3A_7 = arith.constant 0 : i32
    %dma_start3A_8 = tpu.memref_slice %arg3[%add3A, %dma_start3A, %dma_start3A_6, %dma_start3A_7] : memref<32x25x5x80xi32, #tpu.memory_space<hbm>> -> memref<1x1x5x80xi32, #tpu.memory_space<hbm>>
    %dma_start3A_9 = tpu.memref_squeeze %dma_start3A_8 : memref<1x1x5x80xi32, #tpu.memory_space<hbm>> -> memref<5x80xi32, #tpu.memory_space<hbm>>
    %dma_start3A_10 = arith.constant 0 : i32
    %dma_start3A_11 = arith.constant 0 : i32
    %dma_start3A_12 = tpu.memref_slice %arg5[%dma_start3A_1, %dma_start3A_10, %dma_start3A_11] : memref<2x5x80xi32, #tpu.memory_space<vmem>> -> memref<1x5x80xi32, #tpu.memory_space<vmem>>
    %dma_start3A_13 = tpu.memref_squeeze %dma_start3A_12 : memref<1x5x80xi32, #tpu.memory_space<vmem>> -> memref<5x80xi32, #tpu.memory_space<vmem>>
    %dma_start3A_14 = arith.constant 0 : i32
    %dma_start3A_15 = arith.constant 0 : i32
    %dma_start3A_16 = tpu.memref_slice %arg3[%add3A, %dma_start3A, %dma_start3A_14, %dma_start3A_15] : memref<32x25x5x80xi32, #tpu.memory_space<hbm>> -> memref<1x1x5x80xi32, #tpu.memory_space<hbm>>
    %dma_start3A_17 = tpu.memref_squeeze %dma_start3A_16 : memref<1x1x5x80xi32, #tpu.memory_space<hbm>> -> memref<5x80xi32, #tpu.memory_space<hbm>>
    tpu.enqueue_dma source(%dma_start3A_17 : memref<5x80xi32, #tpu.memory_space<hbm>>) target(%dma_start3A_13 : memref<5x80xi32, #tpu.memory_space<vmem>>) target_semaphore(%arg7 : memref<!tpu.dma_semaphore, #tpu.memory_space<semaphore_mem>>)
    %scan3A = arith.constant 0 : i32
    %scan3A_18 = arith.constant 0 : i32
    %scan3A_19 = arith.constant 25 : i32
    %scan3A_20 = arith.addi %scan3A_18, %scan3A_19 : i32
    %scan3A_21 = arith.constant 1 : i32
    scf.for %scan3A_52 = %scan3A_18 to %scan3A_20 step %scan3A_21  : i32 {
      %rem3A = arith.constant 2 : i32
      %rem3A_53 = arith.remsi %scan3A_52, %rem3A : i32
      %dma_wait3A_54 = arith.constant 0 : i32
      %dma_wait3A_55 = arith.constant 0 : i32
      %dma_wait3A_56 = tpu.memref_slice %arg5[%rem3A_53, %dma_wait3A_54, %dma_wait3A_55] : memref<2x5x80xi32, #tpu.memory_space<vmem>> -> memref<1x5x80xi32, #tpu.memory_space<vmem>>
      %dma_wait3A_57 = tpu.memref_squeeze %dma_wait3A_56 : memref<1x5x80xi32, #tpu.memory_space<vmem>> -> memref<5x80xi32, #tpu.memory_space<vmem>>
      %dma_wait3A_58 = arith.constant 0 : i32
      %dma_wait3A_59 = arith.constant 0 : i32
      %dma_wait3A_60 = tpu.memref_slice %arg3[%add3A, %scan3A_52, %dma_wait3A_58, %dma_wait3A_59] : memref<32x25x5x80xi32, #tpu.memory_space<hbm>> -> memref<1x1x5x80xi32, #tpu.memory_space<hbm>>
      %dma_wait3A_61 = tpu.memref_squeeze %dma_wait3A_60 : memref<1x1x5x80xi32, #tpu.memory_space<hbm>> -> memref<5x80xi32, #tpu.memory_space<hbm>>
      %dma_wait3A_62 = arith.constant 0 : i32
      %dma_wait3A_63 = arith.constant 0 : i32
      %dma_wait3A_64 = tpu.memref_slice %arg5[%rem3A_53, %dma_wait3A_62, %dma_wait3A_63] : memref<2x5x80xi32, #tpu.memory_space<vmem>> -> memref<1x5x80xi32, #tpu.memory_space<vmem>>
      %dma_wait3A_65 = tpu.memref_squeeze %dma_wait3A_64 : memref<1x5x80xi32, #tpu.memory_space<vmem>> -> memref<5x80xi32, #tpu.memory_space<vmem>>
      %dma_wait3A_66 = arith.constant 0 : i32
      %dma_wait3A_67 = arith.constant 0 : i32
      %dma_wait3A_68 = tpu.memref_slice %arg3[%add3A, %scan3A_52, %dma_wait3A_66, %dma_wait3A_67] : memref<32x25x5x80xi32, #tpu.memory_space<hbm>> -> memref<1x1x5x80xi32, #tpu.memory_space<hbm>>
      %dma_wait3A_69 = tpu.memref_squeeze %dma_wait3A_68 : memref<1x1x5x80xi32, #tpu.memory_space<hbm>> -> memref<5x80xi32, #tpu.memory_space<hbm>>
      tpu.wait_dma2 semaphore(%arg7 : memref<!tpu.dma_semaphore, #tpu.memory_space<semaphore_mem>>) src(%dma_wait3A_69 : memref<5x80xi32, #tpu.memory_space<hbm>>) dst(%dma_wait3A_65 : memref<5x80xi32, #tpu.memory_space<vmem>>)
      %add3A_70 = arith.constant 1 : i32
      %add3A_71 = arith.addi %scan3A_52, %add3A_70 : i32
      %lt3A = arith.constant 25 : i32
      %lt3A_72 = arith.cmpi slt, %add3A_71, %lt3A : i32
      %convert_element_type3A = arith.extui %lt3A_72 : i1 to i32
      %cond3A = arith.constant 0 : i32
      %cond3A_73 = arith.cmpi ne, %convert_element_type3A, %cond3A : i32
      scf.if %cond3A_73 {
        %add3A_207 = arith.constant 1 : i32
        %add3A_208 = arith.addi %scan3A_52, %add3A_207 : i32
        %sub3A = arith.constant 1 : i32
        %sub3A_209 = arith.subi %sub3A, %rem3A_53 : i32
        %dma_start3A_210 = arith.constant 0 : i32
        %dma_start3A_211 = arith.constant 0 : i32
        %dma_start3A_212 = tpu.memref_slice %arg5[%sub3A_209, %dma_start3A_210, %dma_start3A_211] : memref<2x5x80xi32, #tpu.memory_space<vmem>> -> memref<1x5x80xi32, #tpu.memory_space<vmem>>
        %dma_start3A_213 = tpu.memref_squeeze %dma_start3A_212 : memref<1x5x80xi32, #tpu.memory_space<vmem>> -> memref<5x80xi32, #tpu.memory_space<vmem>>
        %dma_start3A_214 = arith.constant 0 : i32
        %dma_start3A_215 = arith.constant 0 : i32
        %dma_start3A_216 = tpu.memref_slice %arg3[%add3A, %add3A_208, %dma_start3A_214, %dma_start3A_215] : memref<32x25x5x80xi32, #tpu.memory_space<hbm>> -> memref<1x1x5x80xi32, #tpu.memory_space<hbm>>
        %dma_start3A_217 = tpu.memref_squeeze %dma_start3A_216 : memref<1x1x5x80xi32, #tpu.memory_space<hbm>> -> memref<5x80xi32, #tpu.memory_space<hbm>>
        %dma_start3A_218 = arith.constant 0 : i32
        %dma_start3A_219 = arith.constant 0 : i32
        %dma_start3A_220 = tpu.memref_slice %arg5[%sub3A_209, %dma_start3A_218, %dma_start3A_219] : memref<2x5x80xi32, #tpu.memory_space<vmem>> -> memref<1x5x80xi32, #tpu.memory_space<vmem>>
        %dma_start3A_221 = tpu.memref_squeeze %dma_start3A_220 : memref<1x5x80xi32, #tpu.memory_space<vmem>> -> memref<5x80xi32, #tpu.memory_space<vmem>>
        %dma_start3A_222 = arith.constant 0 : i32
        %dma_start3A_223 = arith.constant 0 : i32
        %dma_start3A_224 = tpu.memref_slice %arg3[%add3A, %add3A_208, %dma_start3A_222, %dma_start3A_223] : memref<32x25x5x80xi32, #tpu.memory_space<hbm>> -> memref<1x1x5x80xi32, #tpu.memory_space<hbm>>
        %dma_start3A_225 = tpu.memref_squeeze %dma_start3A_224 : memref<1x1x5x80xi32, #tpu.memory_space<hbm>> -> memref<5x80xi32, #tpu.memory_space<hbm>>
        tpu.enqueue_dma source(%dma_start3A_225 : memref<5x80xi32, #tpu.memory_space<hbm>>) target(%dma_start3A_221 : memref<5x80xi32, #tpu.memory_space<vmem>>) target_semaphore(%arg7 : memref<!tpu.dma_semaphore, #tpu.memory_space<semaphore_mem>>)
      } else {
      }
      %ge3A = arith.constant 2 : i32
      %ge3A_74 = arith.cmpi sge, %scan3A_52, %ge3A : i32
      %convert_element_type3A_75 = arith.extui %ge3A_74 : i1 to i32
      %cond3A_76 = arith.constant 0 : i32
      %cond3A_77 = arith.cmpi ne, %convert_element_type3A_75, %cond3A_76 : i32
      scf.if %cond3A_77 {
        %dma_wait3A_207 = arith.constant 0 : i32
        %dma_wait3A_208 = arith.constant 0 : i32
        %dma_wait3A_209 = tpu.memref_slice %arg6[%rem3A_53, %dma_wait3A_207, %dma_wait3A_208] : memref<2x400x16xf32, #tpu.memory_space<vmem>> -> memref<1x400x16xf32, #tpu.memory_space<vmem>>
        %dma_wait3A_210 = tpu.memref_squeeze %dma_wait3A_209 : memref<1x400x16xf32, #tpu.memory_space<vmem>> -> memref<400x16xf32, #tpu.memory_space<vmem>>
        %dma_wait3A_211 = arith.constant 0 : i32
        %dma_wait3A_212 = arith.constant 0 : i32
        %dma_wait3A_213 = tpu.memref_slice %arg4[%dma_wait3A_211, %dma_wait3A_212] : memref<320000x16xf32, #tpu.memory_space<hbm>> -> memref<400x16xf32, #tpu.memory_space<hbm>>
        %dma_wait3A_214 = arith.constant 0 : i32
        %dma_wait3A_215 = arith.constant 0 : i32
        %dma_wait3A_216 = tpu.memref_slice %arg4[%dma_wait3A_214, %dma_wait3A_215] : memref<320000x16xf32, #tpu.memory_space<hbm>> -> memref<400x16xf32, #tpu.memory_space<hbm>>
        %dma_wait3A_217 = arith.constant 0 : i32
        %dma_wait3A_218 = arith.constant 0 : i32
        %dma_wait3A_219 = tpu.memref_slice %arg6[%rem3A_53, %dma_wait3A_217, %dma_wait3A_218] : memref<2x400x16xf32, #tpu.memory_space<vmem>> -> memref<1x400x16xf32, #tpu.memory_space<vmem>>
        %dma_wait3A_220 = tpu.memref_squeeze %dma_wait3A_219 : memref<1x400x16xf32, #tpu.memory_space<vmem>> -> memref<400x16xf32, #tpu.memory_space<vmem>>
        tpu.wait_dma2 semaphore(%arg9 : memref<!tpu.dma_semaphore, #tpu.memory_space<semaphore_mem>>) src(%dma_wait3A_220 : memref<400x16xf32, #tpu.memory_space<vmem>>) dst(%dma_wait3A_216 : memref<400x16xf32, #tpu.memory_space<hbm>>)
      } else {
      }
      %dma_start3A_78 = arith.constant 0 : i32
      %dma_start3A_79 = arith.constant 0 : i32
      %dma_start3A_80 = arith.constant 0 : i32
      %dma_start3A_81 = tpu.memref_slice %arg6[%rem3A_53, %dma_start3A_79, %dma_start3A_80] : memref<2x400x16xf32, #tpu.memory_space<vmem>> -> memref<1x80x16xf32, #tpu.memory_space<vmem>>
      %dma_start3A_82 = tpu.memref_squeeze %dma_start3A_81 : memref<1x80x16xf32, #tpu.memory_space<vmem>> -> memref<80x16xf32, #tpu.memory_space<vmem>>
      %dma_start3A_83 = arith.constant 0 : i32
      %dma_start3A_84 = tpu.memref_slice %arg5[%rem3A_53, %dma_start3A_78, %dma_start3A_83] : memref<2x5x80xi32, #tpu.memory_space<vmem>> -> memref<1x1x80xi32, #tpu.memory_space<vmem>>
      %dma_start3A_85 = tpu.memref_squeeze %dma_start3A_84 : memref<1x1x80xi32, #tpu.memory_space<vmem>> -> memref<80xi32, #tpu.memory_space<vmem>>
      %dma_start3A_86 = arith.constant 0 : i32
      %dma_start3A_87 = arith.constant 0 : i32
      %dma_start3A_88 = tpu.memref_slice %arg2[%dma_start3A_86, %dma_start3A_87] : memref<10000x16xf32, #tpu.memory_space<hbm>> -> memref<10000x16xf32, #tpu.memory_space<hbm>>
      tpu.enqueue_indirect_dma source(%dma_start3A_88 : memref<10000x16xf32, #tpu.memory_space<hbm>>) target(%dma_start3A_82 : memref<80x16xf32, #tpu.memory_space<vmem>>) offsets(%dma_start3A_85 : memref<80xi32, #tpu.memory_space<vmem>>) semaphore(%arg8 : memref<!tpu.dma_semaphore, #tpu.memory_space<semaphore_mem>>)
      %dma_start3A_89 = arith.constant 1 : i32
      %dma_start3A_90 = arith.constant 80 : i32
      %dma_start3A_91 = arith.constant 0 : i32
      %dma_start3A_92 = tpu.memref_slice %arg6[%rem3A_53, %dma_start3A_90, %dma_start3A_91] : memref<2x400x16xf32, #tpu.memory_space<vmem>> -> memref<1x80x16xf32, #tpu.memory_space<vmem>>
      %dma_start3A_93 = tpu.memref_squeeze %dma_start3A_92 : memref<1x80x16xf32, #tpu.memory_space<vmem>> -> memref<80x16xf32, #tpu.memory_space<vmem>>
      %dma_start3A_94 = arith.constant 0 : i32
      %dma_start3A_95 = tpu.memref_slice %arg5[%rem3A_53, %dma_start3A_89, %dma_start3A_94] : memref<2x5x80xi32, #tpu.memory_space<vmem>> -> memref<1x1x80xi32, #tpu.memory_space<vmem>>
      %dma_start3A_96 = tpu.memref_squeeze %dma_start3A_95 : memref<1x1x80xi32, #tpu.memory_space<vmem>> -> memref<80xi32, #tpu.memory_space<vmem>>
      %dma_start3A_97 = arith.constant 0 : i32
      %dma_start3A_98 = arith.constant 0 : i32
      %dma_start3A_99 = tpu.memref_slice %arg2[%dma_start3A_97, %dma_start3A_98] : memref<10000x16xf32, #tpu.memory_space<hbm>> -> memref<10000x16xf32, #tpu.memory_space<hbm>>
      tpu.enqueue_indirect_dma source(%dma_start3A_99 : memref<10000x16xf32, #tpu.memory_space<hbm>>) target(%dma_start3A_93 : memref<80x16xf32, #tpu.memory_space<vmem>>) offsets(%dma_start3A_96 : memref<80xi32, #tpu.memory_space<vmem>>) semaphore(%arg8 : memref<!tpu.dma_semaphore, #tpu.memory_space<semaphore_mem>>)
      %dma_start3A_100 = arith.constant 2 : i32
      %dma_start3A_101 = arith.constant 160 : i32
      %dma_start3A_102 = arith.constant 0 : i32
      %dma_start3A_103 = tpu.memref_slice %arg6[%rem3A_53, %dma_start3A_101, %dma_start3A_102] : memref<2x400x16xf32, #tpu.memory_space<vmem>> -> memref<1x80x16xf32, #tpu.memory_space<vmem>>
      %dma_start3A_104 = tpu.memref_squeeze %dma_start3A_103 : memref<1x80x16xf32, #tpu.memory_space<vmem>> -> memref<80x16xf32, #tpu.memory_space<vmem>>
      %dma_start3A_105 = arith.constant 0 : i32
      %dma_start3A_106 = tpu.memref_slice %arg5[%rem3A_53, %dma_start3A_100, %dma_start3A_105] : memref<2x5x80xi32, #tpu.memory_space<vmem>> -> memref<1x1x80xi32, #tpu.memory_space<vmem>>
      %dma_start3A_107 = tpu.memref_squeeze %dma_start3A_106 : memref<1x1x80xi32, #tpu.memory_space<vmem>> -> memref<80xi32, #tpu.memory_space<vmem>>
      %dma_start3A_108 = arith.constant 0 : i32
      %dma_start3A_109 = arith.constant 0 : i32
      %dma_start3A_110 = tpu.memref_slice %arg2[%dma_start3A_108, %dma_start3A_109] : memref<10000x16xf32, #tpu.memory_space<hbm>> -> memref<10000x16xf32, #tpu.memory_space<hbm>>
      tpu.enqueue_indirect_dma source(%dma_start3A_110 : memref<10000x16xf32, #tpu.memory_space<hbm>>) target(%dma_start3A_104 : memref<80x16xf32, #tpu.memory_space<vmem>>) offsets(%dma_start3A_107 : memref<80xi32, #tpu.memory_space<vmem>>) semaphore(%arg8 : memref<!tpu.dma_semaphore, #tpu.memory_space<semaphore_mem>>)
      %dma_start3A_111 = arith.constant 3 : i32
      %dma_start3A_112 = arith.constant 240 : i32
      %dma_start3A_113 = arith.constant 0 : i32
      %dma_start3A_114 = tpu.memref_slice %arg6[%rem3A_53, %dma_start3A_112, %dma_start3A_113] : memref<2x400x16xf32, #tpu.memory_space<vmem>> -> memref<1x80x16xf32, #tpu.memory_space<vmem>>
      %dma_start3A_115 = tpu.memref_squeeze %dma_start3A_114 : memref<1x80x16xf32, #tpu.memory_space<vmem>> -> memref<80x16xf32, #tpu.memory_space<vmem>>
      %dma_start3A_116 = arith.constant 0 : i32
      %dma_start3A_117 = tpu.memref_slice %arg5[%rem3A_53, %dma_start3A_111, %dma_start3A_116] : memref<2x5x80xi32, #tpu.memory_space<vmem>> -> memref<1x1x80xi32, #tpu.memory_space<vmem>>
      %dma_start3A_118 = tpu.memref_squeeze %dma_start3A_117 : memref<1x1x80xi32, #tpu.memory_space<vmem>> -> memref<80xi32, #tpu.memory_space<vmem>>
      %dma_start3A_119 = arith.constant 0 : i32
      %dma_start3A_120 = arith.constant 0 : i32
      %dma_start3A_121 = tpu.memref_slice %arg2[%dma_start3A_119, %dma_start3A_120] : memref<10000x16xf32, #tpu.memory_space<hbm>> -> memref<10000x16xf32, #tpu.memory_space<hbm>>
      tpu.enqueue_indirect_dma source(%dma_start3A_121 : memref<10000x16xf32, #tpu.memory_space<hbm>>) target(%dma_start3A_115 : memref<80x16xf32, #tpu.memory_space<vmem>>) offsets(%dma_start3A_118 : memref<80xi32, #tpu.memory_space<vmem>>) semaphore(%arg8 : memref<!tpu.dma_semaphore, #tpu.memory_space<semaphore_mem>>)
      %dma_start3A_122 = arith.constant 4 : i32
      %dma_start3A_123 = arith.constant 320 : i32
      %dma_start3A_124 = arith.constant 0 : i32
      %dma_start3A_125 = tpu.memref_slice %arg6[%rem3A_53, %dma_start3A_123, %dma_start3A_124] : memref<2x400x16xf32, #tpu.memory_space<vmem>> -> memref<1x80x16xf32, #tpu.memory_space<vmem>>
      %dma_start3A_126 = tpu.memref_squeeze %dma_start3A_125 : memref<1x80x16xf32, #tpu.memory_space<vmem>> -> memref<80x16xf32, #tpu.memory_space<vmem>>
      %dma_start3A_127 = arith.constant 0 : i32
      %dma_start3A_128 = tpu.memref_slice %arg5[%rem3A_53, %dma_start3A_122, %dma_start3A_127] : memref<2x5x80xi32, #tpu.memory_space<vmem>> -> memref<1x1x80xi32, #tpu.memory_space<vmem>>
      %dma_start3A_129 = tpu.memref_squeeze %dma_start3A_128 : memref<1x1x80xi32, #tpu.memory_space<vmem>> -> memref<80xi32, #tpu.memory_space<vmem>>
      %dma_start3A_130 = arith.constant 0 : i32
      %dma_start3A_131 = arith.constant 0 : i32
      %dma_start3A_132 = tpu.memref_slice %arg2[%dma_start3A_130, %dma_start3A_131] : memref<10000x16xf32, #tpu.memory_space<hbm>> -> memref<10000x16xf32, #tpu.memory_space<hbm>>
      tpu.enqueue_indirect_dma source(%dma_start3A_132 : memref<10000x16xf32, #tpu.memory_space<hbm>>) target(%dma_start3A_126 : memref<80x16xf32, #tpu.memory_space<vmem>>) offsets(%dma_start3A_129 : memref<80xi32, #tpu.memory_space<vmem>>) semaphore(%arg8 : memref<!tpu.dma_semaphore, #tpu.memory_space<semaphore_mem>>)
      %dma_wait3A_133 = arith.constant 0 : i32
      %dma_wait3A_134 = arith.constant 0 : i32
      %dma_wait3A_135 = arith.constant 0 : i32
      %dma_wait3A_136 = tpu.memref_slice %arg6[%rem3A_53, %dma_wait3A_134, %dma_wait3A_135] : memref<2x400x16xf32, #tpu.memory_space<vmem>> -> memref<1x80x16xf32, #tpu.memory_space<vmem>>
      %dma_wait3A_137 = tpu.memref_squeeze %dma_wait3A_136 : memref<1x80x16xf32, #tpu.memory_space<vmem>> -> memref<80x16xf32, #tpu.memory_space<vmem>>
      %dma_wait3A_138 = arith.constant 0 : i32
      %dma_wait3A_139 = tpu.memref_slice %arg5[%rem3A_53, %dma_wait3A_133, %dma_wait3A_138] : memref<2x5x80xi32, #tpu.memory_space<vmem>> -> memref<1x1x80xi32, #tpu.memory_space<vmem>>
      %dma_wait3A_140 = tpu.memref_squeeze %dma_wait3A_139 : memref<1x1x80xi32, #tpu.memory_space<vmem>> -> memref<80xi32, #tpu.memory_space<vmem>>
      %dma_wait3A_141 = arith.constant 0 : i32
      %dma_wait3A_142 = arith.constant 0 : i32
      %dma_wait3A_143 = tpu.memref_slice %arg2[%dma_wait3A_141, %dma_wait3A_142] : memref<10000x16xf32, #tpu.memory_space<hbm>> -> memref<10000x16xf32, #tpu.memory_space<hbm>>
      tpu.wait_indirect_dma semaphore(%arg8 : memref<!tpu.dma_semaphore, #tpu.memory_space<semaphore_mem>>) src(%dma_wait3A_143 : memref<10000x16xf32, #tpu.memory_space<hbm>>) dst(%dma_wait3A_137 : memref<80x16xf32, #tpu.memory_space<vmem>>)
      %dma_wait3A_144 = arith.constant 1 : i32
      %dma_wait3A_145 = arith.constant 80 : i32
      %dma_wait3A_146 = arith.constant 0 : i32
      %dma_wait3A_147 = tpu.memref_slice %arg6[%rem3A_53, %dma_wait3A_145, %dma_wait3A_146] : memref<2x400x16xf32, #tpu.memory_space<vmem>> -> memref<1x80x16xf32, #tpu.memory_space<vmem>>
      %dma_wait3A_148 = tpu.memref_squeeze %dma_wait3A_147 : memref<1x80x16xf32, #tpu.memory_space<vmem>> -> memref<80x16xf32, #tpu.memory_space<vmem>>
      %dma_wait3A_149 = arith.constant 0 : i32
      %dma_wait3A_150 = tpu.memref_slice %arg5[%rem3A_53, %dma_wait3A_144, %dma_wait3A_149] : memref<2x5x80xi32, #tpu.memory_space<vmem>> -> memref<1x1x80xi32, #tpu.memory_space<vmem>>
      %dma_wait3A_151 = tpu.memref_squeeze %dma_wait3A_150 : memref<1x1x80xi32, #tpu.memory_space<vmem>> -> memref<80xi32, #tpu.memory_space<vmem>>
      %dma_wait3A_152 = arith.constant 0 : i32
      %dma_wait3A_153 = arith.constant 0 : i32
      %dma_wait3A_154 = tpu.memref_slice %arg2[%dma_wait3A_152, %dma_wait3A_153] : memref<10000x16xf32, #tpu.memory_space<hbm>> -> memref<10000x16xf32, #tpu.memory_space<hbm>>
      tpu.wait_indirect_dma semaphore(%arg8 : memref<!tpu.dma_semaphore, #tpu.memory_space<semaphore_mem>>) src(%dma_wait3A_154 : memref<10000x16xf32, #tpu.memory_space<hbm>>) dst(%dma_wait3A_148 : memref<80x16xf32, #tpu.memory_space<vmem>>)
      %dma_wait3A_155 = arith.constant 2 : i32
      %dma_wait3A_156 = arith.constant 160 : i32
      %dma_wait3A_157 = arith.constant 0 : i32
      %dma_wait3A_158 = tpu.memref_slice %arg6[%rem3A_53, %dma_wait3A_156, %dma_wait3A_157] : memref<2x400x16xf32, #tpu.memory_space<vmem>> -> memref<1x80x16xf32, #tpu.memory_space<vmem>>
      %dma_wait3A_159 = tpu.memref_squeeze %dma_wait3A_158 : memref<1x80x16xf32, #tpu.memory_space<vmem>> -> memref<80x16xf32, #tpu.memory_space<vmem>>
      %dma_wait3A_160 = arith.constant 0 : i32
      %dma_wait3A_161 = tpu.memref_slice %arg5[%rem3A_53, %dma_wait3A_155, %dma_wait3A_160] : memref<2x5x80xi32, #tpu.memory_space<vmem>> -> memref<1x1x80xi32, #tpu.memory_space<vmem>>
      %dma_wait3A_162 = tpu.memref_squeeze %dma_wait3A_161 : memref<1x1x80xi32, #tpu.memory_space<vmem>> -> memref<80xi32, #tpu.memory_space<vmem>>
      %dma_wait3A_163 = arith.constant 0 : i32
      %dma_wait3A_164 = arith.constant 0 : i32
      %dma_wait3A_165 = tpu.memref_slice %arg2[%dma_wait3A_163, %dma_wait3A_164] : memref<10000x16xf32, #tpu.memory_space<hbm>> -> memref<10000x16xf32, #tpu.memory_space<hbm>>
      tpu.wait_indirect_dma semaphore(%arg8 : memref<!tpu.dma_semaphore, #tpu.memory_space<semaphore_mem>>) src(%dma_wait3A_165 : memref<10000x16xf32, #tpu.memory_space<hbm>>) dst(%dma_wait3A_159 : memref<80x16xf32, #tpu.memory_space<vmem>>)
      %dma_wait3A_166 = arith.constant 3 : i32
      %dma_wait3A_167 = arith.constant 240 : i32
      %dma_wait3A_168 = arith.constant 0 : i32
      %dma_wait3A_169 = tpu.memref_slice %arg6[%rem3A_53, %dma_wait3A_167, %dma_wait3A_168] : memref<2x400x16xf32, #tpu.memory_space<vmem>> -> memref<1x80x16xf32, #tpu.memory_space<vmem>>
      %dma_wait3A_170 = tpu.memref_squeeze %dma_wait3A_169 : memref<1x80x16xf32, #tpu.memory_space<vmem>> -> memref<80x16xf32, #tpu.memory_space<vmem>>
      %dma_wait3A_171 = arith.constant 0 : i32
      %dma_wait3A_172 = tpu.memref_slice %arg5[%rem3A_53, %dma_wait3A_166, %dma_wait3A_171] : memref<2x5x80xi32, #tpu.memory_space<vmem>> -> memref<1x1x80xi32, #tpu.memory_space<vmem>>
      %dma_wait3A_173 = tpu.memref_squeeze %dma_wait3A_172 : memref<1x1x80xi32, #tpu.memory_space<vmem>> -> memref<80xi32, #tpu.memory_space<vmem>>
      %dma_wait3A_174 = arith.constant 0 : i32
      %dma_wait3A_175 = arith.constant 0 : i32
      %dma_wait3A_176 = tpu.memref_slice %arg2[%dma_wait3A_174, %dma_wait3A_175] : memref<10000x16xf32, #tpu.memory_space<hbm>> -> memref<10000x16xf32, #tpu.memory_space<hbm>>
      tpu.wait_indirect_dma semaphore(%arg8 : memref<!tpu.dma_semaphore, #tpu.memory_space<semaphore_mem>>) src(%dma_wait3A_176 : memref<10000x16xf32, #tpu.memory_space<hbm>>) dst(%dma_wait3A_170 : memref<80x16xf32, #tpu.memory_space<vmem>>)
      %dma_wait3A_177 = arith.constant 4 : i32
      %dma_wait3A_178 = arith.constant 320 : i32
      %dma_wait3A_179 = arith.constant 0 : i32
      %dma_wait3A_180 = tpu.memref_slice %arg6[%rem3A_53, %dma_wait3A_178, %dma_wait3A_179] : memref<2x400x16xf32, #tpu.memory_space<vmem>> -> memref<1x80x16xf32, #tpu.memory_space<vmem>>
      %dma_wait3A_181 = tpu.memref_squeeze %dma_wait3A_180 : memref<1x80x16xf32, #tpu.memory_space<vmem>> -> memref<80x16xf32, #tpu.memory_space<vmem>>
      %dma_wait3A_182 = arith.constant 0 : i32
      %dma_wait3A_183 = tpu.memref_slice %arg5[%rem3A_53, %dma_wait3A_177, %dma_wait3A_182] : memref<2x5x80xi32, #tpu.memory_space<vmem>> -> memref<1x1x80xi32, #tpu.memory_space<vmem>>
      %dma_wait3A_184 = tpu.memref_squeeze %dma_wait3A_183 : memref<1x1x80xi32, #tpu.memory_space<vmem>> -> memref<80xi32, #tpu.memory_space<vmem>>
      %dma_wait3A_185 = arith.constant 0 : i32
      %dma_wait3A_186 = arith.constant 0 : i32
      %dma_wait3A_187 = tpu.memref_slice %arg2[%dma_wait3A_185, %dma_wait3A_186] : memref<10000x16xf32, #tpu.memory_space<hbm>> -> memref<10000x16xf32, #tpu.memory_space<hbm>>
      tpu.wait_indirect_dma semaphore(%arg8 : memref<!tpu.dma_semaphore, #tpu.memory_space<semaphore_mem>>) src(%dma_wait3A_187 : memref<10000x16xf32, #tpu.memory_space<hbm>>) dst(%dma_wait3A_181 : memref<80x16xf32, #tpu.memory_space<vmem>>)
      %mul3A_188 = arith.constant 125 : i32
      %mul3A_189 = arith.muli %add3A, %mul3A_188 : i32
      %mul3A_190 = arith.constant 5 : i32
      %mul3A_191 = arith.muli %scan3A_52, %mul3A_190 : i32
      %add3A_192 = arith.addi %mul3A_189, %mul3A_191 : i32
      %mul3A_193 = arith.constant 80 : i32
      %mul3A_194 = arith.muli %add3A_192, %mul3A_193 : i32
      %dma_start3A_195 = arith.constant 0 : i32
      %dma_start3A_196 = arith.constant 0 : i32
      %dma_start3A_197 = tpu.memref_slice %arg6[%rem3A_53, %dma_start3A_195, %dma_start3A_196] : memref<2x400x16xf32, #tpu.memory_space<vmem>> -> memref<1x400x16xf32, #tpu.memory_space<vmem>>
      %dma_start3A_198 = tpu.memref_squeeze %dma_start3A_197 : memref<1x400x16xf32, #tpu.memory_space<vmem>> -> memref<400x16xf32, #tpu.memory_space<vmem>>
      %dma_start3A_199 = arith.constant 0 : i32
      %dma_start3A_200 = tpu.memref_slice %arg4[%mul3A_194, %dma_start3A_199] : memref<320000x16xf32, #tpu.memory_space<hbm>> -> memref<400x16xf32, #tpu.memory_space<hbm>>
      %dma_start3A_201 = arith.constant 0 : i32
      %dma_start3A_202 = tpu.memref_slice %arg4[%mul3A_194, %dma_start3A_201] : memref<320000x16xf32, #tpu.memory_space<hbm>> -> memref<400x16xf32, #tpu.memory_space<hbm>>
      %dma_start3A_203 = arith.constant 0 : i32
      %dma_start3A_204 = arith.constant 0 : i32
      %dma_start3A_205 = tpu.memref_slice %arg6[%rem3A_53, %dma_start3A_203, %dma_start3A_204] : memref<2x400x16xf32, #tpu.memory_space<vmem>> -> memref<1x400x16xf32, #tpu.memory_space<vmem>>
      %dma_start3A_206 = tpu.memref_squeeze %dma_start3A_205 : memref<1x400x16xf32, #tpu.memory_space<vmem>> -> memref<400x16xf32, #tpu.memory_space<vmem>>
      tpu.enqueue_dma source(%dma_start3A_206 : memref<400x16xf32, #tpu.memory_space<vmem>>) target(%dma_start3A_202 : memref<400x16xf32, #tpu.memory_space<hbm>>) target_semaphore(%arg9 : memref<!tpu.dma_semaphore, #tpu.memory_space<semaphore_mem>>)
    }
    %scan3A_22 = arith.constant 25 : i32
    %dma_wait3A = arith.constant 0 : i32
    %dma_wait3A_23 = arith.constant 0 : i32
    %dma_wait3A_24 = arith.constant 0 : i32
    %dma_wait3A_25 = tpu.memref_slice %arg6[%dma_wait3A, %dma_wait3A_23, %dma_wait3A_24] : memref<2x400x16xf32, #tpu.memory_space<vmem>> -> memref<1x400x16xf32, #tpu.memory_space<vmem>>
    %dma_wait3A_26 = tpu.memref_squeeze %dma_wait3A_25 : memref<1x400x16xf32, #tpu.memory_space<vmem>> -> memref<400x16xf32, #tpu.memory_space<vmem>>
    %dma_wait3A_27 = arith.constant 0 : i32
    %dma_wait3A_28 = arith.constant 0 : i32
    %dma_wait3A_29 = tpu.memref_slice %arg4[%dma_wait3A_27, %dma_wait3A_28] : memref<320000x16xf32, #tpu.memory_space<hbm>> -> memref<400x16xf32, #tpu.memory_space<hbm>>
    %dma_wait3A_30 = arith.constant 0 : i32
    %dma_wait3A_31 = arith.constant 0 : i32
    %dma_wait3A_32 = tpu.memref_slice %arg4[%dma_wait3A_30, %dma_wait3A_31] : memref<320000x16xf32, #tpu.memory_space<hbm>> -> memref<400x16xf32, #tpu.memory_space<hbm>>
    %dma_wait3A_33 = arith.constant 0 : i32
    %dma_wait3A_34 = arith.constant 0 : i32
    %dma_wait3A_35 = tpu.memref_slice %arg6[%dma_wait3A, %dma_wait3A_33, %dma_wait3A_34] : memref<2x400x16xf32, #tpu.memory_space<vmem>> -> memref<1x400x16xf32, #tpu.memory_space<vmem>>
    %dma_wait3A_36 = tpu.memref_squeeze %dma_wait3A_35 : memref<1x400x16xf32, #tpu.memory_space<vmem>> -> memref<400x16xf32, #tpu.memory_space<vmem>>
    tpu.wait_dma2 semaphore(%arg9 : memref<!tpu.dma_semaphore, #tpu.memory_space<semaphore_mem>>) src(%dma_wait3A_36 : memref<400x16xf32, #tpu.memory_space<vmem>>) dst(%dma_wait3A_32 : memref<400x16xf32, #tpu.memory_space<hbm>>)
    %dma_wait3A_37 = arith.constant 1 : i32
    %dma_wait3A_38 = arith.constant 0 : i32
    %dma_wait3A_39 = arith.constant 0 : i32
    %dma_wait3A_40 = tpu.memref_slice %arg6[%dma_wait3A_37, %dma_wait3A_38, %dma_wait3A_39] : memref<2x400x16xf32, #tpu.memory_space<vmem>> -> memref<1x400x16xf32, #tpu.memory_space<vmem>>
    %dma_wait3A_41 = tpu.memref_squeeze %dma_wait3A_40 : memref<1x400x16xf32, #tpu.memory_space<vmem>> -> memref<400x16xf32, #tpu.memory_space<vmem>>
    %dma_wait3A_42 = arith.constant 0 : i32
    %dma_wait3A_43 = arith.constant 0 : i32
    %dma_wait3A_44 = tpu.memref_slice %arg4[%dma_wait3A_42, %dma_wait3A_43] : memref<320000x16xf32, #tpu.memory_space<hbm>> -> memref<400x16xf32, #tpu.memory_space<hbm>>
    %dma_wait3A_45 = arith.constant 0 : i32
    %dma_wait3A_46 = arith.constant 0 : i32
    %dma_wait3A_47 = tpu.memref_slice %arg4[%dma_wait3A_45, %dma_wait3A_46] : memref<320000x16xf32, #tpu.memory_space<hbm>> -> memref<400x16xf32, #tpu.memory_space<hbm>>
    %dma_wait3A_48 = arith.constant 0 : i32
    %dma_wait3A_49 = arith.constant 0 : i32
    %dma_wait3A_50 = tpu.memref_slice %arg6[%dma_wait3A_37, %dma_wait3A_48, %dma_wait3A_49] : memref<2x400x16xf32, #tpu.memory_space<vmem>> -> memref<1x400x16xf32, #tpu.memory_space<vmem>>
    %dma_wait3A_51 = tpu.memref_squeeze %dma_wait3A_50 : memref<1x400x16xf32, #tpu.memory_space<vmem>> -> memref<400x16xf32, #tpu.memory_space<vmem>>
    tpu.wait_dma2 semaphore(%arg9 : memref<!tpu.dma_semaphore, #tpu.memory_space<semaphore_mem>>) src(%dma_wait3A_51 : memref<400x16xf32, #tpu.memory_space<vmem>>) dst(%dma_wait3A_47 : memref<400x16xf32, #tpu.memory_space<hbm>>)
    return
  }
}

#map = affine_map<(d0, d1) -> (0, 0)>
#map1 = affine_map<(d0, d1) -> (0, 0, 0, 0)>
#map2 = affine_map<(d0, d1) -> (0, 0, 0)>
module attributes {stable_mosaic.version = 14 : i64} {
  func.func @sck(%arg0: i32, %arg1: i32, %arg2: memref<320000x16xf32, #tpu.memory_space<hbm>>, %arg3: memref<32x25x5x80xi32, #tpu.memory_space<hbm>>, %arg4: memref<640x16xf32, #tpu.memory_space<hbm>>, %arg5: memref<2x10240x16xf32, #tpu.memory_space<hbm>>, %arg6: memref<2x5x80xi32, #tpu.memory_space<vmem>>, %arg7: memref<2x400x16xf32, #tpu.memory_space<vmem>>, %arg8: memref<10240x16xf32, #tpu.memory_space<vmem_shared>>, %arg9: memref<!tpu.dma_semaphore, #tpu.memory_space<semaphore_mem>>, %arg10: memref<!tpu.dma_semaphore, #tpu.memory_space<semaphore_mem>>, %arg11: memref<!tpu.dma_semaphore, #tpu.memory_space<semaphore_mem>>) attributes {dimension_semantics = [#tpu.dimension_semantics<core_parallel>, #tpu.dimension_semantics<subcore_parallel>], iteration_bounds = array<i64: 2, 16>, scalar_prefetch = 0 : i64, scratch_operands = 6 : i64, tpu.core_type = #tpu.core_type<sc_vector_subcore>, window_params = [{transform_indices = #map}, {transform_indices = #map1}, {transform_indices = #map}, {transform_indices = #map2}]} {
    %mul3A = arith.constant 2 : i32
    %mul3A_0 = arith.muli %arg1, %mul3A : i32
    %add3A = arith.addi %mul3A_0, %arg0 : i32
    %mul3A_1 = arith.constant 640 : i32
    %mul3A_2 = arith.muli %arg1, %mul3A_1 : i32
    "tpu.region"() ({
      %run_scoped3A = tpu.sem_alloc : memref<!tpu.dma_semaphore, #tpu.memory_space<semaphore_mem>>
      %dma_start3A_45 = arith.constant 0 : i32
      %dma_start3A_46 = tpu.memref_slice %arg8[%mul3A_2, %dma_start3A_45] : memref<10240x16xf32, #tpu.memory_space<vmem_shared>> -> memref<640x16xf32, #tpu.memory_space<vmem_shared>>
      tpu.enqueue_dma source(%arg4 : memref<640x16xf32, #tpu.memory_space<hbm>>) target(%dma_start3A_46 : memref<640x16xf32, #tpu.memory_space<vmem_shared>>) target_semaphore(%run_scoped3A : memref<!tpu.dma_semaphore, #tpu.memory_space<semaphore_mem>>)
      %dma_wait3A = arith.constant 0 : i32
      %dma_wait3A_47 = tpu.memref_slice %arg8[%mul3A_2, %dma_wait3A] : memref<10240x16xf32, #tpu.memory_space<vmem_shared>> -> memref<640x16xf32, #tpu.memory_space<vmem_shared>>
      tpu.wait_dma2 semaphore(%run_scoped3A : memref<!tpu.dma_semaphore, #tpu.memory_space<semaphore_mem>>) src(%arg4 : memref<640x16xf32, #tpu.memory_space<hbm>>) dst(%dma_wait3A_47 : memref<640x16xf32, #tpu.memory_space<vmem_shared>>)
      tpu.yield
    }) : () -> ()
    %barrier3A = arith.constant 0 : index
    tpu.barrier barrier_id(%barrier3A)
    %dma_start3A = arith.constant 0 : i32
    %dma_start3A_3 = arith.constant 0 : i32
    %dma_start3A_4 = arith.constant 0 : i32
    %dma_start3A_5 = arith.constant 0 : i32
    %dma_start3A_6 = tpu.memref_slice %arg6[%dma_start3A_3, %dma_start3A_4, %dma_start3A_5] : memref<2x5x80xi32, #tpu.memory_space<vmem>> -> memref<1x5x80xi32, #tpu.memory_space<vmem>>
    %dma_start3A_7 = tpu.memref_squeeze %dma_start3A_6 : memref<1x5x80xi32, #tpu.memory_space<vmem>> -> memref<5x80xi32, #tpu.memory_space<vmem>>
    %dma_start3A_8 = arith.constant 0 : i32
    %dma_start3A_9 = arith.constant 0 : i32
    %dma_start3A_10 = tpu.memref_slice %arg3[%add3A, %dma_start3A, %dma_start3A_8, %dma_start3A_9] : memref<32x25x5x80xi32, #tpu.memory_space<hbm>> -> memref<1x1x5x80xi32, #tpu.memory_space<hbm>>
    %dma_start3A_11 = tpu.memref_squeeze %dma_start3A_10 : memref<1x1x5x80xi32, #tpu.memory_space<hbm>> -> memref<5x80xi32, #tpu.memory_space<hbm>>
    %dma_start3A_12 = arith.constant 0 : i32
    %dma_start3A_13 = arith.constant 0 : i32
    %dma_start3A_14 = tpu.memref_slice %arg6[%dma_start3A_3, %dma_start3A_12, %dma_start3A_13] : memref<2x5x80xi32, #tpu.memory_space<vmem>> -> memref<1x5x80xi32, #tpu.memory_space<vmem>>
    %dma_start3A_15 = tpu.memref_squeeze %dma_start3A_14 : memref<1x5x80xi32, #tpu.memory_space<vmem>> -> memref<5x80xi32, #tpu.memory_space<vmem>>
    %dma_start3A_16 = arith.constant 0 : i32
    %dma_start3A_17 = arith.constant 0 : i32
    %dma_start3A_18 = tpu.memref_slice %arg3[%add3A, %dma_start3A, %dma_start3A_16, %dma_start3A_17] : memref<32x25x5x80xi32, #tpu.memory_space<hbm>> -> memref<1x1x5x80xi32, #tpu.memory_space<hbm>>
    %dma_start3A_19 = tpu.memref_squeeze %dma_start3A_18 : memref<1x1x5x80xi32, #tpu.memory_space<hbm>> -> memref<5x80xi32, #tpu.memory_space<hbm>>
    tpu.enqueue_dma source(%dma_start3A_19 : memref<5x80xi32, #tpu.memory_space<hbm>>) target(%dma_start3A_15 : memref<5x80xi32, #tpu.memory_space<vmem>>) target_semaphore(%arg9 : memref<!tpu.dma_semaphore, #tpu.memory_space<semaphore_mem>>)
    %mul3A_20 = arith.constant 10000 : i32
    %mul3A_21 = arith.muli %add3A, %mul3A_20 : i32
    %dma_start3A_22 = arith.constant 0 : i32
    %dma_start3A_23 = arith.constant 0 : i32
    %dma_start3A_24 = arith.constant 0 : i32
    %dma_start3A_25 = tpu.memref_slice %arg7[%dma_start3A_22, %dma_start3A_23, %dma_start3A_24] : memref<2x400x16xf32, #tpu.memory_space<vmem>> -> memref<1x400x16xf32, #tpu.memory_space<vmem>>
    %dma_start3A_26 = tpu.memref_squeeze %dma_start3A_25 : memref<1x400x16xf32, #tpu.memory_space<vmem>> -> memref<400x16xf32, #tpu.memory_space<vmem>>
    %dma_start3A_27 = arith.constant 0 : i32
    %dma_start3A_28 = tpu.memref_slice %arg2[%mul3A_21, %dma_start3A_27] : memref<320000x16xf32, #tpu.memory_space<hbm>> -> memref<400x16xf32, #tpu.memory_space<hbm>>
    %dma_start3A_29 = arith.constant 0 : i32
    %dma_start3A_30 = arith.constant 0 : i32
    %dma_start3A_31 = tpu.memref_slice %arg7[%dma_start3A_22, %dma_start3A_29, %dma_start3A_30] : memref<2x400x16xf32, #tpu.memory_space<vmem>> -> memref<1x400x16xf32, #tpu.memory_space<vmem>>
    %dma_start3A_32 = tpu.memref_squeeze %dma_start3A_31 : memref<1x400x16xf32, #tpu.memory_space<vmem>> -> memref<400x16xf32, #tpu.memory_space<vmem>>
    %dma_start3A_33 = arith.constant 0 : i32
    %dma_start3A_34 = tpu.memref_slice %arg2[%mul3A_21, %dma_start3A_33] : memref<320000x16xf32, #tpu.memory_space<hbm>> -> memref<400x16xf32, #tpu.memory_space<hbm>>
    tpu.enqueue_dma source(%dma_start3A_34 : memref<400x16xf32, #tpu.memory_space<hbm>>) target(%dma_start3A_32 : memref<400x16xf32, #tpu.memory_space<vmem>>) target_semaphore(%arg10 : memref<!tpu.dma_semaphore, #tpu.memory_space<semaphore_mem>>)
    %scan3A = arith.constant 0 : i32
    %scan3A_35 = arith.constant 0 : i32
    %scan3A_36 = arith.constant 25 : i32
    %scan3A_37 = arith.addi %scan3A_35, %scan3A_36 : i32
    %scan3A_38 = arith.constant 1 : i32
    scf.for %scan3A_45 = %scan3A_35 to %scan3A_37 step %scan3A_38  : i32 {
      %rem3A = arith.constant 2 : i32
      %rem3A_46 = arith.remsi %scan3A_45, %rem3A : i32
      %mul3A_47 = arith.constant 125 : i32
      %mul3A_48 = arith.muli %add3A, %mul3A_47 : i32
      %mul3A_49 = arith.constant 5 : i32
      %mul3A_50 = arith.muli %scan3A_45, %mul3A_49 : i32
      %add3A_51 = arith.addi %mul3A_48, %mul3A_50 : i32
      %dma_wait3A = arith.constant 0 : i32
      %dma_wait3A_52 = arith.constant 0 : i32
      %dma_wait3A_53 = tpu.memref_slice %arg6[%rem3A_46, %dma_wait3A, %dma_wait3A_52] : memref<2x5x80xi32, #tpu.memory_space<vmem>> -> memref<1x5x80xi32, #tpu.memory_space<vmem>>
      %dma_wait3A_54 = tpu.memref_squeeze %dma_wait3A_53 : memref<1x5x80xi32, #tpu.memory_space<vmem>> -> memref<5x80xi32, #tpu.memory_space<vmem>>
      %dma_wait3A_55 = arith.constant 0 : i32
      %dma_wait3A_56 = arith.constant 0 : i32
      %dma_wait3A_57 = tpu.memref_slice %arg3[%add3A, %scan3A_45, %dma_wait3A_55, %dma_wait3A_56] : memref<32x25x5x80xi32, #tpu.memory_space<hbm>> -> memref<1x1x5x80xi32, #tpu.memory_space<hbm>>
      %dma_wait3A_58 = tpu.memref_squeeze %dma_wait3A_57 : memref<1x1x5x80xi32, #tpu.memory_space<hbm>> -> memref<5x80xi32, #tpu.memory_space<hbm>>
      %dma_wait3A_59 = arith.constant 0 : i32
      %dma_wait3A_60 = arith.constant 0 : i32
      %dma_wait3A_61 = tpu.memref_slice %arg6[%rem3A_46, %dma_wait3A_59, %dma_wait3A_60] : memref<2x5x80xi32, #tpu.memory_space<vmem>> -> memref<1x5x80xi32, #tpu.memory_space<vmem>>
      %dma_wait3A_62 = tpu.memref_squeeze %dma_wait3A_61 : memref<1x5x80xi32, #tpu.memory_space<vmem>> -> memref<5x80xi32, #tpu.memory_space<vmem>>
      %dma_wait3A_63 = arith.constant 0 : i32
      %dma_wait3A_64 = arith.constant 0 : i32
      %dma_wait3A_65 = tpu.memref_slice %arg3[%add3A, %scan3A_45, %dma_wait3A_63, %dma_wait3A_64] : memref<32x25x5x80xi32, #tpu.memory_space<hbm>> -> memref<1x1x5x80xi32, #tpu.memory_space<hbm>>
      %dma_wait3A_66 = tpu.memref_squeeze %dma_wait3A_65 : memref<1x1x5x80xi32, #tpu.memory_space<hbm>> -> memref<5x80xi32, #tpu.memory_space<hbm>>
      tpu.wait_dma2 semaphore(%arg9 : memref<!tpu.dma_semaphore, #tpu.memory_space<semaphore_mem>>) src(%dma_wait3A_66 : memref<5x80xi32, #tpu.memory_space<hbm>>) dst(%dma_wait3A_62 : memref<5x80xi32, #tpu.memory_space<vmem>>)
      %dma_wait3A_67 = arith.constant 0 : i32
      %dma_wait3A_68 = arith.constant 0 : i32
      %dma_wait3A_69 = tpu.memref_slice %arg7[%rem3A_46, %dma_wait3A_67, %dma_wait3A_68] : memref<2x400x16xf32, #tpu.memory_space<vmem>> -> memref<1x400x16xf32, #tpu.memory_space<vmem>>
      %dma_wait3A_70 = tpu.memref_squeeze %dma_wait3A_69 : memref<1x400x16xf32, #tpu.memory_space<vmem>> -> memref<400x16xf32, #tpu.memory_space<vmem>>
      %dma_wait3A_71 = arith.constant 0 : i32
      %dma_wait3A_72 = arith.constant 0 : i32
      %dma_wait3A_73 = tpu.memref_slice %arg2[%dma_wait3A_71, %dma_wait3A_72] : memref<320000x16xf32, #tpu.memory_space<hbm>> -> memref<400x16xf32, #tpu.memory_space<hbm>>
      %dma_wait3A_74 = arith.constant 0 : i32
      %dma_wait3A_75 = arith.constant 0 : i32
      %dma_wait3A_76 = tpu.memref_slice %arg7[%rem3A_46, %dma_wait3A_74, %dma_wait3A_75] : memref<2x400x16xf32, #tpu.memory_space<vmem>> -> memref<1x400x16xf32, #tpu.memory_space<vmem>>
      %dma_wait3A_77 = tpu.memref_squeeze %dma_wait3A_76 : memref<1x400x16xf32, #tpu.memory_space<vmem>> -> memref<400x16xf32, #tpu.memory_space<vmem>>
      %dma_wait3A_78 = arith.constant 0 : i32
      %dma_wait3A_79 = arith.constant 0 : i32
      %dma_wait3A_80 = tpu.memref_slice %arg2[%dma_wait3A_78, %dma_wait3A_79] : memref<320000x16xf32, #tpu.memory_space<hbm>> -> memref<400x16xf32, #tpu.memory_space<hbm>>
      tpu.wait_dma2 semaphore(%arg10 : memref<!tpu.dma_semaphore, #tpu.memory_space<semaphore_mem>>) src(%dma_wait3A_80 : memref<400x16xf32, #tpu.memory_space<hbm>>) dst(%dma_wait3A_77 : memref<400x16xf32, #tpu.memory_space<vmem>>)
      %add3A_81 = arith.constant 1 : i32
      %add3A_82 = arith.addi %scan3A_45, %add3A_81 : i32
      %lt3A = arith.constant 25 : i32
      %lt3A_83 = arith.cmpi slt, %add3A_82, %lt3A : i32
      %convert_element_type3A = arith.extui %lt3A_83 : i1 to i32
      %cond3A = arith.constant 0 : i32
      %cond3A_84 = arith.cmpi ne, %convert_element_type3A, %cond3A : i32
      scf.if %cond3A_84 {
        %add3A_195 = arith.constant 1 : i32
        %add3A_196 = arith.addi %scan3A_45, %add3A_195 : i32
        %sub3A = arith.constant 1 : i32
        %sub3A_197 = arith.subi %sub3A, %rem3A_46 : i32
        %dma_start3A_198 = arith.constant 0 : i32
        %dma_start3A_199 = arith.constant 0 : i32
        %dma_start3A_200 = tpu.memref_slice %arg6[%sub3A_197, %dma_start3A_198, %dma_start3A_199] : memref<2x5x80xi32, #tpu.memory_space<vmem>> -> memref<1x5x80xi32, #tpu.memory_space<vmem>>
        %dma_start3A_201 = tpu.memref_squeeze %dma_start3A_200 : memref<1x5x80xi32, #tpu.memory_space<vmem>> -> memref<5x80xi32, #tpu.memory_space<vmem>>
        %dma_start3A_202 = arith.constant 0 : i32
        %dma_start3A_203 = arith.constant 0 : i32
        %dma_start3A_204 = tpu.memref_slice %arg3[%add3A, %add3A_196, %dma_start3A_202, %dma_start3A_203] : memref<32x25x5x80xi32, #tpu.memory_space<hbm>> -> memref<1x1x5x80xi32, #tpu.memory_space<hbm>>
        %dma_start3A_205 = tpu.memref_squeeze %dma_start3A_204 : memref<1x1x5x80xi32, #tpu.memory_space<hbm>> -> memref<5x80xi32, #tpu.memory_space<hbm>>
        %dma_start3A_206 = arith.constant 0 : i32
        %dma_start3A_207 = arith.constant 0 : i32
        %dma_start3A_208 = tpu.memref_slice %arg6[%sub3A_197, %dma_start3A_206, %dma_start3A_207] : memref<2x5x80xi32, #tpu.memory_space<vmem>> -> memref<1x5x80xi32, #tpu.memory_space<vmem>>
        %dma_start3A_209 = tpu.memref_squeeze %dma_start3A_208 : memref<1x5x80xi32, #tpu.memory_space<vmem>> -> memref<5x80xi32, #tpu.memory_space<vmem>>
        %dma_start3A_210 = arith.constant 0 : i32
        %dma_start3A_211 = arith.constant 0 : i32
        %dma_start3A_212 = tpu.memref_slice %arg3[%add3A, %add3A_196, %dma_start3A_210, %dma_start3A_211] : memref<32x25x5x80xi32, #tpu.memory_space<hbm>> -> memref<1x1x5x80xi32, #tpu.memory_space<hbm>>
        %dma_start3A_213 = tpu.memref_squeeze %dma_start3A_212 : memref<1x1x5x80xi32, #tpu.memory_space<hbm>> -> memref<5x80xi32, #tpu.memory_space<hbm>>
        tpu.enqueue_dma source(%dma_start3A_213 : memref<5x80xi32, #tpu.memory_space<hbm>>) target(%dma_start3A_209 : memref<5x80xi32, #tpu.memory_space<vmem>>) target_semaphore(%arg9 : memref<!tpu.dma_semaphore, #tpu.memory_space<semaphore_mem>>)
        %add3A_214 = arith.constant 5 : i32
        %add3A_215 = arith.addi %add3A_51, %add3A_214 : i32
        %mul3A_216 = arith.constant 80 : i32
        %mul3A_217 = arith.muli %add3A_215, %mul3A_216 : i32
        %sub3A_218 = arith.constant 1 : i32
        %sub3A_219 = arith.subi %sub3A_218, %rem3A_46 : i32
        %dma_start3A_220 = arith.constant 0 : i32
        %dma_start3A_221 = arith.constant 0 : i32
        %dma_start3A_222 = tpu.memref_slice %arg7[%sub3A_219, %dma_start3A_220, %dma_start3A_221] : memref<2x400x16xf32, #tpu.memory_space<vmem>> -> memref<1x400x16xf32, #tpu.memory_space<vmem>>
        %dma_start3A_223 = tpu.memref_squeeze %dma_start3A_222 : memref<1x400x16xf32, #tpu.memory_space<vmem>> -> memref<400x16xf32, #tpu.memory_space<vmem>>
        %dma_start3A_224 = arith.constant 0 : i32
        %dma_start3A_225 = tpu.memref_slice %arg2[%mul3A_217, %dma_start3A_224] : memref<320000x16xf32, #tpu.memory_space<hbm>> -> memref<400x16xf32, #tpu.memory_space<hbm>>
        %dma_start3A_226 = arith.constant 0 : i32
        %dma_start3A_227 = arith.constant 0 : i32
        %dma_start3A_228 = tpu.memref_slice %arg7[%sub3A_219, %dma_start3A_226, %dma_start3A_227] : memref<2x400x16xf32, #tpu.memory_space<vmem>> -> memref<1x400x16xf32, #tpu.memory_space<vmem>>
        %dma_start3A_229 = tpu.memref_squeeze %dma_start3A_228 : memref<1x400x16xf32, #tpu.memory_space<vmem>> -> memref<400x16xf32, #tpu.memory_space<vmem>>
        %dma_start3A_230 = arith.constant 0 : i32
        %dma_start3A_231 = tpu.memref_slice %arg2[%mul3A_217, %dma_start3A_230] : memref<320000x16xf32, #tpu.memory_space<hbm>> -> memref<400x16xf32, #tpu.memory_space<hbm>>
        tpu.enqueue_dma source(%dma_start3A_231 : memref<400x16xf32, #tpu.memory_space<hbm>>) target(%dma_start3A_229 : memref<400x16xf32, #tpu.memory_space<vmem>>) target_semaphore(%arg10 : memref<!tpu.dma_semaphore, #tpu.memory_space<semaphore_mem>>)
      } else {
      }
      %dma_start3A_85 = arith.constant 0 : i32
      %dma_start3A_86 = arith.constant 0 : i32
      %dma_start3A_87 = arith.constant 0 : i32
      %dma_start3A_88 = tpu.memref_slice %arg7[%rem3A_46, %dma_start3A_86, %dma_start3A_87] : memref<2x400x16xf32, #tpu.memory_space<vmem>> -> memref<1x80x16xf32, #tpu.memory_space<vmem>>
      %dma_start3A_89 = tpu.memref_squeeze %dma_start3A_88 : memref<1x80x16xf32, #tpu.memory_space<vmem>> -> memref<80x16xf32, #tpu.memory_space<vmem>>
      %dma_start3A_90 = arith.constant 0 : i32
      %dma_start3A_91 = tpu.memref_slice %arg6[%rem3A_46, %dma_start3A_85, %dma_start3A_90] : memref<2x5x80xi32, #tpu.memory_space<vmem>> -> memref<1x1x80xi32, #tpu.memory_space<vmem>>
      %dma_start3A_92 = tpu.memref_squeeze %dma_start3A_91 : memref<1x1x80xi32, #tpu.memory_space<vmem>> -> memref<80xi32, #tpu.memory_space<vmem>>
      %dma_start3A_93 = arith.constant 0 : i32
      %dma_start3A_94 = arith.constant 0 : i32
      %dma_start3A_95 = tpu.memref_slice %arg8[%dma_start3A_93, %dma_start3A_94] : memref<10240x16xf32, #tpu.memory_space<vmem_shared>> -> memref<10240x16xf32, #tpu.memory_space<vmem_shared>>
      tpu.enqueue_indirect_dma source(%dma_start3A_89 : memref<80x16xf32, #tpu.memory_space<vmem>>) target(%dma_start3A_95 : memref<10240x16xf32, #tpu.memory_space<vmem_shared>>) offsets(%dma_start3A_92 : memref<80xi32, #tpu.memory_space<vmem>>) semaphore(%arg11 : memref<!tpu.dma_semaphore, #tpu.memory_space<semaphore_mem>>) {add = true}
      %dma_start3A_96 = arith.constant 1 : i32
      %dma_start3A_97 = arith.constant 80 : i32
      %dma_start3A_98 = arith.constant 0 : i32
      %dma_start3A_99 = tpu.memref_slice %arg7[%rem3A_46, %dma_start3A_97, %dma_start3A_98] : memref<2x400x16xf32, #tpu.memory_space<vmem>> -> memref<1x80x16xf32, #tpu.memory_space<vmem>>
      %dma_start3A_100 = tpu.memref_squeeze %dma_start3A_99 : memref<1x80x16xf32, #tpu.memory_space<vmem>> -> memref<80x16xf32, #tpu.memory_space<vmem>>
      %dma_start3A_101 = arith.constant 0 : i32
      %dma_start3A_102 = tpu.memref_slice %arg6[%rem3A_46, %dma_start3A_96, %dma_start3A_101] : memref<2x5x80xi32, #tpu.memory_space<vmem>> -> memref<1x1x80xi32, #tpu.memory_space<vmem>>
      %dma_start3A_103 = tpu.memref_squeeze %dma_start3A_102 : memref<1x1x80xi32, #tpu.memory_space<vmem>> -> memref<80xi32, #tpu.memory_space<vmem>>
      %dma_start3A_104 = arith.constant 0 : i32
      %dma_start3A_105 = arith.constant 0 : i32
      %dma_start3A_106 = tpu.memref_slice %arg8[%dma_start3A_104, %dma_start3A_105] : memref<10240x16xf32, #tpu.memory_space<vmem_shared>> -> memref<10240x16xf32, #tpu.memory_space<vmem_shared>>
      tpu.enqueue_indirect_dma source(%dma_start3A_100 : memref<80x16xf32, #tpu.memory_space<vmem>>) target(%dma_start3A_106 : memref<10240x16xf32, #tpu.memory_space<vmem_shared>>) offsets(%dma_start3A_103 : memref<80xi32, #tpu.memory_space<vmem>>) semaphore(%arg11 : memref<!tpu.dma_semaphore, #tpu.memory_space<semaphore_mem>>) {add = true}
      %dma_start3A_107 = arith.constant 2 : i32
      %dma_start3A_108 = arith.constant 160 : i32
      %dma_start3A_109 = arith.constant 0 : i32
      %dma_start3A_110 = tpu.memref_slice %arg7[%rem3A_46, %dma_start3A_108, %dma_start3A_109] : memref<2x400x16xf32, #tpu.memory_space<vmem>> -> memref<1x80x16xf32, #tpu.memory_space<vmem>>
      %dma_start3A_111 = tpu.memref_squeeze %dma_start3A_110 : memref<1x80x16xf32, #tpu.memory_space<vmem>> -> memref<80x16xf32, #tpu.memory_space<vmem>>
      %dma_start3A_112 = arith.constant 0 : i32
      %dma_start3A_113 = tpu.memref_slice %arg6[%rem3A_46, %dma_start3A_107, %dma_start3A_112] : memref<2x5x80xi32, #tpu.memory_space<vmem>> -> memref<1x1x80xi32, #tpu.memory_space<vmem>>
      %dma_start3A_114 = tpu.memref_squeeze %dma_start3A_113 : memref<1x1x80xi32, #tpu.memory_space<vmem>> -> memref<80xi32, #tpu.memory_space<vmem>>
      %dma_start3A_115 = arith.constant 0 : i32
      %dma_start3A_116 = arith.constant 0 : i32
      %dma_start3A_117 = tpu.memref_slice %arg8[%dma_start3A_115, %dma_start3A_116] : memref<10240x16xf32, #tpu.memory_space<vmem_shared>> -> memref<10240x16xf32, #tpu.memory_space<vmem_shared>>
      tpu.enqueue_indirect_dma source(%dma_start3A_111 : memref<80x16xf32, #tpu.memory_space<vmem>>) target(%dma_start3A_117 : memref<10240x16xf32, #tpu.memory_space<vmem_shared>>) offsets(%dma_start3A_114 : memref<80xi32, #tpu.memory_space<vmem>>) semaphore(%arg11 : memref<!tpu.dma_semaphore, #tpu.memory_space<semaphore_mem>>) {add = true}
      %dma_start3A_118 = arith.constant 3 : i32
      %dma_start3A_119 = arith.constant 240 : i32
      %dma_start3A_120 = arith.constant 0 : i32
      %dma_start3A_121 = tpu.memref_slice %arg7[%rem3A_46, %dma_start3A_119, %dma_start3A_120] : memref<2x400x16xf32, #tpu.memory_space<vmem>> -> memref<1x80x16xf32, #tpu.memory_space<vmem>>
      %dma_start3A_122 = tpu.memref_squeeze %dma_start3A_121 : memref<1x80x16xf32, #tpu.memory_space<vmem>> -> memref<80x16xf32, #tpu.memory_space<vmem>>
      %dma_start3A_123 = arith.constant 0 : i32
      %dma_start3A_124 = tpu.memref_slice %arg6[%rem3A_46, %dma_start3A_118, %dma_start3A_123] : memref<2x5x80xi32, #tpu.memory_space<vmem>> -> memref<1x1x80xi32, #tpu.memory_space<vmem>>
      %dma_start3A_125 = tpu.memref_squeeze %dma_start3A_124 : memref<1x1x80xi32, #tpu.memory_space<vmem>> -> memref<80xi32, #tpu.memory_space<vmem>>
      %dma_start3A_126 = arith.constant 0 : i32
      %dma_start3A_127 = arith.constant 0 : i32
      %dma_start3A_128 = tpu.memref_slice %arg8[%dma_start3A_126, %dma_start3A_127] : memref<10240x16xf32, #tpu.memory_space<vmem_shared>> -> memref<10240x16xf32, #tpu.memory_space<vmem_shared>>
      tpu.enqueue_indirect_dma source(%dma_start3A_122 : memref<80x16xf32, #tpu.memory_space<vmem>>) target(%dma_start3A_128 : memref<10240x16xf32, #tpu.memory_space<vmem_shared>>) offsets(%dma_start3A_125 : memref<80xi32, #tpu.memory_space<vmem>>) semaphore(%arg11 : memref<!tpu.dma_semaphore, #tpu.memory_space<semaphore_mem>>) {add = true}
      %dma_start3A_129 = arith.constant 4 : i32
      %dma_start3A_130 = arith.constant 320 : i32
      %dma_start3A_131 = arith.constant 0 : i32
      %dma_start3A_132 = tpu.memref_slice %arg7[%rem3A_46, %dma_start3A_130, %dma_start3A_131] : memref<2x400x16xf32, #tpu.memory_space<vmem>> -> memref<1x80x16xf32, #tpu.memory_space<vmem>>
      %dma_start3A_133 = tpu.memref_squeeze %dma_start3A_132 : memref<1x80x16xf32, #tpu.memory_space<vmem>> -> memref<80x16xf32, #tpu.memory_space<vmem>>
      %dma_start3A_134 = arith.constant 0 : i32
      %dma_start3A_135 = tpu.memref_slice %arg6[%rem3A_46, %dma_start3A_129, %dma_start3A_134] : memref<2x5x80xi32, #tpu.memory_space<vmem>> -> memref<1x1x80xi32, #tpu.memory_space<vmem>>
      %dma_start3A_136 = tpu.memref_squeeze %dma_start3A_135 : memref<1x1x80xi32, #tpu.memory_space<vmem>> -> memref<80xi32, #tpu.memory_space<vmem>>
      %dma_start3A_137 = arith.constant 0 : i32
      %dma_start3A_138 = arith.constant 0 : i32
      %dma_start3A_139 = tpu.memref_slice %arg8[%dma_start3A_137, %dma_start3A_138] : memref<10240x16xf32, #tpu.memory_space<vmem_shared>> -> memref<10240x16xf32, #tpu.memory_space<vmem_shared>>
      tpu.enqueue_indirect_dma source(%dma_start3A_133 : memref<80x16xf32, #tpu.memory_space<vmem>>) target(%dma_start3A_139 : memref<10240x16xf32, #tpu.memory_space<vmem_shared>>) offsets(%dma_start3A_136 : memref<80xi32, #tpu.memory_space<vmem>>) semaphore(%arg11 : memref<!tpu.dma_semaphore, #tpu.memory_space<semaphore_mem>>) {add = true}
      %dma_wait3A_140 = arith.constant 0 : i32
      %dma_wait3A_141 = arith.constant 0 : i32
      %dma_wait3A_142 = arith.constant 0 : i32
      %dma_wait3A_143 = tpu.memref_slice %arg7[%rem3A_46, %dma_wait3A_141, %dma_wait3A_142] : memref<2x400x16xf32, #tpu.memory_space<vmem>> -> memref<1x80x16xf32, #tpu.memory_space<vmem>>
      %dma_wait3A_144 = tpu.memref_squeeze %dma_wait3A_143 : memref<1x80x16xf32, #tpu.memory_space<vmem>> -> memref<80x16xf32, #tpu.memory_space<vmem>>
      %dma_wait3A_145 = arith.constant 0 : i32
      %dma_wait3A_146 = tpu.memref_slice %arg6[%rem3A_46, %dma_wait3A_140, %dma_wait3A_145] : memref<2x5x80xi32, #tpu.memory_space<vmem>> -> memref<1x1x80xi32, #tpu.memory_space<vmem>>
      %dma_wait3A_147 = tpu.memref_squeeze %dma_wait3A_146 : memref<1x1x80xi32, #tpu.memory_space<vmem>> -> memref<80xi32, #tpu.memory_space<vmem>>
      %dma_wait3A_148 = arith.constant 0 : i32
      %dma_wait3A_149 = arith.constant 0 : i32
      %dma_wait3A_150 = tpu.memref_slice %arg8[%dma_wait3A_148, %dma_wait3A_149] : memref<10240x16xf32, #tpu.memory_space<vmem_shared>> -> memref<10240x16xf32, #tpu.memory_space<vmem_shared>>
      tpu.wait_indirect_dma semaphore(%arg11 : memref<!tpu.dma_semaphore, #tpu.memory_space<semaphore_mem>>) src(%dma_wait3A_144 : memref<80x16xf32, #tpu.memory_space<vmem>>) dst(%dma_wait3A_150 : memref<10240x16xf32, #tpu.memory_space<vmem_shared>>)
      %dma_wait3A_151 = arith.constant 1 : i32
      %dma_wait3A_152 = arith.constant 80 : i32
      %dma_wait3A_153 = arith.constant 0 : i32
      %dma_wait3A_154 = tpu.memref_slice %arg7[%rem3A_46, %dma_wait3A_152, %dma_wait3A_153] : memref<2x400x16xf32, #tpu.memory_space<vmem>> -> memref<1x80x16xf32, #tpu.memory_space<vmem>>
      %dma_wait3A_155 = tpu.memref_squeeze %dma_wait3A_154 : memref<1x80x16xf32, #tpu.memory_space<vmem>> -> memref<80x16xf32, #tpu.memory_space<vmem>>
      %dma_wait3A_156 = arith.constant 0 : i32
      %dma_wait3A_157 = tpu.memref_slice %arg6[%rem3A_46, %dma_wait3A_151, %dma_wait3A_156] : memref<2x5x80xi32, #tpu.memory_space<vmem>> -> memref<1x1x80xi32, #tpu.memory_space<vmem>>
      %dma_wait3A_158 = tpu.memref_squeeze %dma_wait3A_157 : memref<1x1x80xi32, #tpu.memory_space<vmem>> -> memref<80xi32, #tpu.memory_space<vmem>>
      %dma_wait3A_159 = arith.constant 0 : i32
      %dma_wait3A_160 = arith.constant 0 : i32
      %dma_wait3A_161 = tpu.memref_slice %arg8[%dma_wait3A_159, %dma_wait3A_160] : memref<10240x16xf32, #tpu.memory_space<vmem_shared>> -> memref<10240x16xf32, #tpu.memory_space<vmem_shared>>
      tpu.wait_indirect_dma semaphore(%arg11 : memref<!tpu.dma_semaphore, #tpu.memory_space<semaphore_mem>>) src(%dma_wait3A_155 : memref<80x16xf32, #tpu.memory_space<vmem>>) dst(%dma_wait3A_161 : memref<10240x16xf32, #tpu.memory_space<vmem_shared>>)
      %dma_wait3A_162 = arith.constant 2 : i32
      %dma_wait3A_163 = arith.constant 160 : i32
      %dma_wait3A_164 = arith.constant 0 : i32
      %dma_wait3A_165 = tpu.memref_slice %arg7[%rem3A_46, %dma_wait3A_163, %dma_wait3A_164] : memref<2x400x16xf32, #tpu.memory_space<vmem>> -> memref<1x80x16xf32, #tpu.memory_space<vmem>>
      %dma_wait3A_166 = tpu.memref_squeeze %dma_wait3A_165 : memref<1x80x16xf32, #tpu.memory_space<vmem>> -> memref<80x16xf32, #tpu.memory_space<vmem>>
      %dma_wait3A_167 = arith.constant 0 : i32
      %dma_wait3A_168 = tpu.memref_slice %arg6[%rem3A_46, %dma_wait3A_162, %dma_wait3A_167] : memref<2x5x80xi32, #tpu.memory_space<vmem>> -> memref<1x1x80xi32, #tpu.memory_space<vmem>>
      %dma_wait3A_169 = tpu.memref_squeeze %dma_wait3A_168 : memref<1x1x80xi32, #tpu.memory_space<vmem>> -> memref<80xi32, #tpu.memory_space<vmem>>
      %dma_wait3A_170 = arith.constant 0 : i32
      %dma_wait3A_171 = arith.constant 0 : i32
      %dma_wait3A_172 = tpu.memref_slice %arg8[%dma_wait3A_170, %dma_wait3A_171] : memref<10240x16xf32, #tpu.memory_space<vmem_shared>> -> memref<10240x16xf32, #tpu.memory_space<vmem_shared>>
      tpu.wait_indirect_dma semaphore(%arg11 : memref<!tpu.dma_semaphore, #tpu.memory_space<semaphore_mem>>) src(%dma_wait3A_166 : memref<80x16xf32, #tpu.memory_space<vmem>>) dst(%dma_wait3A_172 : memref<10240x16xf32, #tpu.memory_space<vmem_shared>>)
      %dma_wait3A_173 = arith.constant 3 : i32
      %dma_wait3A_174 = arith.constant 240 : i32
      %dma_wait3A_175 = arith.constant 0 : i32
      %dma_wait3A_176 = tpu.memref_slice %arg7[%rem3A_46, %dma_wait3A_174, %dma_wait3A_175] : memref<2x400x16xf32, #tpu.memory_space<vmem>> -> memref<1x80x16xf32, #tpu.memory_space<vmem>>
      %dma_wait3A_177 = tpu.memref_squeeze %dma_wait3A_176 : memref<1x80x16xf32, #tpu.memory_space<vmem>> -> memref<80x16xf32, #tpu.memory_space<vmem>>
      %dma_wait3A_178 = arith.constant 0 : i32
      %dma_wait3A_179 = tpu.memref_slice %arg6[%rem3A_46, %dma_wait3A_173, %dma_wait3A_178] : memref<2x5x80xi32, #tpu.memory_space<vmem>> -> memref<1x1x80xi32, #tpu.memory_space<vmem>>
      %dma_wait3A_180 = tpu.memref_squeeze %dma_wait3A_179 : memref<1x1x80xi32, #tpu.memory_space<vmem>> -> memref<80xi32, #tpu.memory_space<vmem>>
      %dma_wait3A_181 = arith.constant 0 : i32
      %dma_wait3A_182 = arith.constant 0 : i32
      %dma_wait3A_183 = tpu.memref_slice %arg8[%dma_wait3A_181, %dma_wait3A_182] : memref<10240x16xf32, #tpu.memory_space<vmem_shared>> -> memref<10240x16xf32, #tpu.memory_space<vmem_shared>>
      tpu.wait_indirect_dma semaphore(%arg11 : memref<!tpu.dma_semaphore, #tpu.memory_space<semaphore_mem>>) src(%dma_wait3A_177 : memref<80x16xf32, #tpu.memory_space<vmem>>) dst(%dma_wait3A_183 : memref<10240x16xf32, #tpu.memory_space<vmem_shared>>)
      %dma_wait3A_184 = arith.constant 4 : i32
      %dma_wait3A_185 = arith.constant 320 : i32
      %dma_wait3A_186 = arith.constant 0 : i32
      %dma_wait3A_187 = tpu.memref_slice %arg7[%rem3A_46, %dma_wait3A_185, %dma_wait3A_186] : memref<2x400x16xf32, #tpu.memory_space<vmem>> -> memref<1x80x16xf32, #tpu.memory_space<vmem>>
      %dma_wait3A_188 = tpu.memref_squeeze %dma_wait3A_187 : memref<1x80x16xf32, #tpu.memory_space<vmem>> -> memref<80x16xf32, #tpu.memory_space<vmem>>
      %dma_wait3A_189 = arith.constant 0 : i32
      %dma_wait3A_190 = tpu.memref_slice %arg6[%rem3A_46, %dma_wait3A_184, %dma_wait3A_189] : memref<2x5x80xi32, #tpu.memory_space<vmem>> -> memref<1x1x80xi32, #tpu.memory_space<vmem>>
      %dma_wait3A_191 = tpu.memref_squeeze %dma_wait3A_190 : memref<1x1x80xi32, #tpu.memory_space<vmem>> -> memref<80xi32, #tpu.memory_space<vmem>>
      %dma_wait3A_192 = arith.constant 0 : i32
      %dma_wait3A_193 = arith.constant 0 : i32
      %dma_wait3A_194 = tpu.memref_slice %arg8[%dma_wait3A_192, %dma_wait3A_193] : memref<10240x16xf32, #tpu.memory_space<vmem_shared>> -> memref<10240x16xf32, #tpu.memory_space<vmem_shared>>
      tpu.wait_indirect_dma semaphore(%arg11 : memref<!tpu.dma_semaphore, #tpu.memory_space<semaphore_mem>>) src(%dma_wait3A_188 : memref<80x16xf32, #tpu.memory_space<vmem>>) dst(%dma_wait3A_194 : memref<10240x16xf32, #tpu.memory_space<vmem_shared>>)
    }
    %scan3A_39 = arith.constant 25 : i32
    %barrier3A_40 = arith.constant 0 : index
    tpu.barrier barrier_id(%barrier3A_40)
    %mul3A_41 = arith.constant 640 : i32
    %mul3A_42 = arith.muli %arg1, %mul3A_41 : i32
    %mul3A_43 = arith.constant 640 : i32
    %mul3A_44 = arith.muli %arg1, %mul3A_43 : i32
    "tpu.region"() ({
      %run_scoped3A = tpu.sem_alloc : memref<!tpu.dma_semaphore, #tpu.memory_space<semaphore_mem>>
      %dma_start3A_45 = arith.constant 0 : i32
      %dma_start3A_46 = tpu.memref_slice %arg5[%arg0, %mul3A_44, %dma_start3A_45] : memref<2x10240x16xf32, #tpu.memory_space<hbm>> -> memref<1x640x16xf32, #tpu.memory_space<hbm>>
      %dma_start3A_47 = tpu.memref_squeeze %dma_start3A_46 : memref<1x640x16xf32, #tpu.memory_space<hbm>> -> memref<640x16xf32, #tpu.memory_space<hbm>>
      %dma_start3A_48 = arith.constant 0 : i32
      %dma_start3A_49 = tpu.memref_slice %arg8[%mul3A_42, %dma_start3A_48] : memref<10240x16xf32, #tpu.memory_space<vmem_shared>> -> memref<640x16xf32, #tpu.memory_space<vmem_shared>>
      tpu.enqueue_dma source(%dma_start3A_49 : memref<640x16xf32, #tpu.memory_space<vmem_shared>>) target(%dma_start3A_47 : memref<640x16xf32, #tpu.memory_space<hbm>>) target_semaphore(%run_scoped3A : memref<!tpu.dma_semaphore, #tpu.memory_space<semaphore_mem>>)
      %dma_wait3A = arith.constant 0 : i32
      %dma_wait3A_50 = tpu.memref_slice %arg5[%arg0, %mul3A_44, %dma_wait3A] : memref<2x10240x16xf32, #tpu.memory_space<hbm>> -> memref<1x640x16xf32, #tpu.memory_space<hbm>>
      %dma_wait3A_51 = tpu.memref_squeeze %dma_wait3A_50 : memref<1x640x16xf32, #tpu.memory_space<hbm>> -> memref<640x16xf32, #tpu.memory_space<hbm>>
      %dma_wait3A_52 = arith.constant 0 : i32
      %dma_wait3A_53 = tpu.memref_slice %arg8[%mul3A_42, %dma_wait3A_52] : memref<10240x16xf32, #tpu.memory_space<vmem_shared>> -> memref<640x16xf32, #tpu.memory_space<vmem_shared>>
      tpu.wait_dma2 semaphore(%run_scoped3A : memref<!tpu.dma_semaphore, #tpu.memory_space<semaphore_mem>>) src(%dma_wait3A_53 : memref<640x16xf32, #tpu.memory_space<vmem_shared>>) dst(%dma_wait3A_51 : memref<640x16xf32, #tpu.memory_space<hbm>>)
      tpu.yield
    }) : () -> ()
    return
  }
}

#map = affine_map<(d0, d1) -> (0, 0)>
#map1 = affine_map<(d0, d1) -> (0, 0, 0, 0)>
module attributes {stable_mosaic.version = 14 : i64} {
  func.func @g(%arg0: i32, %arg1: i32, %arg2: memref<10000x16xf32, #tpu.memory_space<hbm>>, %arg3: memref<32x25x5x80xi32, #tpu.memory_space<hbm>>, %arg4: memref<320000x16xf32, #tpu.memory_space<hbm>>, %arg5: memref<2x5x80xi32, #tpu.memory_space<vmem>>, %arg6: memref<2x400x16xf32, #tpu.memory_space<vmem>>, %arg7: memref<!tpu.dma_semaphore, #tpu.memory_space<semaphore_mem>>, %arg8: memref<!tpu.dma_semaphore, #tpu.memory_space<semaphore_mem>>, %arg9: memref<!tpu.dma_semaphore, #tpu.memory_space<semaphore_mem>>) attributes {dimension_semantics = [#tpu.dimension_semantics<core_parallel>, #tpu.dimension_semantics<subcore_parallel>], iteration_bounds = array<i64: 2, 16>, scalar_prefetch = 0 : i64, scratch_operands = 5 : i64, tpu.core_type = #tpu.core_type<sc_vector_subcore>, window_params = [{transform_indices = #map}, {transform_indices = #map1}, {transform_indices = #map}]} {
    %mul3A = arith.constant 2 : i32
    %mul3A_0 = arith.muli %arg1, %mul3A : i32
    %add3A = arith.addi %mul3A_0, %arg0 : i32
    %dma_start3A = arith.constant 0 : i32
    %dma_start3A_1 = arith.constant 0 : i32
    %dma_start3A_2 = arith.constant 0 : i32
    %dma_start3A_3 = arith.constant 0 : i32
    %dma_start3A_4 = tpu.memref_slice %arg5[%dma_start3A_1, %dma_start3A_2, %dma_start3A_3] : memref<2x5x80xi32, #tpu.memory_space<vmem>> -> memref<1x5x80xi32, #tpu.memory_space<vmem>>
    %dma_start3A_5 = tpu.memref_squeeze %dma_start3A_4 : memref<1x5x80xi32, #tpu.memory_space<vmem>> -> memref<5x80xi32, #tpu.memory_space<vmem>>
    %dma_start3A_6 = arith.constant 0 : i32
    %dma_start3A_7 = arith.constant 0 : i32
    %dma_start3A_8 = tpu.memref_slice %arg3[%add3A, %dma_start3A, %dma_start3A_6, %dma_start3A_7] : memref<32x25x5x80xi32, #tpu.memory_space<hbm>> -> memref<1x1x5x80xi32, #tpu.memory_space<hbm>>
    %dma_start3A_9 = tpu.memref_squeeze %dma_start3A_8 : memref<1x1x5x80xi32, #tpu.memory_space<hbm>> -> memref<5x80xi32, #tpu.memory_space<hbm>>
    %dma_start3A_10 = arith.constant 0 : i32
    %dma_start3A_11 = arith.constant 0 : i32
    %dma_start3A_12 = tpu.memref_slice %arg5[%dma_start3A_1, %dma_start3A_10, %dma_start3A_11] : memref<2x5x80xi32, #tpu.memory_space<vmem>> -> memref<1x5x80xi32, #tpu.memory_space<vmem>>
    %dma_start3A_13 = tpu.memref_squeeze %dma_start3A_12 : memref<1x5x80xi32, #tpu.memory_space<vmem>> -> memref<5x80xi32, #tpu.memory_space<vmem>>
    %dma_start3A_14 = arith.constant 0 : i32
    %dma_start3A_15 = arith.constant 0 : i32
    %dma_start3A_16 = tpu.memref_slice %arg3[%add3A, %dma_start3A, %dma_start3A_14, %dma_start3A_15] : memref<32x25x5x80xi32, #tpu.memory_space<hbm>> -> memref<1x1x5x80xi32, #tpu.memory_space<hbm>>
    %dma_start3A_17 = tpu.memref_squeeze %dma_start3A_16 : memref<1x1x5x80xi32, #tpu.memory_space<hbm>> -> memref<5x80xi32, #tpu.memory_space<hbm>>
    tpu.enqueue_dma source(%dma_start3A_17 : memref<5x80xi32, #tpu.memory_space<hbm>>) target(%dma_start3A_13 : memref<5x80xi32, #tpu.memory_space<vmem>>) target_semaphore(%arg7 : memref<!tpu.dma_semaphore, #tpu.memory_space<semaphore_mem>>)
    %scan3A = arith.constant 0 : i32
    %scan3A_18 = arith.constant 0 : i32
    %scan3A_19 = arith.constant 25 : i32
    %scan3A_20 = arith.addi %scan3A_18, %scan3A_19 : i32
    %scan3A_21 = arith.constant 1 : i32
    scf.for %scan3A_52 = %scan3A_18 to %scan3A_20 step %scan3A_21  : i32 {
      %rem3A = arith.constant 2 : i32
      %rem3A_53 = arith.remsi %scan3A_52, %rem3A : i32
      %dma_wait3A_54 = arith.constant 0 : i32
      %dma_wait3A_55 = arith.constant 0 : i32
      %dma_wait3A_56 = tpu.memref_slice %arg5[%rem3A_53, %dma_wait3A_54, %dma_wait3A_55] : memref<2x5x80xi32, #tpu.memory_space<vmem>> -> memref<1x5x80xi32, #tpu.memory_space<vmem>>
      %dma_wait3A_57 = tpu.memref_squeeze %dma_wait3A_56 : memref<1x5x80xi32, #tpu.memory_space<vmem>> -> memref<5x80xi32, #tpu.memory_space<vmem>>
      %dma_wait3A_58 = arith.constant 0 : i32
      %dma_wait3A_59 = arith.constant 0 : i32
      %dma_wait3A_60 = tpu.memref_slice %arg3[%add3A, %scan3A_52, %dma_wait3A_58, %dma_wait3A_59] : memref<32x25x5x80xi32, #tpu.memory_space<hbm>> -> memref<1x1x5x80xi32, #tpu.memory_space<hbm>>
      %dma_wait3A_61 = tpu.memref_squeeze %dma_wait3A_60 : memref<1x1x5x80xi32, #tpu.memory_space<hbm>> -> memref<5x80xi32, #tpu.memory_space<hbm>>
      %dma_wait3A_62 = arith.constant 0 : i32
      %dma_wait3A_63 = arith.constant 0 : i32
      %dma_wait3A_64 = tpu.memref_slice %arg5[%rem3A_53, %dma_wait3A_62, %dma_wait3A_63] : memref<2x5x80xi32, #tpu.memory_space<vmem>> -> memref<1x5x80xi32, #tpu.memory_space<vmem>>
      %dma_wait3A_65 = tpu.memref_squeeze %dma_wait3A_64 : memref<1x5x80xi32, #tpu.memory_space<vmem>> -> memref<5x80xi32, #tpu.memory_space<vmem>>
      %dma_wait3A_66 = arith.constant 0 : i32
      %dma_wait3A_67 = arith.constant 0 : i32
      %dma_wait3A_68 = tpu.memref_slice %arg3[%add3A, %scan3A_52, %dma_wait3A_66, %dma_wait3A_67] : memref<32x25x5x80xi32, #tpu.memory_space<hbm>> -> memref<1x1x5x80xi32, #tpu.memory_space<hbm>>
      %dma_wait3A_69 = tpu.memref_squeeze %dma_wait3A_68 : memref<1x1x5x80xi32, #tpu.memory_space<hbm>> -> memref<5x80xi32, #tpu.memory_space<hbm>>
      tpu.wait_dma2 semaphore(%arg7 : memref<!tpu.dma_semaphore, #tpu.memory_space<semaphore_mem>>) src(%dma_wait3A_69 : memref<5x80xi32, #tpu.memory_space<hbm>>) dst(%dma_wait3A_65 : memref<5x80xi32, #tpu.memory_space<vmem>>)
      %add3A_70 = arith.constant 1 : i32
      %add3A_71 = arith.addi %scan3A_52, %add3A_70 : i32
      %lt3A = arith.constant 25 : i32
      %lt3A_72 = arith.cmpi slt, %add3A_71, %lt3A : i32
      %convert_element_type3A = arith.extui %lt3A_72 : i1 to i32
      %cond3A = arith.constant 0 : i32
      %cond3A_73 = arith.cmpi ne, %convert_element_type3A, %cond3A : i32
      scf.if %cond3A_73 {
        %add3A_207 = arith.constant 1 : i32
        %add3A_208 = arith.addi %scan3A_52, %add3A_207 : i32
        %sub3A = arith.constant 1 : i32
        %sub3A_209 = arith.subi %sub3A, %rem3A_53 : i32
        %dma_start3A_210 = arith.constant 0 : i32
        %dma_start3A_211 = arith.constant 0 : i32
        %dma_start3A_212 = tpu.memref_slice %arg5[%sub3A_209, %dma_start3A_210, %dma_start3A_211] : memref<2x5x80xi32, #tpu.memory_space<vmem>> -> memref<1x5x80xi32, #tpu.memory_space<vmem>>
        %dma_start3A_213 = tpu.memref_squeeze %dma_start3A_212 : memref<1x5x80xi32, #tpu.memory_space<vmem>> -> memref<5x80xi32, #tpu.memory_space<vmem>>
        %dma_start3A_214 = arith.constant 0 : i32
        %dma_start3A_215 = arith.constant 0 : i32
        %dma_start3A_216 = tpu.memref_slice %arg3[%add3A, %add3A_208, %dma_start3A_214, %dma_start3A_215] : memref<32x25x5x80xi32, #tpu.memory_space<hbm>> -> memref<1x1x5x80xi32, #tpu.memory_space<hbm>>
        %dma_start3A_217 = tpu.memref_squeeze %dma_start3A_216 : memref<1x1x5x80xi32, #tpu.memory_space<hbm>> -> memref<5x80xi32, #tpu.memory_space<hbm>>
        %dma_start3A_218 = arith.constant 0 : i32
        %dma_start3A_219 = arith.constant 0 : i32
        %dma_start3A_220 = tpu.memref_slice %arg5[%sub3A_209, %dma_start3A_218, %dma_start3A_219] : memref<2x5x80xi32, #tpu.memory_space<vmem>> -> memref<1x5x80xi32, #tpu.memory_space<vmem>>
        %dma_start3A_221 = tpu.memref_squeeze %dma_start3A_220 : memref<1x5x80xi32, #tpu.memory_space<vmem>> -> memref<5x80xi32, #tpu.memory_space<vmem>>
        %dma_start3A_222 = arith.constant 0 : i32
        %dma_start3A_223 = arith.constant 0 : i32
        %dma_start3A_224 = tpu.memref_slice %arg3[%add3A, %add3A_208, %dma_start3A_222, %dma_start3A_223] : memref<32x25x5x80xi32, #tpu.memory_space<hbm>> -> memref<1x1x5x80xi32, #tpu.memory_space<hbm>>
        %dma_start3A_225 = tpu.memref_squeeze %dma_start3A_224 : memref<1x1x5x80xi32, #tpu.memory_space<hbm>> -> memref<5x80xi32, #tpu.memory_space<hbm>>
        tpu.enqueue_dma source(%dma_start3A_225 : memref<5x80xi32, #tpu.memory_space<hbm>>) target(%dma_start3A_221 : memref<5x80xi32, #tpu.memory_space<vmem>>) target_semaphore(%arg7 : memref<!tpu.dma_semaphore, #tpu.memory_space<semaphore_mem>>)
      } else {
      }
      %ge3A = arith.constant 2 : i32
      %ge3A_74 = arith.cmpi sge, %scan3A_52, %ge3A : i32
      %convert_element_type3A_75 = arith.extui %ge3A_74 : i1 to i32
      %cond3A_76 = arith.constant 0 : i32
      %cond3A_77 = arith.cmpi ne, %convert_element_type3A_75, %cond3A_76 : i32
      scf.if %cond3A_77 {
        %dma_wait3A_207 = arith.constant 0 : i32
        %dma_wait3A_208 = arith.constant 0 : i32
        %dma_wait3A_209 = tpu.memref_slice %arg6[%rem3A_53, %dma_wait3A_207, %dma_wait3A_208] : memref<2x400x16xf32, #tpu.memory_space<vmem>> -> memref<1x400x16xf32, #tpu.memory_space<vmem>>
        %dma_wait3A_210 = tpu.memref_squeeze %dma_wait3A_209 : memref<1x400x16xf32, #tpu.memory_space<vmem>> -> memref<400x16xf32, #tpu.memory_space<vmem>>
        %dma_wait3A_211 = arith.constant 0 : i32
        %dma_wait3A_212 = arith.constant 0 : i32
        %dma_wait3A_213 = tpu.memref_slice %arg4[%dma_wait3A_211, %dma_wait3A_212] : memref<320000x16xf32, #tpu.memory_space<hbm>> -> memref<400x16xf32, #tpu.memory_space<hbm>>
        %dma_wait3A_214 = arith.constant 0 : i32
        %dma_wait3A_215 = arith.constant 0 : i32
        %dma_wait3A_216 = tpu.memref_slice %arg4[%dma_wait3A_214, %dma_wait3A_215] : memref<320000x16xf32, #tpu.memory_space<hbm>> -> memref<400x16xf32, #tpu.memory_space<hbm>>
        %dma_wait3A_217 = arith.constant 0 : i32
        %dma_wait3A_218 = arith.constant 0 : i32
        %dma_wait3A_219 = tpu.memref_slice %arg6[%rem3A_53, %dma_wait3A_217, %dma_wait3A_218] : memref<2x400x16xf32, #tpu.memory_space<vmem>> -> memref<1x400x16xf32, #tpu.memory_space<vmem>>
        %dma_wait3A_220 = tpu.memref_squeeze %dma_wait3A_219 : memref<1x400x16xf32, #tpu.memory_space<vmem>> -> memref<400x16xf32, #tpu.memory_space<vmem>>
        tpu.wait_dma2 semaphore(%arg9 : memref<!tpu.dma_semaphore, #tpu.memory_space<semaphore_mem>>) src(%dma_wait3A_220 : memref<400x16xf32, #tpu.memory_space<vmem>>) dst(%dma_wait3A_216 : memref<400x16xf32, #tpu.memory_space<hbm>>)
      } else {
      }
      %dma_start3A_78 = arith.constant 0 : i32
      %dma_start3A_79 = arith.constant 0 : i32
      %dma_start3A_80 = arith.constant 0 : i32
      %dma_start3A_81 = tpu.memref_slice %arg6[%rem3A_53, %dma_start3A_79, %dma_start3A_80] : memref<2x400x16xf32, #tpu.memory_space<vmem>> -> memref<1x80x16xf32, #tpu.memory_space<vmem>>
      %dma_start3A_82 = tpu.memref_squeeze %dma_start3A_81 : memref<1x80x16xf32, #tpu.memory_space<vmem>> -> memref<80x16xf32, #tpu.memory_space<vmem>>
      %dma_start3A_83 = arith.constant 0 : i32
      %dma_start3A_84 = tpu.memref_slice %arg5[%rem3A_53, %dma_start3A_78, %dma_start3A_83] : memref<2x5x80xi32, #tpu.memory_space<vmem>> -> memref<1x1x80xi32, #tpu.memory_space<vmem>>
      %dma_start3A_85 = tpu.memref_squeeze %dma_start3A_84 : memref<1x1x80xi32, #tpu.memory_space<vmem>> -> memref<80xi32, #tpu.memory_space<vmem>>
      %dma_start3A_86 = arith.constant 0 : i32
      %dma_start3A_87 = arith.constant 0 : i32
      %dma_start3A_88 = tpu.memref_slice %arg2[%dma_start3A_86, %dma_start3A_87] : memref<10000x16xf32, #tpu.memory_space<hbm>> -> memref<10000x16xf32, #tpu.memory_space<hbm>>
      tpu.enqueue_indirect_dma source(%dma_start3A_88 : memref<10000x16xf32, #tpu.memory_space<hbm>>) target(%dma_start3A_82 : memref<80x16xf32, #tpu.memory_space<vmem>>) offsets(%dma_start3A_85 : memref<80xi32, #tpu.memory_space<vmem>>) semaphore(%arg8 : memref<!tpu.dma_semaphore, #tpu.memory_space<semaphore_mem>>)
      %dma_start3A_89 = arith.constant 1 : i32
      %dma_start3A_90 = arith.constant 80 : i32
      %dma_start3A_91 = arith.constant 0 : i32
      %dma_start3A_92 = tpu.memref_slice %arg6[%rem3A_53, %dma_start3A_90, %dma_start3A_91] : memref<2x400x16xf32, #tpu.memory_space<vmem>> -> memref<1x80x16xf32, #tpu.memory_space<vmem>>
      %dma_start3A_93 = tpu.memref_squeeze %dma_start3A_92 : memref<1x80x16xf32, #tpu.memory_space<vmem>> -> memref<80x16xf32, #tpu.memory_space<vmem>>
      %dma_start3A_94 = arith.constant 0 : i32
      %dma_start3A_95 = tpu.memref_slice %arg5[%rem3A_53, %dma_start3A_89, %dma_start3A_94] : memref<2x5x80xi32, #tpu.memory_space<vmem>> -> memref<1x1x80xi32, #tpu.memory_space<vmem>>
      %dma_start3A_96 = tpu.memref_squeeze %dma_start3A_95 : memref<1x1x80xi32, #tpu.memory_space<vmem>> -> memref<80xi32, #tpu.memory_space<vmem>>
      %dma_start3A_97 = arith.constant 0 : i32
      %dma_start3A_98 = arith.constant 0 : i32
      %dma_start3A_99 = tpu.memref_slice %arg2[%dma_start3A_97, %dma_start3A_98] : memref<10000x16xf32, #tpu.memory_space<hbm>> -> memref<10000x16xf32, #tpu.memory_space<hbm>>
      tpu.enqueue_indirect_dma source(%dma_start3A_99 : memref<10000x16xf32, #tpu.memory_space<hbm>>) target(%dma_start3A_93 : memref<80x16xf32, #tpu.memory_space<vmem>>) offsets(%dma_start3A_96 : memref<80xi32, #tpu.memory_space<vmem>>) semaphore(%arg8 : memref<!tpu.dma_semaphore, #tpu.memory_space<semaphore_mem>>)
      %dma_start3A_100 = arith.constant 2 : i32
      %dma_start3A_101 = arith.constant 160 : i32
      %dma_start3A_102 = arith.constant 0 : i32
      %dma_start3A_103 = tpu.memref_slice %arg6[%rem3A_53, %dma_start3A_101, %dma_start3A_102] : memref<2x400x16xf32, #tpu.memory_space<vmem>> -> memref<1x80x16xf32, #tpu.memory_space<vmem>>
      %dma_start3A_104 = tpu.memref_squeeze %dma_start3A_103 : memref<1x80x16xf32, #tpu.memory_space<vmem>> -> memref<80x16xf32, #tpu.memory_space<vmem>>
      %dma_start3A_105 = arith.constant 0 : i32
      %dma_start3A_106 = tpu.memref_slice %arg5[%rem3A_53, %dma_start3A_100, %dma_start3A_105] : memref<2x5x80xi32, #tpu.memory_space<vmem>> -> memref<1x1x80xi32, #tpu.memory_space<vmem>>
      %dma_start3A_107 = tpu.memref_squeeze %dma_start3A_106 : memref<1x1x80xi32, #tpu.memory_space<vmem>> -> memref<80xi32, #tpu.memory_space<vmem>>
      %dma_start3A_108 = arith.constant 0 : i32
      %dma_start3A_109 = arith.constant 0 : i32
      %dma_start3A_110 = tpu.memref_slice %arg2[%dma_start3A_108, %dma_start3A_109] : memref<10000x16xf32, #tpu.memory_space<hbm>> -> memref<10000x16xf32, #tpu.memory_space<hbm>>
      tpu.enqueue_indirect_dma source(%dma_start3A_110 : memref<10000x16xf32, #tpu.memory_space<hbm>>) target(%dma_start3A_104 : memref<80x16xf32, #tpu.memory_space<vmem>>) offsets(%dma_start3A_107 : memref<80xi32, #tpu.memory_space<vmem>>) semaphore(%arg8 : memref<!tpu.dma_semaphore, #tpu.memory_space<semaphore_mem>>)
      %dma_start3A_111 = arith.constant 3 : i32
      %dma_start3A_112 = arith.constant 240 : i32
      %dma_start3A_113 = arith.constant 0 : i32
      %dma_start3A_114 = tpu.memref_slice %arg6[%rem3A_53, %dma_start3A_112, %dma_start3A_113] : memref<2x400x16xf32, #tpu.memory_space<vmem>> -> memref<1x80x16xf32, #tpu.memory_space<vmem>>
      %dma_start3A_115 = tpu.memref_squeeze %dma_start3A_114 : memref<1x80x16xf32, #tpu.memory_space<vmem>> -> memref<80x16xf32, #tpu.memory_space<vmem>>
      %dma_start3A_116 = arith.constant 0 : i32
      %dma_start3A_117 = tpu.memref_slice %arg5[%rem3A_53, %dma_start3A_111, %dma_start3A_116] : memref<2x5x80xi32, #tpu.memory_space<vmem>> -> memref<1x1x80xi32, #tpu.memory_space<vmem>>
      %dma_start3A_118 = tpu.memref_squeeze %dma_start3A_117 : memref<1x1x80xi32, #tpu.memory_space<vmem>> -> memref<80xi32, #tpu.memory_space<vmem>>
      %dma_start3A_119 = arith.constant 0 : i32
      %dma_start3A_120 = arith.constant 0 : i32
      %dma_start3A_121 = tpu.memref_slice %arg2[%dma_start3A_119, %dma_start3A_120] : memref<10000x16xf32, #tpu.memory_space<hbm>> -> memref<10000x16xf32, #tpu.memory_space<hbm>>
      tpu.enqueue_indirect_dma source(%dma_start3A_121 : memref<10000x16xf32, #tpu.memory_space<hbm>>) target(%dma_start3A_115 : memref<80x16xf32, #tpu.memory_space<vmem>>) offsets(%dma_start3A_118 : memref<80xi32, #tpu.memory_space<vmem>>) semaphore(%arg8 : memref<!tpu.dma_semaphore, #tpu.memory_space<semaphore_mem>>)
      %dma_start3A_122 = arith.constant 4 : i32
      %dma_start3A_123 = arith.constant 320 : i32
      %dma_start3A_124 = arith.constant 0 : i32
      %dma_start3A_125 = tpu.memref_slice %arg6[%rem3A_53, %dma_start3A_123, %dma_start3A_124] : memref<2x400x16xf32, #tpu.memory_space<vmem>> -> memref<1x80x16xf32, #tpu.memory_space<vmem>>
      %dma_start3A_126 = tpu.memref_squeeze %dma_start3A_125 : memref<1x80x16xf32, #tpu.memory_space<vmem>> -> memref<80x16xf32, #tpu.memory_space<vmem>>
      %dma_start3A_127 = arith.constant 0 : i32
      %dma_start3A_128 = tpu.memref_slice %arg5[%rem3A_53, %dma_start3A_122, %dma_start3A_127] : memref<2x5x80xi32, #tpu.memory_space<vmem>> -> memref<1x1x80xi32, #tpu.memory_space<vmem>>
      %dma_start3A_129 = tpu.memref_squeeze %dma_start3A_128 : memref<1x1x80xi32, #tpu.memory_space<vmem>> -> memref<80xi32, #tpu.memory_space<vmem>>
      %dma_start3A_130 = arith.constant 0 : i32
      %dma_start3A_131 = arith.constant 0 : i32
      %dma_start3A_132 = tpu.memref_slice %arg2[%dma_start3A_130, %dma_start3A_131] : memref<10000x16xf32, #tpu.memory_space<hbm>> -> memref<10000x16xf32, #tpu.memory_space<hbm>>
      tpu.enqueue_indirect_dma source(%dma_start3A_132 : memref<10000x16xf32, #tpu.memory_space<hbm>>) target(%dma_start3A_126 : memref<80x16xf32, #tpu.memory_space<vmem>>) offsets(%dma_start3A_129 : memref<80xi32, #tpu.memory_space<vmem>>) semaphore(%arg8 : memref<!tpu.dma_semaphore, #tpu.memory_space<semaphore_mem>>)
      %dma_wait3A_133 = arith.constant 0 : i32
      %dma_wait3A_134 = arith.constant 0 : i32
      %dma_wait3A_135 = arith.constant 0 : i32
      %dma_wait3A_136 = tpu.memref_slice %arg6[%rem3A_53, %dma_wait3A_134, %dma_wait3A_135] : memref<2x400x16xf32, #tpu.memory_space<vmem>> -> memref<1x80x16xf32, #tpu.memory_space<vmem>>
      %dma_wait3A_137 = tpu.memref_squeeze %dma_wait3A_136 : memref<1x80x16xf32, #tpu.memory_space<vmem>> -> memref<80x16xf32, #tpu.memory_space<vmem>>
      %dma_wait3A_138 = arith.constant 0 : i32
      %dma_wait3A_139 = tpu.memref_slice %arg5[%rem3A_53, %dma_wait3A_133, %dma_wait3A_138] : memref<2x5x80xi32, #tpu.memory_space<vmem>> -> memref<1x1x80xi32, #tpu.memory_space<vmem>>
      %dma_wait3A_140 = tpu.memref_squeeze %dma_wait3A_139 : memref<1x1x80xi32, #tpu.memory_space<vmem>> -> memref<80xi32, #tpu.memory_space<vmem>>
      %dma_wait3A_141 = arith.constant 0 : i32
      %dma_wait3A_142 = arith.constant 0 : i32
      %dma_wait3A_143 = tpu.memref_slice %arg2[%dma_wait3A_141, %dma_wait3A_142] : memref<10000x16xf32, #tpu.memory_space<hbm>> -> memref<10000x16xf32, #tpu.memory_space<hbm>>
      tpu.wait_indirect_dma semaphore(%arg8 : memref<!tpu.dma_semaphore, #tpu.memory_space<semaphore_mem>>) src(%dma_wait3A_143 : memref<10000x16xf32, #tpu.memory_space<hbm>>) dst(%dma_wait3A_137 : memref<80x16xf32, #tpu.memory_space<vmem>>)
      %dma_wait3A_144 = arith.constant 1 : i32
      %dma_wait3A_145 = arith.constant 80 : i32
      %dma_wait3A_146 = arith.constant 0 : i32
      %dma_wait3A_147 = tpu.memref_slice %arg6[%rem3A_53, %dma_wait3A_145, %dma_wait3A_146] : memref<2x400x16xf32, #tpu.memory_space<vmem>> -> memref<1x80x16xf32, #tpu.memory_space<vmem>>
      %dma_wait3A_148 = tpu.memref_squeeze %dma_wait3A_147 : memref<1x80x16xf32, #tpu.memory_space<vmem>> -> memref<80x16xf32, #tpu.memory_space<vmem>>
      %dma_wait3A_149 = arith.constant 0 : i32
      %dma_wait3A_150 = tpu.memref_slice %arg5[%rem3A_53, %dma_wait3A_144, %dma_wait3A_149] : memref<2x5x80xi32, #tpu.memory_space<vmem>> -> memref<1x1x80xi32, #tpu.memory_space<vmem>>
      %dma_wait3A_151 = tpu.memref_squeeze %dma_wait3A_150 : memref<1x1x80xi32, #tpu.memory_space<vmem>> -> memref<80xi32, #tpu.memory_space<vmem>>
      %dma_wait3A_152 = arith.constant 0 : i32
      %dma_wait3A_153 = arith.constant 0 : i32
      %dma_wait3A_154 = tpu.memref_slice %arg2[%dma_wait3A_152, %dma_wait3A_153] : memref<10000x16xf32, #tpu.memory_space<hbm>> -> memref<10000x16xf32, #tpu.memory_space<hbm>>
      tpu.wait_indirect_dma semaphore(%arg8 : memref<!tpu.dma_semaphore, #tpu.memory_space<semaphore_mem>>) src(%dma_wait3A_154 : memref<10000x16xf32, #tpu.memory_space<hbm>>) dst(%dma_wait3A_148 : memref<80x16xf32, #tpu.memory_space<vmem>>)
      %dma_wait3A_155 = arith.constant 2 : i32
      %dma_wait3A_156 = arith.constant 160 : i32
      %dma_wait3A_157 = arith.constant 0 : i32
      %dma_wait3A_158 = tpu.memref_slice %arg6[%rem3A_53, %dma_wait3A_156, %dma_wait3A_157] : memref<2x400x16xf32, #tpu.memory_space<vmem>> -> memref<1x80x16xf32, #tpu.memory_space<vmem>>
      %dma_wait3A_159 = tpu.memref_squeeze %dma_wait3A_158 : memref<1x80x16xf32, #tpu.memory_space<vmem>> -> memref<80x16xf32, #tpu.memory_space<vmem>>
      %dma_wait3A_160 = arith.constant 0 : i32
      %dma_wait3A_161 = tpu.memref_slice %arg5[%rem3A_53, %dma_wait3A_155, %dma_wait3A_160] : memref<2x5x80xi32, #tpu.memory_space<vmem>> -> memref<1x1x80xi32, #tpu.memory_space<vmem>>
      %dma_wait3A_162 = tpu.memref_squeeze %dma_wait3A_161 : memref<1x1x80xi32, #tpu.memory_space<vmem>> -> memref<80xi32, #tpu.memory_space<vmem>>
      %dma_wait3A_163 = arith.constant 0 : i32
      %dma_wait3A_164 = arith.constant 0 : i32
      %dma_wait3A_165 = tpu.memref_slice %arg2[%dma_wait3A_163, %dma_wait3A_164] : memref<10000x16xf32, #tpu.memory_space<hbm>> -> memref<10000x16xf32, #tpu.memory_space<hbm>>
      tpu.wait_indirect_dma semaphore(%arg8 : memref<!tpu.dma_semaphore, #tpu.memory_space<semaphore_mem>>) src(%dma_wait3A_165 : memref<10000x16xf32, #tpu.memory_space<hbm>>) dst(%dma_wait3A_159 : memref<80x16xf32, #tpu.memory_space<vmem>>)
      %dma_wait3A_166 = arith.constant 3 : i32
      %dma_wait3A_167 = arith.constant 240 : i32
      %dma_wait3A_168 = arith.constant 0 : i32
      %dma_wait3A_169 = tpu.memref_slice %arg6[%rem3A_53, %dma_wait3A_167, %dma_wait3A_168] : memref<2x400x16xf32, #tpu.memory_space<vmem>> -> memref<1x80x16xf32, #tpu.memory_space<vmem>>
      %dma_wait3A_170 = tpu.memref_squeeze %dma_wait3A_169 : memref<1x80x16xf32, #tpu.memory_space<vmem>> -> memref<80x16xf32, #tpu.memory_space<vmem>>
      %dma_wait3A_171 = arith.constant 0 : i32
      %dma_wait3A_172 = tpu.memref_slice %arg5[%rem3A_53, %dma_wait3A_166, %dma_wait3A_171] : memref<2x5x80xi32, #tpu.memory_space<vmem>> -> memref<1x1x80xi32, #tpu.memory_space<vmem>>
      %dma_wait3A_173 = tpu.memref_squeeze %dma_wait3A_172 : memref<1x1x80xi32, #tpu.memory_space<vmem>> -> memref<80xi32, #tpu.memory_space<vmem>>
      %dma_wait3A_174 = arith.constant 0 : i32
      %dma_wait3A_175 = arith.constant 0 : i32
      %dma_wait3A_176 = tpu.memref_slice %arg2[%dma_wait3A_174, %dma_wait3A_175] : memref<10000x16xf32, #tpu.memory_space<hbm>> -> memref<10000x16xf32, #tpu.memory_space<hbm>>
      tpu.wait_indirect_dma semaphore(%arg8 : memref<!tpu.dma_semaphore, #tpu.memory_space<semaphore_mem>>) src(%dma_wait3A_176 : memref<10000x16xf32, #tpu.memory_space<hbm>>) dst(%dma_wait3A_170 : memref<80x16xf32, #tpu.memory_space<vmem>>)
      %dma_wait3A_177 = arith.constant 4 : i32
      %dma_wait3A_178 = arith.constant 320 : i32
      %dma_wait3A_179 = arith.constant 0 : i32
      %dma_wait3A_180 = tpu.memref_slice %arg6[%rem3A_53, %dma_wait3A_178, %dma_wait3A_179] : memref<2x400x16xf32, #tpu.memory_space<vmem>> -> memref<1x80x16xf32, #tpu.memory_space<vmem>>
      %dma_wait3A_181 = tpu.memref_squeeze %dma_wait3A_180 : memref<1x80x16xf32, #tpu.memory_space<vmem>> -> memref<80x16xf32, #tpu.memory_space<vmem>>
      %dma_wait3A_182 = arith.constant 0 : i32
      %dma_wait3A_183 = tpu.memref_slice %arg5[%rem3A_53, %dma_wait3A_177, %dma_wait3A_182] : memref<2x5x80xi32, #tpu.memory_space<vmem>> -> memref<1x1x80xi32, #tpu.memory_space<vmem>>
      %dma_wait3A_184 = tpu.memref_squeeze %dma_wait3A_183 : memref<1x1x80xi32, #tpu.memory_space<vmem>> -> memref<80xi32, #tpu.memory_space<vmem>>
      %dma_wait3A_185 = arith.constant 0 : i32
      %dma_wait3A_186 = arith.constant 0 : i32
      %dma_wait3A_187 = tpu.memref_slice %arg2[%dma_wait3A_185, %dma_wait3A_186] : memref<10000x16xf32, #tpu.memory_space<hbm>> -> memref<10000x16xf32, #tpu.memory_space<hbm>>
      tpu.wait_indirect_dma semaphore(%arg8 : memref<!tpu.dma_semaphore, #tpu.memory_space<semaphore_mem>>) src(%dma_wait3A_187 : memref<10000x16xf32, #tpu.memory_space<hbm>>) dst(%dma_wait3A_181 : memref<80x16xf32, #tpu.memory_space<vmem>>)
      %mul3A_188 = arith.constant 125 : i32
      %mul3A_189 = arith.muli %add3A, %mul3A_188 : i32
      %mul3A_190 = arith.constant 5 : i32
      %mul3A_191 = arith.muli %scan3A_52, %mul3A_190 : i32
      %add3A_192 = arith.addi %mul3A_189, %mul3A_191 : i32
      %mul3A_193 = arith.constant 80 : i32
      %mul3A_194 = arith.muli %add3A_192, %mul3A_193 : i32
      %dma_start3A_195 = arith.constant 0 : i32
      %dma_start3A_196 = arith.constant 0 : i32
      %dma_start3A_197 = tpu.memref_slice %arg6[%rem3A_53, %dma_start3A_195, %dma_start3A_196] : memref<2x400x16xf32, #tpu.memory_space<vmem>> -> memref<1x400x16xf32, #tpu.memory_space<vmem>>
      %dma_start3A_198 = tpu.memref_squeeze %dma_start3A_197 : memref<1x400x16xf32, #tpu.memory_space<vmem>> -> memref<400x16xf32, #tpu.memory_space<vmem>>
      %dma_start3A_199 = arith.constant 0 : i32
      %dma_start3A_200 = tpu.memref_slice %arg4[%mul3A_194, %dma_start3A_199] : memref<320000x16xf32, #tpu.memory_space<hbm>> -> memref<400x16xf32, #tpu.memory_space<hbm>>
      %dma_start3A_201 = arith.constant 0 : i32
      %dma_start3A_202 = tpu.memref_slice %arg4[%mul3A_194, %dma_start3A_201] : memref<320000x16xf32, #tpu.memory_space<hbm>> -> memref<400x16xf32, #tpu.memory_space<hbm>>
      %dma_start3A_203 = arith.constant 0 : i32
      %dma_start3A_204 = arith.constant 0 : i32
      %dma_start3A_205 = tpu.memref_slice %arg6[%rem3A_53, %dma_start3A_203, %dma_start3A_204] : memref<2x400x16xf32, #tpu.memory_space<vmem>> -> memref<1x400x16xf32, #tpu.memory_space<vmem>>
      %dma_start3A_206 = tpu.memref_squeeze %dma_start3A_205 : memref<1x400x16xf32, #tpu.memory_space<vmem>> -> memref<400x16xf32, #tpu.memory_space<vmem>>
      tpu.enqueue_dma source(%dma_start3A_206 : memref<400x16xf32, #tpu.memory_space<vmem>>) target(%dma_start3A_202 : memref<400x16xf32, #tpu.memory_space<hbm>>) target_semaphore(%arg9 : memref<!tpu.dma_semaphore, #tpu.memory_space<semaphore_mem>>)
    }
    %scan3A_22 = arith.constant 25 : i32
    %dma_wait3A = arith.constant 0 : i32
    %dma_wait3A_23 = arith.constant 0 : i32
    %dma_wait3A_24 = arith.constant 0 : i32
    %dma_wait3A_25 = tpu.memref_slice %arg6[%dma_wait3A, %dma_wait3A_23, %dma_wait3A_24] : memref<2x400x16xf32, #tpu.memory_space<vmem>> -> memref<1x400x16xf32, #tpu.memory_space<vmem>>
    %dma_wait3A_26 = tpu.memref_squeeze %dma_wait3A_25 : memref<1x400x16xf32, #tpu.memory_space<vmem>> -> memref<400x16xf32, #tpu.memory_space<vmem>>
    %dma_wait3A_27 = arith.constant 0 : i32
    %dma_wait3A_28 = arith.constant 0 : i32
    %dma_wait3A_29 = tpu.memref_slice %arg4[%dma_wait3A_27, %dma_wait3A_28] : memref<320000x16xf32, #tpu.memory_space<hbm>> -> memref<400x16xf32, #tpu.memory_space<hbm>>
    %dma_wait3A_30 = arith.constant 0 : i32
    %dma_wait3A_31 = arith.constant 0 : i32
    %dma_wait3A_32 = tpu.memref_slice %arg4[%dma_wait3A_30, %dma_wait3A_31] : memref<320000x16xf32, #tpu.memory_space<hbm>> -> memref<400x16xf32, #tpu.memory_space<hbm>>
    %dma_wait3A_33 = arith.constant 0 : i32
    %dma_wait3A_34 = arith.constant 0 : i32
    %dma_wait3A_35 = tpu.memref_slice %arg6[%dma_wait3A, %dma_wait3A_33, %dma_wait3A_34] : memref<2x400x16xf32, #tpu.memory_space<vmem>> -> memref<1x400x16xf32, #tpu.memory_space<vmem>>
    %dma_wait3A_36 = tpu.memref_squeeze %dma_wait3A_35 : memref<1x400x16xf32, #tpu.memory_space<vmem>> -> memref<400x16xf32, #tpu.memory_space<vmem>>
    tpu.wait_dma2 semaphore(%arg9 : memref<!tpu.dma_semaphore, #tpu.memory_space<semaphore_mem>>) src(%dma_wait3A_36 : memref<400x16xf32, #tpu.memory_space<vmem>>) dst(%dma_wait3A_32 : memref<400x16xf32, #tpu.memory_space<hbm>>)
    %dma_wait3A_37 = arith.constant 1 : i32
    %dma_wait3A_38 = arith.constant 0 : i32
    %dma_wait3A_39 = arith.constant 0 : i32
    %dma_wait3A_40 = tpu.memref_slice %arg6[%dma_wait3A_37, %dma_wait3A_38, %dma_wait3A_39] : memref<2x400x16xf32, #tpu.memory_space<vmem>> -> memref<1x400x16xf32, #tpu.memory_space<vmem>>
    %dma_wait3A_41 = tpu.memref_squeeze %dma_wait3A_40 : memref<1x400x16xf32, #tpu.memory_space<vmem>> -> memref<400x16xf32, #tpu.memory_space<vmem>>
    %dma_wait3A_42 = arith.constant 0 : i32
    %dma_wait3A_43 = arith.constant 0 : i32
    %dma_wait3A_44 = tpu.memref_slice %arg4[%dma_wait3A_42, %dma_wait3A_43] : memref<320000x16xf32, #tpu.memory_space<hbm>> -> memref<400x16xf32, #tpu.memory_space<hbm>>
    %dma_wait3A_45 = arith.constant 0 : i32
    %dma_wait3A_46 = arith.constant 0 : i32
    %dma_wait3A_47 = tpu.memref_slice %arg4[%dma_wait3A_45, %dma_wait3A_46] : memref<320000x16xf32, #tpu.memory_space<hbm>> -> memref<400x16xf32, #tpu.memory_space<hbm>>
    %dma_wait3A_48 = arith.constant 0 : i32
    %dma_wait3A_49 = arith.constant 0 : i32
    %dma_wait3A_50 = tpu.memref_slice %arg6[%dma_wait3A_37, %dma_wait3A_48, %dma_wait3A_49] : memref<2x400x16xf32, #tpu.memory_space<vmem>> -> memref<1x400x16xf32, #tpu.memory_space<vmem>>
    %dma_wait3A_51 = tpu.memref_squeeze %dma_wait3A_50 : memref<1x400x16xf32, #tpu.memory_space<vmem>> -> memref<400x16xf32, #tpu.memory_space<vmem>>
    tpu.wait_dma2 semaphore(%arg9 : memref<!tpu.dma_semaphore, #tpu.memory_space<semaphore_mem>>) src(%dma_wait3A_51 : memref<400x16xf32, #tpu.memory_space<vmem>>) dst(%dma_wait3A_47 : memref<400x16xf32, #tpu.memory_space<hbm>>)
    return
  }
}

#map = affine_map<(d0, d1) -> (0, 0)>
#map1 = affine_map<(d0, d1) -> (0, 0, 0, 0)>
#map2 = affine_map<(d0, d1) -> (0, 0, 0)>
module attributes {stable_mosaic.version = 14 : i64} {
  func.func @sck(%arg0: i32, %arg1: i32, %arg2: memref<320000x16xf32, #tpu.memory_space<hbm>>, %arg3: memref<32x25x5x80xi32, #tpu.memory_space<hbm>>, %arg4: memref<640x16xf32, #tpu.memory_space<hbm>>, %arg5: memref<2x10240x16xf32, #tpu.memory_space<hbm>>, %arg6: memref<2x5x80xi32, #tpu.memory_space<vmem>>, %arg7: memref<2x400x16xf32, #tpu.memory_space<vmem>>, %arg8: memref<10240x16xf32, #tpu.memory_space<vmem_shared>>, %arg9: memref<!tpu.dma_semaphore, #tpu.memory_space<semaphore_mem>>, %arg10: memref<!tpu.dma_semaphore, #tpu.memory_space<semaphore_mem>>, %arg11: memref<!tpu.dma_semaphore, #tpu.memory_space<semaphore_mem>>) attributes {dimension_semantics = [#tpu.dimension_semantics<core_parallel>, #tpu.dimension_semantics<subcore_parallel>], iteration_bounds = array<i64: 2, 16>, scalar_prefetch = 0 : i64, scratch_operands = 6 : i64, tpu.core_type = #tpu.core_type<sc_vector_subcore>, window_params = [{transform_indices = #map}, {transform_indices = #map1}, {transform_indices = #map}, {transform_indices = #map2}]} {
    %mul3A = arith.constant 2 : i32
    %mul3A_0 = arith.muli %arg1, %mul3A : i32
    %add3A = arith.addi %mul3A_0, %arg0 : i32
    %mul3A_1 = arith.constant 640 : i32
    %mul3A_2 = arith.muli %arg1, %mul3A_1 : i32
    "tpu.region"() ({
      %run_scoped3A = tpu.sem_alloc : memref<!tpu.dma_semaphore, #tpu.memory_space<semaphore_mem>>
      %dma_start3A_45 = arith.constant 0 : i32
      %dma_start3A_46 = tpu.memref_slice %arg8[%mul3A_2, %dma_start3A_45] : memref<10240x16xf32, #tpu.memory_space<vmem_shared>> -> memref<640x16xf32, #tpu.memory_space<vmem_shared>>
      tpu.enqueue_dma source(%arg4 : memref<640x16xf32, #tpu.memory_space<hbm>>) target(%dma_start3A_46 : memref<640x16xf32, #tpu.memory_space<vmem_shared>>) target_semaphore(%run_scoped3A : memref<!tpu.dma_semaphore, #tpu.memory_space<semaphore_mem>>)
      %dma_wait3A = arith.constant 0 : i32
      %dma_wait3A_47 = tpu.memref_slice %arg8[%mul3A_2, %dma_wait3A] : memref<10240x16xf32, #tpu.memory_space<vmem_shared>> -> memref<640x16xf32, #tpu.memory_space<vmem_shared>>
      tpu.wait_dma2 semaphore(%run_scoped3A : memref<!tpu.dma_semaphore, #tpu.memory_space<semaphore_mem>>) src(%arg4 : memref<640x16xf32, #tpu.memory_space<hbm>>) dst(%dma_wait3A_47 : memref<640x16xf32, #tpu.memory_space<vmem_shared>>)
      tpu.yield
    }) : () -> ()
    %barrier3A = arith.constant 0 : index
    tpu.barrier barrier_id(%barrier3A)
    %dma_start3A = arith.constant 0 : i32
    %dma_start3A_3 = arith.constant 0 : i32
    %dma_start3A_4 = arith.constant 0 : i32
    %dma_start3A_5 = arith.constant 0 : i32
    %dma_start3A_6 = tpu.memref_slice %arg6[%dma_start3A_3, %dma_start3A_4, %dma_start3A_5] : memref<2x5x80xi32, #tpu.memory_space<vmem>> -> memref<1x5x80xi32, #tpu.memory_space<vmem>>
    %dma_start3A_7 = tpu.memref_squeeze %dma_start3A_6 : memref<1x5x80xi32, #tpu.memory_space<vmem>> -> memref<5x80xi32, #tpu.memory_space<vmem>>
    %dma_start3A_8 = arith.constant 0 : i32
    %dma_start3A_9 = arith.constant 0 : i32
    %dma_start3A_10 = tpu.memref_slice %arg3[%add3A, %dma_start3A, %dma_start3A_8, %dma_start3A_9] : memref<32x25x5x80xi32, #tpu.memory_space<hbm>> -> memref<1x1x5x80xi32, #tpu.memory_space<hbm>>
    %dma_start3A_11 = tpu.memref_squeeze %dma_start3A_10 : memref<1x1x5x80xi32, #tpu.memory_space<hbm>> -> memref<5x80xi32, #tpu.memory_space<hbm>>
    %dma_start3A_12 = arith.constant 0 : i32
    %dma_start3A_13 = arith.constant 0 : i32
    %dma_start3A_14 = tpu.memref_slice %arg6[%dma_start3A_3, %dma_start3A_12, %dma_start3A_13] : memref<2x5x80xi32, #tpu.memory_space<vmem>> -> memref<1x5x80xi32, #tpu.memory_space<vmem>>
    %dma_start3A_15 = tpu.memref_squeeze %dma_start3A_14 : memref<1x5x80xi32, #tpu.memory_space<vmem>> -> memref<5x80xi32, #tpu.memory_space<vmem>>
    %dma_start3A_16 = arith.constant 0 : i32
    %dma_start3A_17 = arith.constant 0 : i32
    %dma_start3A_18 = tpu.memref_slice %arg3[%add3A, %dma_start3A, %dma_start3A_16, %dma_start3A_17] : memref<32x25x5x80xi32, #tpu.memory_space<hbm>> -> memref<1x1x5x80xi32, #tpu.memory_space<hbm>>
    %dma_start3A_19 = tpu.memref_squeeze %dma_start3A_18 : memref<1x1x5x80xi32, #tpu.memory_space<hbm>> -> memref<5x80xi32, #tpu.memory_space<hbm>>
    tpu.enqueue_dma source(%dma_start3A_19 : memref<5x80xi32, #tpu.memory_space<hbm>>) target(%dma_start3A_15 : memref<5x80xi32, #tpu.memory_space<vmem>>) target_semaphore(%arg9 : memref<!tpu.dma_semaphore, #tpu.memory_space<semaphore_mem>>)
    %mul3A_20 = arith.constant 10000 : i32
    %mul3A_21 = arith.muli %add3A, %mul3A_20 : i32
    %dma_start3A_22 = arith.constant 0 : i32
    %dma_start3A_23 = arith.constant 0 : i32
    %dma_start3A_24 = arith.constant 0 : i32
    %dma_start3A_25 = tpu.memref_slice %arg7[%dma_start3A_22, %dma_start3A_23, %dma_start3A_24] : memref<2x400x16xf32, #tpu.memory_space<vmem>> -> memref<1x400x16xf32, #tpu.memory_space<vmem>>
    %dma_start3A_26 = tpu.memref_squeeze %dma_start3A_25 : memref<1x400x16xf32, #tpu.memory_space<vmem>> -> memref<400x16xf32, #tpu.memory_space<vmem>>
    %dma_start3A_27 = arith.constant 0 : i32
    %dma_start3A_28 = tpu.memref_slice %arg2[%mul3A_21, %dma_start3A_27] : memref<320000x16xf32, #tpu.memory_space<hbm>> -> memref<400x16xf32, #tpu.memory_space<hbm>>
    %dma_start3A_29 = arith.constant 0 : i32
    %dma_start3A_30 = arith.constant 0 : i32
    %dma_start3A_31 = tpu.memref_slice %arg7[%dma_start3A_22, %dma_start3A_29, %dma_start3A_30] : memref<2x400x16xf32, #tpu.memory_space<vmem>> -> memref<1x400x16xf32, #tpu.memory_space<vmem>>
    %dma_start3A_32 = tpu.memref_squeeze %dma_start3A_31 : memref<1x400x16xf32, #tpu.memory_space<vmem>> -> memref<400x16xf32, #tpu.memory_space<vmem>>
    %dma_start3A_33 = arith.constant 0 : i32
    %dma_start3A_34 = tpu.memref_slice %arg2[%mul3A_21, %dma_start3A_33] : memref<320000x16xf32, #tpu.memory_space<hbm>> -> memref<400x16xf32, #tpu.memory_space<hbm>>
    tpu.enqueue_dma source(%dma_start3A_34 : memref<400x16xf32, #tpu.memory_space<hbm>>) target(%dma_start3A_32 : memref<400x16xf32, #tpu.memory_space<vmem>>) target_semaphore(%arg10 : memref<!tpu.dma_semaphore, #tpu.memory_space<semaphore_mem>>)
    %scan3A = arith.constant 0 : i32
    %scan3A_35 = arith.constant 0 : i32
    %scan3A_36 = arith.constant 25 : i32
    %scan3A_37 = arith.addi %scan3A_35, %scan3A_36 : i32
    %scan3A_38 = arith.constant 1 : i32
    scf.for %scan3A_45 = %scan3A_35 to %scan3A_37 step %scan3A_38  : i32 {
      %rem3A = arith.constant 2 : i32
      %rem3A_46 = arith.remsi %scan3A_45, %rem3A : i32
      %mul3A_47 = arith.constant 125 : i32
      %mul3A_48 = arith.muli %add3A, %mul3A_47 : i32
      %mul3A_49 = arith.constant 5 : i32
      %mul3A_50 = arith.muli %scan3A_45, %mul3A_49 : i32
      %add3A_51 = arith.addi %mul3A_48, %mul3A_50 : i32
      %dma_wait3A = arith.constant 0 : i32
      %dma_wait3A_52 = arith.constant 0 : i32
      %dma_wait3A_53 = tpu.memref_slice %arg6[%rem3A_46, %dma_wait3A, %dma_wait3A_52] : memref<2x5x80xi32, #tpu.memory_space<vmem>> -> memref<1x5x80xi32, #tpu.memory_space<vmem>>
      %dma_wait3A_54 = tpu.memref_squeeze %dma_wait3A_53 : memref<1x5x80xi32, #tpu.memory_space<vmem>> -> memref<5x80xi32, #tpu.memory_space<vmem>>
      %dma_wait3A_55 = arith.constant 0 : i32
      %dma_wait3A_56 = arith.constant 0 : i32
      %dma_wait3A_57 = tpu.memref_slice %arg3[%add3A, %scan3A_45, %dma_wait3A_55, %dma_wait3A_56] : memref<32x25x5x80xi32, #tpu.memory_space<hbm>> -> memref<1x1x5x80xi32, #tpu.memory_space<hbm>>
      %dma_wait3A_58 = tpu.memref_squeeze %dma_wait3A_57 : memref<1x1x5x80xi32, #tpu.memory_space<hbm>> -> memref<5x80xi32, #tpu.memory_space<hbm>>
      %dma_wait3A_59 = arith.constant 0 : i32
      %dma_wait3A_60 = arith.constant 0 : i32
      %dma_wait3A_61 = tpu.memref_slice %arg6[%rem3A_46, %dma_wait3A_59, %dma_wait3A_60] : memref<2x5x80xi32, #tpu.memory_space<vmem>> -> memref<1x5x80xi32, #tpu.memory_space<vmem>>
      %dma_wait3A_62 = tpu.memref_squeeze %dma_wait3A_61 : memref<1x5x80xi32, #tpu.memory_space<vmem>> -> memref<5x80xi32, #tpu.memory_space<vmem>>
      %dma_wait3A_63 = arith.constant 0 : i32
      %dma_wait3A_64 = arith.constant 0 : i32
      %dma_wait3A_65 = tpu.memref_slice %arg3[%add3A, %scan3A_45, %dma_wait3A_63, %dma_wait3A_64] : memref<32x25x5x80xi32, #tpu.memory_space<hbm>> -> memref<1x1x5x80xi32, #tpu.memory_space<hbm>>
      %dma_wait3A_66 = tpu.memref_squeeze %dma_wait3A_65 : memref<1x1x5x80xi32, #tpu.memory_space<hbm>> -> memref<5x80xi32, #tpu.memory_space<hbm>>
      tpu.wait_dma2 semaphore(%arg9 : memref<!tpu.dma_semaphore, #tpu.memory_space<semaphore_mem>>) src(%dma_wait3A_66 : memref<5x80xi32, #tpu.memory_space<hbm>>) dst(%dma_wait3A_62 : memref<5x80xi32, #tpu.memory_space<vmem>>)
      %dma_wait3A_67 = arith.constant 0 : i32
      %dma_wait3A_68 = arith.constant 0 : i32
      %dma_wait3A_69 = tpu.memref_slice %arg7[%rem3A_46, %dma_wait3A_67, %dma_wait3A_68] : memref<2x400x16xf32, #tpu.memory_space<vmem>> -> memref<1x400x16xf32, #tpu.memory_space<vmem>>
      %dma_wait3A_70 = tpu.memref_squeeze %dma_wait3A_69 : memref<1x400x16xf32, #tpu.memory_space<vmem>> -> memref<400x16xf32, #tpu.memory_space<vmem>>
      %dma_wait3A_71 = arith.constant 0 : i32
      %dma_wait3A_72 = arith.constant 0 : i32
      %dma_wait3A_73 = tpu.memref_slice %arg2[%dma_wait3A_71, %dma_wait3A_72] : memref<320000x16xf32, #tpu.memory_space<hbm>> -> memref<400x16xf32, #tpu.memory_space<hbm>>
      %dma_wait3A_74 = arith.constant 0 : i32
      %dma_wait3A_75 = arith.constant 0 : i32
      %dma_wait3A_76 = tpu.memref_slice %arg7[%rem3A_46, %dma_wait3A_74, %dma_wait3A_75] : memref<2x400x16xf32, #tpu.memory_space<vmem>> -> memref<1x400x16xf32, #tpu.memory_space<vmem>>
      %dma_wait3A_77 = tpu.memref_squeeze %dma_wait3A_76 : memref<1x400x16xf32, #tpu.memory_space<vmem>> -> memref<400x16xf32, #tpu.memory_space<vmem>>
      %dma_wait3A_78 = arith.constant 0 : i32
      %dma_wait3A_79 = arith.constant 0 : i32
      %dma_wait3A_80 = tpu.memref_slice %arg2[%dma_wait3A_78, %dma_wait3A_79] : memref<320000x16xf32, #tpu.memory_space<hbm>> -> memref<400x16xf32, #tpu.memory_space<hbm>>
      tpu.wait_dma2 semaphore(%arg10 : memref<!tpu.dma_semaphore, #tpu.memory_space<semaphore_mem>>) src(%dma_wait3A_80 : memref<400x16xf32, #tpu.memory_space<hbm>>) dst(%dma_wait3A_77 : memref<400x16xf32, #tpu.memory_space<vmem>>)
      %add3A_81 = arith.constant 1 : i32
      %add3A_82 = arith.addi %scan3A_45, %add3A_81 : i32
      %lt3A = arith.constant 25 : i32
      %lt3A_83 = arith.cmpi slt, %add3A_82, %lt3A : i32
      %convert_element_type3A = arith.extui %lt3A_83 : i1 to i32
      %cond3A = arith.constant 0 : i32
      %cond3A_84 = arith.cmpi ne, %convert_element_type3A, %cond3A : i32
      scf.if %cond3A_84 {
        %add3A_195 = arith.constant 1 : i32
        %add3A_196 = arith.addi %scan3A_45, %add3A_195 : i32
        %sub3A = arith.constant 1 : i32
        %sub3A_197 = arith.subi %sub3A, %rem3A_46 : i32
        %dma_start3A_198 = arith.constant 0 : i32
        %dma_start3A_199 = arith.constant 0 : i32
        %dma_start3A_200 = tpu.memref_slice %arg6[%sub3A_197, %dma_start3A_198, %dma_start3A_199] : memref<2x5x80xi32, #tpu.memory_space<vmem>> -> memref<1x5x80xi32, #tpu.memory_space<vmem>>
        %dma_start3A_201 = tpu.memref_squeeze %dma_start3A_200 : memref<1x5x80xi32, #tpu.memory_space<vmem>> -> memref<5x80xi32, #tpu.memory_space<vmem>>
        %dma_start3A_202 = arith.constant 0 : i32
        %dma_start3A_203 = arith.constant 0 : i32
        %dma_start3A_204 = tpu.memref_slice %arg3[%add3A, %add3A_196, %dma_start3A_202, %dma_start3A_203] : memref<32x25x5x80xi32, #tpu.memory_space<hbm>> -> memref<1x1x5x80xi32, #tpu.memory_space<hbm>>
        %dma_start3A_205 = tpu.memref_squeeze %dma_start3A_204 : memref<1x1x5x80xi32, #tpu.memory_space<hbm>> -> memref<5x80xi32, #tpu.memory_space<hbm>>
        %dma_start3A_206 = arith.constant 0 : i32
        %dma_start3A_207 = arith.constant 0 : i32
        %dma_start3A_208 = tpu.memref_slice %arg6[%sub3A_197, %dma_start3A_206, %dma_start3A_207] : memref<2x5x80xi32, #tpu.memory_space<vmem>> -> memref<1x5x80xi32, #tpu.memory_space<vmem>>
        %dma_start3A_209 = tpu.memref_squeeze %dma_start3A_208 : memref<1x5x80xi32, #tpu.memory_space<vmem>> -> memref<5x80xi32, #tpu.memory_space<vmem>>
        %dma_start3A_210 = arith.constant 0 : i32
        %dma_start3A_211 = arith.constant 0 : i32
        %dma_start3A_212 = tpu.memref_slice %arg3[%add3A, %add3A_196, %dma_start3A_210, %dma_start3A_211] : memref<32x25x5x80xi32, #tpu.memory_space<hbm>> -> memref<1x1x5x80xi32, #tpu.memory_space<hbm>>
        %dma_start3A_213 = tpu.memref_squeeze %dma_start3A_212 : memref<1x1x5x80xi32, #tpu.memory_space<hbm>> -> memref<5x80xi32, #tpu.memory_space<hbm>>
        tpu.enqueue_dma source(%dma_start3A_213 : memref<5x80xi32, #tpu.memory_space<hbm>>) target(%dma_start3A_209 : memref<5x80xi32, #tpu.memory_space<vmem>>) target_semaphore(%arg9 : memref<!tpu.dma_semaphore, #tpu.memory_space<semaphore_mem>>)
        %add3A_214 = arith.constant 5 : i32
        %add3A_215 = arith.addi %add3A_51, %add3A_214 : i32
        %mul3A_216 = arith.constant 80 : i32
        %mul3A_217 = arith.muli %add3A_215, %mul3A_216 : i32
        %sub3A_218 = arith.constant 1 : i32
        %sub3A_219 = arith.subi %sub3A_218, %rem3A_46 : i32
        %dma_start3A_220 = arith.constant 0 : i32
        %dma_start3A_221 = arith.constant 0 : i32
        %dma_start3A_222 = tpu.memref_slice %arg7[%sub3A_219, %dma_start3A_220, %dma_start3A_221] : memref<2x400x16xf32, #tpu.memory_space<vmem>> -> memref<1x400x16xf32, #tpu.memory_space<vmem>>
        %dma_start3A_223 = tpu.memref_squeeze %dma_start3A_222 : memref<1x400x16xf32, #tpu.memory_space<vmem>> -> memref<400x16xf32, #tpu.memory_space<vmem>>
        %dma_start3A_224 = arith.constant 0 : i32
        %dma_start3A_225 = tpu.memref_slice %arg2[%mul3A_217, %dma_start3A_224] : memref<320000x16xf32, #tpu.memory_space<hbm>> -> memref<400x16xf32, #tpu.memory_space<hbm>>
        %dma_start3A_226 = arith.constant 0 : i32
        %dma_start3A_227 = arith.constant 0 : i32
        %dma_start3A_228 = tpu.memref_slice %arg7[%sub3A_219, %dma_start3A_226, %dma_start3A_227] : memref<2x400x16xf32, #tpu.memory_space<vmem>> -> memref<1x400x16xf32, #tpu.memory_space<vmem>>
        %dma_start3A_229 = tpu.memref_squeeze %dma_start3A_228 : memref<1x400x16xf32, #tpu.memory_space<vmem>> -> memref<400x16xf32, #tpu.memory_space<vmem>>
        %dma_start3A_230 = arith.constant 0 : i32
        %dma_start3A_231 = tpu.memref_slice %arg2[%mul3A_217, %dma_start3A_230] : memref<320000x16xf32, #tpu.memory_space<hbm>> -> memref<400x16xf32, #tpu.memory_space<hbm>>
        tpu.enqueue_dma source(%dma_start3A_231 : memref<400x16xf32, #tpu.memory_space<hbm>>) target(%dma_start3A_229 : memref<400x16xf32, #tpu.memory_space<vmem>>) target_semaphore(%arg10 : memref<!tpu.dma_semaphore, #tpu.memory_space<semaphore_mem>>)
      } else {
      }
      %dma_start3A_85 = arith.constant 0 : i32
      %dma_start3A_86 = arith.constant 0 : i32
      %dma_start3A_87 = arith.constant 0 : i32
      %dma_start3A_88 = tpu.memref_slice %arg7[%rem3A_46, %dma_start3A_86, %dma_start3A_87] : memref<2x400x16xf32, #tpu.memory_space<vmem>> -> memref<1x80x16xf32, #tpu.memory_space<vmem>>
      %dma_start3A_89 = tpu.memref_squeeze %dma_start3A_88 : memref<1x80x16xf32, #tpu.memory_space<vmem>> -> memref<80x16xf32, #tpu.memory_space<vmem>>
      %dma_start3A_90 = arith.constant 0 : i32
      %dma_start3A_91 = tpu.memref_slice %arg6[%rem3A_46, %dma_start3A_85, %dma_start3A_90] : memref<2x5x80xi32, #tpu.memory_space<vmem>> -> memref<1x1x80xi32, #tpu.memory_space<vmem>>
      %dma_start3A_92 = tpu.memref_squeeze %dma_start3A_91 : memref<1x1x80xi32, #tpu.memory_space<vmem>> -> memref<80xi32, #tpu.memory_space<vmem>>
      %dma_start3A_93 = arith.constant 0 : i32
      %dma_start3A_94 = arith.constant 0 : i32
      %dma_start3A_95 = tpu.memref_slice %arg8[%dma_start3A_93, %dma_start3A_94] : memref<10240x16xf32, #tpu.memory_space<vmem_shared>> -> memref<10240x16xf32, #tpu.memory_space<vmem_shared>>
      tpu.enqueue_indirect_dma source(%dma_start3A_89 : memref<80x16xf32, #tpu.memory_space<vmem>>) target(%dma_start3A_95 : memref<10240x16xf32, #tpu.memory_space<vmem_shared>>) offsets(%dma_start3A_92 : memref<80xi32, #tpu.memory_space<vmem>>) semaphore(%arg11 : memref<!tpu.dma_semaphore, #tpu.memory_space<semaphore_mem>>) {add = true}
      %dma_start3A_96 = arith.constant 1 : i32
      %dma_start3A_97 = arith.constant 80 : i32
      %dma_start3A_98 = arith.constant 0 : i32
      %dma_start3A_99 = tpu.memref_slice %arg7[%rem3A_46, %dma_start3A_97, %dma_start3A_98] : memref<2x400x16xf32, #tpu.memory_space<vmem>> -> memref<1x80x16xf32, #tpu.memory_space<vmem>>
      %dma_start3A_100 = tpu.memref_squeeze %dma_start3A_99 : memref<1x80x16xf32, #tpu.memory_space<vmem>> -> memref<80x16xf32, #tpu.memory_space<vmem>>
      %dma_start3A_101 = arith.constant 0 : i32
      %dma_start3A_102 = tpu.memref_slice %arg6[%rem3A_46, %dma_start3A_96, %dma_start3A_101] : memref<2x5x80xi32, #tpu.memory_space<vmem>> -> memref<1x1x80xi32, #tpu.memory_space<vmem>>
      %dma_start3A_103 = tpu.memref_squeeze %dma_start3A_102 : memref<1x1x80xi32, #tpu.memory_space<vmem>> -> memref<80xi32, #tpu.memory_space<vmem>>
      %dma_start3A_104 = arith.constant 0 : i32
      %dma_start3A_105 = arith.constant 0 : i32
      %dma_start3A_106 = tpu.memref_slice %arg8[%dma_start3A_104, %dma_start3A_105] : memref<10240x16xf32, #tpu.memory_space<vmem_shared>> -> memref<10240x16xf32, #tpu.memory_space<vmem_shared>>
      tpu.enqueue_indirect_dma source(%dma_start3A_100 : memref<80x16xf32, #tpu.memory_space<vmem>>) target(%dma_start3A_106 : memref<10240x16xf32, #tpu.memory_space<vmem_shared>>) offsets(%dma_start3A_103 : memref<80xi32, #tpu.memory_space<vmem>>) semaphore(%arg11 : memref<!tpu.dma_semaphore, #tpu.memory_space<semaphore_mem>>) {add = true}
      %dma_start3A_107 = arith.constant 2 : i32
      %dma_start3A_108 = arith.constant 160 : i32
      %dma_start3A_109 = arith.constant 0 : i32
      %dma_start3A_110 = tpu.memref_slice %arg7[%rem3A_46, %dma_start3A_108, %dma_start3A_109] : memref<2x400x16xf32, #tpu.memory_space<vmem>> -> memref<1x80x16xf32, #tpu.memory_space<vmem>>
      %dma_start3A_111 = tpu.memref_squeeze %dma_start3A_110 : memref<1x80x16xf32, #tpu.memory_space<vmem>> -> memref<80x16xf32, #tpu.memory_space<vmem>>
      %dma_start3A_112 = arith.constant 0 : i32
      %dma_start3A_113 = tpu.memref_slice %arg6[%rem3A_46, %dma_start3A_107, %dma_start3A_112] : memref<2x5x80xi32, #tpu.memory_space<vmem>> -> memref<1x1x80xi32, #tpu.memory_space<vmem>>
      %dma_start3A_114 = tpu.memref_squeeze %dma_start3A_113 : memref<1x1x80xi32, #tpu.memory_space<vmem>> -> memref<80xi32, #tpu.memory_space<vmem>>
      %dma_start3A_115 = arith.constant 0 : i32
      %dma_start3A_116 = arith.constant 0 : i32
      %dma_start3A_117 = tpu.memref_slice %arg8[%dma_start3A_115, %dma_start3A_116] : memref<10240x16xf32, #tpu.memory_space<vmem_shared>> -> memref<10240x16xf32, #tpu.memory_space<vmem_shared>>
      tpu.enqueue_indirect_dma source(%dma_start3A_111 : memref<80x16xf32, #tpu.memory_space<vmem>>) target(%dma_start3A_117 : memref<10240x16xf32, #tpu.memory_space<vmem_shared>>) offsets(%dma_start3A_114 : memref<80xi32, #tpu.memory_space<vmem>>) semaphore(%arg11 : memref<!tpu.dma_semaphore, #tpu.memory_space<semaphore_mem>>) {add = true}
      %dma_start3A_118 = arith.constant 3 : i32
      %dma_start3A_119 = arith.constant 240 : i32
      %dma_start3A_120 = arith.constant 0 : i32
      %dma_start3A_121 = tpu.memref_slice %arg7[%rem3A_46, %dma_start3A_119, %dma_start3A_120] : memref<2x400x16xf32, #tpu.memory_space<vmem>> -> memref<1x80x16xf32, #tpu.memory_space<vmem>>
      %dma_start3A_122 = tpu.memref_squeeze %dma_start3A_121 : memref<1x80x16xf32, #tpu.memory_space<vmem>> -> memref<80x16xf32, #tpu.memory_space<vmem>>
      %dma_start3A_123 = arith.constant 0 : i32
      %dma_start3A_124 = tpu.memref_slice %arg6[%rem3A_46, %dma_start3A_118, %dma_start3A_123] : memref<2x5x80xi32, #tpu.memory_space<vmem>> -> memref<1x1x80xi32, #tpu.memory_space<vmem>>
      %dma_start3A_125 = tpu.memref_squeeze %dma_start3A_124 : memref<1x1x80xi32, #tpu.memory_space<vmem>> -> memref<80xi32, #tpu.memory_space<vmem>>
      %dma_start3A_126 = arith.constant 0 : i32
      %dma_start3A_127 = arith.constant 0 : i32
      %dma_start3A_128 = tpu.memref_slice %arg8[%dma_start3A_126, %dma_start3A_127] : memref<10240x16xf32, #tpu.memory_space<vmem_shared>> -> memref<10240x16xf32, #tpu.memory_space<vmem_shared>>
      tpu.enqueue_indirect_dma source(%dma_start3A_122 : memref<80x16xf32, #tpu.memory_space<vmem>>) target(%dma_start3A_128 : memref<10240x16xf32, #tpu.memory_space<vmem_shared>>) offsets(%dma_start3A_125 : memref<80xi32, #tpu.memory_space<vmem>>) semaphore(%arg11 : memref<!tpu.dma_semaphore, #tpu.memory_space<semaphore_mem>>) {add = true}
      %dma_start3A_129 = arith.constant 4 : i32
      %dma_start3A_130 = arith.constant 320 : i32
      %dma_start3A_131 = arith.constant 0 : i32
      %dma_start3A_132 = tpu.memref_slice %arg7[%rem3A_46, %dma_start3A_130, %dma_start3A_131] : memref<2x400x16xf32, #tpu.memory_space<vmem>> -> memref<1x80x16xf32, #tpu.memory_space<vmem>>
      %dma_start3A_133 = tpu.memref_squeeze %dma_start3A_132 : memref<1x80x16xf32, #tpu.memory_space<vmem>> -> memref<80x16xf32, #tpu.memory_space<vmem>>
      %dma_start3A_134 = arith.constant 0 : i32
      %dma_start3A_135 = tpu.memref_slice %arg6[%rem3A_46, %dma_start3A_129, %dma_start3A_134] : memref<2x5x80xi32, #tpu.memory_space<vmem>> -> memref<1x1x80xi32, #tpu.memory_space<vmem>>
      %dma_start3A_136 = tpu.memref_squeeze %dma_start3A_135 : memref<1x1x80xi32, #tpu.memory_space<vmem>> -> memref<80xi32, #tpu.memory_space<vmem>>
      %dma_start3A_137 = arith.constant 0 : i32
      %dma_start3A_138 = arith.constant 0 : i32
      %dma_start3A_139 = tpu.memref_slice %arg8[%dma_start3A_137, %dma_start3A_138] : memref<10240x16xf32, #tpu.memory_space<vmem_shared>> -> memref<10240x16xf32, #tpu.memory_space<vmem_shared>>
      tpu.enqueue_indirect_dma source(%dma_start3A_133 : memref<80x16xf32, #tpu.memory_space<vmem>>) target(%dma_start3A_139 : memref<10240x16xf32, #tpu.memory_space<vmem_shared>>) offsets(%dma_start3A_136 : memref<80xi32, #tpu.memory_space<vmem>>) semaphore(%arg11 : memref<!tpu.dma_semaphore, #tpu.memory_space<semaphore_mem>>) {add = true}
      %dma_wait3A_140 = arith.constant 0 : i32
      %dma_wait3A_141 = arith.constant 0 : i32
      %dma_wait3A_142 = arith.constant 0 : i32
      %dma_wait3A_143 = tpu.memref_slice %arg7[%rem3A_46, %dma_wait3A_141, %dma_wait3A_142] : memref<2x400x16xf32, #tpu.memory_space<vmem>> -> memref<1x80x16xf32, #tpu.memory_space<vmem>>
      %dma_wait3A_144 = tpu.memref_squeeze %dma_wait3A_143 : memref<1x80x16xf32, #tpu.memory_space<vmem>> -> memref<80x16xf32, #tpu.memory_space<vmem>>
      %dma_wait3A_145 = arith.constant 0 : i32
      %dma_wait3A_146 = tpu.memref_slice %arg6[%rem3A_46, %dma_wait3A_140, %dma_wait3A_145] : memref<2x5x80xi32, #tpu.memory_space<vmem>> -> memref<1x1x80xi32, #tpu.memory_space<vmem>>
      %dma_wait3A_147 = tpu.memref_squeeze %dma_wait3A_146 : memref<1x1x80xi32, #tpu.memory_space<vmem>> -> memref<80xi32, #tpu.memory_space<vmem>>
      %dma_wait3A_148 = arith.constant 0 : i32
      %dma_wait3A_149 = arith.constant 0 : i32
      %dma_wait3A_150 = tpu.memref_slice %arg8[%dma_wait3A_148, %dma_wait3A_149] : memref<10240x16xf32, #tpu.memory_space<vmem_shared>> -> memref<10240x16xf32, #tpu.memory_space<vmem_shared>>
      tpu.wait_indirect_dma semaphore(%arg11 : memref<!tpu.dma_semaphore, #tpu.memory_space<semaphore_mem>>) src(%dma_wait3A_144 : memref<80x16xf32, #tpu.memory_space<vmem>>) dst(%dma_wait3A_150 : memref<10240x16xf32, #tpu.memory_space<vmem_shared>>)
      %dma_wait3A_151 = arith.constant 1 : i32
      %dma_wait3A_152 = arith.constant 80 : i32
      %dma_wait3A_153 = arith.constant 0 : i32
      %dma_wait3A_154 = tpu.memref_slice %arg7[%rem3A_46, %dma_wait3A_152, %dma_wait3A_153] : memref<2x400x16xf32, #tpu.memory_space<vmem>> -> memref<1x80x16xf32, #tpu.memory_space<vmem>>
      %dma_wait3A_155 = tpu.memref_squeeze %dma_wait3A_154 : memref<1x80x16xf32, #tpu.memory_space<vmem>> -> memref<80x16xf32, #tpu.memory_space<vmem>>
      %dma_wait3A_156 = arith.constant 0 : i32
      %dma_wait3A_157 = tpu.memref_slice %arg6[%rem3A_46, %dma_wait3A_151, %dma_wait3A_156] : memref<2x5x80xi32, #tpu.memory_space<vmem>> -> memref<1x1x80xi32, #tpu.memory_space<vmem>>
      %dma_wait3A_158 = tpu.memref_squeeze %dma_wait3A_157 : memref<1x1x80xi32, #tpu.memory_space<vmem>> -> memref<80xi32, #tpu.memory_space<vmem>>
      %dma_wait3A_159 = arith.constant 0 : i32
      %dma_wait3A_160 = arith.constant 0 : i32
      %dma_wait3A_161 = tpu.memref_slice %arg8[%dma_wait3A_159, %dma_wait3A_160] : memref<10240x16xf32, #tpu.memory_space<vmem_shared>> -> memref<10240x16xf32, #tpu.memory_space<vmem_shared>>
      tpu.wait_indirect_dma semaphore(%arg11 : memref<!tpu.dma_semaphore, #tpu.memory_space<semaphore_mem>>) src(%dma_wait3A_155 : memref<80x16xf32, #tpu.memory_space<vmem>>) dst(%dma_wait3A_161 : memref<10240x16xf32, #tpu.memory_space<vmem_shared>>)
      %dma_wait3A_162 = arith.constant 2 : i32
      %dma_wait3A_163 = arith.constant 160 : i32
      %dma_wait3A_164 = arith.constant 0 : i32
      %dma_wait3A_165 = tpu.memref_slice %arg7[%rem3A_46, %dma_wait3A_163, %dma_wait3A_164] : memref<2x400x16xf32, #tpu.memory_space<vmem>> -> memref<1x80x16xf32, #tpu.memory_space<vmem>>
      %dma_wait3A_166 = tpu.memref_squeeze %dma_wait3A_165 : memref<1x80x16xf32, #tpu.memory_space<vmem>> -> memref<80x16xf32, #tpu.memory_space<vmem>>
      %dma_wait3A_167 = arith.constant 0 : i32
      %dma_wait3A_168 = tpu.memref_slice %arg6[%rem3A_46, %dma_wait3A_162, %dma_wait3A_167] : memref<2x5x80xi32, #tpu.memory_space<vmem>> -> memref<1x1x80xi32, #tpu.memory_space<vmem>>
      %dma_wait3A_169 = tpu.memref_squeeze %dma_wait3A_168 : memref<1x1x80xi32, #tpu.memory_space<vmem>> -> memref<80xi32, #tpu.memory_space<vmem>>
      %dma_wait3A_170 = arith.constant 0 : i32
      %dma_wait3A_171 = arith.constant 0 : i32
      %dma_wait3A_172 = tpu.memref_slice %arg8[%dma_wait3A_170, %dma_wait3A_171] : memref<10240x16xf32, #tpu.memory_space<vmem_shared>> -> memref<10240x16xf32, #tpu.memory_space<vmem_shared>>
      tpu.wait_indirect_dma semaphore(%arg11 : memref<!tpu.dma_semaphore, #tpu.memory_space<semaphore_mem>>) src(%dma_wait3A_166 : memref<80x16xf32, #tpu.memory_space<vmem>>) dst(%dma_wait3A_172 : memref<10240x16xf32, #tpu.memory_space<vmem_shared>>)
      %dma_wait3A_173 = arith.constant 3 : i32
      %dma_wait3A_174 = arith.constant 240 : i32
      %dma_wait3A_175 = arith.constant 0 : i32
      %dma_wait3A_176 = tpu.memref_slice %arg7[%rem3A_46, %dma_wait3A_174, %dma_wait3A_175] : memref<2x400x16xf32, #tpu.memory_space<vmem>> -> memref<1x80x16xf32, #tpu.memory_space<vmem>>
      %dma_wait3A_177 = tpu.memref_squeeze %dma_wait3A_176 : memref<1x80x16xf32, #tpu.memory_space<vmem>> -> memref<80x16xf32, #tpu.memory_space<vmem>>
      %dma_wait3A_178 = arith.constant 0 : i32
      %dma_wait3A_179 = tpu.memref_slice %arg6[%rem3A_46, %dma_wait3A_173, %dma_wait3A_178] : memref<2x5x80xi32, #tpu.memory_space<vmem>> -> memref<1x1x80xi32, #tpu.memory_space<vmem>>
      %dma_wait3A_180 = tpu.memref_squeeze %dma_wait3A_179 : memref<1x1x80xi32, #tpu.memory_space<vmem>> -> memref<80xi32, #tpu.memory_space<vmem>>
      %dma_wait3A_181 = arith.constant 0 : i32
      %dma_wait3A_182 = arith.constant 0 : i32
      %dma_wait3A_183 = tpu.memref_slice %arg8[%dma_wait3A_181, %dma_wait3A_182] : memref<10240x16xf32, #tpu.memory_space<vmem_shared>> -> memref<10240x16xf32, #tpu.memory_space<vmem_shared>>
      tpu.wait_indirect_dma semaphore(%arg11 : memref<!tpu.dma_semaphore, #tpu.memory_space<semaphore_mem>>) src(%dma_wait3A_177 : memref<80x16xf32, #tpu.memory_space<vmem>>) dst(%dma_wait3A_183 : memref<10240x16xf32, #tpu.memory_space<vmem_shared>>)
      %dma_wait3A_184 = arith.constant 4 : i32
      %dma_wait3A_185 = arith.constant 320 : i32
      %dma_wait3A_186 = arith.constant 0 : i32
      %dma_wait3A_187 = tpu.memref_slice %arg7[%rem3A_46, %dma_wait3A_185, %dma_wait3A_186] : memref<2x400x16xf32, #tpu.memory_space<vmem>> -> memref<1x80x16xf32, #tpu.memory_space<vmem>>
      %dma_wait3A_188 = tpu.memref_squeeze %dma_wait3A_187 : memref<1x80x16xf32, #tpu.memory_space<vmem>> -> memref<80x16xf32, #tpu.memory_space<vmem>>
      %dma_wait3A_189 = arith.constant 0 : i32
      %dma_wait3A_190 = tpu.memref_slice %arg6[%rem3A_46, %dma_wait3A_184, %dma_wait3A_189] : memref<2x5x80xi32, #tpu.memory_space<vmem>> -> memref<1x1x80xi32, #tpu.memory_space<vmem>>
      %dma_wait3A_191 = tpu.memref_squeeze %dma_wait3A_190 : memref<1x1x80xi32, #tpu.memory_space<vmem>> -> memref<80xi32, #tpu.memory_space<vmem>>
      %dma_wait3A_192 = arith.constant 0 : i32
      %dma_wait3A_193 = arith.constant 0 : i32
      %dma_wait3A_194 = tpu.memref_slice %arg8[%dma_wait3A_192, %dma_wait3A_193] : memref<10240x16xf32, #tpu.memory_space<vmem_shared>> -> memref<10240x16xf32, #tpu.memory_space<vmem_shared>>
      tpu.wait_indirect_dma semaphore(%arg11 : memref<!tpu.dma_semaphore, #tpu.memory_space<semaphore_mem>>) src(%dma_wait3A_188 : memref<80x16xf32, #tpu.memory_space<vmem>>) dst(%dma_wait3A_194 : memref<10240x16xf32, #tpu.memory_space<vmem_shared>>)
    }
    %scan3A_39 = arith.constant 25 : i32
    %barrier3A_40 = arith.constant 0 : index
    tpu.barrier barrier_id(%barrier3A_40)
    %mul3A_41 = arith.constant 640 : i32
    %mul3A_42 = arith.muli %arg1, %mul3A_41 : i32
    %mul3A_43 = arith.constant 640 : i32
    %mul3A_44 = arith.muli %arg1, %mul3A_43 : i32
    "tpu.region"() ({
      %run_scoped3A = tpu.sem_alloc : memref<!tpu.dma_semaphore, #tpu.memory_space<semaphore_mem>>
      %dma_start3A_45 = arith.constant 0 : i32
      %dma_start3A_46 = tpu.memref_slice %arg5[%arg0, %mul3A_44, %dma_start3A_45] : memref<2x10240x16xf32, #tpu.memory_space<hbm>> -> memref<1x640x16xf32, #tpu.memory_space<hbm>>
      %dma_start3A_47 = tpu.memref_squeeze %dma_start3A_46 : memref<1x640x16xf32, #tpu.memory_space<hbm>> -> memref<640x16xf32, #tpu.memory_space<hbm>>
      %dma_start3A_48 = arith.constant 0 : i32
      %dma_start3A_49 = tpu.memref_slice %arg8[%mul3A_42, %dma_start3A_48] : memref<10240x16xf32, #tpu.memory_space<vmem_shared>> -> memref<640x16xf32, #tpu.memory_space<vmem_shared>>
      tpu.enqueue_dma source(%dma_start3A_49 : memref<640x16xf32, #tpu.memory_space<vmem_shared>>) target(%dma_start3A_47 : memref<640x16xf32, #tpu.memory_space<hbm>>) target_semaphore(%run_scoped3A : memref<!tpu.dma_semaphore, #tpu.memory_space<semaphore_mem>>)
      %dma_wait3A = arith.constant 0 : i32
      %dma_wait3A_50 = tpu.memref_slice %arg5[%arg0, %mul3A_44, %dma_wait3A] : memref<2x10240x16xf32, #tpu.memory_space<hbm>> -> memref<1x640x16xf32, #tpu.memory_space<hbm>>
      %dma_wait3A_51 = tpu.memref_squeeze %dma_wait3A_50 : memref<1x640x16xf32, #tpu.memory_space<hbm>> -> memref<640x16xf32, #tpu.memory_space<hbm>>
      %dma_wait3A_52 = arith.constant 0 : i32
      %dma_wait3A_53 = tpu.memref_slice %arg8[%mul3A_42, %dma_wait3A_52] : memref<10240x16xf32, #tpu.memory_space<vmem_shared>> -> memref<640x16xf32, #tpu.memory_space<vmem_shared>>
      tpu.wait_dma2 semaphore(%run_scoped3A : memref<!tpu.dma_semaphore, #tpu.memory_space<semaphore_mem>>) src(%dma_wait3A_53 : memref<640x16xf32, #tpu.memory_space<vmem_shared>>) dst(%dma_wait3A_51 : memref<640x16xf32, #tpu.memory_space<hbm>>)
      tpu.yield
    }) : () -> ()
    return
  }
}

module attributes {stable_mosaic.version = 14 : i64} {
  func.func @_msg1_body(%arg0: i32, %arg1: memref<1280x128xf32, #tpu.memory_space<vmem>>, %arg2: memref<1280x2xf32, #tpu.memory_space<vmem>>, %arg3: memref<1280x1xi32, #tpu.memory_space<vmem>>, %arg4: memref<75x1280xf32, #tpu.memory_space<vmem>>, %arg5: memref<1280x32xf32, #tpu.memory_space<vmem>>, %arg6: memref<1280x32xf32, #tpu.memory_space<vmem>>) attributes {dimension_semantics = [#tpu.dimension_semantics<arbitrary>], iteration_bounds = array<i64: 250>, scalar_prefetch = 0 : i64, scratch_operands = 0 : i64, tpu.core_type = #tpu.core_type<tc>, window_params = [{transform_indices = @transform_0, window_bounds = array<i64: 1280, 128>}, {transform_indices = @transform_1, window_bounds = array<i64: 1280, 2>}, {transform_indices = @transform_2, window_bounds = array<i64: 1280, 1>}, {pipeline_mode = #tpu.pipeline_mode<synchronous>, transform_indices = @transform_3, window_bounds = array<i64: 75, 1280>}, {pipeline_mode = #tpu.pipeline_mode<synchronous>, transform_indices = @transform_4, window_bounds = array<i64: 1280, 32>}, {transform_indices = @transform_5, window_bounds = array<i64: 1280, 32>}]} {
    %iota3A = tpu.iota {dimensions = array<i32: 1>} : vector<1280x75xi32>
    %jit3A = arith.constant 25 : i32
    %div3A = vector.broadcast %jit3A : i32 to vector<1280x75xi32>
    %div3A_0 = arith.divsi %iota3A, %div3A : vector<1280x75xi32>
    %sign3A = arith.constant 0 : i32
    %sign3A_1 = vector.broadcast %sign3A : i32 to vector<1280x75xi32>
    %sign3A_2 = arith.cmpi sgt, %iota3A, %sign3A_1 : vector<1280x75xi32>
    %sign3A_3 = arith.extui %sign3A_2 : vector<1280x75xi1> to vector<1280x75xi32>
    %sign3A_4 = arith.constant 0 : i32
    %sign3A_5 = vector.broadcast %sign3A_4 : i32 to vector<1280x75xi32>
    %sign3A_6 = arith.cmpi slt, %iota3A, %sign3A_5 : vector<1280x75xi32>
    %sign3A_7 = arith.extui %sign3A_6 : vector<1280x75xi1> to vector<1280x75xi32>
    %sign3A_8 = arith.subi %sign3A_3, %sign3A_7 : vector<1280x75xi32>
    %sign3A_9 = arith.constant 0 : i32
    %sign3A_10 = arith.cmpi sgt, %jit3A, %sign3A_9 : i32
    %sign3A_11 = arith.extui %sign3A_10 : i1 to i32
    %sign3A_12 = arith.constant 0 : i32
    %sign3A_13 = arith.cmpi slt, %jit3A, %sign3A_12 : i32
    %sign3A_14 = arith.extui %sign3A_13 : i1 to i32
    %sign3A_15 = arith.subi %sign3A_11, %sign3A_14 : i32
    %ne3A = vector.broadcast %sign3A_15 : i32 to vector<1280x75xi32>
    %ne3A_16 = arith.cmpi ne, %sign3A_8, %ne3A : vector<1280x75xi32>
    %rem3A = vector.broadcast %jit3A : i32 to vector<1280x75xi32>
    %rem3A_17 = arith.remsi %iota3A, %rem3A : vector<1280x75xi32>
    %ne3A_18 = arith.constant 0 : i32
    %ne3A_19 = vector.broadcast %ne3A_18 : i32 to vector<1280x75xi32>
    %ne3A_20 = arith.cmpi ne, %rem3A_17, %ne3A_19 : vector<1280x75xi32>
    %and3A = arith.andi %ne3A_16, %ne3A_20 : vector<1280x75xi1>
    %sub3A = arith.constant 1 : i32
    %sub3A_21 = vector.broadcast %sub3A : i32 to vector<1280x75xi32>
    %sub3A_22 = arith.subi %div3A_0, %sub3A_21 : vector<1280x75xi32>
    %select_n3A = arith.select %and3A, %sub3A_22, %div3A_0 : vector<1280x75xi1>, vector<1280x75xi32>
    %mul3A = arith.constant 25 : i32
    %mul3A_23 = vector.broadcast %mul3A : i32 to vector<1280x75xi32>
    %mul3A_24 = arith.muli %mul3A_23, %select_n3A : vector<1280x75xi32>
    %sub3A_25 = arith.subi %iota3A, %mul3A_24 : vector<1280x75xi32>
    %get3A = arith.constant 0 : index
    %get3A_26 = arith.constant 0 : index
    %get3A_27 = vector.load %arg3[%get3A, %get3A_26] : memref<1280x1xi32, #tpu.memory_space<vmem>>, vector<1280x1xi32>
    %eq3A = vector.broadcast %get3A_27 : vector<1280x1xi32> to vector<1280x75xi32>
    %eq3A_28 = arith.cmpi eq, %eq3A, %sub3A_25 : vector<1280x75xi32>
    %convert_element_type3A = arith.extui %eq3A_28 : vector<1280x75xi1> to vector<1280x75xi32>
    %convert_element_type3A_29 = arith.sitofp %convert_element_type3A : vector<1280x75xi32> to vector<1280x75xf32>
    %get3A_30 = arith.constant 0 : index
    %get3A_31 = arith.constant 0 : index
    %get3A_32 = vector.load %arg2[%get3A_30, %get3A_31] : memref<1280x2xf32, #tpu.memory_space<vmem>>, vector<1280x2xf32>
    %lt3A = arith.constant 25 : i32
    %lt3A_33 = vector.broadcast %lt3A : i32 to vector<1280x75xi32>
    %lt3A_34 = arith.cmpi slt, %iota3A, %lt3A_33 : vector<1280x75xi32>
    %slice3A = vector.extract_strided_slice %get3A_32 {offsets = [0, 0], sizes = [1280, 1], strides = [1, 1]} : vector<1280x2xf32> to vector<1280x1xf32>
    %lt3A_35 = arith.constant 50 : i32
    %lt3A_36 = vector.broadcast %lt3A_35 : i32 to vector<1280x75xi32>
    %lt3A_37 = arith.cmpi slt, %iota3A, %lt3A_36 : vector<1280x75xi32>
    %slice3A_38 = vector.extract_strided_slice %get3A_32 {offsets = [0, 1], sizes = [1280, 1], strides = [1, 1]} : vector<1280x2xf32> to vector<1280x1xf32>
    %jit3A_39 = arith.constant 1.000000e+00 : f32
    %broadcast_in_dim3A = vector.shape_cast %slice3A_38 : vector<1280x1xf32> to vector<1280x1xf32>
    %broadcast_in_dim3A_40 = vector.broadcast %broadcast_in_dim3A : vector<1280x1xf32> to vector<1280x75xf32>
    %broadcast_in_dim3A_41 = vector.broadcast %jit3A_39 : f32 to vector<1280x75xf32>
    %select_n3A_42 = arith.select %lt3A_37, %broadcast_in_dim3A_40, %broadcast_in_dim3A_41 : vector<1280x75xi1>, vector<1280x75xf32>
    %broadcast_in_dim3A_43 = vector.shape_cast %slice3A : vector<1280x1xf32> to vector<1280x1xf32>
    %broadcast_in_dim3A_44 = vector.broadcast %broadcast_in_dim3A_43 : vector<1280x1xf32> to vector<1280x75xf32>
    %select_n3A_45 = arith.select %lt3A_34, %broadcast_in_dim3A_44, %select_n3A_42 : vector<1280x75xi1>, vector<1280x75xf32>
    %mul3A_46 = arith.mulf %convert_element_type3A_29, %select_n3A_45 : vector<1280x75xf32>
    %get3A_47 = arith.constant 0 : index
    %get3A_48 = arith.constant 0 : index
    %get3A_49 = vector.load %arg4[%get3A_47, %get3A_48] : memref<75x1280xf32, #tpu.memory_space<vmem>>, vector<75x1280xf32>
    %dot_general3A = arith.constant dense<0.000000e+00> : vector<1280x1280xf32>
    %dot_general3A_50 = tpu.matmul %mul3A_46, %get3A_49, %dot_general3A {dimension_numbers = #tpu.dot_dimension_numbers<[1], [0], [0], [1], [0, 0, 1, 1], [], []>, transpose_lhs_hint = false} : vector<1280x75xf32>, vector<75x1280xf32>, vector<1280x1280xf32> -> vector<1280x1280xf32>
    %get3A_51 = arith.constant 0 : index
    %get3A_52 = arith.constant 0 : index
    %get3A_53 = vector.load %arg1[%get3A_51, %get3A_52] : memref<1280x128xf32, #tpu.memory_space<vmem>>, vector<1280x128xf32>
    %concatenate3A = tpu.concatenate %get3A_53, %get3A_53, %get3A_53, %get3A_53, %get3A_53, %get3A_53, %get3A_53, %get3A_53, %get3A_53, %get3A_53 in 1 : vector<1280x128xf32>, vector<1280x128xf32>, vector<1280x128xf32>, vector<1280x128xf32>, vector<1280x128xf32>, vector<1280x128xf32>, vector<1280x128xf32>, vector<1280x128xf32>, vector<1280x128xf32>, vector<1280x128xf32> -> vector<1280x1280xf32>
    %max3A = arith.constant 0.000000e+00 : f32
    %max3A_54 = vector.broadcast %max3A : f32 to vector<1280x1280xf32>
    %max3A_55 = arith.maximumf %dot_general3A_50, %max3A_54 : vector<1280x1280xf32>
    %mul3A_56 = arith.mulf %max3A_55, %concatenate3A : vector<1280x1280xf32>
    %get3A_57 = arith.constant 0 : index
    %get3A_58 = arith.constant 0 : index
    %get3A_59 = vector.load %arg5[%get3A_57, %get3A_58] : memref<1280x32xf32, #tpu.memory_space<vmem>>, vector<1280x32xf32>
    %dot_general3A_60 = arith.constant dense<0.000000e+00> : vector<1280x32xf32>
    %dot_general3A_61 = tpu.matmul %mul3A_56, %get3A_59, %dot_general3A_60 {dimension_numbers = #tpu.dot_dimension_numbers<[1], [0], [0], [1], [0, 0, 1, 1], [], []>, transpose_lhs_hint = false} : vector<1280x1280xf32>, vector<1280x32xf32>, vector<1280x32xf32> -> vector<1280x32xf32>
    %iota3A_62 = tpu.iota {dimensions = array<i32: 1>} : vector<1280x32xi32>
    %eq3A_63 = arith.constant 16 : i32
    %eq3A_64 = vector.broadcast %eq3A_63 : i32 to vector<1280x32xi32>
    %eq3A_65 = arith.cmpi eq, %iota3A_62, %eq3A_64 : vector<1280x32xi32>
    %convert_element_type3A_66 = arith.extui %eq3A_65 : vector<1280x32xi1> to vector<1280x32xi32>
    %convert_element_type3A_67 = arith.sitofp %convert_element_type3A_66 : vector<1280x32xi32> to vector<1280x32xf32>
    %add3A = arith.addf %dot_general3A_61, %convert_element_type3A_67 : vector<1280x32xf32>
    %swap3A = arith.constant 0 : index
    %swap3A_68 = arith.constant 0 : index
    %swap3A_69 = vector.load %arg6[%swap3A, %swap3A_68] : memref<1280x32xf32, #tpu.memory_space<vmem>>, vector<1280x32xf32>
    tpu.vector_store %arg6[%swap3A, %swap3A_68], %add3A {strides = array<i32>} : memref<1280x32xf32, #tpu.memory_space<vmem>>, vector<1280x32xf32>,
    return
  }
  func.func @transform_0(%arg0: i32) -> (i32, i32) {
    %c0_i32 = arith.constant 0 : i32
    %c0_i32_0 = arith.constant 0 : i32
    return %arg0, %c0_i32 : i32, i32
  }
  func.func @transform_1(%arg0: i32) -> (i32, i32) {
    %c0_i32 = arith.constant 0 : i32
    %c0_i32_0 = arith.constant 0 : i32
    return %arg0, %c0_i32 : i32, i32
  }
  func.func @transform_2(%arg0: i32) -> (i32, i32) {
    %c0_i32 = arith.constant 0 : i32
    %c0_i32_0 = arith.constant 0 : i32
    return %arg0, %c0_i32 : i32, i32
  }
  func.func @transform_3(%arg0: i32) -> (i32, i32) {
    %c0_i32 = arith.constant 0 : i32
    %c0_i32_0 = arith.constant 0 : i32
    %c0_i32_1 = arith.constant 0 : i32
    return %c0_i32, %c0_i32_0 : i32, i32
  }
  func.func @transform_4(%arg0: i32) -> (i32, i32) {
    %c0_i32 = arith.constant 0 : i32
    %c0_i32_0 = arith.constant 0 : i32
    %c0_i32_1 = arith.constant 0 : i32
    return %c0_i32, %c0_i32_0 : i32, i32
  }
  func.func @transform_5(%arg0: i32) -> (i32, i32) {
    %c0_i32 = arith.constant 0 : i32
    %c0_i32_0 = arith.constant 0 : i32
    return %arg0, %c0_i32 : i32, i32
  }
}

module attributes {stable_mosaic.version = 14 : i64} {
  func.func @_aggr1_body(%arg0: i32, %arg1: memref<2x2000x32xf32, #tpu.memory_space<vmem>>, %arg2: memref<2000x128xf32, #tpu.memory_space<vmem>>, %arg3: memref<128x16xf32, #tpu.memory_space<vmem>>, %arg4: memref<1x16xf32, #tpu.memory_space<vmem>>, %arg5: memref<2000x16xf32, #tpu.memory_space<vmem>>, %arg6: memref<2000x1xf32, #tpu.memory_space<vmem>>) attributes {dimension_semantics = [#tpu.dimension_semantics<arbitrary>], iteration_bounds = array<i64: 5>, scalar_prefetch = 0 : i64, scratch_operands = 0 : i64, tpu.core_type = #tpu.core_type<tc>, window_params = [{transform_indices = @transform_0, window_bounds = array<i64: 2, 2000, 32>}, {transform_indices = @transform_1, window_bounds = array<i64: 2000, 128>}, {pipeline_mode = #tpu.pipeline_mode<synchronous>, transform_indices = @transform_2, window_bounds = array<i64: 128, 16>}, {pipeline_mode = #tpu.pipeline_mode<synchronous>, transform_indices = @transform_3, window_bounds = array<i64: 1, 16>}, {transform_indices = @transform_4, window_bounds = array<i64: 2000, 16>}, {transform_indices = @transform_5, window_bounds = array<i64: 2000, 1>}]} {
    %get3A = arith.constant 0 : index
    %get3A_0 = arith.constant 0 : index
    %get3A_1 = arith.constant 0 : index
    %get3A_2 = vector.load %arg1[%get3A, %get3A_0, %get3A_1] : memref<2x2000x32xf32, #tpu.memory_space<vmem>>, vector<1x2000x32xf32>
    %get3A_3 = vector.shape_cast %get3A_2 : vector<1x2000x32xf32> to vector<2000x32xf32>
    %get3A_4 = arith.constant 1 : index
    %get3A_5 = arith.constant 0 : index
    %get3A_6 = arith.constant 0 : index
    %get3A_7 = vector.load %arg1[%get3A_4, %get3A_5, %get3A_6] : memref<2x2000x32xf32, #tpu.memory_space<vmem>>, vector<1x2000x32xf32>
    %get3A_8 = vector.shape_cast %get3A_7 : vector<1x2000x32xf32> to vector<2000x32xf32>
    %add3A = arith.addf %get3A_3, %get3A_8 : vector<2000x32xf32>
    %slice3A = vector.extract_strided_slice %add3A {offsets = [0, 16], sizes = [2000, 1], strides = [1, 1]} : vector<2000x32xf32> to vector<2000x1xf32>
    %max3A = arith.constant 1.000000e+00 : f32
    %max3A_9 = vector.broadcast %max3A : f32 to vector<2000x1xf32>
    %max3A_10 = arith.maximumf %slice3A, %max3A_9 : vector<2000x1xf32>
    %div3A = arith.constant 1.000000e+00 : f32
    %div3A_11 = vector.broadcast %div3A : f32 to vector<2000x1xf32>
    %div3A_12 = arith.divf %div3A_11, %max3A_10 : vector<2000x1xf32>
    %slice3A_13 = vector.extract_strided_slice %add3A {offsets = [0, 0], sizes = [2000, 16], strides = [1, 1]} : vector<2000x32xf32> to vector<2000x16xf32>
    %mul3A = vector.broadcast %div3A_12 : vector<2000x1xf32> to vector<2000x16xf32>
    %mul3A_14 = arith.mulf %slice3A_13, %mul3A : vector<2000x16xf32>
    %get3A_15 = arith.constant 0 : index
    %get3A_16 = arith.constant 0 : index
    %get3A_17 = vector.load %arg2[%get3A_15, %get3A_16] : memref<2000x128xf32, #tpu.memory_space<vmem>>, vector<2000x128xf32>
    %get3A_18 = arith.constant 0 : index
    %get3A_19 = arith.constant 0 : index
    %get3A_20 = vector.load %arg3[%get3A_18, %get3A_19] : memref<128x16xf32, #tpu.memory_space<vmem>>, vector<128x16xf32>
    %dot_general3A = arith.constant dense<0.000000e+00> : vector<2000x16xf32>
    %dot_general3A_21 = tpu.matmul %get3A_17, %get3A_20, %dot_general3A {dimension_numbers = #tpu.dot_dimension_numbers<[1], [0], [0], [1], [0, 0, 1, 1], [], []>, transpose_lhs_hint = false} : vector<2000x128xf32>, vector<128x16xf32>, vector<2000x16xf32> -> vector<2000x16xf32>
    %add3A_22 = arith.addf %mul3A_14, %dot_general3A_21 : vector<2000x16xf32>
    %get3A_23 = arith.constant 0 : index
    %get3A_24 = arith.constant 0 : index
    %get3A_25 = vector.load %arg4[%get3A_23, %get3A_24] : memref<1x16xf32, #tpu.memory_space<vmem>>, vector<1x16xf32>
    %add3A_26 = vector.broadcast %get3A_25 : vector<1x16xf32> to vector<2000x16xf32>
    %add3A_27 = arith.addf %add3A_22, %add3A_26 : vector<2000x16xf32>
    %max3A_28 = arith.constant 0.000000e+00 : f32
    %max3A_29 = vector.broadcast %max3A_28 : f32 to vector<2000x16xf32>
    %max3A_30 = arith.maximumf %add3A_27, %max3A_29 : vector<2000x16xf32>
    %swap3A = arith.constant 0 : index
    %swap3A_31 = arith.constant 0 : index
    %swap3A_32 = vector.load %arg5[%swap3A, %swap3A_31] : memref<2000x16xf32, #tpu.memory_space<vmem>>, vector<2000x16xf32>
    tpu.vector_store %arg5[%swap3A, %swap3A_31], %max3A_30 {strides = array<i32>} : memref<2000x16xf32, #tpu.memory_space<vmem>>, vector<2000x16xf32>,
    %swap3A_33 = arith.constant 0 : index
    %swap3A_34 = arith.constant 0 : index
    %swap3A_35 = vector.load %arg6[%swap3A_33, %swap3A_34] : memref<2000x1xf32, #tpu.memory_space<vmem>>, vector<2000x1xf32>
    tpu.vector_store %arg6[%swap3A_33, %swap3A_34], %slice3A {strides = array<i32>} : memref<2000x1xf32, #tpu.memory_space<vmem>>, vector<2000x1xf32>,
    return
  }
  func.func @transform_0(%arg0: i32) -> (i32, i32, i32) {
    %c0_i32 = arith.constant 0 : i32
    %c0_i32_0 = arith.constant 0 : i32
    %c0_i32_1 = arith.constant 0 : i32
    return %c0_i32, %arg0, %c0_i32_0 : i32, i32, i32
  }
  func.func @transform_1(%arg0: i32) -> (i32, i32) {
    %c0_i32 = arith.constant 0 : i32
    %c0_i32_0 = arith.constant 0 : i32
    return %arg0, %c0_i32 : i32, i32
  }
  func.func @transform_2(%arg0: i32) -> (i32, i32) {
    %c0_i32 = arith.constant 0 : i32
    %c0_i32_0 = arith.constant 0 : i32
    %c0_i32_1 = arith.constant 0 : i32
    return %c0_i32, %c0_i32_0 : i32, i32
  }
  func.func @transform_3(%arg0: i32) -> (i32, i32) {
    %c0_i32 = arith.constant 0 : i32
    %c0_i32_0 = arith.constant 0 : i32
    %c0_i32_1 = arith.constant 0 : i32
    return %c0_i32, %c0_i32_0 : i32, i32
  }
  func.func @transform_4(%arg0: i32) -> (i32, i32) {
    %c0_i32 = arith.constant 0 : i32
    %c0_i32_0 = arith.constant 0 : i32
    return %arg0, %c0_i32 : i32, i32
  }
  func.func @transform_5(%arg0: i32) -> (i32, i32) {
    %c0_i32 = arith.constant 0 : i32
    %c0_i32_0 = arith.constant 0 : i32
    return %arg0, %c0_i32 : i32, i32
  }
}

module attributes {stable_mosaic.version = 14 : i64} {
  func.func @_msg23_body(%arg0: i32, %arg1: memref<800x128xf32, #tpu.memory_space<vmem>>, %arg2: memref<800x128xf32, #tpu.memory_space<vmem>>, %arg3: memref<128x200xf32, #tpu.memory_space<vmem>>, %arg4: memref<128x200xf32, #tpu.memory_space<vmem>>, %arg5: memref<128x200xf32, #tpu.memory_space<vmem>>, %arg6: memref<200x800xf32, #tpu.memory_space<vmem>>, %arg7: memref<200x800xf32, #tpu.memory_space<vmem>>, %arg8: memref<200x800xf32, #tpu.memory_space<vmem>>, %arg9: memref<128x800xf32, #tpu.memory_space<vmem>>, %arg10: memref<800x128xf32, #tpu.memory_space<vmem>>, %arg11: memref<800x128xf32, #tpu.memory_space<vmem>>) attributes {dimension_semantics = [#tpu.dimension_semantics<arbitrary>], iteration_bounds = array<i64: 50>, scalar_prefetch = 0 : i64, scratch_operands = 0 : i64, tpu.core_type = #tpu.core_type<tc>, window_params = [{transform_indices = @transform_0, window_bounds = array<i64: 800, 128>}, {transform_indices = @transform_1, window_bounds = array<i64: 800, 128>}, {pipeline_mode = #tpu.pipeline_mode<synchronous>, transform_indices = @transform_2, window_bounds = array<i64: 128, 200>}, {pipeline_mode = #tpu.pipeline_mode<synchronous>, transform_indices = @transform_3, window_bounds = array<i64: 128, 200>}, {pipeline_mode = #tpu.pipeline_mode<synchronous>, transform_indices = @transform_4, window_bounds = array<i64: 128, 200>}, {pipeline_mode = #tpu.pipeline_mode<synchronous>, transform_indices = @transform_5, window_bounds = array<i64: 200, 800>}, {pipeline_mode = #tpu.pipeline_mode<synchronous>, transform_indices = @transform_6, window_bounds = array<i64: 200, 800>}, {pipeline_mode = #tpu.pipeline_mode<synchronous>, transform_indices = @transform_7, window_bounds = array<i64: 200, 800>}, {pipeline_mode = #tpu.pipeline_mode<synchronous>, transform_indices = @transform_8, window_bounds = array<i64: 128, 800>}, {pipeline_mode = #tpu.pipeline_mode<synchronous>, transform_indices = @transform_9, window_bounds = array<i64: 800, 128>}, {transform_indices = @transform_10, window_bounds = array<i64: 800, 128>}]} {
    %get3A = arith.constant 0 : index
    %get3A_0 = arith.constant 0 : index
    %get3A_1 = vector.load %arg2[%get3A, %get3A_0] : memref<800x128xf32, #tpu.memory_space<vmem>>, vector<800x128xf32>
    %get3A_2 = arith.constant 0 : index
    %get3A_3 = arith.constant 0 : index
    %get3A_4 = vector.load %arg3[%get3A_2, %get3A_3] : memref<128x200xf32, #tpu.memory_space<vmem>>, vector<128x200xf32>
    %dot_general3A = arith.constant dense<0.000000e+00> : vector<800x200xf32>
    %dot_general3A_5 = tpu.matmul %get3A_1, %get3A_4, %dot_general3A {dimension_numbers = #tpu.dot_dimension_numbers<[1], [0], [0], [1], [0, 0, 1, 1], [], []>, transpose_lhs_hint = false} : vector<800x128xf32>, vector<128x200xf32>, vector<800x200xf32> -> vector<800x200xf32>
    %get3A_6 = arith.constant 0 : index
    %get3A_7 = arith.constant 0 : index
    %get3A_8 = vector.load %arg4[%get3A_6, %get3A_7] : memref<128x200xf32, #tpu.memory_space<vmem>>, vector<128x200xf32>
    %dot_general3A_9 = arith.constant dense<0.000000e+00> : vector<800x200xf32>
    %dot_general3A_10 = tpu.matmul %get3A_1, %get3A_8, %dot_general3A_9 {dimension_numbers = #tpu.dot_dimension_numbers<[1], [0], [0], [1], [0, 0, 1, 1], [], []>, transpose_lhs_hint = false} : vector<800x128xf32>, vector<128x200xf32>, vector<800x200xf32> -> vector<800x200xf32>
    %get3A_11 = arith.constant 0 : index
    %get3A_12 = arith.constant 0 : index
    %get3A_13 = vector.load %arg5[%get3A_11, %get3A_12] : memref<128x200xf32, #tpu.memory_space<vmem>>, vector<128x200xf32>
    %dot_general3A_14 = arith.constant dense<0.000000e+00> : vector<800x200xf32>
    %dot_general3A_15 = tpu.matmul %get3A_1, %get3A_13, %dot_general3A_14 {dimension_numbers = #tpu.dot_dimension_numbers<[1], [0], [0], [1], [0, 0, 1, 1], [], []>, transpose_lhs_hint = false} : vector<800x128xf32>, vector<128x200xf32>, vector<800x200xf32> -> vector<800x200xf32>
    %iota3A = tpu.iota {dimensions = array<i32: 1>} : vector<800x200xi32>
    %jit3A = arith.constant 25 : i32
    %div3A = vector.broadcast %jit3A : i32 to vector<800x200xi32>
    %div3A_16 = arith.divsi %iota3A, %div3A : vector<800x200xi32>
    %sign3A = arith.constant 0 : i32
    %sign3A_17 = vector.broadcast %sign3A : i32 to vector<800x200xi32>
    %sign3A_18 = arith.cmpi sgt, %iota3A, %sign3A_17 : vector<800x200xi32>
    %sign3A_19 = arith.extui %sign3A_18 : vector<800x200xi1> to vector<800x200xi32>
    %sign3A_20 = arith.constant 0 : i32
    %sign3A_21 = vector.broadcast %sign3A_20 : i32 to vector<800x200xi32>
    %sign3A_22 = arith.cmpi slt, %iota3A, %sign3A_21 : vector<800x200xi32>
    %sign3A_23 = arith.extui %sign3A_22 : vector<800x200xi1> to vector<800x200xi32>
    %sign3A_24 = arith.subi %sign3A_19, %sign3A_23 : vector<800x200xi32>
    %sign3A_25 = arith.constant 0 : i32
    %sign3A_26 = arith.cmpi sgt, %jit3A, %sign3A_25 : i32
    %sign3A_27 = arith.extui %sign3A_26 : i1 to i32
    %sign3A_28 = arith.constant 0 : i32
    %sign3A_29 = arith.cmpi slt, %jit3A, %sign3A_28 : i32
    %sign3A_30 = arith.extui %sign3A_29 : i1 to i32
    %sign3A_31 = arith.subi %sign3A_27, %sign3A_30 : i32
    %ne3A = vector.broadcast %sign3A_31 : i32 to vector<800x200xi32>
    %ne3A_32 = arith.cmpi ne, %sign3A_24, %ne3A : vector<800x200xi32>
    %rem3A = vector.broadcast %jit3A : i32 to vector<800x200xi32>
    %rem3A_33 = arith.remsi %iota3A, %rem3A : vector<800x200xi32>
    %ne3A_34 = arith.constant 0 : i32
    %ne3A_35 = vector.broadcast %ne3A_34 : i32 to vector<800x200xi32>
    %ne3A_36 = arith.cmpi ne, %rem3A_33, %ne3A_35 : vector<800x200xi32>
    %and3A = arith.andi %ne3A_32, %ne3A_36 : vector<800x200xi1>
    %sub3A = arith.constant 1 : i32
    %sub3A_37 = vector.broadcast %sub3A : i32 to vector<800x200xi32>
    %sub3A_38 = arith.subi %div3A_16, %sub3A_37 : vector<800x200xi32>
    %select_n3A = arith.select %and3A, %sub3A_38, %div3A_16 : vector<800x200xi1>, vector<800x200xi32>
    %mul3A = arith.constant 25 : i32
    %mul3A_39 = vector.broadcast %mul3A : i32 to vector<800x200xi32>
    %mul3A_40 = arith.muli %mul3A_39, %select_n3A : vector<800x200xi32>
    %sub3A_41 = arith.subi %iota3A, %mul3A_40 : vector<800x200xi32>
    %convert_element_type3A = arith.sitofp %sub3A_41 : vector<800x200xi32> to vector<800x200xf32>
    %eq3A = arith.cmpf oeq, %dot_general3A_5, %convert_element_type3A : vector<800x200xf32>
    %convert_element_type3A_42 = arith.extui %eq3A : vector<800x200xi1> to vector<800x200xi32>
    %convert_element_type3A_43 = arith.sitofp %convert_element_type3A_42 : vector<800x200xi32> to vector<800x200xf32>
    %mul3A_44 = arith.mulf %convert_element_type3A_43, %dot_general3A_10 : vector<800x200xf32>
    %get3A_45 = arith.constant 0 : index
    %get3A_46 = arith.constant 0 : index
    %get3A_47 = vector.load %arg6[%get3A_45, %get3A_46] : memref<200x800xf32, #tpu.memory_space<vmem>>, vector<200x800xf32>
    %dot_general3A_48 = arith.constant dense<0.000000e+00> : vector<800x800xf32>
    %dot_general3A_49 = tpu.matmul %mul3A_44, %get3A_47, %dot_general3A_48 {dimension_numbers = #tpu.dot_dimension_numbers<[1], [0], [0], [1], [0, 0, 1, 1], [], []>, transpose_lhs_hint = false} : vector<800x200xf32>, vector<200x800xf32>, vector<800x800xf32> -> vector<800x800xf32>
    %mul3A_50 = arith.mulf %convert_element_type3A_43, %dot_general3A_15 : vector<800x200xf32>
    %get3A_51 = arith.constant 0 : index
    %get3A_52 = arith.constant 0 : index
    %get3A_53 = vector.load %arg7[%get3A_51, %get3A_52] : memref<200x800xf32, #tpu.memory_space<vmem>>, vector<200x800xf32>
    %dot_general3A_54 = arith.constant dense<0.000000e+00> : vector<800x800xf32>
    %dot_general3A_55 = tpu.matmul %mul3A_50, %get3A_53, %dot_general3A_54 {dimension_numbers = #tpu.dot_dimension_numbers<[1], [0], [0], [1], [0, 0, 1, 1], [], []>, transpose_lhs_hint = false} : vector<800x200xf32>, vector<200x800xf32>, vector<800x800xf32> -> vector<800x800xf32>
    %add3A = arith.addf %dot_general3A_49, %dot_general3A_55 : vector<800x800xf32>
    %get3A_56 = arith.constant 0 : index
    %get3A_57 = arith.constant 0 : index
    %get3A_58 = vector.load %arg8[%get3A_56, %get3A_57] : memref<200x800xf32, #tpu.memory_space<vmem>>, vector<200x800xf32>
    %dot_general3A_59 = arith.constant dense<0.000000e+00> : vector<800x800xf32>
    %dot_general3A_60 = tpu.matmul %convert_element_type3A_43, %get3A_58, %dot_general3A_59 {dimension_numbers = #tpu.dot_dimension_numbers<[1], [0], [0], [1], [0, 0, 1, 1], [], []>, transpose_lhs_hint = false} : vector<800x200xf32>, vector<200x800xf32>, vector<800x800xf32> -> vector<800x800xf32>
    %add3A_61 = arith.addf %add3A, %dot_general3A_60 : vector<800x800xf32>
    %get3A_62 = arith.constant 0 : index
    %get3A_63 = arith.constant 0 : index
    %get3A_64 = vector.load %arg1[%get3A_62, %get3A_63] : memref<800x128xf32, #tpu.memory_space<vmem>>, vector<800x128xf32>
    %get3A_65 = arith.constant 0 : index
    %get3A_66 = arith.constant 0 : index
    %get3A_67 = vector.load %arg9[%get3A_65, %get3A_66] : memref<128x800xf32, #tpu.memory_space<vmem>>, vector<128x800xf32>
    %dot_general3A_68 = arith.constant dense<0.000000e+00> : vector<800x800xf32>
    %dot_general3A_69 = tpu.matmul %get3A_64, %get3A_67, %dot_general3A_68 {dimension_numbers = #tpu.dot_dimension_numbers<[1], [0], [0], [1], [0, 0, 1, 1], [], []>, transpose_lhs_hint = false} : vector<800x128xf32>, vector<128x800xf32>, vector<800x800xf32> -> vector<800x800xf32>
    %max3A = arith.constant 0.000000e+00 : f32
    %max3A_70 = vector.broadcast %max3A : f32 to vector<800x800xf32>
    %max3A_71 = arith.maximumf %add3A_61, %max3A_70 : vector<800x800xf32>
    %mul3A_72 = arith.mulf %max3A_71, %dot_general3A_69 : vector<800x800xf32>
    %get3A_73 = arith.constant 0 : index
    %get3A_74 = arith.constant 0 : index
    %get3A_75 = vector.load %arg10[%get3A_73, %get3A_74] : memref<800x128xf32, #tpu.memory_space<vmem>>, vector<800x128xf32>
    %dot_general3A_76 = arith.constant dense<0.000000e+00> : vector<800x128xf32>
    %dot_general3A_77 = tpu.matmul %mul3A_72, %get3A_75, %dot_general3A_76 {dimension_numbers = #tpu.dot_dimension_numbers<[1], [0], [0], [1], [0, 0, 1, 1], [], []>, transpose_lhs_hint = false} : vector<800x800xf32>, vector<800x128xf32>, vector<800x128xf32> -> vector<800x128xf32>
    %swap3A = arith.constant 0 : index
    %swap3A_78 = arith.constant 0 : index
    %swap3A_79 = vector.load %arg11[%swap3A, %swap3A_78] : memref<800x128xf32, #tpu.memory_space<vmem>>, vector<800x128xf32>
    tpu.vector_store %arg11[%swap3A, %swap3A_78], %dot_general3A_77 {strides = array<i32>} : memref<800x128xf32, #tpu.memory_space<vmem>>, vector<800x128xf32>,
    return
  }
  func.func @transform_0(%arg0: i32) -> (i32, i32) {
    %c0_i32 = arith.constant 0 : i32
    %c0_i32_0 = arith.constant 0 : i32
    return %arg0, %c0_i32 : i32, i32
  }
  func.func @transform_1(%arg0: i32) -> (i32, i32) {
    %c0_i32 = arith.constant 0 : i32
    %c0_i32_0 = arith.constant 0 : i32
    return %arg0, %c0_i32 : i32, i32
  }
  func.func @transform_2(%arg0: i32) -> (i32, i32) {
    %c0_i32 = arith.constant 0 : i32
    %c0_i32_0 = arith.constant 0 : i32
    %c0_i32_1 = arith.constant 0 : i32
    return %c0_i32, %c0_i32_0 : i32, i32
  }
  func.func @transform_3(%arg0: i32) -> (i32, i32) {
    %c0_i32 = arith.constant 0 : i32
    %c0_i32_0 = arith.constant 0 : i32
    %c0_i32_1 = arith.constant 0 : i32
    return %c0_i32, %c0_i32_0 : i32, i32
  }
  func.func @transform_4(%arg0: i32) -> (i32, i32) {
    %c0_i32 = arith.constant 0 : i32
    %c0_i32_0 = arith.constant 0 : i32
    %c0_i32_1 = arith.constant 0 : i32
    return %c0_i32, %c0_i32_0 : i32, i32
  }
  func.func @transform_5(%arg0: i32) -> (i32, i32) {
    %c0_i32 = arith.constant 0 : i32
    %c0_i32_0 = arith.constant 0 : i32
    %c0_i32_1 = arith.constant 0 : i32
    return %c0_i32, %c0_i32_0 : i32, i32
  }
  func.func @transform_6(%arg0: i32) -> (i32, i32) {
    %c0_i32 = arith.constant 0 : i32
    %c0_i32_0 = arith.constant 0 : i32
    %c0_i32_1 = arith.constant 0 : i32
    return %c0_i32, %c0_i32_0 : i32, i32
  }
  func.func @transform_7(%arg0: i32) -> (i32, i32) {
    %c0_i32 = arith.constant 0 : i32
    %c0_i32_0 = arith.constant 0 : i32
    %c0_i32_1 = arith.constant 0 : i32
    return %c0_i32, %c0_i32_0 : i32, i32
  }
  func.func @transform_8(%arg0: i32) -> (i32, i32) {
    %c0_i32 = arith.constant 0 : i32
    %c0_i32_0 = arith.constant 0 : i32
    %c0_i32_1 = arith.constant 0 : i32
    return %c0_i32, %c0_i32_0 : i32, i32
  }
  func.func @transform_9(%arg0: i32) -> (i32, i32) {
    %c0_i32 = arith.constant 0 : i32
    %c0_i32_0 = arith.constant 0 : i32
    %c0_i32_1 = arith.constant 0 : i32
    return %c0_i32, %c0_i32_0 : i32, i32
  }
  func.func @transform_10(%arg0: i32) -> (i32, i32) {
    %c0_i32 = arith.constant 0 : i32
    %c0_i32_0 = arith.constant 0 : i32
    return %arg0, %c0_i32 : i32, i32
  }
}

module attributes {stable_mosaic.version = 14 : i64} {
  func.func @_aggr23_body(%arg0: i32, %arg1: memref<2x2000x16xf32, #tpu.memory_space<vmem>>, %arg2: memref<2000x16xf32, #tpu.memory_space<vmem>>, %arg3: memref<2000x1xf32, #tpu.memory_space<vmem>>, %arg4: memref<16x16xf32, #tpu.memory_space<vmem>>, %arg5: memref<1x16xf32, #tpu.memory_space<vmem>>, %arg6: memref<2000x16xf32, #tpu.memory_space<vmem>>) attributes {dimension_semantics = [#tpu.dimension_semantics<arbitrary>], iteration_bounds = array<i64: 5>, scalar_prefetch = 0 : i64, scratch_operands = 0 : i64, tpu.core_type = #tpu.core_type<tc>, window_params = [{transform_indices = @transform_0, window_bounds = array<i64: 2, 2000, 16>}, {transform_indices = @transform_1, window_bounds = array<i64: 2000, 16>}, {transform_indices = @transform_2, window_bounds = array<i64: 2000, 1>}, {pipeline_mode = #tpu.pipeline_mode<synchronous>, transform_indices = @transform_3, window_bounds = array<i64: 16, 16>}, {pipeline_mode = #tpu.pipeline_mode<synchronous>, transform_indices = @transform_4, window_bounds = array<i64: 1, 16>}, {transform_indices = @transform_5, window_bounds = array<i64: 2000, 16>}]} {
    %get3A = arith.constant 0 : index
    %get3A_0 = arith.constant 0 : index
    %get3A_1 = arith.constant 0 : index
    %get3A_2 = vector.load %arg1[%get3A, %get3A_0, %get3A_1] : memref<2x2000x16xf32, #tpu.memory_space<vmem>>, vector<1x2000x16xf32>
    %get3A_3 = vector.shape_cast %get3A_2 : vector<1x2000x16xf32> to vector<2000x16xf32>
    %get3A_4 = arith.constant 1 : index
    %get3A_5 = arith.constant 0 : index
    %get3A_6 = arith.constant 0 : index
    %get3A_7 = vector.load %arg1[%get3A_4, %get3A_5, %get3A_6] : memref<2x2000x16xf32, #tpu.memory_space<vmem>>, vector<1x2000x16xf32>
    %get3A_8 = vector.shape_cast %get3A_7 : vector<1x2000x16xf32> to vector<2000x16xf32>
    %add3A = arith.addf %get3A_3, %get3A_8 : vector<2000x16xf32>
    %get3A_9 = arith.constant 0 : index
    %get3A_10 = arith.constant 0 : index
    %get3A_11 = vector.load %arg3[%get3A_9, %get3A_10] : memref<2000x1xf32, #tpu.memory_space<vmem>>, vector<2000x1xf32>
    %max3A = arith.constant 1.000000e+00 : f32
    %max3A_12 = vector.broadcast %max3A : f32 to vector<2000x1xf32>
    %max3A_13 = arith.maximumf %get3A_11, %max3A_12 : vector<2000x1xf32>
    %div3A = arith.constant 1.000000e+00 : f32
    %div3A_14 = vector.broadcast %div3A : f32 to vector<2000x1xf32>
    %div3A_15 = arith.divf %div3A_14, %max3A_13 : vector<2000x1xf32>
    %get3A_16 = arith.constant 0 : index
    %get3A_17 = arith.constant 0 : index
    %get3A_18 = vector.load %arg2[%get3A_16, %get3A_17] : memref<2000x16xf32, #tpu.memory_space<vmem>>, vector<2000x16xf32>
    %get3A_19 = arith.constant 0 : index
    %get3A_20 = arith.constant 0 : index
    %get3A_21 = vector.load %arg4[%get3A_19, %get3A_20] : memref<16x16xf32, #tpu.memory_space<vmem>>, vector<16x16xf32>
    %dot_general3A = arith.constant dense<0.000000e+00> : vector<2000x16xf32>
    %dot_general3A_22 = tpu.matmul %get3A_18, %get3A_21, %dot_general3A {dimension_numbers = #tpu.dot_dimension_numbers<[1], [0], [0], [1], [0, 0, 1, 1], [], []>, transpose_lhs_hint = false} : vector<2000x16xf32>, vector<16x16xf32>, vector<2000x16xf32> -> vector<2000x16xf32>
    %mul3A = vector.broadcast %div3A_15 : vector<2000x1xf32> to vector<2000x16xf32>
    %mul3A_23 = arith.mulf %add3A, %mul3A : vector<2000x16xf32>
    %add3A_24 = arith.addf %mul3A_23, %dot_general3A_22 : vector<2000x16xf32>
    %get3A_25 = arith.constant 0 : index
    %get3A_26 = arith.constant 0 : index
    %get3A_27 = vector.load %arg5[%get3A_25, %get3A_26] : memref<1x16xf32, #tpu.memory_space<vmem>>, vector<1x16xf32>
    %add3A_28 = vector.broadcast %get3A_27 : vector<1x16xf32> to vector<2000x16xf32>
    %add3A_29 = arith.addf %add3A_24, %add3A_28 : vector<2000x16xf32>
    %max3A_30 = arith.constant 0.000000e+00 : f32
    %max3A_31 = vector.broadcast %max3A_30 : f32 to vector<2000x16xf32>
    %max3A_32 = arith.maximumf %add3A_29, %max3A_31 : vector<2000x16xf32>
    %swap3A = arith.constant 0 : index
    %swap3A_33 = arith.constant 0 : index
    %swap3A_34 = vector.load %arg6[%swap3A, %swap3A_33] : memref<2000x16xf32, #tpu.memory_space<vmem>>, vector<2000x16xf32>
    tpu.vector_store %arg6[%swap3A, %swap3A_33], %max3A_32 {strides = array<i32>} : memref<2000x16xf32, #tpu.memory_space<vmem>>, vector<2000x16xf32>,
    return
  }
  func.func @transform_0(%arg0: i32) -> (i32, i32, i32) {
    %c0_i32 = arith.constant 0 : i32
    %c0_i32_0 = arith.constant 0 : i32
    %c0_i32_1 = arith.constant 0 : i32
    return %c0_i32, %arg0, %c0_i32_0 : i32, i32, i32
  }
  func.func @transform_1(%arg0: i32) -> (i32, i32) {
    %c0_i32 = arith.constant 0 : i32
    %c0_i32_0 = arith.constant 0 : i32
    return %arg0, %c0_i32 : i32, i32
  }
  func.func @transform_2(%arg0: i32) -> (i32, i32) {
    %c0_i32 = arith.constant 0 : i32
    %c0_i32_0 = arith.constant 0 : i32
    return %arg0, %c0_i32 : i32, i32
  }
  func.func @transform_3(%arg0: i32) -> (i32, i32) {
    %c0_i32 = arith.constant 0 : i32
    %c0_i32_0 = arith.constant 0 : i32
    %c0_i32_1 = arith.constant 0 : i32
    return %c0_i32, %c0_i32_0 : i32, i32
  }
  func.func @transform_4(%arg0: i32) -> (i32, i32) {
    %c0_i32 = arith.constant 0 : i32
    %c0_i32_0 = arith.constant 0 : i32
    %c0_i32_1 = arith.constant 0 : i32
    return %c0_i32, %c0_i32_0 : i32, i32
  }
  func.func @transform_5(%arg0: i32) -> (i32, i32) {
    %c0_i32 = arith.constant 0 : i32
    %c0_i32_0 = arith.constant 0 : i32
    return %arg0, %c0_i32 : i32, i32
  }
}

module attributes {stable_mosaic.version = 14 : i64} {
  func.func @_msg23_body(%arg0: i32, %arg1: memref<800x128xf32, #tpu.memory_space<vmem>>, %arg2: memref<800x128xf32, #tpu.memory_space<vmem>>, %arg3: memref<128x200xf32, #tpu.memory_space<vmem>>, %arg4: memref<128x200xf32, #tpu.memory_space<vmem>>, %arg5: memref<128x200xf32, #tpu.memory_space<vmem>>, %arg6: memref<200x1280xf32, #tpu.memory_space<vmem>>, %arg7: memref<200x1280xf32, #tpu.memory_space<vmem>>, %arg8: memref<200x1280xf32, #tpu.memory_space<vmem>>, %arg9: memref<128x1280xf32, #tpu.memory_space<vmem>>, %arg10: memref<1280x128xf32, #tpu.memory_space<vmem>>, %arg11: memref<800x128xf32, #tpu.memory_space<vmem>>) attributes {dimension_semantics = [#tpu.dimension_semantics<arbitrary>], iteration_bounds = array<i64: 50>, scalar_prefetch = 0 : i64, scratch_operands = 0 : i64, tpu.core_type = #tpu.core_type<tc>, window_params = [{transform_indices = @transform_0, window_bounds = array<i64: 800, 128>}, {transform_indices = @transform_1, window_bounds = array<i64: 800, 128>}, {pipeline_mode = #tpu.pipeline_mode<synchronous>, transform_indices = @transform_2, window_bounds = array<i64: 128, 200>}, {pipeline_mode = #tpu.pipeline_mode<synchronous>, transform_indices = @transform_3, window_bounds = array<i64: 128, 200>}, {pipeline_mode = #tpu.pipeline_mode<synchronous>, transform_indices = @transform_4, window_bounds = array<i64: 128, 200>}, {pipeline_mode = #tpu.pipeline_mode<synchronous>, transform_indices = @transform_5, window_bounds = array<i64: 200, 1280>}, {pipeline_mode = #tpu.pipeline_mode<synchronous>, transform_indices = @transform_6, window_bounds = array<i64: 200, 1280>}, {pipeline_mode = #tpu.pipeline_mode<synchronous>, transform_indices = @transform_7, window_bounds = array<i64: 200, 1280>}, {pipeline_mode = #tpu.pipeline_mode<synchronous>, transform_indices = @transform_8, window_bounds = array<i64: 128, 1280>}, {pipeline_mode = #tpu.pipeline_mode<synchronous>, transform_indices = @transform_9, window_bounds = array<i64: 1280, 128>}, {transform_indices = @transform_10, window_bounds = array<i64: 800, 128>}]} {
    %get3A = arith.constant 0 : index
    %get3A_0 = arith.constant 0 : index
    %get3A_1 = vector.load %arg2[%get3A, %get3A_0] : memref<800x128xf32, #tpu.memory_space<vmem>>, vector<800x128xf32>
    %get3A_2 = arith.constant 0 : index
    %get3A_3 = arith.constant 0 : index
    %get3A_4 = vector.load %arg3[%get3A_2, %get3A_3] : memref<128x200xf32, #tpu.memory_space<vmem>>, vector<128x200xf32>
    %dot_general3A = arith.constant dense<0.000000e+00> : vector<800x200xf32>
    %dot_general3A_5 = tpu.matmul %get3A_1, %get3A_4, %dot_general3A {dimension_numbers = #tpu.dot_dimension_numbers<[1], [0], [0], [1], [0, 0, 1, 1], [], []>, transpose_lhs_hint = false} : vector<800x128xf32>, vector<128x200xf32>, vector<800x200xf32> -> vector<800x200xf32>
    %get3A_6 = arith.constant 0 : index
    %get3A_7 = arith.constant 0 : index
    %get3A_8 = vector.load %arg4[%get3A_6, %get3A_7] : memref<128x200xf32, #tpu.memory_space<vmem>>, vector<128x200xf32>
    %dot_general3A_9 = arith.constant dense<0.000000e+00> : vector<800x200xf32>
    %dot_general3A_10 = tpu.matmul %get3A_1, %get3A_8, %dot_general3A_9 {dimension_numbers = #tpu.dot_dimension_numbers<[1], [0], [0], [1], [0, 0, 1, 1], [], []>, transpose_lhs_hint = false} : vector<800x128xf32>, vector<128x200xf32>, vector<800x200xf32> -> vector<800x200xf32>
    %get3A_11 = arith.constant 0 : index
    %get3A_12 = arith.constant 0 : index
    %get3A_13 = vector.load %arg5[%get3A_11, %get3A_12] : memref<128x200xf32, #tpu.memory_space<vmem>>, vector<128x200xf32>
    %dot_general3A_14 = arith.constant dense<0.000000e+00> : vector<800x200xf32>
    %dot_general3A_15 = tpu.matmul %get3A_1, %get3A_13, %dot_general3A_14 {dimension_numbers = #tpu.dot_dimension_numbers<[1], [0], [0], [1], [0, 0, 1, 1], [], []>, transpose_lhs_hint = false} : vector<800x128xf32>, vector<128x200xf32>, vector<800x200xf32> -> vector<800x200xf32>
    %iota3A = tpu.iota {dimensions = array<i32: 1>} : vector<800x200xi32>
    %jit3A = arith.constant 25 : i32
    %div3A = vector.broadcast %jit3A : i32 to vector<800x200xi32>
    %div3A_16 = arith.divsi %iota3A, %div3A : vector<800x200xi32>
    %sign3A = arith.constant 0 : i32
    %sign3A_17 = vector.broadcast %sign3A : i32 to vector<800x200xi32>
    %sign3A_18 = arith.cmpi sgt, %iota3A, %sign3A_17 : vector<800x200xi32>
    %sign3A_19 = arith.extui %sign3A_18 : vector<800x200xi1> to vector<800x200xi32>
    %sign3A_20 = arith.constant 0 : i32
    %sign3A_21 = vector.broadcast %sign3A_20 : i32 to vector<800x200xi32>
    %sign3A_22 = arith.cmpi slt, %iota3A, %sign3A_21 : vector<800x200xi32>
    %sign3A_23 = arith.extui %sign3A_22 : vector<800x200xi1> to vector<800x200xi32>
    %sign3A_24 = arith.subi %sign3A_19, %sign3A_23 : vector<800x200xi32>
    %sign3A_25 = arith.constant 0 : i32
    %sign3A_26 = arith.cmpi sgt, %jit3A, %sign3A_25 : i32
    %sign3A_27 = arith.extui %sign3A_26 : i1 to i32
    %sign3A_28 = arith.constant 0 : i32
    %sign3A_29 = arith.cmpi slt, %jit3A, %sign3A_28 : i32
    %sign3A_30 = arith.extui %sign3A_29 : i1 to i32
    %sign3A_31 = arith.subi %sign3A_27, %sign3A_30 : i32
    %ne3A = vector.broadcast %sign3A_31 : i32 to vector<800x200xi32>
    %ne3A_32 = arith.cmpi ne, %sign3A_24, %ne3A : vector<800x200xi32>
    %rem3A = vector.broadcast %jit3A : i32 to vector<800x200xi32>
    %rem3A_33 = arith.remsi %iota3A, %rem3A : vector<800x200xi32>
    %ne3A_34 = arith.constant 0 : i32
    %ne3A_35 = vector.broadcast %ne3A_34 : i32 to vector<800x200xi32>
    %ne3A_36 = arith.cmpi ne, %rem3A_33, %ne3A_35 : vector<800x200xi32>
    %and3A = arith.andi %ne3A_32, %ne3A_36 : vector<800x200xi1>
    %sub3A = arith.constant 1 : i32
    %sub3A_37 = vector.broadcast %sub3A : i32 to vector<800x200xi32>
    %sub3A_38 = arith.subi %div3A_16, %sub3A_37 : vector<800x200xi32>
    %select_n3A = arith.select %and3A, %sub3A_38, %div3A_16 : vector<800x200xi1>, vector<800x200xi32>
    %mul3A = arith.constant 25 : i32
    %mul3A_39 = vector.broadcast %mul3A : i32 to vector<800x200xi32>
    %mul3A_40 = arith.muli %mul3A_39, %select_n3A : vector<800x200xi32>
    %sub3A_41 = arith.subi %iota3A, %mul3A_40 : vector<800x200xi32>
    %convert_element_type3A = arith.sitofp %sub3A_41 : vector<800x200xi32> to vector<800x200xf32>
    %eq3A = arith.cmpf oeq, %dot_general3A_5, %convert_element_type3A : vector<800x200xf32>
    %convert_element_type3A_42 = arith.extui %eq3A : vector<800x200xi1> to vector<800x200xi32>
    %convert_element_type3A_43 = arith.sitofp %convert_element_type3A_42 : vector<800x200xi32> to vector<800x200xf32>
    %mul3A_44 = arith.mulf %convert_element_type3A_43, %dot_general3A_10 : vector<800x200xf32>
    %get3A_45 = arith.constant 0 : index
    %get3A_46 = arith.constant 0 : index
    %get3A_47 = vector.load %arg6[%get3A_45, %get3A_46] : memref<200x1280xf32, #tpu.memory_space<vmem>>, vector<200x1280xf32>
    %dot_general3A_48 = arith.constant dense<0.000000e+00> : vector<800x1280xf32>
    %dot_general3A_49 = tpu.matmul %mul3A_44, %get3A_47, %dot_general3A_48 {dimension_numbers = #tpu.dot_dimension_numbers<[1], [0], [0], [1], [0, 0, 1, 1], [], []>, transpose_lhs_hint = false} : vector<800x200xf32>, vector<200x1280xf32>, vector<800x1280xf32> -> vector<800x1280xf32>
    %mul3A_50 = arith.mulf %convert_element_type3A_43, %dot_general3A_15 : vector<800x200xf32>
    %get3A_51 = arith.constant 0 : index
    %get3A_52 = arith.constant 0 : index
    %get3A_53 = vector.load %arg7[%get3A_51, %get3A_52] : memref<200x1280xf32, #tpu.memory_space<vmem>>, vector<200x1280xf32>
    %dot_general3A_54 = arith.constant dense<0.000000e+00> : vector<800x1280xf32>
    %dot_general3A_55 = tpu.matmul %mul3A_50, %get3A_53, %dot_general3A_54 {dimension_numbers = #tpu.dot_dimension_numbers<[1], [0], [0], [1], [0, 0, 1, 1], [], []>, transpose_lhs_hint = false} : vector<800x200xf32>, vector<200x1280xf32>, vector<800x1280xf32> -> vector<800x1280xf32>
    %add3A = arith.addf %dot_general3A_49, %dot_general3A_55 : vector<800x1280xf32>
    %get3A_56 = arith.constant 0 : index
    %get3A_57 = arith.constant 0 : index
    %get3A_58 = vector.load %arg8[%get3A_56, %get3A_57] : memref<200x1280xf32, #tpu.memory_space<vmem>>, vector<200x1280xf32>
    %dot_general3A_59 = arith.constant dense<0.000000e+00> : vector<800x1280xf32>
    %dot_general3A_60 = tpu.matmul %convert_element_type3A_43, %get3A_58, %dot_general3A_59 {dimension_numbers = #tpu.dot_dimension_numbers<[1], [0], [0], [1], [0, 0, 1, 1], [], []>, transpose_lhs_hint = false} : vector<800x200xf32>, vector<200x1280xf32>, vector<800x1280xf32> -> vector<800x1280xf32>
    %add3A_61 = arith.addf %add3A, %dot_general3A_60 : vector<800x1280xf32>
    %get3A_62 = arith.constant 0 : index
    %get3A_63 = arith.constant 0 : index
    %get3A_64 = vector.load %arg1[%get3A_62, %get3A_63] : memref<800x128xf32, #tpu.memory_space<vmem>>, vector<800x128xf32>
    %get3A_65 = arith.constant 0 : index
    %get3A_66 = arith.constant 0 : index
    %get3A_67 = vector.load %arg9[%get3A_65, %get3A_66] : memref<128x1280xf32, #tpu.memory_space<vmem>>, vector<128x1280xf32>
    %dot_general3A_68 = arith.constant dense<0.000000e+00> : vector<800x1280xf32>
    %dot_general3A_69 = tpu.matmul %get3A_64, %get3A_67, %dot_general3A_68 {dimension_numbers = #tpu.dot_dimension_numbers<[1], [0], [0], [1], [0, 0, 1, 1], [], []>, transpose_lhs_hint = false} : vector<800x128xf32>, vector<128x1280xf32>, vector<800x1280xf32> -> vector<800x1280xf32>
    %max3A = arith.constant 0.000000e+00 : f32
    %max3A_70 = vector.broadcast %max3A : f32 to vector<800x1280xf32>
    %max3A_71 = arith.maximumf %add3A_61, %max3A_70 : vector<800x1280xf32>
    %mul3A_72 = arith.mulf %max3A_71, %dot_general3A_69 : vector<800x1280xf32>
    %get3A_73 = arith.constant 0 : index
    %get3A_74 = arith.constant 0 : index
    %get3A_75 = vector.load %arg10[%get3A_73, %get3A_74] : memref<1280x128xf32, #tpu.memory_space<vmem>>, vector<1280x128xf32>
    %dot_general3A_76 = arith.constant dense<0.000000e+00> : vector<800x128xf32>
    %dot_general3A_77 = tpu.matmul %mul3A_72, %get3A_75, %dot_general3A_76 {dimension_numbers = #tpu.dot_dimension_numbers<[1], [0], [0], [1], [0, 0, 1, 1], [], []>, transpose_lhs_hint = false} : vector<800x1280xf32>, vector<1280x128xf32>, vector<800x128xf32> -> vector<800x128xf32>
    %swap3A = arith.constant 0 : index
    %swap3A_78 = arith.constant 0 : index
    %swap3A_79 = vector.load %arg11[%swap3A, %swap3A_78] : memref<800x128xf32, #tpu.memory_space<vmem>>, vector<800x128xf32>
    tpu.vector_store %arg11[%swap3A, %swap3A_78], %dot_general3A_77 {strides = array<i32>} : memref<800x128xf32, #tpu.memory_space<vmem>>, vector<800x128xf32>,
    return
  }
  func.func @transform_0(%arg0: i32) -> (i32, i32) {
    %c0_i32 = arith.constant 0 : i32
    %c0_i32_0 = arith.constant 0 : i32
    return %arg0, %c0_i32 : i32, i32
  }
  func.func @transform_1(%arg0: i32) -> (i32, i32) {
    %c0_i32 = arith.constant 0 : i32
    %c0_i32_0 = arith.constant 0 : i32
    return %arg0, %c0_i32 : i32, i32
  }
  func.func @transform_2(%arg0: i32) -> (i32, i32) {
    %c0_i32 = arith.constant 0 : i32
    %c0_i32_0 = arith.constant 0 : i32
    %c0_i32_1 = arith.constant 0 : i32
    return %c0_i32, %c0_i32_0 : i32, i32
  }
  func.func @transform_3(%arg0: i32) -> (i32, i32) {
    %c0_i32 = arith.constant 0 : i32
    %c0_i32_0 = arith.constant 0 : i32
    %c0_i32_1 = arith.constant 0 : i32
    return %c0_i32, %c0_i32_0 : i32, i32
  }
  func.func @transform_4(%arg0: i32) -> (i32, i32) {
    %c0_i32 = arith.constant 0 : i32
    %c0_i32_0 = arith.constant 0 : i32
    %c0_i32_1 = arith.constant 0 : i32
    return %c0_i32, %c0_i32_0 : i32, i32
  }
  func.func @transform_5(%arg0: i32) -> (i32, i32) {
    %c0_i32 = arith.constant 0 : i32
    %c0_i32_0 = arith.constant 0 : i32
    %c0_i32_1 = arith.constant 0 : i32
    return %c0_i32, %c0_i32_0 : i32, i32
  }
  func.func @transform_6(%arg0: i32) -> (i32, i32) {
    %c0_i32 = arith.constant 0 : i32
    %c0_i32_0 = arith.constant 0 : i32
    %c0_i32_1 = arith.constant 0 : i32
    return %c0_i32, %c0_i32_0 : i32, i32
  }
  func.func @transform_7(%arg0: i32) -> (i32, i32) {
    %c0_i32 = arith.constant 0 : i32
    %c0_i32_0 = arith.constant 0 : i32
    %c0_i32_1 = arith.constant 0 : i32
    return %c0_i32, %c0_i32_0 : i32, i32
  }
  func.func @transform_8(%arg0: i32) -> (i32, i32) {
    %c0_i32 = arith.constant 0 : i32
    %c0_i32_0 = arith.constant 0 : i32
    %c0_i32_1 = arith.constant 0 : i32
    return %c0_i32, %c0_i32_0 : i32, i32
  }
  func.func @transform_9(%arg0: i32) -> (i32, i32) {
    %c0_i32 = arith.constant 0 : i32
    %c0_i32_0 = arith.constant 0 : i32
    %c0_i32_1 = arith.constant 0 : i32
    return %c0_i32, %c0_i32_0 : i32, i32
  }
  func.func @transform_10(%arg0: i32) -> (i32, i32) {
    %c0_i32 = arith.constant 0 : i32
    %c0_i32_0 = arith.constant 0 : i32
    return %arg0, %c0_i32 : i32, i32
  }
}

module attributes {stable_mosaic.version = 14 : i64} {
  func.func @_head_body(%arg0: memref<10000x16xf32, #tpu.memory_space<vmem>>, %arg1: memref<10000x1xi32, #tpu.memory_space<vmem>>, %arg2: memref<10000x1xi32, #tpu.memory_space<vmem>>, %arg3: memref<8x1xi32, #tpu.memory_space<vmem>>, %arg4: memref<8x5xf32, #tpu.memory_space<vmem>>, %arg5: memref<8x9xf32, #tpu.memory_space<vmem>>, %arg6: memref<6x16xf32, #tpu.memory_space<vmem>>, %arg7: memref<5x16xf32, #tpu.memory_space<vmem>>, %arg8: memref<1x16xf32, #tpu.memory_space<vmem>>, %arg9: memref<9x16xf32, #tpu.memory_space<vmem>>, %arg10: memref<1x16xf32, #tpu.memory_space<vmem>>, %arg11: memref<64x64xf32, #tpu.memory_space<vmem>>, %arg12: memref<1x64xf32, #tpu.memory_space<vmem>>, %arg13: memref<64x64xf32, #tpu.memory_space<vmem>>, %arg14: memref<1x64xf32, #tpu.memory_space<vmem>>, %arg15: memref<64x64xf32, #tpu.memory_space<vmem>>, %arg16: memref<1x64xf32, #tpu.memory_space<vmem>>, %arg17: memref<64x16xf32, #tpu.memory_space<vmem>>, %arg18: memref<1x16xf32, #tpu.memory_space<vmem>>, %arg19: memref<8x16xf32, #tpu.memory_space<vmem>>) attributes {dimension_semantics = [], scalar_prefetch = 0 : i64, scratch_operands = 0 : i64, tpu.core_type = #tpu.core_type<tc>} {
    %get3A = arith.constant 0 : index
    %get3A_0 = arith.constant 0 : index
    %get3A_1 = vector.load %arg0[%get3A, %get3A_0] : memref<10000x16xf32, #tpu.memory_space<vmem>>, vector<10000x16xf32>
    %get3A_2 = arith.constant 0 : index
    %get3A_3 = arith.constant 0 : index
    %get3A_4 = vector.load %arg1[%get3A_2, %get3A_3] : memref<10000x1xi32, #tpu.memory_space<vmem>>, vector<10000x1xi32>
    %eq3A = arith.constant 1 : i32
    %eq3A_5 = vector.broadcast %eq3A : i32 to vector<10000x1xi32>
    %eq3A_6 = arith.cmpi eq, %get3A_4, %eq3A_5 : vector<10000x1xi32>
    %get3A_7 = arith.constant 0 : index
    %get3A_8 = arith.constant 0 : index
    %get3A_9 = vector.load %arg2[%get3A_7, %get3A_8] : memref<10000x1xi32, #tpu.memory_space<vmem>>, vector<10000x1xi32>
    %eq3A_10 = arith.constant 0 : i32
    %eq3A_11 = vector.broadcast %eq3A_10 : i32 to vector<10000x1xi32>
    %eq3A_12 = arith.cmpi eq, %get3A_9, %eq3A_11 : vector<10000x1xi32>
    %and3A = arith.andi %eq3A_6, %eq3A_12 : vector<10000x1xi1>
    %convert_element_type3A = arith.extui %and3A : vector<10000x1xi1> to vector<10000x1xi32>
    %convert_element_type3A_13 = arith.sitofp %convert_element_type3A : vector<10000x1xi32> to vector<10000x1xf32>
    %mul3A = vector.broadcast %convert_element_type3A_13 : vector<10000x1xf32> to vector<10000x16xf32>
    %mul3A_14 = arith.mulf %get3A_1, %mul3A : vector<10000x16xf32>
    %reduce_sum3A = arith.constant dense<0.000000e+00> : vector<16xf32>
    %reduce_sum3A_15 = vector.multi_reduction <add>, %mul3A_14, %reduce_sum3A [0] : vector<10000x16xf32> to vector<16xf32>
    %broadcast_in_dim3A = vector.shape_cast %reduce_sum3A_15 : vector<16xf32> to vector<1x16xf32>
    %reduce_sum3A_16 = vector.shape_cast %convert_element_type3A_13 : vector<10000x1xf32> to vector<1x10000x1xf32>
    %reduce_sum3A_17 = arith.constant dense<0.000000e+00> : vector<1xf32>
    %reduce_sum3A_18 = vector.multi_reduction <add>, %reduce_sum3A_16, %reduce_sum3A_17 [1, 2] : vector<1x10000x1xf32> to vector<1xf32>
    %reduce_sum3A_19 = vector.shape_cast %reduce_sum3A_18 : vector<1xf32> to vector<1x1x1xf32>
    %reduce_sum3A_20 = vector.extract %reduce_sum3A_19[0, 0, 0] : f32 from vector<1x1x1xf32>
    %max3A = arith.constant 1.000000e+00 : f32
    %max3A_21 = arith.maximumf %reduce_sum3A_20, %max3A : f32
    %div3A = vector.broadcast %max3A_21 : f32 to vector<1x16xf32>
    %div3A_22 = arith.divf %broadcast_in_dim3A, %div3A : vector<1x16xf32>
    %eq3A_23 = arith.constant 1 : i32
    %eq3A_24 = vector.broadcast %eq3A_23 : i32 to vector<10000x1xi32>
    %eq3A_25 = arith.cmpi eq, %get3A_9, %eq3A_24 : vector<10000x1xi32>
    %and3A_26 = arith.andi %eq3A_6, %eq3A_25 : vector<10000x1xi1>
    %convert_element_type3A_27 = arith.extui %and3A_26 : vector<10000x1xi1> to vector<10000x1xi32>
    %convert_element_type3A_28 = arith.sitofp %convert_element_type3A_27 : vector<10000x1xi32> to vector<10000x1xf32>
    %mul3A_29 = vector.broadcast %convert_element_type3A_28 : vector<10000x1xf32> to vector<10000x16xf32>
    %mul3A_30 = arith.mulf %get3A_1, %mul3A_29 : vector<10000x16xf32>
    %reduce_sum3A_31 = arith.constant dense<0.000000e+00> : vector<16xf32>
    %reduce_sum3A_32 = vector.multi_reduction <add>, %mul3A_30, %reduce_sum3A_31 [0] : vector<10000x16xf32> to vector<16xf32>
    %broadcast_in_dim3A_33 = vector.shape_cast %reduce_sum3A_32 : vector<16xf32> to vector<1x16xf32>
    %reduce_sum3A_34 = vector.shape_cast %convert_element_type3A_28 : vector<10000x1xf32> to vector<1x10000x1xf32>
    %reduce_sum3A_35 = arith.constant dense<0.000000e+00> : vector<1xf32>
    %reduce_sum3A_36 = vector.multi_reduction <add>, %reduce_sum3A_34, %reduce_sum3A_35 [1, 2] : vector<1x10000x1xf32> to vector<1xf32>
    %reduce_sum3A_37 = vector.shape_cast %reduce_sum3A_36 : vector<1xf32> to vector<1x1x1xf32>
    %reduce_sum3A_38 = vector.extract %reduce_sum3A_37[0, 0, 0] : f32 from vector<1x1x1xf32>
    %max3A_39 = arith.constant 1.000000e+00 : f32
    %max3A_40 = arith.maximumf %reduce_sum3A_38, %max3A_39 : f32
    %div3A_41 = vector.broadcast %max3A_40 : f32 to vector<1x16xf32>
    %div3A_42 = arith.divf %broadcast_in_dim3A_33, %div3A_41 : vector<1x16xf32>
    %eq3A_43 = arith.constant 2 : i32
    %eq3A_44 = vector.broadcast %eq3A_43 : i32 to vector<10000x1xi32>
    %eq3A_45 = arith.cmpi eq, %get3A_9, %eq3A_44 : vector<10000x1xi32>
    %and3A_46 = arith.andi %eq3A_6, %eq3A_45 : vector<10000x1xi1>
    %convert_element_type3A_47 = arith.extui %and3A_46 : vector<10000x1xi1> to vector<10000x1xi32>
    %convert_element_type3A_48 = arith.sitofp %convert_element_type3A_47 : vector<10000x1xi32> to vector<10000x1xf32>
    %mul3A_49 = vector.broadcast %convert_element_type3A_48 : vector<10000x1xf32> to vector<10000x16xf32>
    %mul3A_50 = arith.mulf %get3A_1, %mul3A_49 : vector<10000x16xf32>
    %reduce_sum3A_51 = arith.constant dense<0.000000e+00> : vector<16xf32>
    %reduce_sum3A_52 = vector.multi_reduction <add>, %mul3A_50, %reduce_sum3A_51 [0] : vector<10000x16xf32> to vector<16xf32>
    %broadcast_in_dim3A_53 = vector.shape_cast %reduce_sum3A_52 : vector<16xf32> to vector<1x16xf32>
    %reduce_sum3A_54 = vector.shape_cast %convert_element_type3A_48 : vector<10000x1xf32> to vector<1x10000x1xf32>
    %reduce_sum3A_55 = arith.constant dense<0.000000e+00> : vector<1xf32>
    %reduce_sum3A_56 = vector.multi_reduction <add>, %reduce_sum3A_54, %reduce_sum3A_55 [1, 2] : vector<1x10000x1xf32> to vector<1xf32>
    %reduce_sum3A_57 = vector.shape_cast %reduce_sum3A_56 : vector<1xf32> to vector<1x1x1xf32>
    %reduce_sum3A_58 = vector.extract %reduce_sum3A_57[0, 0, 0] : f32 from vector<1x1x1xf32>
    %max3A_59 = arith.constant 1.000000e+00 : f32
    %max3A_60 = arith.maximumf %reduce_sum3A_58, %max3A_59 : f32
    %div3A_61 = vector.broadcast %max3A_60 : f32 to vector<1x16xf32>
    %div3A_62 = arith.divf %broadcast_in_dim3A_53, %div3A_61 : vector<1x16xf32>
    %eq3A_63 = arith.constant 3 : i32
    %eq3A_64 = vector.broadcast %eq3A_63 : i32 to vector<10000x1xi32>
    %eq3A_65 = arith.cmpi eq, %get3A_9, %eq3A_64 : vector<10000x1xi32>
    %and3A_66 = arith.andi %eq3A_6, %eq3A_65 : vector<10000x1xi1>
    %convert_element_type3A_67 = arith.extui %and3A_66 : vector<10000x1xi1> to vector<10000x1xi32>
    %convert_element_type3A_68 = arith.sitofp %convert_element_type3A_67 : vector<10000x1xi32> to vector<10000x1xf32>
    %mul3A_69 = vector.broadcast %convert_element_type3A_68 : vector<10000x1xf32> to vector<10000x16xf32>
    %mul3A_70 = arith.mulf %get3A_1, %mul3A_69 : vector<10000x16xf32>
    %reduce_sum3A_71 = arith.constant dense<0.000000e+00> : vector<16xf32>
    %reduce_sum3A_72 = vector.multi_reduction <add>, %mul3A_70, %reduce_sum3A_71 [0] : vector<10000x16xf32> to vector<16xf32>
    %broadcast_in_dim3A_73 = vector.shape_cast %reduce_sum3A_72 : vector<16xf32> to vector<1x16xf32>
    %reduce_sum3A_74 = vector.shape_cast %convert_element_type3A_68 : vector<10000x1xf32> to vector<1x10000x1xf32>
    %reduce_sum3A_75 = arith.constant dense<0.000000e+00> : vector<1xf32>
    %reduce_sum3A_76 = vector.multi_reduction <add>, %reduce_sum3A_74, %reduce_sum3A_75 [1, 2] : vector<1x10000x1xf32> to vector<1xf32>
    %reduce_sum3A_77 = vector.shape_cast %reduce_sum3A_76 : vector<1xf32> to vector<1x1x1xf32>
    %reduce_sum3A_78 = vector.extract %reduce_sum3A_77[0, 0, 0] : f32 from vector<1x1x1xf32>
    %max3A_79 = arith.constant 1.000000e+00 : f32
    %max3A_80 = arith.maximumf %reduce_sum3A_78, %max3A_79 : f32
    %div3A_81 = vector.broadcast %max3A_80 : f32 to vector<1x16xf32>
    %div3A_82 = arith.divf %broadcast_in_dim3A_73, %div3A_81 : vector<1x16xf32>
    %eq3A_83 = arith.constant 4 : i32
    %eq3A_84 = vector.broadcast %eq3A_83 : i32 to vector<10000x1xi32>
    %eq3A_85 = arith.cmpi eq, %get3A_9, %eq3A_84 : vector<10000x1xi32>
    %and3A_86 = arith.andi %eq3A_6, %eq3A_85 : vector<10000x1xi1>
    %convert_element_type3A_87 = arith.extui %and3A_86 : vector<10000x1xi1> to vector<10000x1xi32>
    %convert_element_type3A_88 = arith.sitofp %convert_element_type3A_87 : vector<10000x1xi32> to vector<10000x1xf32>
    %mul3A_89 = vector.broadcast %convert_element_type3A_88 : vector<10000x1xf32> to vector<10000x16xf32>
    %mul3A_90 = arith.mulf %get3A_1, %mul3A_89 : vector<10000x16xf32>
    %reduce_sum3A_91 = arith.constant dense<0.000000e+00> : vector<16xf32>
    %reduce_sum3A_92 = vector.multi_reduction <add>, %mul3A_90, %reduce_sum3A_91 [0] : vector<10000x16xf32> to vector<16xf32>
    %broadcast_in_dim3A_93 = vector.shape_cast %reduce_sum3A_92 : vector<16xf32> to vector<1x16xf32>
    %reduce_sum3A_94 = vector.shape_cast %convert_element_type3A_88 : vector<10000x1xf32> to vector<1x10000x1xf32>
    %reduce_sum3A_95 = arith.constant dense<0.000000e+00> : vector<1xf32>
    %reduce_sum3A_96 = vector.multi_reduction <add>, %reduce_sum3A_94, %reduce_sum3A_95 [1, 2] : vector<1x10000x1xf32> to vector<1xf32>
    %reduce_sum3A_97 = vector.shape_cast %reduce_sum3A_96 : vector<1xf32> to vector<1x1x1xf32>
    %reduce_sum3A_98 = vector.extract %reduce_sum3A_97[0, 0, 0] : f32 from vector<1x1x1xf32>
    %max3A_99 = arith.constant 1.000000e+00 : f32
    %max3A_100 = arith.maximumf %reduce_sum3A_98, %max3A_99 : f32
    %div3A_101 = vector.broadcast %max3A_100 : f32 to vector<1x16xf32>
    %div3A_102 = arith.divf %broadcast_in_dim3A_93, %div3A_101 : vector<1x16xf32>
    %eq3A_103 = arith.constant 5 : i32
    %eq3A_104 = vector.broadcast %eq3A_103 : i32 to vector<10000x1xi32>
    %eq3A_105 = arith.cmpi eq, %get3A_9, %eq3A_104 : vector<10000x1xi32>
    %and3A_106 = arith.andi %eq3A_6, %eq3A_105 : vector<10000x1xi1>
    %convert_element_type3A_107 = arith.extui %and3A_106 : vector<10000x1xi1> to vector<10000x1xi32>
    %convert_element_type3A_108 = arith.sitofp %convert_element_type3A_107 : vector<10000x1xi32> to vector<10000x1xf32>
    %mul3A_109 = vector.broadcast %convert_element_type3A_108 : vector<10000x1xf32> to vector<10000x16xf32>
    %mul3A_110 = arith.mulf %get3A_1, %mul3A_109 : vector<10000x16xf32>
    %reduce_sum3A_111 = arith.constant dense<0.000000e+00> : vector<16xf32>
    %reduce_sum3A_112 = vector.multi_reduction <add>, %mul3A_110, %reduce_sum3A_111 [0] : vector<10000x16xf32> to vector<16xf32>
    %broadcast_in_dim3A_113 = vector.shape_cast %reduce_sum3A_112 : vector<16xf32> to vector<1x16xf32>
    %reduce_sum3A_114 = vector.shape_cast %convert_element_type3A_108 : vector<10000x1xf32> to vector<1x10000x1xf32>
    %reduce_sum3A_115 = arith.constant dense<0.000000e+00> : vector<1xf32>
    %reduce_sum3A_116 = vector.multi_reduction <add>, %reduce_sum3A_114, %reduce_sum3A_115 [1, 2] : vector<1x10000x1xf32> to vector<1xf32>
    %reduce_sum3A_117 = vector.shape_cast %reduce_sum3A_116 : vector<1xf32> to vector<1x1x1xf32>
    %reduce_sum3A_118 = vector.extract %reduce_sum3A_117[0, 0, 0] : f32 from vector<1x1x1xf32>
    %max3A_119 = arith.constant 1.000000e+00 : f32
    %max3A_120 = arith.maximumf %reduce_sum3A_118, %max3A_119 : f32
    %div3A_121 = vector.broadcast %max3A_120 : f32 to vector<1x16xf32>
    %div3A_122 = arith.divf %broadcast_in_dim3A_113, %div3A_121 : vector<1x16xf32>
    %eq3A_123 = arith.constant 6 : i32
    %eq3A_124 = vector.broadcast %eq3A_123 : i32 to vector<10000x1xi32>
    %eq3A_125 = arith.cmpi eq, %get3A_9, %eq3A_124 : vector<10000x1xi32>
    %and3A_126 = arith.andi %eq3A_6, %eq3A_125 : vector<10000x1xi1>
    %convert_element_type3A_127 = arith.extui %and3A_126 : vector<10000x1xi1> to vector<10000x1xi32>
    %convert_element_type3A_128 = arith.sitofp %convert_element_type3A_127 : vector<10000x1xi32> to vector<10000x1xf32>
    %mul3A_129 = vector.broadcast %convert_element_type3A_128 : vector<10000x1xf32> to vector<10000x16xf32>
    %mul3A_130 = arith.mulf %get3A_1, %mul3A_129 : vector<10000x16xf32>
    %reduce_sum3A_131 = arith.constant dense<0.000000e+00> : vector<16xf32>
    %reduce_sum3A_132 = vector.multi_reduction <add>, %mul3A_130, %reduce_sum3A_131 [0] : vector<10000x16xf32> to vector<16xf32>
    %broadcast_in_dim3A_133 = vector.shape_cast %reduce_sum3A_132 : vector<16xf32> to vector<1x16xf32>
    %reduce_sum3A_134 = vector.shape_cast %convert_element_type3A_128 : vector<10000x1xf32> to vector<1x10000x1xf32>
    %reduce_sum3A_135 = arith.constant dense<0.000000e+00> : vector<1xf32>
    %reduce_sum3A_136 = vector.multi_reduction <add>, %reduce_sum3A_134, %reduce_sum3A_135 [1, 2] : vector<1x10000x1xf32> to vector<1xf32>
    %reduce_sum3A_137 = vector.shape_cast %reduce_sum3A_136 : vector<1xf32> to vector<1x1x1xf32>
    %reduce_sum3A_138 = vector.extract %reduce_sum3A_137[0, 0, 0] : f32 from vector<1x1x1xf32>
    %max3A_139 = arith.constant 1.000000e+00 : f32
    %max3A_140 = arith.maximumf %reduce_sum3A_138, %max3A_139 : f32
    %div3A_141 = vector.broadcast %max3A_140 : f32 to vector<1x16xf32>
    %div3A_142 = arith.divf %broadcast_in_dim3A_133, %div3A_141 : vector<1x16xf32>
    %eq3A_143 = arith.constant 7 : i32
    %eq3A_144 = vector.broadcast %eq3A_143 : i32 to vector<10000x1xi32>
    %eq3A_145 = arith.cmpi eq, %get3A_9, %eq3A_144 : vector<10000x1xi32>
    %and3A_146 = arith.andi %eq3A_6, %eq3A_145 : vector<10000x1xi1>
    %convert_element_type3A_147 = arith.extui %and3A_146 : vector<10000x1xi1> to vector<10000x1xi32>
    %convert_element_type3A_148 = arith.sitofp %convert_element_type3A_147 : vector<10000x1xi32> to vector<10000x1xf32>
    %mul3A_149 = vector.broadcast %convert_element_type3A_148 : vector<10000x1xf32> to vector<10000x16xf32>
    %mul3A_150 = arith.mulf %get3A_1, %mul3A_149 : vector<10000x16xf32>
    %reduce_sum3A_151 = arith.constant dense<0.000000e+00> : vector<16xf32>
    %reduce_sum3A_152 = vector.multi_reduction <add>, %mul3A_150, %reduce_sum3A_151 [0] : vector<10000x16xf32> to vector<16xf32>
    %broadcast_in_dim3A_153 = vector.shape_cast %reduce_sum3A_152 : vector<16xf32> to vector<1x16xf32>
    %reduce_sum3A_154 = vector.shape_cast %convert_element_type3A_148 : vector<10000x1xf32> to vector<1x10000x1xf32>
    %reduce_sum3A_155 = arith.constant dense<0.000000e+00> : vector<1xf32>
    %reduce_sum3A_156 = vector.multi_reduction <add>, %reduce_sum3A_154, %reduce_sum3A_155 [1, 2] : vector<1x10000x1xf32> to vector<1xf32>
    %reduce_sum3A_157 = vector.shape_cast %reduce_sum3A_156 : vector<1xf32> to vector<1x1x1xf32>
    %reduce_sum3A_158 = vector.extract %reduce_sum3A_157[0, 0, 0] : f32 from vector<1x1x1xf32>
    %max3A_159 = arith.constant 1.000000e+00 : f32
    %max3A_160 = arith.maximumf %reduce_sum3A_158, %max3A_159 : f32
    %div3A_161 = vector.broadcast %max3A_160 : f32 to vector<1x16xf32>
    %div3A_162 = arith.divf %broadcast_in_dim3A_153, %div3A_161 : vector<1x16xf32>
    %concatenate3A = tpu.concatenate %div3A_22, %div3A_42, %div3A_62, %div3A_82, %div3A_102, %div3A_122, %div3A_142, %div3A_162 in 0 : vector<1x16xf32>, vector<1x16xf32>, vector<1x16xf32>, vector<1x16xf32>, vector<1x16xf32>, vector<1x16xf32>, vector<1x16xf32>, vector<1x16xf32> -> vector<8x16xf32>
    %get3A_163 = arith.constant 0 : index
    %get3A_164 = arith.constant 0 : index
    %get3A_165 = vector.load %arg3[%get3A_163, %get3A_164] : memref<8x1xi32, #tpu.memory_space<vmem>>, vector<8x1xi32>
    %iota3A = tpu.iota {dimensions = array<i32: 1>} : vector<8x6xi32>
    %eq3A_166 = vector.broadcast %get3A_165 : vector<8x1xi32> to vector<8x6xi32>
    %eq3A_167 = arith.cmpi eq, %eq3A_166, %iota3A : vector<8x6xi32>
    %convert_element_type3A_168 = arith.extui %eq3A_167 : vector<8x6xi1> to vector<8x6xi32>
    %convert_element_type3A_169 = arith.sitofp %convert_element_type3A_168 : vector<8x6xi32> to vector<8x6xf32>
    %get3A_170 = arith.constant 0 : index
    %get3A_171 = arith.constant 0 : index
    %get3A_172 = vector.load %arg6[%get3A_170, %get3A_171] : memref<6x16xf32, #tpu.memory_space<vmem>>, vector<6x16xf32>
    %dot_general3A = arith.constant dense<0.000000e+00> : vector<8x16xf32>
    %dot_general3A_173 = tpu.matmul %convert_element_type3A_169, %get3A_172, %dot_general3A {dimension_numbers = #tpu.dot_dimension_numbers<[1], [0], [0], [1], [0, 0, 1, 1], [], []>, transpose_lhs_hint = false} : vector<8x6xf32>, vector<6x16xf32>, vector<8x16xf32> -> vector<8x16xf32>
    %get3A_174 = arith.constant 0 : index
    %get3A_175 = arith.constant 0 : index
    %get3A_176 = vector.load %arg4[%get3A_174, %get3A_175] : memref<8x5xf32, #tpu.memory_space<vmem>>, vector<8x5xf32>
    %get3A_177 = arith.constant 0 : index
    %get3A_178 = arith.constant 0 : index
    %get3A_179 = vector.load %arg7[%get3A_177, %get3A_178] : memref<5x16xf32, #tpu.memory_space<vmem>>, vector<5x16xf32>
    %dot_general3A_180 = arith.constant dense<0.000000e+00> : vector<8x16xf32>
    %dot_general3A_181 = tpu.matmul %get3A_176, %get3A_179, %dot_general3A_180 {dimension_numbers = #tpu.dot_dimension_numbers<[1], [0], [0], [1], [0, 0, 1, 1], [], []>, transpose_lhs_hint = false} : vector<8x5xf32>, vector<5x16xf32>, vector<8x16xf32> -> vector<8x16xf32>
    %get3A_182 = arith.constant 0 : index
    %get3A_183 = arith.constant 0 : index
    %get3A_184 = vector.load %arg8[%get3A_182, %get3A_183] : memref<1x16xf32, #tpu.memory_space<vmem>>, vector<1x16xf32>
    %add3A = vector.broadcast %get3A_184 : vector<1x16xf32> to vector<8x16xf32>
    %add3A_185 = arith.addf %dot_general3A_181, %add3A : vector<8x16xf32>
    %get3A_186 = arith.constant 0 : index
    %get3A_187 = arith.constant 0 : index
    %get3A_188 = vector.load %arg5[%get3A_186, %get3A_187] : memref<8x9xf32, #tpu.memory_space<vmem>>, vector<8x9xf32>
    %get3A_189 = arith.constant 0 : index
    %get3A_190 = arith.constant 0 : index
    %get3A_191 = vector.load %arg9[%get3A_189, %get3A_190] : memref<9x16xf32, #tpu.memory_space<vmem>>, vector<9x16xf32>
    %dot_general3A_192 = arith.constant dense<0.000000e+00> : vector<8x16xf32>
    %dot_general3A_193 = tpu.matmul %get3A_188, %get3A_191, %dot_general3A_192 {dimension_numbers = #tpu.dot_dimension_numbers<[1], [0], [0], [1], [0, 0, 1, 1], [], []>, transpose_lhs_hint = false} : vector<8x9xf32>, vector<9x16xf32>, vector<8x16xf32> -> vector<8x16xf32>
    %get3A_194 = arith.constant 0 : index
    %get3A_195 = arith.constant 0 : index
    %get3A_196 = vector.load %arg10[%get3A_194, %get3A_195] : memref<1x16xf32, #tpu.memory_space<vmem>>, vector<1x16xf32>
    %add3A_197 = vector.broadcast %get3A_196 : vector<1x16xf32> to vector<8x16xf32>
    %add3A_198 = arith.addf %dot_general3A_193, %add3A_197 : vector<8x16xf32>
    %concatenate3A_199 = tpu.concatenate %concatenate3A, %dot_general3A_173, %add3A_185, %add3A_198 in 1 : vector<8x16xf32>, vector<8x16xf32>, vector<8x16xf32>, vector<8x16xf32> -> vector<8x64xf32>
    %get3A_200 = arith.constant 0 : index
    %get3A_201 = arith.constant 0 : index
    %get3A_202 = vector.load %arg11[%get3A_200, %get3A_201] : memref<64x64xf32, #tpu.memory_space<vmem>>, vector<64x64xf32>
    %dot_general3A_203 = arith.constant dense<0.000000e+00> : vector<8x64xf32>
    %dot_general3A_204 = tpu.matmul %concatenate3A_199, %get3A_202, %dot_general3A_203 {dimension_numbers = #tpu.dot_dimension_numbers<[1], [0], [0], [1], [0, 0, 1, 1], [], []>, transpose_lhs_hint = false} : vector<8x64xf32>, vector<64x64xf32>, vector<8x64xf32> -> vector<8x64xf32>
    %get3A_205 = arith.constant 0 : index
    %get3A_206 = arith.constant 0 : index
    %get3A_207 = vector.load %arg12[%get3A_205, %get3A_206] : memref<1x64xf32, #tpu.memory_space<vmem>>, vector<1x64xf32>
    %add3A_208 = vector.broadcast %get3A_207 : vector<1x64xf32> to vector<8x64xf32>
    %add3A_209 = arith.addf %dot_general3A_204, %add3A_208 : vector<8x64xf32>
    %get3A_210 = arith.constant 0 : index
    %get3A_211 = arith.constant 0 : index
    %get3A_212 = vector.load %arg13[%get3A_210, %get3A_211] : memref<64x64xf32, #tpu.memory_space<vmem>>, vector<64x64xf32>
    %dot_general3A_213 = arith.constant dense<0.000000e+00> : vector<8x64xf32>
    %dot_general3A_214 = tpu.matmul %add3A_209, %get3A_212, %dot_general3A_213 {dimension_numbers = #tpu.dot_dimension_numbers<[1], [0], [0], [1], [0, 0, 1, 1], [], []>, transpose_lhs_hint = false} : vector<8x64xf32>, vector<64x64xf32>, vector<8x64xf32> -> vector<8x64xf32>
    %get3A_215 = arith.constant 0 : index
    %get3A_216 = arith.constant 0 : index
    %get3A_217 = vector.load %arg14[%get3A_215, %get3A_216] : memref<1x64xf32, #tpu.memory_space<vmem>>, vector<1x64xf32>
    %add3A_218 = vector.broadcast %get3A_217 : vector<1x64xf32> to vector<8x64xf32>
    %add3A_219 = arith.addf %dot_general3A_214, %add3A_218 : vector<8x64xf32>
    %get3A_220 = arith.constant 0 : index
    %get3A_221 = arith.constant 0 : index
    %get3A_222 = vector.load %arg15[%get3A_220, %get3A_221] : memref<64x64xf32, #tpu.memory_space<vmem>>, vector<64x64xf32>
    %dot_general3A_223 = arith.constant dense<0.000000e+00> : vector<8x64xf32>
    %dot_general3A_224 = tpu.matmul %add3A_219, %get3A_222, %dot_general3A_223 {dimension_numbers = #tpu.dot_dimension_numbers<[1], [0], [0], [1], [0, 0, 1, 1], [], []>, transpose_lhs_hint = false} : vector<8x64xf32>, vector<64x64xf32>, vector<8x64xf32> -> vector<8x64xf32>
    %get3A_225 = arith.constant 0 : index
    %get3A_226 = arith.constant 0 : index
    %get3A_227 = vector.load %arg16[%get3A_225, %get3A_226] : memref<1x64xf32, #tpu.memory_space<vmem>>, vector<1x64xf32>
    %add3A_228 = vector.broadcast %get3A_227 : vector<1x64xf32> to vector<8x64xf32>
    %add3A_229 = arith.addf %dot_general3A_224, %add3A_228 : vector<8x64xf32>
    %max3A_230 = arith.constant 0.000000e+00 : f32
    %max3A_231 = vector.broadcast %max3A_230 : f32 to vector<8x64xf32>
    %max3A_232 = arith.maximumf %add3A_229, %max3A_231 : vector<8x64xf32>
    %get3A_233 = arith.constant 0 : index
    %get3A_234 = arith.constant 0 : index
    %get3A_235 = vector.load %arg17[%get3A_233, %get3A_234] : memref<64x16xf32, #tpu.memory_space<vmem>>, vector<64x16xf32>
    %dot_general3A_236 = arith.constant dense<0.000000e+00> : vector<8x16xf32>
    %dot_general3A_237 = tpu.matmul %max3A_232, %get3A_235, %dot_general3A_236 {dimension_numbers = #tpu.dot_dimension_numbers<[1], [0], [0], [1], [0, 0, 1, 1], [], []>, transpose_lhs_hint = false} : vector<8x64xf32>, vector<64x16xf32>, vector<8x16xf32> -> vector<8x16xf32>
    %get3A_238 = arith.constant 0 : index
    %get3A_239 = arith.constant 0 : index
    %get3A_240 = vector.load %arg18[%get3A_238, %get3A_239] : memref<1x16xf32, #tpu.memory_space<vmem>>, vector<1x16xf32>
    %add3A_241 = vector.broadcast %get3A_240 : vector<1x16xf32> to vector<8x16xf32>
    %add3A_242 = arith.addf %dot_general3A_237, %add3A_241 : vector<8x16xf32>
    %swap3A = arith.constant 0 : index
    %swap3A_243 = arith.constant 0 : index
    %swap3A_244 = vector.load %arg19[%swap3A, %swap3A_243] : memref<8x16xf32, #tpu.memory_space<vmem>>, vector<8x16xf32>
    tpu.vector_store %arg19[%swap3A, %swap3A_243], %add3A_242 {strides = array<i32>} : memref<8x16xf32, #tpu.memory_space<vmem>>, vector<8x16xf32>,
    return
  }
}

</mosaic_0001>

<sc_bundles>
// kernel: gather_offload_async_start.1
scs
__scs_entry_jumppad:
0x0: {  	(pc) =	sbr.rel $0x88, $3  }
0x1: {  	(tag) =	ssettag $0x0;
	lr =	simm.s32 $0x1  }
0x2: {  	[smem:$0x3F76] =	sst lr;
	_ =	strace $0xD0000000  }
0x3: {  	_ = 	snop  }
0x4: {  	_ = 	snop  }
0x5: {  	_ = 	snop  }
0x6: {  	_ = 	snop  }
0x7: {  	_ = 	snop  }
__scs_overlays_trampoline_lowered:
0x8: {  	[smem:$0x3F85] =	sst s0  }
0x9: {  	[smem:$0x3F86] =	sst s1  }
0xa: {  	[smem:$0x3F87] =	sst s2  }
0xb: {  	[smem:$0x3F88] =	sst s3  }
0xc: {  	[smem:$0x3F89] =	sst s4  }
0xd: {  	[smem:$0x3F8A] =	sst s5  }
0xe: {  	[smem:$0x3F8B] =	sst s6  }
0xf: {  	[smem:$0x3F8C] =	sst s7  }
0x10: {  	[smem:$0x3F8D] =	sst s8  }
0x11: {  	[smem:$0x3F8E] =	sst s9;
	s0 =	simm.s32 @!p0 $0x0  }
0x12: {  	s1 =	sld [smem:$0x3F74];
	s0 =	simm.s32 @p0 $0x1  }
0x13: {  	[smem:$0x3F8F] =	sst s0;
	s0 =	simm.s32 @!p1 $0x0  }
0x14: {  	s2 =	sld [smem:$0x3F73];
	s0 =	simm.s32 @p1 $0x1  }
0x15: {  	[smem:$0x3F90] =	sst s0;
	s0 =	simm.s32 @!p2 $0x0  }
0x16: {  	s3 =	sld [smem:$0x3FDB];
	s0 =	simm.s32 @p2 $0x1  }
0x17: {  	s4 =	simm.s32 $0x1BF5;
	[smem:$0x3F92] =	sst s0  }
0x18: {  	s0 =	sld [smem:$0x3F75];
	_ =	swait.ge [sflag:s4], $0x0  }
0x19: {  	s7 =	sld [smem:$0x3F76]  }
0x1a: {  	s8 =	sadd.s32 $0xFFFFE003, lr  }
0x1b: {  	s9 =	sadd.s32 $0xFFFFFEF7, lr;
	s5 =	simm.s32 $0xFFFFFFFF;
	p2 =	slt.u32 s8, $0xFFFFF086  }
0x1c: {  	p1 =	slt.u32 s9, $0xF7A;
	s5 =	simm.s32 @!p2 $0x0  }
0x1d: {  	s5 =	simm.s32 @p1 $0x1;
	p0 =	seq.s32 s7, s2  }
0x1e: {  	s7 =	smul.u32 @!p0 $0xF7A, s2;
	p2 =	seq.s32 @!p0 s5, $0x0  }
0x1f: {  	s9 =	smul.u32 $0xF7A, s1;
	s8 =	simm.s32 @!p0 $0x1BF5;
	p2 =	por !p2, p0  }
0x20: {  	[sflag:s8] =	ssyncset.s32 @!p0 $0xFFFFF086;
	s6 =	sadd.s32 @!p0 s3, s7;
	s7 =	simm.s32 @!p0 $0x108  }
0x21: {  	s3 =	sadd.s32 s3, s9;
	s6 =	sadd.s32 @!p0 $0x88, s6;
	s7 =	simm.s32 @p2 $0x1082  }
0x22: {  	[simem:s7], [sflag:s8] =	dma.local @!p0 [hbm:s6], $0xF7A  }
0x23: {  	s9 =	sor.u32 $0xD0000000, s2;
	s6 =	simm.s32 $0x108;
	_ =	swait.ge @!p0 [sflag:s8], $0x0  }
0x24: {  	s3 =	sadd.s32 $0x88, s3;
	s6 =	simm.s32 @!p1 $0x1082;
	[sflag:s4] =	ssyncset.s32 $0xFFFFF086  }
0x25: {  	[simem:s6], [sflag:s4] =	dma.local [hbm:s3], $0xF7A  }
0x26: {  	[smem:$0x3F76] =	sst s1;
	(tag) =	ssettag s2;
	_ =	strace s9  }
0x27: {  	s1 =	sld [smem:$0x3F86]  }
0x28: {  	s2 =	sld [smem:$0x3F87]  }
0x29: {  	s4 =	sld [smem:$0x3F89]  }
0x2a: {  	p0 =	seq.s32 s5, $0x0;
	s5 =	sld [smem:$0x3F8A]  }
0x2b: {  	s6 =	sld [smem:$0x3F8B]  }
0x2c: {  	s7 =	sld [smem:$0x3F8C]  }
0x2d: {  	s3 =	simm.s32 $0x108;
	s8 =	sld [smem:$0x3F8D]  }
0x2e: {  	s3 =	simm.s32 @!p0 $0x1082;
	s9 =	sld [smem:$0x3F8E]  }
0x2f: {  	lr =	sadd.s32 s0, s3;
	s0 =	sld [smem:$0x3F85]  }
0x30: {  	s3 =	sld [smem:$0x3F88]  }
0x31: {  	[smem:$0x3F91] =	sst s10  }
0x32: {  	s10 =	sld [smem:$0x3F8F];
	_ =	sdelay $0x3  }
0x33: {  	p0 =	seq.s32 s10, $0x1;
	s10 =	sld [smem:$0x3F91];
	_ =	sdelay $0x3  }
0x34: {  	[smem:$0x3F91] =	sst s10  }
0x35: {  	s10 =	sld [smem:$0x3F90];
	_ =	sdelay $0x3  }
0x36: {  	p1 =	seq.s32 s10, $0x1;
	s10 =	sld [smem:$0x3F91];
	_ =	sdelay $0x3  }
0x37: {  	[smem:$0x3F91] =	sst s10  }
0x38: {  	s10 =	sld [smem:$0x3F92]  }
0x39: {  	_ = 	snop;
	(pc) =	sbr.ind lr, $3  }
0x3a: {  	_ = 	snop  }
0x3b: {  	_ = 	snop  }
0x3c: {  	p2 =	seq.s32 s10, $0x1;
	s10 =	sld [smem:$0x3F91]  }
0x3d: {  	_ =	shalt  }
0x3e: {  	_ =	shalt  }
0x3f: {  	_ =	shalt  }
0x40: {  	_ =	shalt  }
0x41: {  	_ =	shalt  }
0x42: {  	_ =	shalt  }
0x43: {  	_ =	shalt  }
0x44: {  	_ =	shalt  }
0x45: {  	_ =	shalt  }
0x46: {  	_ =	shalt  }
0x47: {  	_ =	shalt  }
0x48: {  	_ =	shalt  }
0x49: {  	_ =	shalt  }
0x4a: {  	_ =	shalt  }
0x4b: {  	_ =	shalt  }
0x4c: {  	_ =	shalt  }
0x4d: {  	_ =	shalt  }
0x4e: {  	_ =	shalt  }
0x4f: {  	_ =	shalt  }
0x50: {  	_ =	shalt  }
0x51: {  	_ =	shalt  }
0x52: {  	_ =	shalt  }
0x53: {  	_ =	shalt  }
0x54: {  	_ =	shalt  }
0x55: {  	_ =	shalt  }
0x56: {  	_ =	shalt  }
0x57: {  	_ =	shalt  }
0x58: {  	_ =	shalt  }
0x59: {  	_ =	shalt  }
0x5a: {  	_ =	shalt  }
0x5b: {  	_ =	shalt  }
0x5c: {  	_ =	shalt  }
0x5d: {  	_ =	shalt  }
0x5e: {  	_ =	shalt  }
0x5f: {  	_ =	shalt  }
0x60: {  	_ =	shalt  }
0x61: {  	_ =	shalt  }
0x62: {  	_ =	shalt  }
0x63: {  	_ =	shalt  }
0x64: {  	_ =	shalt  }
0x65: {  	_ =	shalt  }
0x66: {  	_ =	shalt  }
0x67: {  	_ =	shalt  }
0x68: {  	_ =	shalt  }
0x69: {  	_ =	shalt  }
0x6a: {  	_ =	shalt  }
0x6b: {  	_ =	shalt  }
0x6c: {  	_ =	shalt  }
0x6d: {  	_ =	shalt  }
0x6e: {  	_ =	shalt  }
0x6f: {  	_ =	shalt  }
0x70: {  	_ =	shalt  }
0x71: {  	_ =	shalt  }
0x72: {  	_ =	shalt  }
0x73: {  	_ =	shalt  }
0x74: {  	_ =	shalt  }
0x75: {  	_ =	shalt  }
0x76: {  	_ =	shalt  }
0x77: {  	_ =	shalt  }
0x78: {  	_ =	shalt  }
0x79: {  	_ =	shalt  }
0x7a: {  	_ =	shalt  }
0x7b: {  	_ =	shalt  }
0x7c: {  	_ =	shalt  }
0x7d: {  	_ =	shalt  }
0x7e: {  	_ =	shalt  }
0x7f: {  	_ =	shalt  }
0x80: {  	_ =	shalt  }
0x81: {  	_ =	shalt  }
0x82: {  	_ =	shalt  }
0x83: {  	_ =	shalt  }
0x84: {  	_ =	shalt  }
0x85: {  	_ =	shalt  }
0x86: {  	_ =	shalt  }
0x87: {  	_ =	shalt  }
.Lfunc_end0:
.L_simem_size_0:
called_computation.1_lowered:
.L_overlay_start_0:
0x88: {  	s2 =	sld [smem:$0x3FD9]  }
0x89: {  	s3 =	sld [smem:$0x3FFE];
	_ =	sdelay $0x1  }
0x8a: {  	s1 =	srdreg.scid  }
0x8b: {  	s0 =	sand.u32 $0x1, s1  }
0x8c: {  	s16 =	sshll.u32 s0, $0xA;
	s2 =	sadd.s32 s3, s2  }
0x8d: {  	s2 =	sadd.s32 s2, s16  }
0x8e: {  	[smem:$0x3F9D] =	sst s2  }
0x8f: {  	_ = 	snop  }
0x90: {  	(tm) =	ssettm $0x1  }
0x91: {  	s17 =	sld [smem:$0x3FFB];
	_ =	sdelay $0x3  }
0x92: {  	_ =	strace s17  }
0x93: {  	s2 =	sld [smem:$0x3FFC];
	_ =	sdelay $0x3  }
0x94: {  	_ =	strace s2  }
0x95: {  	s2 =	sld [smem:$0x3FFD];
	_ =	sdelay $0x3  }
0x96: {  	_ =	strace s2  }
0x97: {  	_ =	strace $0x8FFFFFFF  }
0x98: {  	s18 =	sld [smem:$0x3FDB];
	_ =	sdelay $0x1  }
0x99: {  	s19 =	simm.s32 $_scs_section_size  }
0x9a: {  	s4 =	simm.s32 $_size__tile_overlayer_lowered;
	s5 =	simm.s32 $_tile_overlayer_lowered  }
0x9b: {  	s22 =	simm.s32 $0x1BFF;
	s21 =	sshll.u32 s5, $0x1;
	s2 =	sadd.s32 s19, s18  }
0x9c: {  	s6 =	simm.s32 $0x0;
	s20 =	sshll.u32 s4, $0x1;
	s4 =	sadd.s32 s21, s2  }
0x9d: {  	[timem:s6], [sflag:s22] =	dma.local [hbm:s4], s20  }
0x9e: {  	_ =	swait.ge [sflag:s22], s20  }
0x9f: {  	s3 =	ssub.s32 $0x0, s20;
	[sflag:s22] =	ssyncset.done $0x0  }
0xa0: {  	[sflag:s22] =	ssyncadd.s32 s3;
	_ =	sdelay $0x1  }
0xa1: {  	s23 =	simm.s32 $0x1B8B  }
0xa2: {  	_ =	swait.ge [sflag:s23], $0x1  }
0xa3: {  	[sflag:s23] =	ssyncset.done $0x0  }
0xa4: {  	s25 =	simm.s32 $0x1B8E;
	s24 =	sld [smem:$0x3FFE];
	[sflag:s23] =	ssyncadd.s32 $0xFFFFFFFF  }
0xa5: {  	s26 =	simm.s32 $execute0_lowered;
	[smem:$0x3FD2] =	sst s25  }
0xa6: {  	s4 =	sshll.u32 s26, $0x1;
	_ =	strace $0x80000046;
	[dreg:$0x1] =	wrdreg $0xFFFFFFFF  }
0xa7: {  	s28 =	simm.s32 $_size_execute0_lowered;
	s2 =	sadd.s32 s2, s4;
	[dreg:$0x0] =	wrdreg $0x0  }
0xa8: {  	s4 =	sshll.u32 s28, $0x1;
	[dreg:$0x2] =	wrdreg s2  }
0xa9: {  	[dreg:$0x3] =	wrdreg s4  }
0xaa: {  	[dreg:$0x4] =	wrdreg $0xC0  }
0xab: {  	_ =	task [dreg:s6], $0x5FFFF  }
0xac: {  	[dreg:$0x1] =	wrdreg $0xFFFFFFFF  }
0xad: {  	[dreg:$0x0] =	wrdreg $0x60  }
0xae: {  	[dreg:$0x2] =	wrdreg s24  }
0xaf: {  	[dreg:$0x3] =	wrdreg $0xA  }
0xb0: {  	_ =	task.clear_ibuf [dreg:s6], $0x4FFFF;
	_ =	strace $0x90000046  }
0xb1: {  	s29 =	simm.s32 $0xA;
	_ =	strace $0x80000048  }
0xb2: {  	_ =	swait.ge [sflag:s29], $0x1  }
0xb3: {  	[sflag:s29] =	ssyncadd.s32 $0xFFFFFFFF  }
0xb4: {  	_ =	strace $0x90000048  }
0xb5: {  	_ =	sfence  }
0xb6: {  	s30 =	sld [smem:$0x0];
	_ =	sdelay $0x2  }
0xb7: {  	s31 =	sshll.u32 s1, $0xD;
	s1 =	sshrl.u32 s1, $0x2  }
0xb8: {  	s3 =	sand.u32 $0x4000, s31;
	s1 =	sadd.s32 s1, s30  }
0xb9: {  	s0 =	sor.u32 s3, s0;
	s1 =	sshll.u32 s1, $0x11  }
0xba: {  	s0 =	sor.u32 s1, s0  }
0xbb: {  	s0 =	sadd.s32 $0x8F2B, s0  }
0xbc: {  	[sflag:s0] =	ssyncadd.remote.s32 $0x1  }
0xbd: {  	_ =	sfence.sel $0xFFFF  }
0xbe: {  	[dreg:$0x0] =	wrdreg $0xFFFFFFFF;
	(pc) =	sbr.abs _section_cstart, $3  }
0xbf: {  	[dreg:$0x1] =	wrdreg $0xFFFFFFFF  }
0xc0: {  	_ =	task.clear_ibuf [dreg:s6], $0x2FFFF;
	_ =	strace $0x9FFFFFFF  }
0xc1: {  	(tm) =	ssettm $0x7FFFFFFF  }
tec
execute0_lowered:
.L_overlay_start_1:
0x0: {  	(tag) =	ssettag $0x1  }
0x1: {  	s0 =	srdreg.scid  }
0x2: {  	s1 =	sshll.u32 s0, $0x4  }
0x3: {  	s0 =	stileid.u32;
	s1 =	sand.u32 $0x10, s1  }
0x4: {  	s1 =	sor.u32 s0, s1  }
0x5: {  	s9 =	rddreg [dreg:$0x0];
	s6 =	simm.s32 $0x1;
	s2 =	smin.u32 s1, $0x8  }
0x6: {  	p0 =	slt.u32 s1, $0x8;
	s2 =	sadd.s32 s1, s2;
	s1 =	simm.s32 $0x40  }
0x7: {  	s7 =	simm.s32 $0x2;
	s2 =	sshll.u32 s2, $0x5;
	s1 =	simm.s32 @!p0 $0x20  }
0x8: {  	s10 =	simm.s32 $0x3;
	s13 =	simm.s32 $0x0;
	s3 =	sadd.s32 s1, s2  }
0x9: {  	s12 =	simm.s32 $0x0;
	s4 =	sadd.s32 $0x6600, s9;
	s3 =	smin.u32 s3, $0x500  }
.Ltmp0:
0xa: {  	s5 =	sadd.s32 $0x6400, s9;
	s8 =	ssub.s32 s3, s2;
	(pc) =	sbr.rel .LBB2_1-.Ltmp0, $4  }
0xb: {  	s1 =	rddreg [dreg:$0x1];
	_ =	strace $0x80000047;
	p0 =	sgt.s32 s8, $0x0  }
0xc: {  	s9 =	sadd.s32 $0xB600, s9;
	[sflag:s6] =	ssyncpa.u1 $0x0;
	s8 =	simm.s32 @!p0 $0x0  }
0xd: {  	s11 =	smov.u32 s2;
	[sflag:s7] =	ssyncpa.u1 $0x0;
	s8 =	sshrl.u32 s8, $0x5  }
0xe: {  	vm0 =	vmmov $0xff;
	vm1 =	vcmask $0x3F20;
	[sflag:s10] =	ssyncpa.u1 $0x0;
	p0 =	por $0x0, $0x0;
	s10 =	sadd.s32 $0x1, s8  }
.LBB2_6:
0xf: {  	[hbm:s17] =	stream.linear.scatter [tilespmem:s14], [sflag:$0x3], $0x400, $0x38;
	[tilespmem:$0x2040] =	vst v63  }
.LBB2_7:
0x10: {  	s13 =	sadd.s32 $0x20, s11  }
0x11: {  	s15 =	smov.u32 s2;
	p2 =	slt.s32 s13, s3  }
0x12: {  	s15 =	smov.u32 @p2 s13;
	p2 =	sne.s32 s12, s10  }
.Ltmp1:
0x13: {  	p1 =	slt.u32 s12, $0x2;
	(pc) =	sbr.rel @!p2 .LBB2_8-.Ltmp1, $4  }
0x14: {  	s14 =	simm.s32 @!p1 $0x3  }
0x15: {  	s16 =	sadd.s32 $0x1, s12;
	_ =	swait.ge @!p1 [sflag:s14], $0x1000  }
0x16: {  	p0 =	por !p0, !p0;
	s13 =	smov.u32 s11;
	[sflag:s14] =	ssyncset.done @!p1 $0x0  }
0x17: {  	s12 =	smov.u32 s16;
	s11 =	smov.u32 s15;
	[sflag:s14] =	ssyncadd.s32 @!p1 $0xFFFFF000  }
.LBB2_1:
0x18: {  	p1 =	sge.u32 s12, s8  }
0x19: {  	s14 =	sxor.u32 @!p1 $0xFFFFFFFF, s12  }
0x1a: {  	s31 =	sadd.s32 $0xFFFFFFFF, s12;
	s15 =	sshrl.u32 @!p1 s11, $0x3;
	s14 =	sshll.u32 @!p1 s14, $0x5  }
0x1b: {  	s16 =	sand.u32 @!p1 $0x7, s11;
	s15 =	sadd.s32 @!p1 s5, s15;
	s14 =	sand.u32 @!p1 $0x20, s14  }
0x1c: {  	[tilespmem:s14], [sflag:$0x2] =	stream.linear.gather @!p1 [hbm4b:s15+s16], $0x20, $0x38;
	[tilespmem:$0x2040] =	vst v63  }
0x1d: {  	p1 =	sge.u32 s31, s8  }
.Ltmp2:
0x1e: {  	_ = 	snop;
	(pc) =	sbr.rel @p1 .LBB2_7-.Ltmp2, $1  }
0x1f: {  	_ =	sdelay $0x3  }
0x20: {  	s14 =	simm.s32 $0x1  }
0x21: {  	_ =	swait.ge [sflag:s7], $0x20;
	s16 =	sand.u32 $0x1, s12;
	s17 =	simm.s32 $0x0  }
0x22: {  	p1 =	por $0x1, $0x1;
	s14 =	simm.s32 @!p0 $0x0;
	[sflag:s7] =	ssyncset.done $0x0  }
0x23: {  	s15 =	sshll.u32 s16, $0x5;
	s16 =	sshll.u32 s16, $0xC;
	s14 =	sshll.u32 s14, $0xC  }
0x24: {  	[sflag:s7] =	ssyncadd.s32 $0xFFFFFFE0;
	s16 =	sor.u32 $0x40, s16;
	s14 =	sor.u32 $0x40, s14  }
.LBB2_3:
0x25: {  	s18 =	sshll.u32 s17, $0x4  }
0x26: {  	s18 =	sand.u32 $0x3FFFFFF0, s18  }
0x27: {  	s18 =	sadd.s32 s18, s15  }
0x28: {  	v0 =	vld.msk [tilespmem:s18+$0x0 ss:$0x1], $0xffff;
	_ =	sdelay $0x4  }
0x29: {  	vm2 =	vgt.s32 v0, $0x0  }
0x2a: {  	v0 =	vnsel vm2, $0x0, v0  }
0x2b: {  	v0 =	vmin.u32 v0, $0x4FF  }
0x2c: {  	v0 =	vshll.u32 v0, $0x4;
	_ =	sdelay $0x1  }
0x2d: {  	s31 =	sshll.u32 s17, $0xB  }
0x2e: {  	p2 =	por p1, p1;
	s17 =	sand.u32 $0x3FFFF800, s31  }
.Ltmp3:
0x2f: {  	s17 =	sadd.s32 s17, s16;
	(pc) =	sbr.rel @p2 .LBB2_3-.Ltmp3, $4  }
0x30: {  	[tilespmem:s17], [sflag:$0x1] =	stream.indirect_vreg.gather [hbm:s4], $0x80, v0, vm0, $0x38;
	[tilespmem:$0x2040] =	vst v63  }
0x31: {  	s17 =	sadd.s32 $0x400, s17  }
0x32: {  	[tilespmem:s17], [sflag:$0x1] =	stream.indirect_vreg.gather [hbm:s4], $0x80, v0, vm1, $0x38;
	[tilespmem:$0x2040] =	vst v63  }
0x33: {  	p1 =	por $0x0, $0x0;
	s17 =	simm.s32 $0x1  }
0x34: {  	_ =	swait.ge [sflag:s6], $0x1000;
	s13 =	sshll.u32 s13, $0x4  }
0x35: {  	s15 =	simm.s32 $0x80;
	[sflag:s6] =	ssyncset.done $0x0;
	s13 =	sadd.s32 s13, s9  }
0x36: {  	s16 =	sadd.s32 $0x400, s14;
	[sflag:s6] =	ssyncadd.s32 $0xFFFFF000;
	s17 =	sadd.s32 $0x0, s13  }
.LBB2_5:
0x37: {  	[hbm:s17] =	stream.linear.scatter [tilespmem:s14], [sflag:$0x3], $0x400, $0x38;
	[tilespmem:$0x2040] =	vst v63  }
0x38: {  	s17 =	smov.u32 s15;
	s14 =	smov.u32 s16;
	p1 =	sne.s32 s15, $0x180  }
.Ltmp4:
0x39: {  	s15 =	sadd.s32 $0x80, s15;
	(pc) =	sbr.rel @p1 .LBB2_5-.Ltmp4, $2  }
0x3a: {  	_ =	sdelay $0x2  }
0x3b: {  	s16 =	sadd.s32 $0x400, s16;
	s17 =	sadd.s32 s17, s13  }
.Ltmp5:
0x3c: {  	_ = 	snop;
	(pc) =	sbr.rel .LBB2_6-.Ltmp5, $1  }
0x3d: {  	_ =	sdelay $0x3  }
.LBB2_8:
0x3e: {  	_ =	sfence.sel $0x180000  }
0x3f: {  	s2 =	simm.s32 $0x2;
	[bflag:$0x0] =	sbarrier.arrive $0xFFFF  }
0x40: {  	s30 =	simm.s32 $0x3;
	[sflag:s2] =	ssyncpa.u1 $0x1  }
0x41: {  	s31 =	simm.s32 $0x1;
	[sflag:s30] =	ssyncpa.u1 $0x1  }
0x42: {  	[sflag:s31] =	ssyncpa.u1 $0x1  }
0x43: {  	p0 =	sne.s32 s0, $0x0;
	_ =	strace $0x90000047  }
0x44: {  	s0 =	sadd.s32 @!p0 $0x100000, s1;
	[bflag:$0x2] =	sbarrier.arrive $0xFFFF  }
0x45: {  	[sflag:s0] =	ssyncadd.tile.s32 @!p0 $0x1;
	_ =	shalt  }
.Lfunc_end2:
_tile_overlayer_lowered:
.L_overlay_start_2:
0x46: {  	(tag) =	ssettag $0x2  }
0x47: {  	s0 =	rddreg [dreg:$0x0];
	s2 =	stileid.u32  }
0x48: {  	s1 =	rddreg [dreg:$0x1];
	p0 =	sne.s32 s2, $0x0  }
0x49: {  	s3 =	rddreg [dreg:$0x2];
	[bflag:$0x3] =	sbarrier.arrive $0xFFFF;
	s2 =	simm.s32 @!p0 $0x1C01  }
0x4a: {  	[timem:s3], [sflag:s2] =	dma.local @!p0 [hbm:s0], s1  }
0x4b: {  	s0 =	simm.s32 @!p0 $0x1  }
0x4c: {  	_ =	swait.ge @!p0 [sflag:s0], s1  }
0x4d: {  	s1 =	ssub.s32 @!p0 $0x0, s1;
	[sflag:s0] =	ssyncset.done @!p0 $0x0  }
0x4e: {  	[sflag:s0] =	ssyncadd.s32 @!p0 s1  }
0x4f: {  	[bflag:$0x3] =	sbarrier.arrive $0xFFFF  }
0x50: {  	_ =	shalt  }

// kernel: gather_offload_async_start.2
scs
__scs_entry_jumppad:
0x0: {  	(pc) =	sbr.rel $0x88, $3  }
0x1: {  	(tag) =	ssettag $0x0;
	lr =	simm.s32 $0x1  }
0x2: {  	[smem:$0x3F76] =	sst lr;
	_ =	strace $0xD0000000  }
0x3: {  	_ = 	snop  }
0x4: {  	_ = 	snop  }
0x5: {  	_ = 	snop  }
0x6: {  	_ = 	snop  }
0x7: {  	_ = 	snop  }
__scs_overlays_trampoline_lowered:
0x8: {  	[smem:$0x3F85] =	sst s0  }
0x9: {  	[smem:$0x3F86] =	sst s1  }
0xa: {  	[smem:$0x3F87] =	sst s2  }
0xb: {  	[smem:$0x3F88] =	sst s3  }
0xc: {  	[smem:$0x3F89] =	sst s4  }
0xd: {  	[smem:$0x3F8A] =	sst s5  }
0xe: {  	[smem:$0x3F8B] =	sst s6  }
0xf: {  	[smem:$0x3F8C] =	sst s7  }
0x10: {  	[smem:$0x3F8D] =	sst s8  }
0x11: {  	[smem:$0x3F8E] =	sst s9;
	s0 =	simm.s32 @!p0 $0x0  }
0x12: {  	s1 =	sld [smem:$0x3F74];
	s0 =	simm.s32 @p0 $0x1  }
0x13: {  	[smem:$0x3F8F] =	sst s0;
	s0 =	simm.s32 @!p1 $0x0  }
0x14: {  	s2 =	sld [smem:$0x3F73];
	s0 =	simm.s32 @p1 $0x1  }
0x15: {  	[smem:$0x3F90] =	sst s0;
	s0 =	simm.s32 @!p2 $0x0  }
0x16: {  	s3 =	sld [smem:$0x3FDB];
	s0 =	simm.s32 @p2 $0x1  }
0x17: {  	s4 =	simm.s32 $0x1BF5;
	[smem:$0x3F92] =	sst s0  }
0x18: {  	s0 =	sld [smem:$0x3F75];
	_ =	swait.ge [sflag:s4], $0x0  }
0x19: {  	s7 =	sld [smem:$0x3F76]  }
0x1a: {  	s8 =	sadd.s32 $0xFFFFE003, lr  }
0x1b: {  	s9 =	sadd.s32 $0xFFFFFEF7, lr;
	s5 =	simm.s32 $0xFFFFFFFF;
	p2 =	slt.u32 s8, $0xFFFFF086  }
0x1c: {  	p1 =	slt.u32 s9, $0xF7A;
	s5 =	simm.s32 @!p2 $0x0  }
0x1d: {  	s5 =	simm.s32 @p1 $0x1;
	p0 =	seq.s32 s7, s2  }
0x1e: {  	s7 =	smul.u32 @!p0 $0xF7A, s2;
	p2 =	seq.s32 @!p0 s5, $0x0  }
0x1f: {  	s9 =	smul.u32 $0xF7A, s1;
	s8 =	simm.s32 @!p0 $0x1BF5;
	p2 =	por !p2, p0  }
0x20: {  	[sflag:s8] =	ssyncset.s32 @!p0 $0xFFFFF086;
	s6 =	sadd.s32 @!p0 s3, s7;
	s7 =	simm.s32 @!p0 $0x108  }
0x21: {  	s3 =	sadd.s32 s3, s9;
	s6 =	sadd.s32 @!p0 $0x88, s6;
	s7 =	simm.s32 @p2 $0x1082  }
0x22: {  	[simem:s7], [sflag:s8] =	dma.local @!p0 [hbm:s6], $0xF7A  }
0x23: {  	s9 =	sor.u32 $0xD0000000, s2;
	s6 =	simm.s32 $0x108;
	_ =	swait.ge @!p0 [sflag:s8], $0x0  }
0x24: {  	s3 =	sadd.s32 $0x88, s3;
	s6 =	simm.s32 @!p1 $0x1082;
	[sflag:s4] =	ssyncset.s32 $0xFFFFF086  }
0x25: {  	[simem:s6], [sflag:s4] =	dma.local [hbm:s3], $0xF7A  }
0x26: {  	[smem:$0x3F76] =	sst s1;
	(tag) =	ssettag s2;
	_ =	strace s9  }
0x27: {  	s1 =	sld [smem:$0x3F86]  }
0x28: {  	s2 =	sld [smem:$0x3F87]  }
0x29: {  	s4 =	sld [smem:$0x3F89]  }
0x2a: {  	p0 =	seq.s32 s5, $0x0;
	s5 =	sld [smem:$0x3F8A]  }
0x2b: {  	s6 =	sld [smem:$0x3F8B]  }
0x2c: {  	s7 =	sld [smem:$0x3F8C]  }
0x2d: {  	s3 =	simm.s32 $0x108;
	s8 =	sld [smem:$0x3F8D]  }
0x2e: {  	s3 =	simm.s32 @!p0 $0x1082;
	s9 =	sld [smem:$0x3F8E]  }
0x2f: {  	lr =	sadd.s32 s0, s3;
	s0 =	sld [smem:$0x3F85]  }
0x30: {  	s3 =	sld [smem:$0x3F88]  }
0x31: {  	[smem:$0x3F91] =	sst s10  }
0x32: {  	s10 =	sld [smem:$0x3F8F];
	_ =	sdelay $0x3  }
0x33: {  	p0 =	seq.s32 s10, $0x1;
	s10 =	sld [smem:$0x3F91];
	_ =	sdelay $0x3  }
0x34: {  	[smem:$0x3F91] =	sst s10  }
0x35: {  	s10 =	sld [smem:$0x3F90];
	_ =	sdelay $0x3  }
0x36: {  	p1 =	seq.s32 s10, $0x1;
	s10 =	sld [smem:$0x3F91];
	_ =	sdelay $0x3  }
0x37: {  	[smem:$0x3F91] =	sst s10  }
0x38: {  	s10 =	sld [smem:$0x3F92]  }
0x39: {  	_ = 	snop;
	(pc) =	sbr.ind lr, $3  }
0x3a: {  	_ = 	snop  }
0x3b: {  	_ = 	snop  }
0x3c: {  	p2 =	seq.s32 s10, $0x1;
	s10 =	sld [smem:$0x3F91]  }
0x3d: {  	_ =	shalt  }
0x3e: {  	_ =	shalt  }
0x3f: {  	_ =	shalt  }
0x40: {  	_ =	shalt  }
0x41: {  	_ =	shalt  }
0x42: {  	_ =	shalt  }
0x43: {  	_ =	shalt  }
0x44: {  	_ =	shalt  }
0x45: {  	_ =	shalt  }
0x46: {  	_ =	shalt  }
0x47: {  	_ =	shalt  }
0x48: {  	_ =	shalt  }
0x49: {  	_ =	shalt  }
0x4a: {  	_ =	shalt  }
0x4b: {  	_ =	shalt  }
0x4c: {  	_ =	shalt  }
0x4d: {  	_ =	shalt  }
0x4e: {  	_ =	shalt  }
0x4f: {  	_ =	shalt  }
0x50: {  	_ =	shalt  }
0x51: {  	_ =	shalt  }
0x52: {  	_ =	shalt  }
0x53: {  	_ =	shalt  }
0x54: {  	_ =	shalt  }
0x55: {  	_ =	shalt  }
0x56: {  	_ =	shalt  }
0x57: {  	_ =	shalt  }
0x58: {  	_ =	shalt  }
0x59: {  	_ =	shalt  }
0x5a: {  	_ =	shalt  }
0x5b: {  	_ =	shalt  }
0x5c: {  	_ =	shalt  }
0x5d: {  	_ =	shalt  }
0x5e: {  	_ =	shalt  }
0x5f: {  	_ =	shalt  }
0x60: {  	_ =	shalt  }
0x61: {  	_ =	shalt  }
0x62: {  	_ =	shalt  }
0x63: {  	_ =	shalt  }
0x64: {  	_ =	shalt  }
0x65: {  	_ =	shalt  }
0x66: {  	_ =	shalt  }
0x67: {  	_ =	shalt  }
0x68: {  	_ =	shalt  }
0x69: {  	_ =	shalt  }
0x6a: {  	_ =	shalt  }
0x6b: {  	_ =	shalt  }
0x6c: {  	_ =	shalt  }
0x6d: {  	_ =	shalt  }
0x6e: {  	_ =	shalt  }
0x6f: {  	_ =	shalt  }
0x70: {  	_ =	shalt  }
0x71: {  	_ =	shalt  }
0x72: {  	_ =	shalt  }
0x73: {  	_ =	shalt  }
0x74: {  	_ =	shalt  }
0x75: {  	_ =	shalt  }
0x76: {  	_ =	shalt  }
0x77: {  	_ =	shalt  }
0x78: {  	_ =	shalt  }
0x79: {  	_ =	shalt  }
0x7a: {  	_ =	shalt  }
0x7b: {  	_ =	shalt  }
0x7c: {  	_ =	shalt  }
0x7d: {  	_ =	shalt  }
0x7e: {  	_ =	shalt  }
0x7f: {  	_ =	shalt  }
0x80: {  	_ =	shalt  }
0x81: {  	_ =	shalt  }
0x82: {  	_ =	shalt  }
0x83: {  	_ =	shalt  }
0x84: {  	_ =	shalt  }
0x85: {  	_ =	shalt  }
0x86: {  	_ =	shalt  }
0x87: {  	_ =	shalt  }
.Lfunc_end0:
.L_simem_size_0:
called_computation.2_lowered:
.L_overlay_start_0:
0x88: {  	s2 =	sld [smem:$0x3FD9]  }
0x89: {  	s3 =	sld [smem:$0x3FFE];
	_ =	sdelay $0x1  }
0x8a: {  	s1 =	srdreg.scid  }
0x8b: {  	s0 =	sand.u32 $0x1, s1  }
0x8c: {  	s17 =	sshll.u32 s0, $0xA;
	s2 =	sadd.s32 s3, s2  }
0x8d: {  	s2 =	sadd.s32 s2, s17  }
0x8e: {  	[smem:$0x3F9D] =	sst s2  }
0x8f: {  	_ = 	snop  }
0x90: {  	(tm) =	ssettm $0x1  }
0x91: {  	s18 =	sld [smem:$0x3FFB];
	_ =	sdelay $0x3  }
0x92: {  	_ =	strace s18  }
0x93: {  	s2 =	sld [smem:$0x3FFC];
	_ =	sdelay $0x3  }
0x94: {  	_ =	strace s2  }
0x95: {  	s2 =	sld [smem:$0x3FFD];
	_ =	sdelay $0x3  }
0x96: {  	_ =	strace s2  }
0x97: {  	_ =	strace $0x8FFFFFFF  }
0x98: {  	s19 =	sld [smem:$0x3FDB];
	_ =	sdelay $0x1  }
0x99: {  	s20 =	simm.s32 $_scs_section_size  }
0x9a: {  	s4 =	simm.s32 $_size__tile_overlayer_lowered;
	s5 =	simm.s32 $_tile_overlayer_lowered  }
0x9b: {  	s6 =	simm.s32 $0x1BFF;
	s21 =	sshll.u32 s5, $0x1;
	s3 =	sadd.s32 s20, s19  }
0x9c: {  	s22 =	simm.s32 $0x0;
	s4 =	sshll.u32 s4, $0x1;
	s5 =	sadd.s32 s21, s3  }
0x9d: {  	[timem:s22], [sflag:s6] =	dma.local [hbm:s5], s4  }
0x9e: {  	_ =	swait.ge [sflag:s6], s4  }
0x9f: {  	s4 =	ssub.s32 $0x0, s4;
	[sflag:s6] =	ssyncset.done $0x0  }
0xa0: {  	[sflag:s6] =	ssyncadd.s32 s4;
	_ =	sdelay $0x1  }
0xa1: {  	s23 =	simm.s32 $0x1B8B  }
0xa2: {  	_ =	swait.ge [sflag:s23], $0x1  }
0xa3: {  	[sflag:s23] =	ssyncset.done $0x0  }
0xa4: {  	[sflag:s23] =	ssyncadd.s32 $0xFFFFFFFF  }
0xa5: {  	s4 =	sld [smem:$0x0]  }
0xa6: {  	s5 =	sand.u32 $0xFFFFFFFE, s1  }
0xa7: {  	p0 =	sne.s32 s1, s5  }
0xa8: {  	s5 =	sshll.u32 @p0 s5, $0xE  }
0xa9: {  	s5 =	sadd.s32 @p0 $0x11B8D, s5;
	s6 =	sshll.u32 @p0 s4, $0x11  }
0xaa: {  	s5 =	sor.u32 @p0 s6, s5  }
0xab: {  	[sflag:s5] =	ssyncadd.remote.s32 @p0 $0x1;
	_ =	sdelay $0x1  }
0xac: {  	s5 =	simm.s32 @p0 $0x1B8D  }
0xad: {  	_ =	swait.eq @p0 [sflag:s5], $0x1  }
0xae: {  	[sflag:s5] =	ssyncadd.s32 @p0 $0xFFFFFFFF  }
0xaf: {  	s6 =	sshll.u32 @!p0 s1, $0xE  }
0xb0: {  	s6 =	sor.u32 @!p0 $0x4000, s6;
	s5 =	simm.s32 @!p0 $0x1B8D  }
0xb1: {  	s4 =	sshll.u32 @!p0 s4, $0x11;
	s6 =	sadd.s32 @!p0 $0x11B8D, s6;
	_ =	swait.eq @!p0 [sflag:s5], $0x1  }
0xb2: {  	s4 =	sor.u32 @!p0 s4, s6;
	[sflag:s5] =	ssyncadd.s32 @!p0 $0xFFFFFFFF  }
0xb3: {  	s25 =	simm.s32 $0x1B8E;
	s24 =	sld [smem:$0x3FFE];
	[sflag:s4] =	ssyncadd.remote.s32 @!p0 $0x1  }
0xb4: {  	s26 =	simm.s32 $execute0_lowered;
	[smem:$0x3FD2] =	sst s25  }
0xb5: {  	s5 =	sshll.u32 s26, $0x1;
	_ =	strace $0x80000049;
	[dreg:$0x1] =	wrdreg $0xFFFFFFFF  }
0xb6: {  	s28 =	simm.s32 $_size_execute0_lowered;
	s3 =	sadd.s32 s3, s5;
	[dreg:$0x0] =	wrdreg $0x0  }
0xb7: {  	s5 =	sshll.u32 s28, $0x1;
	[dreg:$0x2] =	wrdreg s3  }
0xb8: {  	[dreg:$0x3] =	wrdreg s5  }
0xb9: {  	[dreg:$0x4] =	wrdreg $0xC0  }
0xba: {  	_ =	task [dreg:s22], $0x5FFFF  }
0xbb: {  	[dreg:$0x1] =	wrdreg $0xFFFFFFFF  }
0xbc: {  	[dreg:$0x0] =	wrdreg $0x60  }
0xbd: {  	[dreg:$0x2] =	wrdreg s24  }
0xbe: {  	[dreg:$0x3] =	wrdreg $0xB  }
0xbf: {  	_ =	task.clear_ibuf [dreg:s22], $0x4FFFF;
	_ =	strace $0x90000049  }
0xc0: {  	s29 =	simm.s32 $0xB;
	_ =	strace $0x8000004B  }
0xc1: {  	_ =	swait.ge [sflag:s29], $0x1  }
0xc2: {  	[sflag:s29] =	ssyncadd.s32 $0xFFFFFFFF  }
0xc3: {  	_ =	strace $0x9000004B  }
0xc4: {  	_ =	sfence  }
0xc5: {  	s30 =	sld [smem:$0x0];
	_ =	sdelay $0x2  }
0xc6: {  	s31 =	sshll.u32 s1, $0xD;
	s1 =	sshrl.u32 s1, $0x2  }
0xc7: {  	s4 =	sand.u32 $0x4000, s31;
	s1 =	sadd.s32 s1, s30  }
0xc8: {  	s0 =	sor.u32 s4, s0;
	s1 =	sshll.u32 s1, $0x11  }
0xc9: {  	s0 =	sor.u32 s1, s0  }
0xca: {  	s0 =	sadd.s32 $0x8F2B, s0  }
0xcb: {  	[sflag:s0] =	ssyncadd.remote.s32 $0x1  }
0xcc: {  	_ =	sfence.sel $0xFFFF  }
0xcd: {  	[dreg:$0x0] =	wrdreg $0xFFFFFFFF;
	(pc) =	sbr.abs _section_cstart, $3  }
0xce: {  	[dreg:$0x1] =	wrdreg $0xFFFFFFFF  }
0xcf: {  	_ =	task.clear_ibuf [dreg:s22], $0x2FFFF;
	_ =	strace $0x9FFFFFFF  }
0xd0: {  	(tm) =	ssettm $0x7FFFFFFF  }
0xd1: {  	_ =	shalt  }
tec
execute0_lowered:
.L_overlay_start_1:
0x0: {  	(tag) =	ssettag $0x1  }
0x1: {  	s0 =	srdreg.scid  }
0x2: {  	s1 =	sshll.u32 s0, $0x4  }
0x3: {  	s0 =	stileid.u32;
	s1 =	sand.u32 $0x10, s1  }
0x4: {  	s1 =	sor.u32 s0, s1  }
0x5: {  	s9 =	rddreg [dreg:$0x0];
	s6 =	simm.s32 $0x1;
	s2 =	smin.u32 s1, $0x8  }
0x6: {  	p0 =	slt.u32 s1, $0x8;
	s2 =	sadd.s32 s1, s2;
	s1 =	simm.s32 $0x40  }
0x7: {  	s7 =	simm.s32 $0x2;
	s2 =	sshll.u32 s2, $0x5;
	s1 =	simm.s32 @!p0 $0x20  }
0x8: {  	s10 =	simm.s32 $0x3;
	s13 =	simm.s32 $0x0;
	s3 =	sadd.s32 s1, s2  }
0x9: {  	s12 =	simm.s32 $0x0;
	s4 =	sadd.s32 $0x10600, s9;
	s3 =	smin.u32 s3, $0x500  }
.Ltmp0:
0xa: {  	s5 =	sadd.s32 $0x6400, s9;
	s8 =	ssub.s32 s3, s2;
	(pc) =	sbr.rel .LBB2_1-.Ltmp0, $4  }
0xb: {  	s1 =	rddreg [dreg:$0x1];
	_ =	strace $0x8000004A;
	p0 =	sgt.s32 s8, $0x0  }
0xc: {  	s9 =	sadd.s32 $0x15600, s9;
	[sflag:s6] =	ssyncpa.u1 $0x0;
	s8 =	simm.s32 @!p0 $0x0  }
0xd: {  	s11 =	smov.u32 s2;
	[sflag:s7] =	ssyncpa.u1 $0x0;
	s8 =	sshrl.u32 s8, $0x5  }
0xe: {  	vm0 =	vmmov $0xff;
	vm1 =	vcmask $0x3F20;
	[sflag:s10] =	ssyncpa.u1 $0x0;
	p0 =	por $0x0, $0x0;
	s10 =	sadd.s32 $0x1, s8  }
.LBB2_6:
0xf: {  	[hbm:s17] =	stream.linear.scatter [tilespmem:s14], [sflag:$0x3], $0x400, $0x38;
	[tilespmem:$0x2040] =	vst v63  }
.LBB2_7:
0x10: {  	s13 =	sadd.s32 $0x20, s11  }
0x11: {  	s15 =	smov.u32 s2;
	p2 =	slt.s32 s13, s3  }
0x12: {  	s15 =	smov.u32 @p2 s13;
	p2 =	sne.s32 s12, s10  }
.Ltmp1:
0x13: {  	p1 =	slt.u32 s12, $0x2;
	(pc) =	sbr.rel @!p2 .LBB2_8-.Ltmp1, $4  }
0x14: {  	s14 =	simm.s32 @!p1 $0x3  }
0x15: {  	s16 =	sadd.s32 $0x1, s12;
	_ =	swait.ge @!p1 [sflag:s14], $0x1000  }
0x16: {  	p0 =	por !p0, !p0;
	s13 =	smov.u32 s11;
	[sflag:s14] =	ssyncset.done @!p1 $0x0  }
0x17: {  	s12 =	smov.u32 s16;
	s11 =	smov.u32 s15;
	[sflag:s14] =	ssyncadd.s32 @!p1 $0xFFFFF000  }
.LBB2_1:
0x18: {  	p1 =	sge.u32 s12, s8  }
0x19: {  	s14 =	sxor.u32 @!p1 $0xFFFFFFFF, s12  }
0x1a: {  	s31 =	sadd.s32 $0xFFFFFFFF, s12;
	s15 =	sshrl.u32 @!p1 s11, $0x3;
	s14 =	sshll.u32 @!p1 s14, $0x5  }
0x1b: {  	s16 =	sand.u32 @!p1 $0x7, s11;
	s15 =	sadd.s32 @!p1 s5, s15;
	s14 =	sand.u32 @!p1 $0x20, s14  }
0x1c: {  	[tilespmem:s14], [sflag:$0x2] =	stream.linear.gather @!p1 [hbm4b:s15+s16], $0x20, $0x38;
	[tilespmem:$0x2040] =	vst v63  }
0x1d: {  	p1 =	sge.u32 s31, s8  }
.Ltmp2:
0x1e: {  	_ = 	snop;
	(pc) =	sbr.rel @p1 .LBB2_7-.Ltmp2, $1  }
0x1f: {  	_ =	sdelay $0x3  }
0x20: {  	s14 =	simm.s32 $0x1  }
0x21: {  	_ =	swait.ge [sflag:s7], $0x20;
	s16 =	sand.u32 $0x1, s12;
	s17 =	simm.s32 $0x0  }
0x22: {  	p1 =	por $0x1, $0x1;
	s14 =	simm.s32 @!p0 $0x0;
	[sflag:s7] =	ssyncset.done $0x0  }
0x23: {  	s15 =	sshll.u32 s16, $0x5;
	s16 =	sshll.u32 s16, $0xC;
	s14 =	sshll.u32 s14, $0xC  }
0x24: {  	[sflag:s7] =	ssyncadd.s32 $0xFFFFFFE0;
	s16 =	sor.u32 $0x40, s16;
	s14 =	sor.u32 $0x40, s14  }
.LBB2_3:
0x25: {  	s18 =	sshll.u32 s17, $0x4  }
0x26: {  	s18 =	sand.u32 $0x3FFFFFF0, s18  }
0x27: {  	s18 =	sadd.s32 s18, s15  }
0x28: {  	v0 =	vld.msk [tilespmem:s18+$0x0 ss:$0x1], $0xffff;
	_ =	sdelay $0x4  }
0x29: {  	vm2 =	vgt.s32 v0, $0x0  }
0x2a: {  	v0 =	vnsel vm2, $0x0, v0  }
0x2b: {  	v0 =	vmin.u32 v0, $0x4FF  }
0x2c: {  	v0 =	vshll.u32 v0, $0x4;
	_ =	sdelay $0x1  }
0x2d: {  	s31 =	sshll.u32 s17, $0xB  }
0x2e: {  	p2 =	por p1, p1;
	s17 =	sand.u32 $0x3FFFF800, s31  }
.Ltmp3:
0x2f: {  	s17 =	sadd.s32 s17, s16;
	(pc) =	sbr.rel @p2 .LBB2_3-.Ltmp3, $4  }
0x30: {  	[tilespmem:s17], [sflag:$0x1] =	stream.indirect_vreg.gather [hbm:s4], $0x80, v0, vm0, $0x38;
	[tilespmem:$0x2040] =	vst v63  }
0x31: {  	s17 =	sadd.s32 $0x400, s17  }
0x32: {  	[tilespmem:s17], [sflag:$0x1] =	stream.indirect_vreg.gather [hbm:s4], $0x80, v0, vm1, $0x38;
	[tilespmem:$0x2040] =	vst v63  }
0x33: {  	p1 =	por $0x0, $0x0;
	s17 =	simm.s32 $0x1  }
0x34: {  	_ =	swait.ge [sflag:s6], $0x1000;
	s13 =	sshll.u32 s13, $0x4  }
0x35: {  	s15 =	simm.s32 $0x80;
	[sflag:s6] =	ssyncset.done $0x0;
	s13 =	sadd.s32 s13, s9  }
0x36: {  	s16 =	sadd.s32 $0x400, s14;
	[sflag:s6] =	ssyncadd.s32 $0xFFFFF000;
	s17 =	sadd.s32 $0x0, s13  }
.LBB2_5:
0x37: {  	[hbm:s17] =	stream.linear.scatter [tilespmem:s14], [sflag:$0x3], $0x400, $0x38;
	[tilespmem:$0x2040] =	vst v63  }
0x38: {  	s17 =	smov.u32 s15;
	s14 =	smov.u32 s16;
	p1 =	sne.s32 s15, $0x180  }
.Ltmp4:
0x39: {  	s15 =	sadd.s32 $0x80, s15;
	(pc) =	sbr.rel @p1 .LBB2_5-.Ltmp4, $2  }
0x3a: {  	_ =	sdelay $0x2  }
0x3b: {  	s16 =	sadd.s32 $0x400, s16;
	s17 =	sadd.s32 s17, s13  }
.Ltmp5:
0x3c: {  	_ = 	snop;
	(pc) =	sbr.rel .LBB2_6-.Ltmp5, $1  }
0x3d: {  	_ =	sdelay $0x3  }
.LBB2_8:
0x3e: {  	_ =	sfence.sel $0x180000  }
0x3f: {  	s2 =	simm.s32 $0x2;
	[bflag:$0x0] =	sbarrier.arrive $0xFFFF  }
0x40: {  	s30 =	simm.s32 $0x3;
	[sflag:s2] =	ssyncpa.u1 $0x1  }
0x41: {  	s31 =	simm.s32 $0x1;
	[sflag:s30] =	ssyncpa.u1 $0x1  }
0x42: {  	[sflag:s31] =	ssyncpa.u1 $0x1  }
0x43: {  	p0 =	sne.s32 s0, $0x0;
	_ =	strace $0x9000004A  }
0x44: {  	s0 =	sadd.s32 @!p0 $0x100000, s1;
	[bflag:$0x2] =	sbarrier.arrive $0xFFFF  }
0x45: {  	[sflag:s0] =	ssyncadd.tile.s32 @!p0 $0x1;
	_ =	shalt  }
.Lfunc_end2:
_tile_overlayer_lowered:
.L_overlay_start_2:
0x46: {  	(tag) =	ssettag $0x2  }
0x47: {  	s0 =	rddreg [dreg:$0x0];
	s2 =	stileid.u32  }
0x48: {  	s1 =	rddreg [dreg:$0x1];
	p0 =	sne.s32 s2, $0x0  }
0x49: {  	s3 =	rddreg [dreg:$0x2];
	[bflag:$0x3] =	sbarrier.arrive $0xFFFF;
	s2 =	simm.s32 @!p0 $0x1C01  }
0x4a: {  	[timem:s3], [sflag:s2] =	dma.local @!p0 [hbm:s0], s1  }
0x4b: {  	s0 =	simm.s32 @!p0 $0x1  }
0x4c: {  	_ =	swait.ge @!p0 [sflag:s0], s1  }
0x4d: {  	s1 =	ssub.s32 @!p0 $0x0, s1;
	[sflag:s0] =	ssyncset.done @!p0 $0x0  }
0x4e: {  	[sflag:s0] =	ssyncadd.s32 @!p0 s1  }
0x4f: {  	[bflag:$0x3] =	sbarrier.arrive $0xFFFF  }
0x50: {  	_ =	shalt  }

// kernel: gather_offload_async_start.3
scs
__scs_entry_jumppad:
0x0: {  	(pc) =	sbr.rel $0x88, $3  }
0x1: {  	(tag) =	ssettag $0x0;
	lr =	simm.s32 $0x1  }
0x2: {  	[smem:$0x3F76] =	sst lr;
	_ =	strace $0xD0000000  }
0x3: {  	_ = 	snop  }
0x4: {  	_ = 	snop  }
0x5: {  	_ = 	snop  }
0x6: {  	_ = 	snop  }
0x7: {  	_ = 	snop  }
__scs_overlays_trampoline_lowered:
0x8: {  	[smem:$0x3F85] =	sst s0  }
0x9: {  	[smem:$0x3F86] =	sst s1  }
0xa: {  	[smem:$0x3F87] =	sst s2  }
0xb: {  	[smem:$0x3F88] =	sst s3  }
0xc: {  	[smem:$0x3F89] =	sst s4  }
0xd: {  	[smem:$0x3F8A] =	sst s5  }
0xe: {  	[smem:$0x3F8B] =	sst s6  }
0xf: {  	[smem:$0x3F8C] =	sst s7  }
0x10: {  	[smem:$0x3F8D] =	sst s8  }
0x11: {  	[smem:$0x3F8E] =	sst s9;
	s0 =	simm.s32 @!p0 $0x0  }
0x12: {  	s1 =	sld [smem:$0x3F74];
	s0 =	simm.s32 @p0 $0x1  }
0x13: {  	[smem:$0x3F8F] =	sst s0;
	s0 =	simm.s32 @!p1 $0x0  }
0x14: {  	s2 =	sld [smem:$0x3F73];
	s0 =	simm.s32 @p1 $0x1  }
0x15: {  	[smem:$0x3F90] =	sst s0;
	s0 =	simm.s32 @!p2 $0x0  }
0x16: {  	s3 =	sld [smem:$0x3FDB];
	s0 =	simm.s32 @p2 $0x1  }
0x17: {  	s4 =	simm.s32 $0x1BF5;
	[smem:$0x3F92] =	sst s0  }
0x18: {  	s0 =	sld [smem:$0x3F75];
	_ =	swait.ge [sflag:s4], $0x0  }
0x19: {  	s7 =	sld [smem:$0x3F76]  }
0x1a: {  	s8 =	sadd.s32 $0xFFFFE003, lr  }
0x1b: {  	s9 =	sadd.s32 $0xFFFFFEF7, lr;
	s5 =	simm.s32 $0xFFFFFFFF;
	p2 =	slt.u32 s8, $0xFFFFF086  }
0x1c: {  	p1 =	slt.u32 s9, $0xF7A;
	s5 =	simm.s32 @!p2 $0x0  }
0x1d: {  	s5 =	simm.s32 @p1 $0x1;
	p0 =	seq.s32 s7, s2  }
0x1e: {  	s7 =	smul.u32 @!p0 $0xF7A, s2;
	p2 =	seq.s32 @!p0 s5, $0x0  }
0x1f: {  	s9 =	smul.u32 $0xF7A, s1;
	s8 =	simm.s32 @!p0 $0x1BF5;
	p2 =	por !p2, p0  }
0x20: {  	[sflag:s8] =	ssyncset.s32 @!p0 $0xFFFFF086;
	s6 =	sadd.s32 @!p0 s3, s7;
	s7 =	simm.s32 @!p0 $0x108  }
0x21: {  	s3 =	sadd.s32 s3, s9;
	s6 =	sadd.s32 @!p0 $0x88, s6;
	s7 =	simm.s32 @p2 $0x1082  }
0x22: {  	[simem:s7], [sflag:s8] =	dma.local @!p0 [hbm:s6], $0xF7A  }
0x23: {  	s9 =	sor.u32 $0xD0000000, s2;
	s6 =	simm.s32 $0x108;
	_ =	swait.ge @!p0 [sflag:s8], $0x0  }
0x24: {  	s3 =	sadd.s32 $0x88, s3;
	s6 =	simm.s32 @!p1 $0x1082;
	[sflag:s4] =	ssyncset.s32 $0xFFFFF086  }
0x25: {  	[simem:s6], [sflag:s4] =	dma.local [hbm:s3], $0xF7A  }
0x26: {  	[smem:$0x3F76] =	sst s1;
	(tag) =	ssettag s2;
	_ =	strace s9  }
0x27: {  	s1 =	sld [smem:$0x3F86]  }
0x28: {  	s2 =	sld [smem:$0x3F87]  }
0x29: {  	s4 =	sld [smem:$0x3F89]  }
0x2a: {  	p0 =	seq.s32 s5, $0x0;
	s5 =	sld [smem:$0x3F8A]  }
0x2b: {  	s6 =	sld [smem:$0x3F8B]  }
0x2c: {  	s7 =	sld [smem:$0x3F8C]  }
0x2d: {  	s3 =	simm.s32 $0x108;
	s8 =	sld [smem:$0x3F8D]  }
0x2e: {  	s3 =	simm.s32 @!p0 $0x1082;
	s9 =	sld [smem:$0x3F8E]  }
0x2f: {  	lr =	sadd.s32 s0, s3;
	s0 =	sld [smem:$0x3F85]  }
0x30: {  	s3 =	sld [smem:$0x3F88]  }
0x31: {  	[smem:$0x3F91] =	sst s10  }
0x32: {  	s10 =	sld [smem:$0x3F8F];
	_ =	sdelay $0x3  }
0x33: {  	p0 =	seq.s32 s10, $0x1;
	s10 =	sld [smem:$0x3F91];
	_ =	sdelay $0x3  }
0x34: {  	[smem:$0x3F91] =	sst s10  }
0x35: {  	s10 =	sld [smem:$0x3F90];
	_ =	sdelay $0x3  }
0x36: {  	p1 =	seq.s32 s10, $0x1;
	s10 =	sld [smem:$0x3F91];
	_ =	sdelay $0x3  }
0x37: {  	[smem:$0x3F91] =	sst s10  }
0x38: {  	s10 =	sld [smem:$0x3F92]  }
0x39: {  	_ = 	snop;
	(pc) =	sbr.ind lr, $3  }
0x3a: {  	_ = 	snop  }
0x3b: {  	_ = 	snop  }
0x3c: {  	p2 =	seq.s32 s10, $0x1;
	s10 =	sld [smem:$0x3F91]  }
0x3d: {  	_ =	shalt  }
0x3e: {  	_ =	shalt  }
0x3f: {  	_ =	shalt  }
0x40: {  	_ =	shalt  }
0x41: {  	_ =	shalt  }
0x42: {  	_ =	shalt  }
0x43: {  	_ =	shalt  }
0x44: {  	_ =	shalt  }
0x45: {  	_ =	shalt  }
0x46: {  	_ =	shalt  }
0x47: {  	_ =	shalt  }
0x48: {  	_ =	shalt  }
0x49: {  	_ =	shalt  }
0x4a: {  	_ =	shalt  }
0x4b: {  	_ =	shalt  }
0x4c: {  	_ =	shalt  }
0x4d: {  	_ =	shalt  }
0x4e: {  	_ =	shalt  }
0x4f: {  	_ =	shalt  }
0x50: {  	_ =	shalt  }
0x51: {  	_ =	shalt  }
0x52: {  	_ =	shalt  }
0x53: {  	_ =	shalt  }
0x54: {  	_ =	shalt  }
0x55: {  	_ =	shalt  }
0x56: {  	_ =	shalt  }
0x57: {  	_ =	shalt  }
0x58: {  	_ =	shalt  }
0x59: {  	_ =	shalt  }
0x5a: {  	_ =	shalt  }
0x5b: {  	_ =	shalt  }
0x5c: {  	_ =	shalt  }
0x5d: {  	_ =	shalt  }
0x5e: {  	_ =	shalt  }
0x5f: {  	_ =	shalt  }
0x60: {  	_ =	shalt  }
0x61: {  	_ =	shalt  }
0x62: {  	_ =	shalt  }
0x63: {  	_ =	shalt  }
0x64: {  	_ =	shalt  }
0x65: {  	_ =	shalt  }
0x66: {  	_ =	shalt  }
0x67: {  	_ =	shalt  }
0x68: {  	_ =	shalt  }
0x69: {  	_ =	shalt  }
0x6a: {  	_ =	shalt  }
0x6b: {  	_ =	shalt  }
0x6c: {  	_ =	shalt  }
0x6d: {  	_ =	shalt  }
0x6e: {  	_ =	shalt  }
0x6f: {  	_ =	shalt  }
0x70: {  	_ =	shalt  }
0x71: {  	_ =	shalt  }
0x72: {  	_ =	shalt  }
0x73: {  	_ =	shalt  }
0x74: {  	_ =	shalt  }
0x75: {  	_ =	shalt  }
0x76: {  	_ =	shalt  }
0x77: {  	_ =	shalt  }
0x78: {  	_ =	shalt  }
0x79: {  	_ =	shalt  }
0x7a: {  	_ =	shalt  }
0x7b: {  	_ =	shalt  }
0x7c: {  	_ =	shalt  }
0x7d: {  	_ =	shalt  }
0x7e: {  	_ =	shalt  }
0x7f: {  	_ =	shalt  }
0x80: {  	_ =	shalt  }
0x81: {  	_ =	shalt  }
0x82: {  	_ =	shalt  }
0x83: {  	_ =	shalt  }
0x84: {  	_ =	shalt  }
0x85: {  	_ =	shalt  }
0x86: {  	_ =	shalt  }
0x87: {  	_ =	shalt  }
.Lfunc_end0:
.L_simem_size_0:
called_computation.3_lowered:
.L_overlay_start_0:
0x88: {  	s2 =	sld [smem:$0x3FD9]  }
0x89: {  	s3 =	sld [smem:$0x3FFE];
	_ =	sdelay $0x1  }
0x8a: {  	s1 =	srdreg.scid  }
0x8b: {  	s0 =	sand.u32 $0x1, s1  }
0x8c: {  	s17 =	sshll.u32 s0, $0xA;
	s2 =	sadd.s32 s3, s2  }
0x8d: {  	s2 =	sadd.s32 s2, s17  }
0x8e: {  	[smem:$0x3F9D] =	sst s2  }
0x8f: {  	_ = 	snop  }
0x90: {  	s18 =	sld [smem:$0x3FBE];
	(tm) =	ssettm $0x1  }
0x91: {  	s19 =	sld [smem:$0x3FFB];
	_ =	sdelay $0x3  }
0x92: {  	_ =	strace s19  }
0x93: {  	s2 =	sld [smem:$0x3FFC];
	_ =	sdelay $0x3  }
0x94: {  	_ =	strace s2  }
0x95: {  	s2 =	sld [smem:$0x3FFD];
	_ =	sdelay $0x3  }
0x96: {  	_ =	strace s2  }
0x97: {  	_ =	strace $0x8FFFFFFF  }
0x98: {  	s20 =	sld [smem:$0x3FDB];
	_ =	sdelay $0x1  }
0x99: {  	s4 =	simm.s32 $_scs_section_size  }
0x9a: {  	s5 =	simm.s32 $_size__tile_overlayer_lowered;
	s6 =	simm.s32 $_tile_overlayer_lowered  }
0x9b: {  	s7 =	simm.s32 $0x1BFF;
	s21 =	sshll.u32 s6, $0x1;
	s4 =	sadd.s32 s4, s20  }
0x9c: {  	s22 =	simm.s32 $0x0;
	s5 =	sshll.u32 s5, $0x1;
	s6 =	sadd.s32 s21, s4  }
0x9d: {  	[timem:s22], [sflag:s7] =	dma.local [hbm:s6], s5  }
0x9e: {  	_ =	swait.ge [sflag:s7], s5  }
0x9f: {  	s5 =	ssub.s32 $0x0, s5;
	[sflag:s7] =	ssyncset.done $0x0  }
0xa0: {  	[sflag:s7] =	ssyncadd.s32 s5;
	_ =	sdelay $0x1  }
0xa1: {  	s23 =	simm.s32 $0x1B8B  }
0xa2: {  	_ =	swait.ge [sflag:s23], $0x1  }
0xa3: {  	[sflag:s23] =	ssyncset.done $0x0  }
0xa4: {  	[sflag:s23] =	ssyncadd.s32 $0xFFFFFFFF  }
0xa5: {  	s5 =	sld [smem:$0x0]  }
0xa6: {  	s6 =	sand.u32 $0xFFFFFFFE, s1  }
0xa7: {  	p0 =	sne.s32 s1, s6  }
0xa8: {  	s6 =	sshll.u32 @p0 s6, $0xE  }
0xa9: {  	s6 =	sadd.s32 @p0 $0x11B8D, s6;
	s7 =	sshll.u32 @p0 s5, $0x11  }
0xaa: {  	s6 =	sor.u32 @p0 s7, s6  }
0xab: {  	[sflag:s6] =	ssyncadd.remote.s32 @p0 $0x1;
	_ =	sdelay $0x1  }
0xac: {  	s6 =	simm.s32 @p0 $0x1B8D  }
0xad: {  	_ =	swait.eq @p0 [sflag:s6], $0x1  }
0xae: {  	[sflag:s6] =	ssyncadd.s32 @p0 $0xFFFFFFFF  }
0xaf: {  	s7 =	sshll.u32 @!p0 s1, $0xE  }
0xb0: {  	s7 =	sor.u32 @!p0 $0x4000, s7;
	s6 =	simm.s32 @!p0 $0x1B8D  }
0xb1: {  	s5 =	sshll.u32 @!p0 s5, $0x11;
	s7 =	sadd.s32 @!p0 $0x11B8D, s7;
	_ =	swait.eq @!p0 [sflag:s6], $0x1  }
0xb2: {  	s5 =	sor.u32 @!p0 s5, s7;
	[sflag:s6] =	ssyncadd.s32 @!p0 $0xFFFFFFFF  }
0xb3: {  	s25 =	simm.s32 $0x1B8E;
	s24 =	sld [smem:$0x3FFE];
	[sflag:s5] =	ssyncadd.remote.s32 @!p0 $0x1  }
0xb4: {  	s26 =	simm.s32 $execute0_lowered;
	[smem:$0x3FD2] =	sst s25  }
0xb5: {  	s6 =	sshll.u32 s26, $0x1;
	_ =	strace $0x8000004F;
	[dreg:$0x1] =	wrdreg $0xFFFFFFFF  }
0xb6: {  	s28 =	simm.s32 $_size_execute0_lowered;
	s4 =	sadd.s32 s4, s6;
	[dreg:$0x0] =	wrdreg $0x0  }
0xb7: {  	s6 =	sshll.u32 s28, $0x1;
	[dreg:$0x2] =	wrdreg s4  }
0xb8: {  	[dreg:$0x3] =	wrdreg s6  }
0xb9: {  	[dreg:$0x4] =	wrdreg $0xC0  }
0xba: {  	_ =	task [dreg:s22], $0x5FFFF  }
0xbb: {  	[dreg:$0x1] =	wrdreg $0xFFFFFFFF  }
0xbc: {  	[dreg:$0x0] =	wrdreg $0x60  }
0xbd: {  	[dreg:$0x2] =	wrdreg s18  }
0xbe: {  	[dreg:$0x3] =	wrdreg s24  }
0xbf: {  	[dreg:$0x4] =	wrdreg $0xC  }
0xc0: {  	_ =	task.clear_ibuf [dreg:s22], $0x5FFFF;
	_ =	strace $0x9000004F  }
0xc1: {  	s29 =	simm.s32 $0xC;
	_ =	strace $0x80000051  }
0xc2: {  	_ =	swait.ge [sflag:s29], $0x1  }
0xc3: {  	[sflag:s29] =	ssyncadd.s32 $0xFFFFFFFF  }
0xc4: {  	_ =	strace $0x90000051  }
0xc5: {  	_ =	sfence  }
0xc6: {  	s30 =	sld [smem:$0x0];
	_ =	sdelay $0x2  }
0xc7: {  	s31 =	sshll.u32 s1, $0xD;
	s1 =	sshrl.u32 s1, $0x2  }
0xc8: {  	s4 =	sand.u32 $0x4000, s31;
	s1 =	sadd.s32 s1, s30  }
0xc9: {  	s0 =	sor.u32 s4, s0;
	s1 =	sshll.u32 s1, $0x11  }
0xca: {  	s0 =	sor.u32 s1, s0  }
0xcb: {  	s0 =	sadd.s32 $0x8F2B, s0  }
0xcc: {  	[sflag:s0] =	ssyncadd.remote.s32 $0x1  }
0xcd: {  	_ =	sfence.sel $0xFFFF  }
0xce: {  	[dreg:$0x0] =	wrdreg $0xFFFFFFFF;
	(pc) =	sbr.abs _section_cstart, $3  }
0xcf: {  	[dreg:$0x1] =	wrdreg $0xFFFFFFFF  }
0xd0: {  	_ =	task.clear_ibuf [dreg:s22], $0x2FFFF;
	_ =	strace $0x9FFFFFFF  }
0xd1: {  	(tm) =	ssettm $0x7FFFFFFF  }
tec
execute0_lowered:
.L_overlay_start_1:
0x0: {  	(tag) =	ssettag $0x1  }
0x1: {  	s1 =	srdreg.scid;
	s2 =	rddreg [dreg:$0x0]  }
0x2: {  	s0 =	stileid.u32;
	s6 =	rddreg [dreg:$0x1];
	s1 =	sshll.u32 s1, $0x5  }
0x3: {  	s7 =	simm.s32 $0x1;
	s3 =	sshll.u32 s0, $0x6;
	s1 =	sand.u32 $0x20, s1  }
0x4: {  	s30 =	simm.s32 $0x2;
	s31 =	simm.s32 $0x3;
	s3 =	sor.u32 s3, s1  }
0x5: {  	s11 =	simm.s32 $0x0;
	s9 =	simm.s32 $0x0;
	s5 =	ssub.s32 $0x500, s3  }
0x6: {  	s4 =	sadd.s32 $0x6400, s6;
	s6 =	sadd.s32 $0x38200, s6;
	s8 =	sand.u32 $0x3E0, s5  }
0x7: {  	s1 =	rddreg [dreg:$0x2];
	_ =	strace $0x80000050;
	p0 =	sne.s32 s8, $0x0  }
0x8: {  	[sflag:s7] =	ssyncpa.u1 $0x0;
	s5 =	sshrl.u32 s5, $0xA;
	s7 =	simm.s32 @!p0 $0x0  }
0x9: {  	s10 =	smov.u32 s3;
	[sflag:s30] =	ssyncpa.u1 $0x0;
	s5 =	sadd.s32 s7, s5  }
0xa: {  	[sflag:s31] =	ssyncpa.u1 $0x0;
	s8 =	simm.s32 $0x0;
	s7 =	sadd.s32 $0x1, s5  }
.LBB2_1:
0xb: {  	p0 =	sge.u32 s9, s5  }
0xc: {  	s31 =	sadd.s32 $0xFFFFFFFF, s9;
	s12 =	sxor.u32 @!p0 $0xFFFFFFFF, s8;
	s13 =	sshrl.u32 @!p0 s10, $0x3  }
0xd: {  	s14 =	sand.u32 @!p0 $0x7, s10;
	s12 =	sand.u32 @!p0 $0x20, s12;
	s13 =	sadd.s32 @!p0 s4, s13  }
0xe: {  	[tilespmem:s12], [sflag:$0x2] =	stream.linear.gather @!p0 [hbm4b:s13+s14], $0x20, $0x38;
	[tilespmem:$0x80] =	vst v63  }
0xf: {  	p0 =	sge.u32 s31, s5  }
0x10: {  	s12 =	simm.s32 @!p0 $0x2  }
0x11: {  	_ =	swait.ge @!p0 [sflag:s12], $0x20  }
0x12: {  	[sflag:s12] =	ssyncset.done @!p0 $0x0  }
0x13: {  	[sflag:s12] =	ssyncadd.s32 @!p0 $0xFFFFFFE0;
	s12 =	sand.u32 @!p0 $0x20, s8  }
0x14: {  	(ifvalue) =	ssetifvalue @!p0 $0x7FFFFFFF;
	v0 =	vld.msk @!p0 [tilespmem:s12+$0x0 ss:$0x1], $0xffff;
	_ =	sdelay $0x4  }
0x15: {  	vm0 =	vgt.s32 @!p0 v0, $0x0  }
0x16: {  	v0 =	vnsel @!p0 vm0, $0x0, v0  }
0x17: {  	v0 =	vmin.u32 @!p0 v0, $0x4FF;
	_ =	sdelay $0x2  }
0x18: {  	s14 =	simm.s32 @!p0 $0x0  }
0x19: {  	s13 =	sor.u32 @!p0 $0x40, s12;
	(ifvalue) =	ssetifvalue @!p0 $0x7FFFFFFF;
	s15 =	sor.u32 @!p0 $0x10, s12;
	vm0 =	vmmov @!p0 $0xffff  }
0x1a: {  	[tilespmem:s13], [sflag:$0x1] =	stream.indirect_vreg.gather @!p0 [hbm4b:s2+s14], $0x1, v0, vm0, $0x4038;
	[tilespmem:$0x80] =	vst v63  }
0x1b: {  	v0 =	vld.msk @!p0 [tilespmem:s15+$0x0 ss:$0x1], $0xffff;
	_ =	sdelay $0x4  }
0x1c: {  	vm1 =	vgt.s32 @!p0 v0, $0x0  }
0x1d: {  	v0 =	vnsel @!p0 vm1, $0x0, v0  }
0x1e: {  	v0 =	vmin.u32 @!p0 v0, $0x4FF;
	_ =	sdelay $0x3  }
0x1f: {  	s12 =	sor.u32 @!p0 $0x50, s12;
	(ifvalue) =	ssetifvalue @!p0 $0x7FFFFFFF  }
0x20: {  	[tilespmem:s12], [sflag:$0x1] =	stream.indirect_vreg.gather @!p0 [hbm4b:s2+s14], $0x1, v0, vm0, $0x4038;
	[tilespmem:$0x80] =	vst v63  }
0x21: {  	s12 =	simm.s32 @!p0 $0x1  }
0x22: {  	_ =	swait.ge @!p0 [sflag:s12], $0x20  }
0x23: {  	s14 =	sshrl.u32 @!p0 s11, $0x3;
	[sflag:s12] =	ssyncset.done @!p0 $0x0  }
0x24: {  	s11 =	sand.u32 @!p0 $0x7, s11;
	[sflag:s12] =	ssyncadd.s32 @!p0 $0xFFFFFFE0;
	s12 =	sadd.s32 @!p0 s6, s14  }
0x25: {  	[hbm4b:s12+s11] =	stream.linear.scatter @!p0 [tilespmem:s13], [sflag:$0x3], $0x20, $0x38;
	[tilespmem:$0x80] =	vst v63  }
0x26: {  	s13 =	sadd.s32 $0x400, s10  }
0x27: {  	p1 =	sgt.s32 s13, $0x4FF  }
0x28: {  	s13 =	smov.u32 @p1 s3;
	p1 =	sne.s32 s9, s7  }
.Ltmp0:
0x29: {  	p0 =	slt.u32 s9, $0x2;
	(pc) =	sbr.rel @p1 .LBB2_1-.Ltmp0, $4  }
0x2a: {  	s12 =	simm.s32 @!p0 $0x3  }
0x2b: {  	_ =	swait.ge @!p0 [sflag:s12], $0x20  }
0x2c: {  	s8 =	sadd.s32 $0x20, s8;
	s11 =	smov.u32 s10;
	[sflag:s12] =	ssyncset.done @!p0 $0x0  }
0x2d: {  	s9 =	sadd.s32 $0x1, s9;
	s10 =	smov.u32 s13;
	[sflag:s12] =	ssyncadd.s32 @!p0 $0xFFFFFFE0  }
0x2e: {  	_ =	sfence.sel $0x180000  }
0x2f: {  	s2 =	simm.s32 $0x2;
	[bflag:$0x0] =	sbarrier.arrive $0xFFFF  }
0x30: {  	s30 =	simm.s32 $0x3;
	[sflag:s2] =	ssyncpa.u1 $0x1  }
0x31: {  	s31 =	simm.s32 $0x1;
	[sflag:s30] =	ssyncpa.u1 $0x1  }
0x32: {  	[sflag:s31] =	ssyncpa.u1 $0x1  }
0x33: {  	p0 =	sne.s32 s0, $0x0;
	_ =	strace $0x90000050  }
0x34: {  	s0 =	sadd.s32 @!p0 $0x100000, s1;
	[bflag:$0x2] =	sbarrier.arrive $0xFFFF  }
0x35: {  	[sflag:s0] =	ssyncadd.tile.s32 @!p0 $0x1;
	_ =	shalt  }
.Lfunc_end2:
_tile_overlayer_lowered:
.L_overlay_start_2:
0x36: {  	(tag) =	ssettag $0x2  }
0x37: {  	s0 =	rddreg [dreg:$0x0];
	s2 =	stileid.u32  }
0x38: {  	s1 =	rddreg [dreg:$0x1];
	p0 =	sne.s32 s2, $0x0  }
0x39: {  	s3 =	rddreg [dreg:$0x2];
	[bflag:$0x3] =	sbarrier.arrive $0xFFFF;
	s2 =	simm.s32 @!p0 $0x1C01  }
0x3a: {  	[timem:s3], [sflag:s2] =	dma.local @!p0 [hbm:s0], s1  }
0x3b: {  	s0 =	simm.s32 @!p0 $0x1  }
0x3c: {  	_ =	swait.ge @!p0 [sflag:s0], s1  }
0x3d: {  	s1 =	ssub.s32 @!p0 $0x0, s1;
	[sflag:s0] =	ssyncset.done @!p0 $0x0  }
0x3e: {  	[sflag:s0] =	ssyncadd.s32 @!p0 s1  }
0x3f: {  	[bflag:$0x3] =	sbarrier.arrive $0xFFFF  }
0x40: {  	_ =	shalt  }

// kernel: gather_offload_async_start.4
scs
__scs_entry_jumppad:
0x0: {  	(pc) =	sbr.rel $0x88, $3  }
0x1: {  	(tag) =	ssettag $0x0;
	lr =	simm.s32 $0x1  }
0x2: {  	[smem:$0x3F76] =	sst lr;
	_ =	strace $0xD0000000  }
0x3: {  	_ = 	snop  }
0x4: {  	_ = 	snop  }
0x5: {  	_ = 	snop  }
0x6: {  	_ = 	snop  }
0x7: {  	_ = 	snop  }
__scs_overlays_trampoline_lowered:
0x8: {  	[smem:$0x3F85] =	sst s0  }
0x9: {  	[smem:$0x3F86] =	sst s1  }
0xa: {  	[smem:$0x3F87] =	sst s2  }
0xb: {  	[smem:$0x3F88] =	sst s3  }
0xc: {  	[smem:$0x3F89] =	sst s4  }
0xd: {  	[smem:$0x3F8A] =	sst s5  }
0xe: {  	[smem:$0x3F8B] =	sst s6  }
0xf: {  	[smem:$0x3F8C] =	sst s7  }
0x10: {  	[smem:$0x3F8D] =	sst s8  }
0x11: {  	[smem:$0x3F8E] =	sst s9;
	s0 =	simm.s32 @!p0 $0x0  }
0x12: {  	s1 =	sld [smem:$0x3F74];
	s0 =	simm.s32 @p0 $0x1  }
0x13: {  	[smem:$0x3F8F] =	sst s0;
	s0 =	simm.s32 @!p1 $0x0  }
0x14: {  	s2 =	sld [smem:$0x3F73];
	s0 =	simm.s32 @p1 $0x1  }
0x15: {  	[smem:$0x3F90] =	sst s0;
	s0 =	simm.s32 @!p2 $0x0  }
0x16: {  	s3 =	sld [smem:$0x3FDB];
	s0 =	simm.s32 @p2 $0x1  }
0x17: {  	s4 =	simm.s32 $0x1BF5;
	[smem:$0x3F92] =	sst s0  }
0x18: {  	s0 =	sld [smem:$0x3F75];
	_ =	swait.ge [sflag:s4], $0x0  }
0x19: {  	s7 =	sld [smem:$0x3F76]  }
0x1a: {  	s8 =	sadd.s32 $0xFFFFE003, lr  }
0x1b: {  	s9 =	sadd.s32 $0xFFFFFEF7, lr;
	s5 =	simm.s32 $0xFFFFFFFF;
	p2 =	slt.u32 s8, $0xFFFFF086  }
0x1c: {  	p1 =	slt.u32 s9, $0xF7A;
	s5 =	simm.s32 @!p2 $0x0  }
0x1d: {  	s5 =	simm.s32 @p1 $0x1;
	p0 =	seq.s32 s7, s2  }
0x1e: {  	s7 =	smul.u32 @!p0 $0xF7A, s2;
	p2 =	seq.s32 @!p0 s5, $0x0  }
0x1f: {  	s9 =	smul.u32 $0xF7A, s1;
	s8 =	simm.s32 @!p0 $0x1BF5;
	p2 =	por !p2, p0  }
0x20: {  	[sflag:s8] =	ssyncset.s32 @!p0 $0xFFFFF086;
	s6 =	sadd.s32 @!p0 s3, s7;
	s7 =	simm.s32 @!p0 $0x108  }
0x21: {  	s3 =	sadd.s32 s3, s9;
	s6 =	sadd.s32 @!p0 $0x88, s6;
	s7 =	simm.s32 @p2 $0x1082  }
0x22: {  	[simem:s7], [sflag:s8] =	dma.local @!p0 [hbm:s6], $0xF7A  }
0x23: {  	s9 =	sor.u32 $0xD0000000, s2;
	s6 =	simm.s32 $0x108;
	_ =	swait.ge @!p0 [sflag:s8], $0x0  }
0x24: {  	s3 =	sadd.s32 $0x88, s3;
	s6 =	simm.s32 @!p1 $0x1082;
	[sflag:s4] =	ssyncset.s32 $0xFFFFF086  }
0x25: {  	[simem:s6], [sflag:s4] =	dma.local [hbm:s3], $0xF7A  }
0x26: {  	[smem:$0x3F76] =	sst s1;
	(tag) =	ssettag s2;
	_ =	strace s9  }
0x27: {  	s1 =	sld [smem:$0x3F86]  }
0x28: {  	s2 =	sld [smem:$0x3F87]  }
0x29: {  	s4 =	sld [smem:$0x3F89]  }
0x2a: {  	p0 =	seq.s32 s5, $0x0;
	s5 =	sld [smem:$0x3F8A]  }
0x2b: {  	s6 =	sld [smem:$0x3F8B]  }
0x2c: {  	s7 =	sld [smem:$0x3F8C]  }
0x2d: {  	s3 =	simm.s32 $0x108;
	s8 =	sld [smem:$0x3F8D]  }
0x2e: {  	s3 =	simm.s32 @!p0 $0x1082;
	s9 =	sld [smem:$0x3F8E]  }
0x2f: {  	lr =	sadd.s32 s0, s3;
	s0 =	sld [smem:$0x3F85]  }
0x30: {  	s3 =	sld [smem:$0x3F88]  }
0x31: {  	[smem:$0x3F91] =	sst s10  }
0x32: {  	s10 =	sld [smem:$0x3F8F];
	_ =	sdelay $0x3  }
0x33: {  	p0 =	seq.s32 s10, $0x1;
	s10 =	sld [smem:$0x3F91];
	_ =	sdelay $0x3  }
0x34: {  	[smem:$0x3F91] =	sst s10  }
0x35: {  	s10 =	sld [smem:$0x3F90];
	_ =	sdelay $0x3  }
0x36: {  	p1 =	seq.s32 s10, $0x1;
	s10 =	sld [smem:$0x3F91];
	_ =	sdelay $0x3  }
0x37: {  	[smem:$0x3F91] =	sst s10  }
0x38: {  	s10 =	sld [smem:$0x3F92]  }
0x39: {  	_ = 	snop;
	(pc) =	sbr.ind lr, $3  }
0x3a: {  	_ = 	snop  }
0x3b: {  	_ = 	snop  }
0x3c: {  	p2 =	seq.s32 s10, $0x1;
	s10 =	sld [smem:$0x3F91]  }
0x3d: {  	_ =	shalt  }
0x3e: {  	_ =	shalt  }
0x3f: {  	_ =	shalt  }
0x40: {  	_ =	shalt  }
0x41: {  	_ =	shalt  }
0x42: {  	_ =	shalt  }
0x43: {  	_ =	shalt  }
0x44: {  	_ =	shalt  }
0x45: {  	_ =	shalt  }
0x46: {  	_ =	shalt  }
0x47: {  	_ =	shalt  }
0x48: {  	_ =	shalt  }
0x49: {  	_ =	shalt  }
0x4a: {  	_ =	shalt  }
0x4b: {  	_ =	shalt  }
0x4c: {  	_ =	shalt  }
0x4d: {  	_ =	shalt  }
0x4e: {  	_ =	shalt  }
0x4f: {  	_ =	shalt  }
0x50: {  	_ =	shalt  }
0x51: {  	_ =	shalt  }
0x52: {  	_ =	shalt  }
0x53: {  	_ =	shalt  }
0x54: {  	_ =	shalt  }
0x55: {  	_ =	shalt  }
0x56: {  	_ =	shalt  }
0x57: {  	_ =	shalt  }
0x58: {  	_ =	shalt  }
0x59: {  	_ =	shalt  }
0x5a: {  	_ =	shalt  }
0x5b: {  	_ =	shalt  }
0x5c: {  	_ =	shalt  }
0x5d: {  	_ =	shalt  }
0x5e: {  	_ =	shalt  }
0x5f: {  	_ =	shalt  }
0x60: {  	_ =	shalt  }
0x61: {  	_ =	shalt  }
0x62: {  	_ =	shalt  }
0x63: {  	_ =	shalt  }
0x64: {  	_ =	shalt  }
0x65: {  	_ =	shalt  }
0x66: {  	_ =	shalt  }
0x67: {  	_ =	shalt  }
0x68: {  	_ =	shalt  }
0x69: {  	_ =	shalt  }
0x6a: {  	_ =	shalt  }
0x6b: {  	_ =	shalt  }
0x6c: {  	_ =	shalt  }
0x6d: {  	_ =	shalt  }
0x6e: {  	_ =	shalt  }
0x6f: {  	_ =	shalt  }
0x70: {  	_ =	shalt  }
0x71: {  	_ =	shalt  }
0x72: {  	_ =	shalt  }
0x73: {  	_ =	shalt  }
0x74: {  	_ =	shalt  }
0x75: {  	_ =	shalt  }
0x76: {  	_ =	shalt  }
0x77: {  	_ =	shalt  }
0x78: {  	_ =	shalt  }
0x79: {  	_ =	shalt  }
0x7a: {  	_ =	shalt  }
0x7b: {  	_ =	shalt  }
0x7c: {  	_ =	shalt  }
0x7d: {  	_ =	shalt  }
0x7e: {  	_ =	shalt  }
0x7f: {  	_ =	shalt  }
0x80: {  	_ =	shalt  }
0x81: {  	_ =	shalt  }
0x82: {  	_ =	shalt  }
0x83: {  	_ =	shalt  }
0x84: {  	_ =	shalt  }
0x85: {  	_ =	shalt  }
0x86: {  	_ =	shalt  }
0x87: {  	_ =	shalt  }
.Lfunc_end0:
.L_simem_size_0:
called_computation.4_lowered:
.L_overlay_start_0:
0x88: {  	s2 =	sld [smem:$0x3FD9]  }
0x89: {  	s3 =	sld [smem:$0x3FFE];
	_ =	sdelay $0x1  }
0x8a: {  	s1 =	srdreg.scid  }
0x8b: {  	s0 =	sand.u32 $0x1, s1  }
0x8c: {  	s17 =	sshll.u32 s0, $0xA;
	s2 =	sadd.s32 s3, s2  }
0x8d: {  	s2 =	sadd.s32 s2, s17  }
0x8e: {  	[smem:$0x3F9D] =	sst s2  }
0x8f: {  	_ = 	snop  }
0x90: {  	s18 =	sld [smem:$0x3FBC];
	(tm) =	ssettm $0x1  }
0x91: {  	s19 =	sld [smem:$0x3FFB];
	_ =	sdelay $0x3  }
0x92: {  	_ =	strace s19  }
0x93: {  	s2 =	sld [smem:$0x3FFC];
	_ =	sdelay $0x3  }
0x94: {  	_ =	strace s2  }
0x95: {  	s2 =	sld [smem:$0x3FFD];
	_ =	sdelay $0x3  }
0x96: {  	_ =	strace s2  }
0x97: {  	_ =	strace $0x8FFFFFFF  }
0x98: {  	s20 =	sld [smem:$0x3FDB];
	_ =	sdelay $0x1  }
0x99: {  	s4 =	simm.s32 $_scs_section_size  }
0x9a: {  	s5 =	simm.s32 $_size__tile_overlayer_lowered;
	s6 =	simm.s32 $_tile_overlayer_lowered  }
0x9b: {  	s7 =	simm.s32 $0x1BFF;
	s21 =	sshll.u32 s6, $0x1;
	s4 =	sadd.s32 s4, s20  }
0x9c: {  	s22 =	simm.s32 $0x0;
	s5 =	sshll.u32 s5, $0x1;
	s6 =	sadd.s32 s21, s4  }
0x9d: {  	[timem:s22], [sflag:s7] =	dma.local [hbm:s6], s5  }
0x9e: {  	_ =	swait.ge [sflag:s7], s5  }
0x9f: {  	s5 =	ssub.s32 $0x0, s5;
	[sflag:s7] =	ssyncset.done $0x0  }
0xa0: {  	[sflag:s7] =	ssyncadd.s32 s5;
	_ =	sdelay $0x1  }
0xa1: {  	s23 =	simm.s32 $0x1B8B  }
0xa2: {  	_ =	swait.ge [sflag:s23], $0x1  }
0xa3: {  	[sflag:s23] =	ssyncset.done $0x0  }
0xa4: {  	[sflag:s23] =	ssyncadd.s32 $0xFFFFFFFF  }
0xa5: {  	s5 =	sld [smem:$0x0]  }
0xa6: {  	s6 =	sand.u32 $0xFFFFFFFE, s1  }
0xa7: {  	p0 =	sne.s32 s1, s6  }
0xa8: {  	s6 =	sshll.u32 @p0 s6, $0xE  }
0xa9: {  	s6 =	sadd.s32 @p0 $0x11B8D, s6;
	s7 =	sshll.u32 @p0 s5, $0x11  }
0xaa: {  	s6 =	sor.u32 @p0 s7, s6  }
0xab: {  	[sflag:s6] =	ssyncadd.remote.s32 @p0 $0x1;
	_ =	sdelay $0x1  }
0xac: {  	s6 =	simm.s32 @p0 $0x1B8D  }
0xad: {  	_ =	swait.eq @p0 [sflag:s6], $0x1  }
0xae: {  	[sflag:s6] =	ssyncadd.s32 @p0 $0xFFFFFFFF  }
0xaf: {  	s7 =	sshll.u32 @!p0 s1, $0xE  }
0xb0: {  	s7 =	sor.u32 @!p0 $0x4000, s7;
	s6 =	simm.s32 @!p0 $0x1B8D  }
0xb1: {  	s5 =	sshll.u32 @!p0 s5, $0x11;
	s7 =	sadd.s32 @!p0 $0x11B8D, s7;
	_ =	swait.eq @!p0 [sflag:s6], $0x1  }
0xb2: {  	s5 =	sor.u32 @!p0 s5, s7;
	[sflag:s6] =	ssyncadd.s32 @!p0 $0xFFFFFFFF  }
0xb3: {  	s25 =	simm.s32 $0x1B8E;
	s24 =	sld [smem:$0x3FFE];
	[sflag:s5] =	ssyncadd.remote.s32 @!p0 $0x1  }
0xb4: {  	s26 =	simm.s32 $execute0_lowered;
	[smem:$0x3FD2] =	sst s25  }
0xb5: {  	s6 =	sshll.u32 s26, $0x1;
	_ =	strace $0x80000052;
	[dreg:$0x1] =	wrdreg $0xFFFFFFFF  }
0xb6: {  	s28 =	simm.s32 $_size_execute0_lowered;
	s4 =	sadd.s32 s4, s6;
	[dreg:$0x0] =	wrdreg $0x0  }
0xb7: {  	s6 =	sshll.u32 s28, $0x1;
	[dreg:$0x2] =	wrdreg s4  }
0xb8: {  	[dreg:$0x3] =	wrdreg s6  }
0xb9: {  	[dreg:$0x4] =	wrdreg $0xC0  }
0xba: {  	_ =	task [dreg:s22], $0x5FFFF  }
0xbb: {  	[dreg:$0x1] =	wrdreg $0xFFFFFFFF  }
0xbc: {  	[dreg:$0x0] =	wrdreg $0x60  }
0xbd: {  	[dreg:$0x2] =	wrdreg s18  }
0xbe: {  	[dreg:$0x3] =	wrdreg s24  }
0xbf: {  	[dreg:$0x4] =	wrdreg $0xD  }
0xc0: {  	_ =	task.clear_ibuf [dreg:s22], $0x5FFFF;
	_ =	strace $0x90000052  }
0xc1: {  	s29 =	simm.s32 $0xD;
	_ =	strace $0x80000054  }
0xc2: {  	_ =	swait.ge [sflag:s29], $0x1  }
0xc3: {  	[sflag:s29] =	ssyncadd.s32 $0xFFFFFFFF  }
0xc4: {  	_ =	strace $0x90000054  }
0xc5: {  	_ =	sfence  }
0xc6: {  	s30 =	sld [smem:$0x0];
	_ =	sdelay $0x2  }
0xc7: {  	s31 =	sshll.u32 s1, $0xD;
	s1 =	sshrl.u32 s1, $0x2  }
0xc8: {  	s4 =	sand.u32 $0x4000, s31;
	s1 =	sadd.s32 s1, s30  }
0xc9: {  	s0 =	sor.u32 s4, s0;
	s1 =	sshll.u32 s1, $0x11  }
0xca: {  	s0 =	sor.u32 s1, s0  }
0xcb: {  	s0 =	sadd.s32 $0x8F2B, s0  }
0xcc: {  	[sflag:s0] =	ssyncadd.remote.s32 $0x1  }
0xcd: {  	_ =	sfence.sel $0xFFFF  }
0xce: {  	[dreg:$0x0] =	wrdreg $0xFFFFFFFF;
	(pc) =	sbr.abs _section_cstart, $3  }
0xcf: {  	[dreg:$0x1] =	wrdreg $0xFFFFFFFF  }
0xd0: {  	_ =	task.clear_ibuf [dreg:s22], $0x2FFFF;
	_ =	strace $0x9FFFFFFF  }
0xd1: {  	(tm) =	ssettm $0x7FFFFFFF  }
tec
execute0_lowered:
.L_overlay_start_1:
0x0: {  	(tag) =	ssettag $0x1  }
0x1: {  	s1 =	srdreg.scid;
	s2 =	rddreg [dreg:$0x0]  }
0x2: {  	s0 =	stileid.u32;
	s6 =	rddreg [dreg:$0x1];
	s1 =	sshll.u32 s1, $0x5  }
0x3: {  	s7 =	simm.s32 $0x1;
	s3 =	sshll.u32 s0, $0x6;
	s1 =	sand.u32 $0x20, s1  }
0x4: {  	s30 =	simm.s32 $0x2;
	s31 =	simm.s32 $0x3;
	s3 =	sor.u32 s3, s1  }
0x5: {  	s11 =	simm.s32 $0x0;
	s9 =	simm.s32 $0x0;
	s5 =	ssub.s32 $0x500, s3  }
0x6: {  	s4 =	sadd.s32 $0x6400, s6;
	s6 =	sadd.s32 $0x38400, s6;
	s8 =	sand.u32 $0x3E0, s5  }
0x7: {  	s1 =	rddreg [dreg:$0x2];
	_ =	strace $0x80000053;
	p0 =	sne.s32 s8, $0x0  }
0x8: {  	[sflag:s7] =	ssyncpa.u1 $0x0;
	s5 =	sshrl.u32 s5, $0xA;
	s7 =	simm.s32 @!p0 $0x0  }
0x9: {  	s10 =	smov.u32 s3;
	[sflag:s30] =	ssyncpa.u1 $0x0;
	s5 =	sadd.s32 s7, s5  }
0xa: {  	[sflag:s31] =	ssyncpa.u1 $0x0;
	s8 =	simm.s32 $0x0;
	s7 =	sadd.s32 $0x1, s5  }
.LBB2_1:
0xb: {  	p0 =	sge.u32 s9, s5  }
0xc: {  	s31 =	sadd.s32 $0xFFFFFFFF, s9;
	s12 =	sxor.u32 @!p0 $0xFFFFFFFF, s8;
	s13 =	sshrl.u32 @!p0 s10, $0x3  }
0xd: {  	s14 =	sand.u32 @!p0 $0x7, s10;
	s12 =	sand.u32 @!p0 $0x20, s12;
	s13 =	sadd.s32 @!p0 s4, s13  }
0xe: {  	[tilespmem:s12], [sflag:$0x2] =	stream.linear.gather @!p0 [hbm4b:s13+s14], $0x20, $0x38;
	[tilespmem:$0x80] =	vst v63  }
0xf: {  	p0 =	sge.u32 s31, s5  }
0x10: {  	s12 =	simm.s32 @!p0 $0x2  }
0x11: {  	_ =	swait.ge @!p0 [sflag:s12], $0x20  }
0x12: {  	[sflag:s12] =	ssyncset.done @!p0 $0x0  }
0x13: {  	[sflag:s12] =	ssyncadd.s32 @!p0 $0xFFFFFFE0;
	s12 =	sand.u32 @!p0 $0x20, s8  }
0x14: {  	(ifvalue) =	ssetifvalue @!p0 $0x7FFFFFFF;
	v0 =	vld.msk @!p0 [tilespmem:s12+$0x0 ss:$0x1], $0xffff;
	_ =	sdelay $0x4  }
0x15: {  	vm0 =	vgt.s32 @!p0 v0, $0x0  }
0x16: {  	v0 =	vnsel @!p0 vm0, $0x0, v0  }
0x17: {  	v0 =	vmin.u32 @!p0 v0, $0x4FF;
	_ =	sdelay $0x2  }
0x18: {  	s14 =	simm.s32 @!p0 $0x0  }
0x19: {  	s13 =	sor.u32 @!p0 $0x40, s12;
	(ifvalue) =	ssetifvalue @!p0 $0x7FFFFFFF;
	s15 =	sor.u32 @!p0 $0x10, s12;
	vm0 =	vmmov @!p0 $0xffff  }
0x1a: {  	[tilespmem:s13], [sflag:$0x1] =	stream.indirect_vreg.gather @!p0 [hbm4b:s2+s14], $0x1, v0, vm0, $0x4038;
	[tilespmem:$0x80] =	vst v63  }
0x1b: {  	v0 =	vld.msk @!p0 [tilespmem:s15+$0x0 ss:$0x1], $0xffff;
	_ =	sdelay $0x4  }
0x1c: {  	vm1 =	vgt.s32 @!p0 v0, $0x0  }
0x1d: {  	v0 =	vnsel @!p0 vm1, $0x0, v0  }
0x1e: {  	v0 =	vmin.u32 @!p0 v0, $0x4FF;
	_ =	sdelay $0x3  }
0x1f: {  	s12 =	sor.u32 @!p0 $0x50, s12;
	(ifvalue) =	ssetifvalue @!p0 $0x7FFFFFFF  }
0x20: {  	[tilespmem:s12], [sflag:$0x1] =	stream.indirect_vreg.gather @!p0 [hbm4b:s2+s14], $0x1, v0, vm0, $0x4038;
	[tilespmem:$0x80] =	vst v63  }
0x21: {  	s12 =	simm.s32 @!p0 $0x1  }
0x22: {  	_ =	swait.ge @!p0 [sflag:s12], $0x20  }
0x23: {  	s14 =	sshrl.u32 @!p0 s11, $0x3;
	[sflag:s12] =	ssyncset.done @!p0 $0x0  }
0x24: {  	s11 =	sand.u32 @!p0 $0x7, s11;
	[sflag:s12] =	ssyncadd.s32 @!p0 $0xFFFFFFE0;
	s12 =	sadd.s32 @!p0 s6, s14  }
0x25: {  	[hbm4b:s12+s11] =	stream.linear.scatter @!p0 [tilespmem:s13], [sflag:$0x3], $0x20, $0x38;
	[tilespmem:$0x80] =	vst v63  }
0x26: {  	s13 =	sadd.s32 $0x400, s10  }
0x27: {  	p1 =	sgt.s32 s13, $0x4FF  }
0x28: {  	s13 =	smov.u32 @p1 s3;
	p1 =	sne.s32 s9, s7  }
.Ltmp0:
0x29: {  	p0 =	slt.u32 s9, $0x2;
	(pc) =	sbr.rel @p1 .LBB2_1-.Ltmp0, $4  }
0x2a: {  	s12 =	simm.s32 @!p0 $0x3  }
0x2b: {  	_ =	swait.ge @!p0 [sflag:s12], $0x20  }
0x2c: {  	s8 =	sadd.s32 $0x20, s8;
	s11 =	smov.u32 s10;
	[sflag:s12] =	ssyncset.done @!p0 $0x0  }
0x2d: {  	s9 =	sadd.s32 $0x1, s9;
	s10 =	smov.u32 s13;
	[sflag:s12] =	ssyncadd.s32 @!p0 $0xFFFFFFE0  }
0x2e: {  	_ =	sfence.sel $0x180000  }
0x2f: {  	s2 =	simm.s32 $0x2;
	[bflag:$0x0] =	sbarrier.arrive $0xFFFF  }
0x30: {  	s30 =	simm.s32 $0x3;
	[sflag:s2] =	ssyncpa.u1 $0x1  }
0x31: {  	s31 =	simm.s32 $0x1;
	[sflag:s30] =	ssyncpa.u1 $0x1  }
0x32: {  	[sflag:s31] =	ssyncpa.u1 $0x1  }
0x33: {  	p0 =	sne.s32 s0, $0x0;
	_ =	strace $0x90000053  }
0x34: {  	s0 =	sadd.s32 @!p0 $0x100000, s1;
	[bflag:$0x2] =	sbarrier.arrive $0xFFFF  }
0x35: {  	[sflag:s0] =	ssyncadd.tile.s32 @!p0 $0x1;
	_ =	shalt  }
.Lfunc_end2:
_tile_overlayer_lowered:
.L_overlay_start_2:
0x36: {  	(tag) =	ssettag $0x2  }
0x37: {  	s0 =	rddreg [dreg:$0x0];
	s2 =	stileid.u32  }
0x38: {  	s1 =	rddreg [dreg:$0x1];
	p0 =	sne.s32 s2, $0x0  }
0x39: {  	s3 =	rddreg [dreg:$0x2];
	[bflag:$0x3] =	sbarrier.arrive $0xFFFF;
	s2 =	simm.s32 @!p0 $0x1C01  }
0x3a: {  	[timem:s3], [sflag:s2] =	dma.local @!p0 [hbm:s0], s1  }
0x3b: {  	s0 =	simm.s32 @!p0 $0x1  }
0x3c: {  	_ =	swait.ge @!p0 [sflag:s0], s1  }
0x3d: {  	s1 =	ssub.s32 @!p0 $0x0, s1;
	[sflag:s0] =	ssyncset.done @!p0 $0x0  }
0x3e: {  	[sflag:s0] =	ssyncadd.s32 @!p0 s1  }
0x3f: {  	[bflag:$0x3] =	sbarrier.arrive $0xFFFF  }
0x40: {  	_ =	shalt  }

// kernel: gather_offload_async_start
scs
__scs_entry_jumppad:
0x0: {  	(pc) =	sbr.rel $0x88, $3  }
0x1: {  	(tag) =	ssettag $0x0;
	lr =	simm.s32 $0x1  }
0x2: {  	[smem:$0x3F76] =	sst lr;
	_ =	strace $0xD0000000  }
0x3: {  	_ = 	snop  }
0x4: {  	_ = 	snop  }
0x5: {  	_ = 	snop  }
0x6: {  	_ = 	snop  }
0x7: {  	_ = 	snop  }
__scs_overlays_trampoline_lowered:
0x8: {  	[smem:$0x3F85] =	sst s0  }
0x9: {  	[smem:$0x3F86] =	sst s1  }
0xa: {  	[smem:$0x3F87] =	sst s2  }
0xb: {  	[smem:$0x3F88] =	sst s3  }
0xc: {  	[smem:$0x3F89] =	sst s4  }
0xd: {  	[smem:$0x3F8A] =	sst s5  }
0xe: {  	[smem:$0x3F8B] =	sst s6  }
0xf: {  	[smem:$0x3F8C] =	sst s7  }
0x10: {  	[smem:$0x3F8D] =	sst s8  }
0x11: {  	[smem:$0x3F8E] =	sst s9;
	s0 =	simm.s32 @!p0 $0x0  }
0x12: {  	s1 =	sld [smem:$0x3F74];
	s0 =	simm.s32 @p0 $0x1  }
0x13: {  	[smem:$0x3F8F] =	sst s0;
	s0 =	simm.s32 @!p1 $0x0  }
0x14: {  	s2 =	sld [smem:$0x3F73];
	s0 =	simm.s32 @p1 $0x1  }
0x15: {  	[smem:$0x3F90] =	sst s0;
	s0 =	simm.s32 @!p2 $0x0  }
0x16: {  	s3 =	sld [smem:$0x3FDB];
	s0 =	simm.s32 @p2 $0x1  }
0x17: {  	s4 =	simm.s32 $0x1BF5;
	[smem:$0x3F92] =	sst s0  }
0x18: {  	s0 =	sld [smem:$0x3F75];
	_ =	swait.ge [sflag:s4], $0x0  }
0x19: {  	s7 =	sld [smem:$0x3F76]  }
0x1a: {  	s8 =	sadd.s32 $0xFFFFE003, lr  }
0x1b: {  	s9 =	sadd.s32 $0xFFFFFEF7, lr;
	s5 =	simm.s32 $0xFFFFFFFF;
	p2 =	slt.u32 s8, $0xFFFFF086  }
0x1c: {  	p1 =	slt.u32 s9, $0xF7A;
	s5 =	simm.s32 @!p2 $0x0  }
0x1d: {  	s5 =	simm.s32 @p1 $0x1;
	p0 =	seq.s32 s7, s2  }
0x1e: {  	s7 =	smul.u32 @!p0 $0xF7A, s2;
	p2 =	seq.s32 @!p0 s5, $0x0  }
0x1f: {  	s9 =	smul.u32 $0xF7A, s1;
	s8 =	simm.s32 @!p0 $0x1BF5;
	p2 =	por !p2, p0  }
0x20: {  	[sflag:s8] =	ssyncset.s32 @!p0 $0xFFFFF086;
	s6 =	sadd.s32 @!p0 s3, s7;
	s7 =	simm.s32 @!p0 $0x108  }
0x21: {  	s3 =	sadd.s32 s3, s9;
	s6 =	sadd.s32 @!p0 $0x88, s6;
	s7 =	simm.s32 @p2 $0x1082  }
0x22: {  	[simem:s7], [sflag:s8] =	dma.local @!p0 [hbm:s6], $0xF7A  }
0x23: {  	s9 =	sor.u32 $0xD0000000, s2;
	s6 =	simm.s32 $0x108;
	_ =	swait.ge @!p0 [sflag:s8], $0x0  }
0x24: {  	s3 =	sadd.s32 $0x88, s3;
	s6 =	simm.s32 @!p1 $0x1082;
	[sflag:s4] =	ssyncset.s32 $0xFFFFF086  }
0x25: {  	[simem:s6], [sflag:s4] =	dma.local [hbm:s3], $0xF7A  }
0x26: {  	[smem:$0x3F76] =	sst s1;
	(tag) =	ssettag s2;
	_ =	strace s9  }
0x27: {  	s1 =	sld [smem:$0x3F86]  }
0x28: {  	s2 =	sld [smem:$0x3F87]  }
0x29: {  	s4 =	sld [smem:$0x3F89]  }
0x2a: {  	p0 =	seq.s32 s5, $0x0;
	s5 =	sld [smem:$0x3F8A]  }
0x2b: {  	s6 =	sld [smem:$0x3F8B]  }
0x2c: {  	s7 =	sld [smem:$0x3F8C]  }
0x2d: {  	s3 =	simm.s32 $0x108;
	s8 =	sld [smem:$0x3F8D]  }
0x2e: {  	s3 =	simm.s32 @!p0 $0x1082;
	s9 =	sld [smem:$0x3F8E]  }
0x2f: {  	lr =	sadd.s32 s0, s3;
	s0 =	sld [smem:$0x3F85]  }
0x30: {  	s3 =	sld [smem:$0x3F88]  }
0x31: {  	[smem:$0x3F91] =	sst s10  }
0x32: {  	s10 =	sld [smem:$0x3F8F];
	_ =	sdelay $0x3  }
0x33: {  	p0 =	seq.s32 s10, $0x1;
	s10 =	sld [smem:$0x3F91];
	_ =	sdelay $0x3  }
0x34: {  	[smem:$0x3F91] =	sst s10  }
0x35: {  	s10 =	sld [smem:$0x3F90];
	_ =	sdelay $0x3  }
0x36: {  	p1 =	seq.s32 s10, $0x1;
	s10 =	sld [smem:$0x3F91];
	_ =	sdelay $0x3  }
0x37: {  	[smem:$0x3F91] =	sst s10  }
0x38: {  	s10 =	sld [smem:$0x3F92]  }
0x39: {  	_ = 	snop;
	(pc) =	sbr.ind lr, $3  }
0x3a: {  	_ = 	snop  }
0x3b: {  	_ = 	snop  }
0x3c: {  	p2 =	seq.s32 s10, $0x1;
	s10 =	sld [smem:$0x3F91]  }
0x3d: {  	_ =	shalt  }
0x3e: {  	_ =	shalt  }
0x3f: {  	_ =	shalt  }
0x40: {  	_ =	shalt  }
0x41: {  	_ =	shalt  }
0x42: {  	_ =	shalt  }
0x43: {  	_ =	shalt  }
0x44: {  	_ =	shalt  }
0x45: {  	_ =	shalt  }
0x46: {  	_ =	shalt  }
0x47: {  	_ =	shalt  }
0x48: {  	_ =	shalt  }
0x49: {  	_ =	shalt  }
0x4a: {  	_ =	shalt  }
0x4b: {  	_ =	shalt  }
0x4c: {  	_ =	shalt  }
0x4d: {  	_ =	shalt  }
0x4e: {  	_ =	shalt  }
0x4f: {  	_ =	shalt  }
0x50: {  	_ =	shalt  }
0x51: {  	_ =	shalt  }
0x52: {  	_ =	shalt  }
0x53: {  	_ =	shalt  }
0x54: {  	_ =	shalt  }
0x55: {  	_ =	shalt  }
0x56: {  	_ =	shalt  }
0x57: {  	_ =	shalt  }
0x58: {  	_ =	shalt  }
0x59: {  	_ =	shalt  }
0x5a: {  	_ =	shalt  }
0x5b: {  	_ =	shalt  }
0x5c: {  	_ =	shalt  }
0x5d: {  	_ =	shalt  }
0x5e: {  	_ =	shalt  }
0x5f: {  	_ =	shalt  }
0x60: {  	_ =	shalt  }
0x61: {  	_ =	shalt  }
0x62: {  	_ =	shalt  }
0x63: {  	_ =	shalt  }
0x64: {  	_ =	shalt  }
0x65: {  	_ =	shalt  }
0x66: {  	_ =	shalt  }
0x67: {  	_ =	shalt  }
0x68: {  	_ =	shalt  }
0x69: {  	_ =	shalt  }
0x6a: {  	_ =	shalt  }
0x6b: {  	_ =	shalt  }
0x6c: {  	_ =	shalt  }
0x6d: {  	_ =	shalt  }
0x6e: {  	_ =	shalt  }
0x6f: {  	_ =	shalt  }
0x70: {  	_ =	shalt  }
0x71: {  	_ =	shalt  }
0x72: {  	_ =	shalt  }
0x73: {  	_ =	shalt  }
0x74: {  	_ =	shalt  }
0x75: {  	_ =	shalt  }
0x76: {  	_ =	shalt  }
0x77: {  	_ =	shalt  }
0x78: {  	_ =	shalt  }
0x79: {  	_ =	shalt  }
0x7a: {  	_ =	shalt  }
0x7b: {  	_ =	shalt  }
0x7c: {  	_ =	shalt  }
0x7d: {  	_ =	shalt  }
0x7e: {  	_ =	shalt  }
0x7f: {  	_ =	shalt  }
0x80: {  	_ =	shalt  }
0x81: {  	_ =	shalt  }
0x82: {  	_ =	shalt  }
0x83: {  	_ =	shalt  }
0x84: {  	_ =	shalt  }
0x85: {  	_ =	shalt  }
0x86: {  	_ =	shalt  }
0x87: {  	_ =	shalt  }
.Lfunc_end0:
.L_simem_size_0:
called_computation_lowered:
.L_overlay_start_0:
0x88: {  	s2 =	sld [smem:$0x3FD9]  }
0x89: {  	s3 =	sld [smem:$0x3FFE];
	_ =	sdelay $0x1  }
0x8a: {  	s1 =	srdreg.scid  }
0x8b: {  	s0 =	sand.u32 $0x1, s1  }
0x8c: {  	s17 =	sshll.u32 s0, $0xA;
	s2 =	sadd.s32 s3, s2  }
0x8d: {  	s2 =	sadd.s32 s2, s17  }
0x8e: {  	[smem:$0x3F9D] =	sst s2  }
0x8f: {  	_ = 	snop  }
0x90: {  	(tm) =	ssettm $0x1  }
0x91: {  	s18 =	sld [smem:$0x3FFB];
	_ =	sdelay $0x3  }
0x92: {  	_ =	strace s18  }
0x93: {  	s2 =	sld [smem:$0x3FFC];
	_ =	sdelay $0x3  }
0x94: {  	_ =	strace s2  }
0x95: {  	s2 =	sld [smem:$0x3FFD];
	_ =	sdelay $0x3  }
0x96: {  	_ =	strace s2  }
0x97: {  	_ =	strace $0x8FFFFFFF  }
0x98: {  	s19 =	sld [smem:$0x3FDB];
	_ =	sdelay $0x1  }
0x99: {  	s20 =	simm.s32 $_scs_section_size  }
0x9a: {  	s4 =	simm.s32 $_size__tile_overlayer_lowered;
	s5 =	simm.s32 $_tile_overlayer_lowered  }
0x9b: {  	s6 =	simm.s32 $0x1BFF;
	s21 =	sshll.u32 s5, $0x1;
	s3 =	sadd.s32 s20, s19  }
0x9c: {  	s22 =	simm.s32 $0x0;
	s4 =	sshll.u32 s4, $0x1;
	s5 =	sadd.s32 s21, s3  }
0x9d: {  	[timem:s22], [sflag:s6] =	dma.local [hbm:s5], s4  }
0x9e: {  	_ =	swait.ge [sflag:s6], s4  }
0x9f: {  	s4 =	ssub.s32 $0x0, s4;
	[sflag:s6] =	ssyncset.done $0x0  }
0xa0: {  	[sflag:s6] =	ssyncadd.s32 s4;
	_ =	sdelay $0x1  }
0xa1: {  	s23 =	simm.s32 $0x1B8B  }
0xa2: {  	_ =	swait.ge [sflag:s23], $0x1  }
0xa3: {  	[sflag:s23] =	ssyncset.done $0x0  }
0xa4: {  	[sflag:s23] =	ssyncadd.s32 $0xFFFFFFFF  }
0xa5: {  	s4 =	sld [smem:$0x0]  }
0xa6: {  	s5 =	sand.u32 $0xFFFFFFFE, s1  }
0xa7: {  	p0 =	sne.s32 s1, s5  }
0xa8: {  	s5 =	sshll.u32 @p0 s5, $0xE  }
0xa9: {  	s5 =	sadd.s32 @p0 $0x11B8D, s5;
	s6 =	sshll.u32 @p0 s4, $0x11  }
0xaa: {  	s5 =	sor.u32 @p0 s6, s5  }
0xab: {  	[sflag:s5] =	ssyncadd.remote.s32 @p0 $0x1;
	_ =	sdelay $0x1  }
0xac: {  	s5 =	simm.s32 @p0 $0x1B8D  }
0xad: {  	_ =	swait.eq @p0 [sflag:s5], $0x1  }
0xae: {  	[sflag:s5] =	ssyncadd.s32 @p0 $0xFFFFFFFF  }
0xaf: {  	s6 =	sshll.u32 @!p0 s1, $0xE  }
0xb0: {  	s6 =	sor.u32 @!p0 $0x4000, s6;
	s5 =	simm.s32 @!p0 $0x1B8D  }
0xb1: {  	s4 =	sshll.u32 @!p0 s4, $0x11;
	s6 =	sadd.s32 @!p0 $0x11B8D, s6;
	_ =	swait.eq @!p0 [sflag:s5], $0x1  }
0xb2: {  	s4 =	sor.u32 @!p0 s4, s6;
	[sflag:s5] =	ssyncadd.s32 @!p0 $0xFFFFFFFF  }
0xb3: {  	s25 =	simm.s32 $0x1B8E;
	s24 =	sld [smem:$0x3FFE];
	[sflag:s4] =	ssyncadd.remote.s32 @!p0 $0x1  }
0xb4: {  	s26 =	simm.s32 $execute0_lowered;
	[smem:$0x3FD2] =	sst s25  }
0xb5: {  	s5 =	sshll.u32 s26, $0x1;
	_ =	strace $0x8000004C;
	[dreg:$0x1] =	wrdreg $0xFFFFFFFF  }
0xb6: {  	s28 =	simm.s32 $_size_execute0_lowered;
	s3 =	sadd.s32 s3, s5;
	[dreg:$0x0] =	wrdreg $0x0  }
0xb7: {  	s5 =	sshll.u32 s28, $0x1;
	[dreg:$0x2] =	wrdreg s3  }
0xb8: {  	[dreg:$0x3] =	wrdreg s5  }
0xb9: {  	[dreg:$0x4] =	wrdreg $0xC0  }
0xba: {  	_ =	task [dreg:s22], $0x5FFFF  }
0xbb: {  	[dreg:$0x1] =	wrdreg $0xFFFFFFFF  }
0xbc: {  	[dreg:$0x0] =	wrdreg $0x60  }
0xbd: {  	[dreg:$0x2] =	wrdreg s24  }
0xbe: {  	[dreg:$0x3] =	wrdreg $0x9  }
0xbf: {  	_ =	task.clear_ibuf [dreg:s22], $0x4FFFF;
	_ =	strace $0x9000004C  }
0xc0: {  	s29 =	simm.s32 $0x9;
	_ =	strace $0x8000004E  }
0xc1: {  	_ =	swait.ge [sflag:s29], $0x1  }
0xc2: {  	[sflag:s29] =	ssyncadd.s32 $0xFFFFFFFF  }
0xc3: {  	_ =	strace $0x9000004E  }
0xc4: {  	_ =	sfence  }
0xc5: {  	s30 =	sld [smem:$0x0];
	_ =	sdelay $0x2  }
0xc6: {  	s31 =	sshll.u32 s1, $0xD;
	s1 =	sshrl.u32 s1, $0x2  }
0xc7: {  	s4 =	sand.u32 $0x4000, s31;
	s1 =	sadd.s32 s1, s30  }
0xc8: {  	s0 =	sor.u32 s4, s0;
	s1 =	sshll.u32 s1, $0x11  }
0xc9: {  	s0 =	sor.u32 s1, s0  }
0xca: {  	s0 =	sadd.s32 $0x8F2B, s0  }
0xcb: {  	[sflag:s0] =	ssyncadd.remote.s32 $0x1  }
0xcc: {  	_ =	sfence.sel $0xFFFF  }
0xcd: {  	[dreg:$0x0] =	wrdreg $0xFFFFFFFF;
	(pc) =	sbr.abs _section_cstart, $3  }
0xce: {  	[dreg:$0x1] =	wrdreg $0xFFFFFFFF  }
0xcf: {  	_ =	task.clear_ibuf [dreg:s22], $0x2FFFF;
	_ =	strace $0x9FFFFFFF  }
0xd0: {  	(tm) =	ssettm $0x7FFFFFFF  }
0xd1: {  	_ =	shalt  }
tec
execute0_lowered:
.L_overlay_start_1:
0x0: {  	(tag) =	ssettag $0x1  }
0x1: {  	s0 =	srdreg.scid  }
0x2: {  	s1 =	sshll.u32 s0, $0x4  }
0x3: {  	s0 =	stileid.u32;
	s1 =	sand.u32 $0x10, s1  }
0x4: {  	s1 =	sor.u32 s0, s1  }
0x5: {  	s9 =	rddreg [dreg:$0x0];
	s6 =	simm.s32 $0x1;
	s2 =	smin.u32 s1, $0x8  }
0x6: {  	p0 =	slt.u32 s1, $0x8;
	s2 =	sadd.s32 s1, s2;
	s1 =	simm.s32 $0x40  }
0x7: {  	s7 =	simm.s32 $0x2;
	s2 =	sshll.u32 s2, $0x5;
	s1 =	simm.s32 @!p0 $0x20  }
0x8: {  	s10 =	simm.s32 $0x3;
	s13 =	simm.s32 $0x0;
	s3 =	sadd.s32 s1, s2  }
0x9: {  	s12 =	simm.s32 $0x0;
	s4 =	sadd.s32 $0x1A600, s9;
	s3 =	smin.u32 s3, $0x500  }
.Ltmp0:
0xa: {  	s5 =	sadd.s32 $0x6400, s9;
	s8 =	ssub.s32 s3, s2;
	(pc) =	sbr.rel .LBB2_1-.Ltmp0, $4  }
0xb: {  	s1 =	rddreg [dreg:$0x1];
	_ =	strace $0x8000004D;
	p0 =	sgt.s32 s8, $0x0  }
0xc: {  	s9 =	sadd.s32 $0x1F600, s9;
	[sflag:s6] =	ssyncpa.u1 $0x0;
	s8 =	simm.s32 @!p0 $0x0  }
0xd: {  	s11 =	smov.u32 s2;
	[sflag:s7] =	ssyncpa.u1 $0x0;
	s8 =	sshrl.u32 s8, $0x5  }
0xe: {  	vm0 =	vmmov $0xff;
	vm1 =	vcmask $0x3F20;
	[sflag:s10] =	ssyncpa.u1 $0x0;
	p0 =	por $0x0, $0x0;
	s10 =	sadd.s32 $0x1, s8  }
.LBB2_6:
0xf: {  	[hbm:s17] =	stream.linear.scatter [tilespmem:s14], [sflag:$0x3], $0x400, $0x38;
	[tilespmem:$0x2040] =	vst v63  }
.LBB2_7:
0x10: {  	s13 =	sadd.s32 $0x20, s11  }
0x11: {  	s15 =	smov.u32 s2;
	p2 =	slt.s32 s13, s3  }
0x12: {  	s15 =	smov.u32 @p2 s13;
	p2 =	sne.s32 s12, s10  }
.Ltmp1:
0x13: {  	p1 =	slt.u32 s12, $0x2;
	(pc) =	sbr.rel @!p2 .LBB2_8-.Ltmp1, $4  }
0x14: {  	s14 =	simm.s32 @!p1 $0x3  }
0x15: {  	s16 =	sadd.s32 $0x1, s12;
	_ =	swait.ge @!p1 [sflag:s14], $0x1000  }
0x16: {  	p0 =	por !p0, !p0;
	s13 =	smov.u32 s11;
	[sflag:s14] =	ssyncset.done @!p1 $0x0  }
0x17: {  	s12 =	smov.u32 s16;
	s11 =	smov.u32 s15;
	[sflag:s14] =	ssyncadd.s32 @!p1 $0xFFFFF000  }
.LBB2_1:
0x18: {  	p1 =	sge.u32 s12, s8  }
0x19: {  	s14 =	sxor.u32 @!p1 $0xFFFFFFFF, s12  }
0x1a: {  	s31 =	sadd.s32 $0xFFFFFFFF, s12;
	s15 =	sshrl.u32 @!p1 s11, $0x3;
	s14 =	sshll.u32 @!p1 s14, $0x5  }
0x1b: {  	s16 =	sand.u32 @!p1 $0x7, s11;
	s15 =	sadd.s32 @!p1 s5, s15;
	s14 =	sand.u32 @!p1 $0x20, s14  }
0x1c: {  	[tilespmem:s14], [sflag:$0x2] =	stream.linear.gather @!p1 [hbm4b:s15+s16], $0x20, $0x38;
	[tilespmem:$0x2040] =	vst v63  }
0x1d: {  	p1 =	sge.u32 s31, s8  }
.Ltmp2:
0x1e: {  	_ = 	snop;
	(pc) =	sbr.rel @p1 .LBB2_7-.Ltmp2, $1  }
0x1f: {  	_ =	sdelay $0x3  }
0x20: {  	s14 =	simm.s32 $0x1  }
0x21: {  	_ =	swait.ge [sflag:s7], $0x20;
	s16 =	sand.u32 $0x1, s12;
	s17 =	simm.s32 $0x0  }
0x22: {  	p1 =	por $0x1, $0x1;
	s14 =	simm.s32 @!p0 $0x0;
	[sflag:s7] =	ssyncset.done $0x0  }
0x23: {  	s15 =	sshll.u32 s16, $0x5;
	s16 =	sshll.u32 s16, $0xC;
	s14 =	sshll.u32 s14, $0xC  }
0x24: {  	[sflag:s7] =	ssyncadd.s32 $0xFFFFFFE0;
	s16 =	sor.u32 $0x40, s16;
	s14 =	sor.u32 $0x40, s14  }
.LBB2_3:
0x25: {  	s18 =	sshll.u32 s17, $0x4  }
0x26: {  	s18 =	sand.u32 $0x3FFFFFF0, s18  }
0x27: {  	s18 =	sadd.s32 s18, s15  }
0x28: {  	v0 =	vld.msk [tilespmem:s18+$0x0 ss:$0x1], $0xffff;
	_ =	sdelay $0x4  }
0x29: {  	vm2 =	vgt.s32 v0, $0x0  }
0x2a: {  	v0 =	vnsel vm2, $0x0, v0  }
0x2b: {  	v0 =	vmin.u32 v0, $0x4FF  }
0x2c: {  	v0 =	vshll.u32 v0, $0x4;
	_ =	sdelay $0x1  }
0x2d: {  	s31 =	sshll.u32 s17, $0xB  }
0x2e: {  	p2 =	por p1, p1;
	s17 =	sand.u32 $0x3FFFF800, s31  }
.Ltmp3:
0x2f: {  	s17 =	sadd.s32 s17, s16;
	(pc) =	sbr.rel @p2 .LBB2_3-.Ltmp3, $4  }
0x30: {  	[tilespmem:s17], [sflag:$0x1] =	stream.indirect_vreg.gather [hbm:s4], $0x80, v0, vm0, $0x38;
	[tilespmem:$0x2040] =	vst v63  }
0x31: {  	s17 =	sadd.s32 $0x400, s17  }
0x32: {  	[tilespmem:s17], [sflag:$0x1] =	stream.indirect_vreg.gather [hbm:s4], $0x80, v0, vm1, $0x38;
	[tilespmem:$0x2040] =	vst v63  }
0x33: {  	p1 =	por $0x0, $0x0;
	s17 =	simm.s32 $0x1  }
0x34: {  	_ =	swait.ge [sflag:s6], $0x1000;
	s13 =	sshll.u32 s13, $0x4  }
0x35: {  	s15 =	simm.s32 $0x80;
	[sflag:s6] =	ssyncset.done $0x0;
	s13 =	sadd.s32 s13, s9  }
0x36: {  	s16 =	sadd.s32 $0x400, s14;
	[sflag:s6] =	ssyncadd.s32 $0xFFFFF000;
	s17 =	sadd.s32 $0x0, s13  }
.LBB2_5:
0x37: {  	[hbm:s17] =	stream.linear.scatter [tilespmem:s14], [sflag:$0x3], $0x400, $0x38;
	[tilespmem:$0x2040] =	vst v63  }
0x38: {  	s17 =	smov.u32 s15;
	s14 =	smov.u32 s16;
	p1 =	sne.s32 s15, $0x180  }
.Ltmp4:
0x39: {  	s15 =	sadd.s32 $0x80, s15;
	(pc) =	sbr.rel @p1 .LBB2_5-.Ltmp4, $2  }
0x3a: {  	_ =	sdelay $0x2  }
0x3b: {  	s16 =	sadd.s32 $0x400, s16;
	s17 =	sadd.s32 s17, s13  }
.Ltmp5:
0x3c: {  	_ = 	snop;
	(pc) =	sbr.rel .LBB2_6-.Ltmp5, $1  }
0x3d: {  	_ =	sdelay $0x3  }
.LBB2_8:
0x3e: {  	_ =	sfence.sel $0x180000  }
0x3f: {  	s2 =	simm.s32 $0x2;
	[bflag:$0x0] =	sbarrier.arrive $0xFFFF  }
0x40: {  	s30 =	simm.s32 $0x3;
	[sflag:s2] =	ssyncpa.u1 $0x1  }
0x41: {  	s31 =	simm.s32 $0x1;
	[sflag:s30] =	ssyncpa.u1 $0x1  }
0x42: {  	[sflag:s31] =	ssyncpa.u1 $0x1  }
0x43: {  	p0 =	sne.s32 s0, $0x0;
	_ =	strace $0x9000004D  }
0x44: {  	s0 =	sadd.s32 @!p0 $0x100000, s1;
	[bflag:$0x2] =	sbarrier.arrive $0xFFFF  }
0x45: {  	[sflag:s0] =	ssyncadd.tile.s32 @!p0 $0x1;
	_ =	shalt  }
.Lfunc_end2:
_tile_overlayer_lowered:
.L_overlay_start_2:
0x46: {  	(tag) =	ssettag $0x2  }
0x47: {  	s0 =	rddreg [dreg:$0x0];
	s2 =	stileid.u32  }
0x48: {  	s1 =	rddreg [dreg:$0x1];
	p0 =	sne.s32 s2, $0x0  }
0x49: {  	s3 =	rddreg [dreg:$0x2];
	[bflag:$0x3] =	sbarrier.arrive $0xFFFF;
	s2 =	simm.s32 @!p0 $0x1C01  }
0x4a: {  	[timem:s3], [sflag:s2] =	dma.local @!p0 [hbm:s0], s1  }
0x4b: {  	s0 =	simm.s32 @!p0 $0x1  }
0x4c: {  	_ =	swait.ge @!p0 [sflag:s0], s1  }
0x4d: {  	s1 =	ssub.s32 @!p0 $0x0, s1;
	[sflag:s0] =	ssyncset.done @!p0 $0x0  }
0x4e: {  	[sflag:s0] =	ssyncadd.s32 @!p0 s1  }
0x4f: {  	[bflag:$0x3] =	sbarrier.arrive $0xFFFF  }
0x50: {  	_ =	shalt  }

// kernel: kernel.15.cloned.1.call-start
scs
__scs_entry_jumppad:
0x0: {  	(pc) =	sbr.rel $0x88, $3  }
0x1: {  	(tag) =	ssettag $0x0;
	lr =	simm.s32 $0x1  }
0x2: {  	[smem:$0x3F76] =	sst lr;
	_ =	strace $0xD0000000  }
0x3: {  	_ = 	snop  }
0x4: {  	_ = 	snop  }
0x5: {  	_ = 	snop  }
0x6: {  	_ = 	snop  }
0x7: {  	_ = 	snop  }
__scs_overlays_trampoline_lowered:
0x8: {  	[smem:$0x3F85] =	sst s0  }
0x9: {  	[smem:$0x3F86] =	sst s1  }
0xa: {  	[smem:$0x3F87] =	sst s2  }
0xb: {  	[smem:$0x3F88] =	sst s3  }
0xc: {  	[smem:$0x3F89] =	sst s4  }
0xd: {  	[smem:$0x3F8A] =	sst s5  }
0xe: {  	[smem:$0x3F8B] =	sst s6  }
0xf: {  	[smem:$0x3F8C] =	sst s7  }
0x10: {  	[smem:$0x3F8D] =	sst s8  }
0x11: {  	[smem:$0x3F8E] =	sst s9;
	s0 =	simm.s32 @!p0 $0x0  }
0x12: {  	s1 =	sld [smem:$0x3F74];
	s0 =	simm.s32 @p0 $0x1  }
0x13: {  	[smem:$0x3F8F] =	sst s0;
	s0 =	simm.s32 @!p1 $0x0  }
0x14: {  	s2 =	sld [smem:$0x3F73];
	s0 =	simm.s32 @p1 $0x1  }
0x15: {  	[smem:$0x3F90] =	sst s0;
	s0 =	simm.s32 @!p2 $0x0  }
0x16: {  	s3 =	sld [smem:$0x3FDB];
	s0 =	simm.s32 @p2 $0x1  }
0x17: {  	s4 =	simm.s32 $0x1BF5;
	[smem:$0x3F92] =	sst s0  }
0x18: {  	s0 =	sld [smem:$0x3F75];
	_ =	swait.ge [sflag:s4], $0x0  }
0x19: {  	s7 =	sld [smem:$0x3F76]  }
0x1a: {  	s8 =	sadd.s32 $0xFFFFE003, lr  }
0x1b: {  	s9 =	sadd.s32 $0xFFFFFEF7, lr;
	s5 =	simm.s32 $0xFFFFFFFF;
	p2 =	slt.u32 s8, $0xFFFFF086  }
0x1c: {  	p1 =	slt.u32 s9, $0xF7A;
	s5 =	simm.s32 @!p2 $0x0  }
0x1d: {  	s5 =	simm.s32 @p1 $0x1;
	p0 =	seq.s32 s7, s2  }
0x1e: {  	s7 =	smul.u32 @!p0 $0xF7A, s2;
	p2 =	seq.s32 @!p0 s5, $0x0  }
0x1f: {  	s9 =	smul.u32 $0xF7A, s1;
	s8 =	simm.s32 @!p0 $0x1BF5;
	p2 =	por !p2, p0  }
0x20: {  	[sflag:s8] =	ssyncset.s32 @!p0 $0xFFFFF086;
	s6 =	sadd.s32 @!p0 s3, s7;
	s7 =	simm.s32 @!p0 $0x108  }
0x21: {  	s3 =	sadd.s32 s3, s9;
	s6 =	sadd.s32 @!p0 $0x88, s6;
	s7 =	simm.s32 @p2 $0x1082  }
0x22: {  	[simem:s7], [sflag:s8] =	dma.local @!p0 [hbm:s6], $0xF7A  }
0x23: {  	s9 =	sor.u32 $0xD0000000, s2;
	s6 =	simm.s32 $0x108;
	_ =	swait.ge @!p0 [sflag:s8], $0x0  }
0x24: {  	s3 =	sadd.s32 $0x88, s3;
	s6 =	simm.s32 @!p1 $0x1082;
	[sflag:s4] =	ssyncset.s32 $0xFFFFF086  }
0x25: {  	[simem:s6], [sflag:s4] =	dma.local [hbm:s3], $0xF7A  }
0x26: {  	[smem:$0x3F76] =	sst s1;
	(tag) =	ssettag s2;
	_ =	strace s9  }
0x27: {  	s1 =	sld [smem:$0x3F86]  }
0x28: {  	s2 =	sld [smem:$0x3F87]  }
0x29: {  	s4 =	sld [smem:$0x3F89]  }
0x2a: {  	p0 =	seq.s32 s5, $0x0;
	s5 =	sld [smem:$0x3F8A]  }
0x2b: {  	s6 =	sld [smem:$0x3F8B]  }
0x2c: {  	s7 =	sld [smem:$0x3F8C]  }
0x2d: {  	s3 =	simm.s32 $0x108;
	s8 =	sld [smem:$0x3F8D]  }
0x2e: {  	s3 =	simm.s32 @!p0 $0x1082;
	s9 =	sld [smem:$0x3F8E]  }
0x2f: {  	lr =	sadd.s32 s0, s3;
	s0 =	sld [smem:$0x3F85]  }
0x30: {  	s3 =	sld [smem:$0x3F88]  }
0x31: {  	[smem:$0x3F91] =	sst s10  }
0x32: {  	s10 =	sld [smem:$0x3F8F];
	_ =	sdelay $0x3  }
0x33: {  	p0 =	seq.s32 s10, $0x1;
	s10 =	sld [smem:$0x3F91];
	_ =	sdelay $0x3  }
0x34: {  	[smem:$0x3F91] =	sst s10  }
0x35: {  	s10 =	sld [smem:$0x3F90];
	_ =	sdelay $0x3  }
0x36: {  	p1 =	seq.s32 s10, $0x1;
	s10 =	sld [smem:$0x3F91];
	_ =	sdelay $0x3  }
0x37: {  	[smem:$0x3F91] =	sst s10  }
0x38: {  	s10 =	sld [smem:$0x3F92]  }
0x39: {  	_ = 	snop;
	(pc) =	sbr.ind lr, $3  }
0x3a: {  	_ = 	snop  }
0x3b: {  	_ = 	snop  }
0x3c: {  	p2 =	seq.s32 s10, $0x1;
	s10 =	sld [smem:$0x3F91]  }
0x3d: {  	_ =	shalt  }
0x3e: {  	_ =	shalt  }
0x3f: {  	_ =	shalt  }
0x40: {  	_ =	shalt  }
0x41: {  	_ =	shalt  }
0x42: {  	_ =	shalt  }
0x43: {  	_ =	shalt  }
0x44: {  	_ =	shalt  }
0x45: {  	_ =	shalt  }
0x46: {  	_ =	shalt  }
0x47: {  	_ =	shalt  }
0x48: {  	_ =	shalt  }
0x49: {  	_ =	shalt  }
0x4a: {  	_ =	shalt  }
0x4b: {  	_ =	shalt  }
0x4c: {  	_ =	shalt  }
0x4d: {  	_ =	shalt  }
0x4e: {  	_ =	shalt  }
0x4f: {  	_ =	shalt  }
0x50: {  	_ =	shalt  }
0x51: {  	_ =	shalt  }
0x52: {  	_ =	shalt  }
0x53: {  	_ =	shalt  }
0x54: {  	_ =	shalt  }
0x55: {  	_ =	shalt  }
0x56: {  	_ =	shalt  }
0x57: {  	_ =	shalt  }
0x58: {  	_ =	shalt  }
0x59: {  	_ =	shalt  }
0x5a: {  	_ =	shalt  }
0x5b: {  	_ =	shalt  }
0x5c: {  	_ =	shalt  }
0x5d: {  	_ =	shalt  }
0x5e: {  	_ =	shalt  }
0x5f: {  	_ =	shalt  }
0x60: {  	_ =	shalt  }
0x61: {  	_ =	shalt  }
0x62: {  	_ =	shalt  }
0x63: {  	_ =	shalt  }
0x64: {  	_ =	shalt  }
0x65: {  	_ =	shalt  }
0x66: {  	_ =	shalt  }
0x67: {  	_ =	shalt  }
0x68: {  	_ =	shalt  }
0x69: {  	_ =	shalt  }
0x6a: {  	_ =	shalt  }
0x6b: {  	_ =	shalt  }
0x6c: {  	_ =	shalt  }
0x6d: {  	_ =	shalt  }
0x6e: {  	_ =	shalt  }
0x6f: {  	_ =	shalt  }
0x70: {  	_ =	shalt  }
0x71: {  	_ =	shalt  }
0x72: {  	_ =	shalt  }
0x73: {  	_ =	shalt  }
0x74: {  	_ =	shalt  }
0x75: {  	_ =	shalt  }
0x76: {  	_ =	shalt  }
0x77: {  	_ =	shalt  }
0x78: {  	_ =	shalt  }
0x79: {  	_ =	shalt  }
0x7a: {  	_ =	shalt  }
0x7b: {  	_ =	shalt  }
0x7c: {  	_ =	shalt  }
0x7d: {  	_ =	shalt  }
0x7e: {  	_ =	shalt  }
0x7f: {  	_ =	shalt  }
0x80: {  	_ =	shalt  }
0x81: {  	_ =	shalt  }
0x82: {  	_ =	shalt  }
0x83: {  	_ =	shalt  }
0x84: {  	_ =	shalt  }
0x85: {  	_ =	shalt  }
0x86: {  	_ =	shalt  }
0x87: {  	_ =	shalt  }
.Lfunc_end0:
.L_simem_size_0:
called_computation.5_lowered:
.L_overlay_start_0:
0x88: {  	s2 =	sld [smem:$0x3FD9]  }
0x89: {  	s3 =	sld [smem:$0x3FFE];
	_ =	sdelay $0x1  }
0x8a: {  	s1 =	srdreg.scid  }
0x8b: {  	s0 =	sand.u32 $0x1, s1  }
0x8c: {  	s17 =	sshll.u32 s0, $0xA;
	s2 =	sadd.s32 s3, s2  }
0x8d: {  	s2 =	sadd.s32 s2, s17  }
0x8e: {  	[smem:$0x3F9D] =	sst s2  }
0x8f: {  	_ = 	snop  }
0x90: {  	s18 =	sld [smem:$0x3FC9];
	(tm) =	ssettm $0x1  }
0x91: {  	s19 =	sld [smem:$0x3FFB];
	_ =	sdelay $0x3  }
0x92: {  	_ =	strace s19  }
0x93: {  	s2 =	sld [smem:$0x3FFC];
	_ =	sdelay $0x3  }
0x94: {  	_ =	strace s2  }
0x95: {  	s2 =	sld [smem:$0x3FFD];
	_ =	sdelay $0x3  }
0x96: {  	_ =	strace s2  }
0x97: {  	_ =	strace $0x8FFFFFFF  }
0x98: {  	s20 =	sld [smem:$0x3FDB];
	_ =	sdelay $0x1  }
0x99: {  	s4 =	simm.s32 $_scs_section_size  }
0x9a: {  	s5 =	simm.s32 $_size__tile_overlayer_lowered;
	s6 =	simm.s32 $_tile_overlayer_lowered  }
0x9b: {  	s7 =	simm.s32 $0x1BFF;
	s21 =	sshll.u32 s6, $0x1;
	s4 =	sadd.s32 s4, s20  }
0x9c: {  	s22 =	simm.s32 $0x0;
	s5 =	sshll.u32 s5, $0x1;
	s6 =	sadd.s32 s21, s4  }
0x9d: {  	[timem:s22], [sflag:s7] =	dma.local [hbm:s6], s5  }
0x9e: {  	_ =	swait.ge [sflag:s7], s5  }
0x9f: {  	s5 =	ssub.s32 $0x0, s5;
	[sflag:s7] =	ssyncset.done $0x0  }
0xa0: {  	[sflag:s7] =	ssyncadd.s32 s5;
	_ =	sdelay $0x1  }
0xa1: {  	s23 =	simm.s32 $0x1B8B  }
0xa2: {  	_ =	swait.ge [sflag:s23], $0x1  }
0xa3: {  	[sflag:s23] =	ssyncset.done $0x0  }
0xa4: {  	[sflag:s23] =	ssyncadd.s32 $0xFFFFFFFF  }
0xa5: {  	s5 =	sld [smem:$0x0]  }
0xa6: {  	s6 =	sand.u32 $0xFFFFFFFE, s1  }
0xa7: {  	p0 =	sne.s32 s1, s6  }
0xa8: {  	s6 =	sshll.u32 @p0 s6, $0xE  }
0xa9: {  	s6 =	sadd.s32 @p0 $0x11B8D, s6;
	s7 =	sshll.u32 @p0 s5, $0x11  }
0xaa: {  	s6 =	sor.u32 @p0 s7, s6  }
0xab: {  	[sflag:s6] =	ssyncadd.remote.s32 @p0 $0x1;
	_ =	sdelay $0x1  }
0xac: {  	s6 =	simm.s32 @p0 $0x1B8D  }
0xad: {  	_ =	swait.eq @p0 [sflag:s6], $0x1  }
0xae: {  	[sflag:s6] =	ssyncadd.s32 @p0 $0xFFFFFFFF  }
0xaf: {  	s7 =	sshll.u32 @!p0 s1, $0xE  }
0xb0: {  	s7 =	sor.u32 @!p0 $0x4000, s7;
	s6 =	simm.s32 @!p0 $0x1B8D  }
0xb1: {  	s5 =	sshll.u32 @!p0 s5, $0x11;
	s7 =	sadd.s32 @!p0 $0x11B8D, s7;
	_ =	swait.eq @!p0 [sflag:s6], $0x1  }
0xb2: {  	s5 =	sor.u32 @!p0 s5, s7;
	[sflag:s6] =	ssyncadd.s32 @!p0 $0xFFFFFFFF  }
0xb3: {  	s25 =	simm.s32 $0x1B8E;
	s24 =	sld [smem:$0x3FFE];
	[sflag:s5] =	ssyncadd.remote.s32 @!p0 $0x1  }
0xb4: {  	s26 =	simm.s32 $execute0_lowered;
	[smem:$0x3FD2] =	sst s25  }
0xb5: {  	s6 =	sshll.u32 s26, $0x1;
	_ =	strace $0x80000055;
	[dreg:$0x1] =	wrdreg $0xFFFFFFFF  }
0xb6: {  	s28 =	simm.s32 $_size_execute0_lowered;
	s4 =	sadd.s32 s4, s6;
	[dreg:$0x0] =	wrdreg $0x0  }
0xb7: {  	s6 =	sshll.u32 s28, $0x1;
	[dreg:$0x2] =	wrdreg s4  }
0xb8: {  	[dreg:$0x3] =	wrdreg s6  }
0xb9: {  	[dreg:$0x4] =	wrdreg $0xC0  }
0xba: {  	_ =	task [dreg:s22], $0x5FFFF  }
0xbb: {  	[dreg:$0x1] =	wrdreg $0xFFFFFFFF  }
0xbc: {  	[dreg:$0x0] =	wrdreg $0x60  }
0xbd: {  	[dreg:$0x2] =	wrdreg s18  }
0xbe: {  	[dreg:$0x3] =	wrdreg s24  }
0xbf: {  	[dreg:$0x4] =	wrdreg $0xE  }
0xc0: {  	_ =	task.clear_ibuf [dreg:s22], $0x5FFFF;
	_ =	strace $0x90000055  }
0xc1: {  	s29 =	simm.s32 $0xE;
	_ =	strace $0x80000057  }
0xc2: {  	_ =	swait.ge [sflag:s29], $0x1  }
0xc3: {  	[sflag:s29] =	ssyncadd.s32 $0xFFFFFFFF  }
0xc4: {  	_ =	strace $0x90000057  }
0xc5: {  	_ =	sfence  }
0xc6: {  	s30 =	sld [smem:$0x0];
	_ =	sdelay $0x2  }
0xc7: {  	s31 =	sshll.u32 s1, $0xD;
	s1 =	sshrl.u32 s1, $0x2  }
0xc8: {  	s4 =	sand.u32 $0x4000, s31;
	s1 =	sadd.s32 s1, s30  }
0xc9: {  	s0 =	sor.u32 s4, s0;
	s1 =	sshll.u32 s1, $0x11  }
0xca: {  	s0 =	sor.u32 s1, s0  }
0xcb: {  	s0 =	sadd.s32 $0x8F2B, s0  }
0xcc: {  	[sflag:s0] =	ssyncadd.remote.s32 $0x1  }
0xcd: {  	_ =	sfence.sel $0xFFFF  }
0xce: {  	[dreg:$0x0] =	wrdreg $0xFFFFFFFF;
	(pc) =	sbr.abs _section_cstart, $3  }
0xcf: {  	[dreg:$0x1] =	wrdreg $0xFFFFFFFF  }
0xd0: {  	_ =	task.clear_ibuf [dreg:s22], $0x2FFFF;
	_ =	strace $0x9FFFFFFF  }
0xd1: {  	(tm) =	ssettm $0x7FFFFFFF  }
tec
execute0_lowered:
.L_overlay_start_1:
0x0: {  	(tag) =	ssettag $0x1  }
0x1: {  	s2 =	rddreg [dreg:$0x0];
	s1 =	srdreg.scid  }
0x2: {  	s0 =	stileid.u32;
	s5 =	rddreg [dreg:$0x1]  }
0x3: {  	s3 =	simm.s32 $0x0;
	s14 =	simm.s32 $0x320;
	s15 =	simm.s32 $0x2B20  }
0x4: {  	s16 =	simm.s32 $0xA0;
	s17 =	simm.s32 $0x5320;
	s18 =	simm.s32 $0xF0  }
0x5: {  	s19 =	simm.s32 $0x7B20;
	s20 =	simm.s32 $0x140;
	s21 =	simm.s32 $0xA320  }
0x6: {  	s22 =	simm.s32 $0x0;
	s7 =	sand.u32 $0x1, s1;
	s10 =	smul.u32 $0x4E20, s0  }
0x7: {  	s4 =	sshll.u32 s0, $0x1;
	[smem:$0x7FF] =	sst s3;
	s30 =	smul.u32 $0x4E200, s0  }
0x8: {  	s9 =	sadd.s32 $0x38600, s5;
	s6 =	sor.u32 s7, s4;
	s12 =	smul.u32 $0x2710, s7  }
0x9: {  	_ =	strace $0x80000056;
	s29 =	ssub.s32 $0x2, s7;
	s8 =	smul.u32 $0x2710, s6  }
0xa: {  	s4 =	sadd.s32 $0x24600, s5;
	s6 =	smul.u32 $0x27100, s6;
	s11 =	sshrl.u32 s29, $0x1  }
0xb: {  	s31 =	smul.u32 $0x27100, s7;
	s11 =	ssub.s32 s29, s11;
	s10 =	sadd.s32 s12, s10  }
0xc: {  	s12 =	simm.s32 $0x2;
	s8 =	sshrl.u32 s8, $0x3;
	s13 =	sadd.s32 s9, s6  }
0xd: {  	s6 =	smax.u32 s11, $0x1;
	s9 =	sadd.s32 s30, s9;
	s11 =	simm.s32 $0x50  }
0xe: {  	s5 =	sadd.s32 s4, s8;
	s7 =	sadd.s32 $0x25800, s13;
	s8 =	sadd.s32 $0x190, s10  }
0xf: {  	s9 =	sadd.s32 s31, s9;
	s10 =	simm.s32 $0x1;
	s13 =	simm.s32 $0x3  }
.LBB2_1:
0x10: {  	[tilespmem:s3], [sflag:$0x1] =	stream.linear.gather [hbm4b:s5+s3], $0x190, $0x38;
	[tilespmem:$0x19320] =	vst v63  }
0x11: {  	s23 =	sand.u32 $0x1, s3  }
0x12: {  	s25 =	sshrl.u32 s8, $0x3;
	s24 =	sxor.u32 $0x1, s23  }
0x13: {  	p0 =	por $0x1, $0x1;
	_ =	swait.ge [sflag:s10], $0x190;
	s24 =	smul.u32 $0x640, s24  }
0x14: {  	s25 =	sadd.s32 s4, s25;
	s26 =	smul.u32 $0x32000, s23;
	[sflag:s10] =	ssyncset.done $0x0  }
0x15: {  	s28 =	simm.s32 @!p0 $0x3;
	[sflag:s10] =	ssyncadd.s32 $0xFFFFFE70;
	s24 =	sshrl.u32 s24, $0x2  }
0x16: {  	[tilespmem:s24], [sflag:$0x1] =	stream.linear.gather [hbm4b:s25+s3], $0x190, $0x38;
	[tilespmem:$0x19320] =	vst v63  }
0x17: {  	s23 =	smul.u32 $0x640, s23;
	_ =	swait.ge @!p0 [sflag:s28], $0xC800  }
0x18: {  	s0 =	sshrl.u32 s26, $0x2;
	[sflag:s28] =	ssyncset.done @!p0 $0x0  }
0x19: {  	s23 =	sshrl.u32 s23, $0x2;
	s24 =	sor.u32 $0x320, s0;
	[sflag:s28] =	ssyncadd.s32 @!p0 $0xFFFF3800  }
0x1a: {  	[tilespmem:s24], [sflag:$0x2] =	stream.indirect.gather [hbm4b:s2+s11], $0x80, s23, s11, $0xb8;
	[tilespmem:$0x19320] =	vst v63  }
0x1b: {  	s26 =	sadd.s32 $0x2B20, s0;
	s28 =	sadd.s32 $0x50, s23  }
0x1c: {  	[tilespmem:s26], [sflag:$0x2] =	stream.indirect.gather [hbm4b:s2+s11], $0x80, s28, s11, $0xb8;
	[tilespmem:$0x19320] =	vst v63  }
0x1d: {  	s1 =	sadd.s32 $0x5320, s0;
	s28 =	sadd.s32 $0xA0, s23  }
0x1e: {  	[tilespmem:s1], [sflag:$0x2] =	stream.indirect.gather [hbm4b:s2+s11], $0x80, s28, s11, $0xb8;
	[tilespmem:$0x19320] =	vst v63  }
0x1f: {  	s31 =	sadd.s32 $0x7B20, s0;
	s28 =	sadd.s32 $0xF0, s23  }
0x20: {  	[tilespmem:s31], [sflag:$0x2] =	stream.indirect.gather [hbm4b:s2+s11], $0x80, s28, s11, $0xb8;
	[tilespmem:$0x19320] =	vst v63  }
0x21: {  	s25 =	sadd.s32 $0xA320, s0;
	s23 =	sadd.s32 $0x140, s23  }
0x22: {  	[tilespmem:s25], [sflag:$0x2] =	stream.indirect.gather [hbm4b:s2+s11], $0x80, s23, s11, $0xb8;
	[tilespmem:$0x19320] =	vst v63  }
0x23: {  	_ =	swait.ge [sflag:s12], $0x2800  }
0x24: {  	[sflag:s12] =	ssyncset.done $0x0  }
0x25: {  	[sflag:s12] =	ssyncadd.s32 $0xFFFFD800  }
0x26: {  	_ =	swait.ge [sflag:s12], $0x2800  }
0x27: {  	[sflag:s12] =	ssyncset.done $0x0  }
0x28: {  	[sflag:s12] =	ssyncadd.s32 $0xFFFFD800  }
0x29: {  	_ =	swait.ge [sflag:s12], $0x2800  }
0x2a: {  	[sflag:s12] =	ssyncset.done $0x0  }
0x2b: {  	[sflag:s12] =	ssyncadd.s32 $0xFFFFD800  }
0x2c: {  	s29 =	smov.u32 s9;
	s28 =	simm.s32 $0x1;
	_ =	swait.ge [sflag:s12], $0x2800  }
0x2d: {  	s26 =	simm.s32 $0x2;
	s30 =	sand.u32 $0x1, s28;
	[sflag:s12] =	ssyncset.done $0x0  }
0x2e: {  	s23 =	sadd.s32 $0x1900, s9;
	s25 =	sadd.s32 $0x190, s8;
	[sflag:s12] =	ssyncadd.s32 $0xFFFFD800  }
.LBB2_2:
0x2f: {  	s31 =	sxor.u32 $0x1, s30  }
0x30: {  	_ =	swait.ge [sflag:s12], $0x2800;
	s1 =	smov.u32 s26;
	s26 =	sadd.s32 $0x1, s26  }
0x31: {  	p0 =	sne.s32 s26, $0x18;
	s31 =	smul.u32 $0x640, s31;
	[sflag:s12] =	ssyncset.done $0x0  }
0x32: {  	s0 =	smul.u32 $0x640, s30;
	[sflag:s12] =	ssyncadd.s32 $0xFFFFD800  }
0x33: {  	[hbm4b:s29+s3] =	stream.linear.scatter [tilespmem:s24], [sflag:$0x3], $0xC800, $0x38;
	[tilespmem:$0x19320] =	vst v63  }
0x34: {  	p1 =	slt.u32 s28, $0x2;
	s24 =	sshrl.u32 s25, $0x3;
	_ =	swait.ge [sflag:s10], $0x190  }
0x35: {  	s28 =	smul.u32 $0x32000, s30;
	s24 =	sadd.s32 s4, s24;
	[sflag:s10] =	ssyncset.done $0x0  }
0x36: {  	s30 =	simm.s32 @!p1 $0x3;
	s29 =	sshrl.u32 s31, $0x2;
	[sflag:s10] =	ssyncadd.s32 $0xFFFFFE70  }
0x37: {  	[tilespmem:s29], [sflag:$0x1] =	stream.linear.gather [hbm4b:s24+s3], $0x190, $0x38;
	[tilespmem:$0x19320] =	vst v63  }
0x38: {  	s31 =	sshrl.u32 s28, $0x2;
	s28 =	smov.u32 s1;
	_ =	swait.ge @!p1 [sflag:s30], $0xC800  }
0x39: {  	s0 =	sshrl.u32 s0, $0x2;
	s24 =	sor.u32 $0x320, s31;
	[sflag:s30] =	ssyncset.done @!p1 $0x0  }
0x3a: {  	s29 =	smov.u32 s23;
	[sflag:s30] =	ssyncadd.s32 @!p1 $0xFFFF3800  }
0x3b: {  	[tilespmem:s24], [sflag:$0x2] =	stream.indirect.gather [hbm4b:s2+s11], $0x80, s0, s11, $0xb8;
	[tilespmem:$0x19320] =	vst v63  }
0x3c: {  	s1 =	sadd.s32 $0x2B20, s31;
	s30 =	sadd.s32 $0x50, s0  }
0x3d: {  	[tilespmem:s1], [sflag:$0x2] =	stream.indirect.gather [hbm4b:s2+s11], $0x80, s30, s11, $0xb8;
	[tilespmem:$0x19320] =	vst v63  }
0x3e: {  	s1 =	sadd.s32 $0x5320, s31;
	s30 =	sadd.s32 $0xA0, s0  }
0x3f: {  	[tilespmem:s1], [sflag:$0x2] =	stream.indirect.gather [hbm4b:s2+s11], $0x80, s30, s11, $0xb8;
	[tilespmem:$0x19320] =	vst v63  }
0x40: {  	s1 =	sadd.s32 $0x7B20, s31;
	s30 =	sadd.s32 $0xF0, s0  }
0x41: {  	[tilespmem:s1], [sflag:$0x2] =	stream.indirect.gather [hbm4b:s2+s11], $0x80, s30, s11, $0xb8;
	[tilespmem:$0x19320] =	vst v63  }
0x42: {  	s0 =	sadd.s32 $0x140, s0;
	s1 =	sadd.s32 $0xA320, s31  }
0x43: {  	[tilespmem:s1], [sflag:$0x2] =	stream.indirect.gather [hbm4b:s2+s11], $0x80, s0, s11, $0xb8;
	[tilespmem:$0x19320] =	vst v63  }
0x44: {  	_ =	swait.ge [sflag:s12], $0x2800  }
0x45: {  	[sflag:s12] =	ssyncset.done $0x0  }
0x46: {  	[sflag:s12] =	ssyncadd.s32 $0xFFFFD800  }
0x47: {  	_ =	swait.ge [sflag:s12], $0x2800  }
0x48: {  	[sflag:s12] =	ssyncset.done $0x0  }
0x49: {  	[sflag:s12] =	ssyncadd.s32 $0xFFFFD800  }
0x4a: {  	_ =	swait.ge [sflag:s12], $0x2800  }
.Ltmp0:
0x4b: {  	[sflag:s12] =	ssyncset.done $0x0;
	(pc) =	sbr.rel @p0 .LBB2_2-.Ltmp0, $4  }
0x4c: {  	[sflag:s12] =	ssyncadd.s32 $0xFFFFD800  }
0x4d: {  	_ =	swait.ge [sflag:s12], $0x2800  }
0x4e: {  	s23 =	sadd.s32 $0x1900, s23;
	[sflag:s12] =	ssyncset.done $0x0  }
0x4f: {  	s25 =	sadd.s32 $0x190, s25;
	s30 =	sand.u32 $0x1, s28;
	[sflag:s12] =	ssyncadd.s32 $0xFFFFD800  }
0x50: {  	_ =	swait.ge [sflag:s12], $0x2800  }
0x51: {  	[sflag:s12] =	ssyncset.done $0x0  }
0x52: {  	s0 =	sxor.u32 $0x1, s30;
	s1 =	sshrl.u32 s25, $0x3;
	[sflag:s12] =	ssyncadd.s32 $0xFFFFD800  }
0x53: {  	[hbm4b:s29+s3] =	stream.linear.scatter [tilespmem:s24], [sflag:$0x3], $0xC800, $0x38;
	[tilespmem:$0x19320] =	vst v63  }
0x54: {  	p0 =	slt.u32 s28, $0x2;
	s0 =	smul.u32 $0x640, s0;
	_ =	swait.ge [sflag:s10], $0x190  }
0x55: {  	s1 =	sadd.s32 s4, s1;
	s25 =	simm.s32 @!p0 $0x3;
	[sflag:s10] =	ssyncset.done $0x0  }
0x56: {  	s29 =	smul.u32 $0x32000, s30;
	s0 =	sshrl.u32 s0, $0x2;
	[sflag:s10] =	ssyncadd.s32 $0xFFFFFE70  }
0x57: {  	[tilespmem:s0], [sflag:$0x1] =	stream.linear.gather [hbm4b:s1+s3], $0x190, $0x38;
	[tilespmem:$0x19320] =	vst v63  }
0x58: {  	s30 =	smul.u32 $0x640, s30;
	_ =	swait.ge @!p0 [sflag:s25], $0xC800  }
0x59: {  	s1 =	sshrl.u32 s29, $0x2;
	[sflag:s25] =	ssyncset.done @!p0 $0x0  }
0x5a: {  	s0 =	sshrl.u32 s30, $0x2;
	s24 =	sor.u32 $0x320, s1;
	[sflag:s25] =	ssyncadd.s32 @!p0 $0xFFFF3800  }
0x5b: {  	[tilespmem:s24], [sflag:$0x2] =	stream.indirect.gather [hbm4b:s2+s11], $0x80, s0, s11, $0xb8;
	[tilespmem:$0x19320] =	vst v63  }
0x5c: {  	s31 =	sadd.s32 $0x2B20, s1;
	s26 =	sadd.s32 $0x50, s0  }
0x5d: {  	[tilespmem:s31], [sflag:$0x2] =	stream.indirect.gather [hbm4b:s2+s11], $0x80, s26, s11, $0xb8;
	[tilespmem:$0x19320] =	vst v63  }
0x5e: {  	s28 =	sadd.s32 $0x5320, s1;
	s29 =	sadd.s32 $0xA0, s0  }
0x5f: {  	[tilespmem:s28], [sflag:$0x2] =	stream.indirect.gather [hbm4b:s2+s11], $0x80, s29, s11, $0xb8;
	[tilespmem:$0x19320] =	vst v63  }
0x60: {  	s30 =	sadd.s32 $0x7B20, s1;
	s31 =	sadd.s32 $0xF0, s0  }
0x61: {  	[tilespmem:s30], [sflag:$0x2] =	stream.indirect.gather [hbm4b:s2+s11], $0x80, s31, s11, $0xb8;
	[tilespmem:$0x19320] =	vst v63  }
0x62: {  	s1 =	sadd.s32 $0xA320, s1;
	s0 =	sadd.s32 $0x140, s0  }
0x63: {  	[tilespmem:s1], [sflag:$0x2] =	stream.indirect.gather [hbm4b:s2+s11], $0x80, s0, s11, $0xb8;
	[tilespmem:$0x19320] =	vst v63  }
0x64: {  	_ =	swait.ge [sflag:s12], $0x2800  }
0x65: {  	[sflag:s12] =	ssyncset.done $0x0  }
0x66: {  	[sflag:s12] =	ssyncadd.s32 $0xFFFFD800  }
0x67: {  	_ =	swait.ge [sflag:s12], $0x2800  }
0x68: {  	[sflag:s12] =	ssyncset.done $0x0  }
0x69: {  	[sflag:s12] =	ssyncadd.s32 $0xFFFFD800  }
0x6a: {  	_ =	swait.ge [sflag:s12], $0x2800  }
0x6b: {  	[sflag:s12] =	ssyncset.done $0x0  }
0x6c: {  	[sflag:s12] =	ssyncadd.s32 $0xFFFFD800  }
0x6d: {  	_ =	swait.ge [sflag:s12], $0x2800  }
0x6e: {  	[sflag:s12] =	ssyncset.done $0x0  }
0x6f: {  	[sflag:s12] =	ssyncadd.s32 $0xFFFFD800  }
0x70: {  	_ =	swait.ge [sflag:s12], $0x2800  }
0x71: {  	[sflag:s12] =	ssyncset.done $0x0  }
0x72: {  	[sflag:s12] =	ssyncadd.s32 $0xFFFFD800  }
0x73: {  	[hbm4b:s23+s3] =	stream.linear.scatter [tilespmem:s24], [sflag:$0x3], $0xC800, $0x38;
	[tilespmem:$0x19320] =	vst v63  }
0x74: {  	_ =	swait.ge [sflag:s10], $0x190  }
0x75: {  	[sflag:s10] =	ssyncset.done $0x0  }
0x76: {  	[sflag:s10] =	ssyncadd.s32 $0xFFFFFE70  }
0x77: {  	_ =	swait.ge [sflag:s13], $0xC800  }
0x78: {  	[sflag:s13] =	ssyncset.done $0x0  }
0x79: {  	[sflag:s13] =	ssyncadd.s32 $0xFFFF3800  }
0x7a: {  	[tilespmem:s14], [sflag:$0x2] =	stream.indirect.gather [hbm4b:s2+s11], $0x80, s3, s11, $0xb8;
	[tilespmem:$0x19320] =	vst v63  }
0x7b: {  	_ = 	snop  }
0x7c: {  	[tilespmem:s15], [sflag:$0x2] =	stream.indirect.gather [hbm4b:s2+s11], $0x80, s11, s11, $0xb8;
	[tilespmem:$0x19320] =	vst v63  }
0x7d: {  	_ = 	snop  }
0x7e: {  	[tilespmem:s17], [sflag:$0x2] =	stream.indirect.gather [hbm4b:s2+s11], $0x80, s16, s11, $0xb8;
	[tilespmem:$0x19320] =	vst v63  }
0x7f: {  	_ = 	snop  }
0x80: {  	[tilespmem:s19], [sflag:$0x2] =	stream.indirect.gather [hbm4b:s2+s11], $0x80, s18, s11, $0xb8;
	[tilespmem:$0x19320] =	vst v63  }
0x81: {  	_ = 	snop  }
0x82: {  	[tilespmem:s21], [sflag:$0x2] =	stream.indirect.gather [hbm4b:s2+s11], $0x80, s20, s11, $0xb8;
	[tilespmem:$0x19320] =	vst v63  }
0x83: {  	_ =	swait.ge [sflag:s12], $0x2800  }
0x84: {  	[sflag:s12] =	ssyncset.done $0x0  }
0x85: {  	[sflag:s12] =	ssyncadd.s32 $0xFFFFD800  }
0x86: {  	_ =	swait.ge [sflag:s12], $0x2800  }
0x87: {  	[sflag:s12] =	ssyncset.done $0x0  }
0x88: {  	[sflag:s12] =	ssyncadd.s32 $0xFFFFD800  }
0x89: {  	_ =	swait.ge [sflag:s12], $0x2800  }
0x8a: {  	[sflag:s12] =	ssyncset.done $0x0  }
0x8b: {  	[sflag:s12] =	ssyncadd.s32 $0xFFFFD800  }
0x8c: {  	_ =	swait.ge [sflag:s12], $0x2800  }
0x8d: {  	[sflag:s12] =	ssyncset.done $0x0  }
0x8e: {  	[sflag:s12] =	ssyncadd.s32 $0xFFFFD800  }
0x8f: {  	_ =	swait.ge [sflag:s12], $0x2800  }
0x90: {  	[sflag:s12] =	ssyncset.done $0x0  }
0x91: {  	s22 =	sadd.s32 $0x1, s22;
	[sflag:s12] =	ssyncadd.s32 $0xFFFFD800  }
0x92: {  	[hbm4b:s7+s3] =	stream.linear.scatter [tilespmem:s14], [sflag:$0x3], $0xC800, $0x38;
	[tilespmem:$0x19320] =	vst v63  }
0x93: {  	p0 =	sne.s32 s22, s6;
	_ =	swait.ge [sflag:s13], $0xC800  }
.Ltmp1:
0x94: {  	[sflag:s13] =	ssyncset.done $0x0;
	(pc) =	sbr.rel @p0 .LBB2_1-.Ltmp1, $4  }
0x95: {  	[sflag:s13] =	ssyncadd.s32 $0xFFFF3800  }
0x96: {  	_ =	swait.ge [sflag:s13], $0xC800  }
0x97: {  	[sflag:s13] =	ssyncset.done $0x0  }
0x98: {  	[sflag:s13] =	ssyncadd.s32 $0xFFFF3800  }
0x99: {  	_ =	sfence.sel $0x180000  }
0x9a: {  	[bflag:$0x0] =	sbarrier.arrive $0xFFFF  }
0x9b: {  	_ =	strace $0x90000056  }
0x9c: {  	s0 =	stileid.u32;
	[bflag:$0x2] =	sbarrier.arrive $0xFFFF  }
0x9d: {  	p0 =	sne.s32 s0, $0x0;
	s0 =	rddreg [dreg:$0x2]  }
0x9e: {  	s0 =	sadd.s32 @!p0 $0x100000, s0  }
0x9f: {  	[sflag:s0] =	ssyncadd.tile.s32 @!p0 $0x1;
	_ =	shalt  }
.Lfunc_end2:
_tile_overlayer_lowered:
.L_overlay_start_2:
0xa0: {  	(tag) =	ssettag $0x2  }
0xa1: {  	s0 =	rddreg [dreg:$0x0];
	s2 =	stileid.u32  }
0xa2: {  	s1 =	rddreg [dreg:$0x1];
	p0 =	sne.s32 s2, $0x0  }
0xa3: {  	s3 =	rddreg [dreg:$0x2];
	[bflag:$0x3] =	sbarrier.arrive $0xFFFF;
	s2 =	simm.s32 @!p0 $0x1C04  }
0xa4: {  	[timem:s3], [sflag:s2] =	dma.local @!p0 [hbm:s0], s1  }
0xa5: {  	s0 =	simm.s32 @!p0 $0x4  }
0xa6: {  	_ =	swait.ge @!p0 [sflag:s0], s1  }
0xa7: {  	s1 =	ssub.s32 @!p0 $0x0, s1;
	[sflag:s0] =	ssyncset.done @!p0 $0x0  }
0xa8: {  	[sflag:s0] =	ssyncadd.s32 @!p0 s1  }
0xa9: {  	[bflag:$0x3] =	sbarrier.arrive $0xFFFF  }
0xaa: {  	_ =	shalt  }

// kernel: kernel.18.cloned.1.call-start
scs
__scs_entry_jumppad:
0x0: {  	(pc) =	sbr.rel $0x88, $3  }
0x1: {  	(tag) =	ssettag $0x0;
	lr =	simm.s32 $0x1  }
0x2: {  	[smem:$0x3F76] =	sst lr;
	_ =	strace $0xD0000000  }
0x3: {  	_ = 	snop  }
0x4: {  	_ = 	snop  }
0x5: {  	_ = 	snop  }
0x6: {  	_ = 	snop  }
0x7: {  	_ = 	snop  }
__scs_overlays_trampoline_lowered:
0x8: {  	[smem:$0x3F85] =	sst s0  }
0x9: {  	[smem:$0x3F86] =	sst s1  }
0xa: {  	[smem:$0x3F87] =	sst s2  }
0xb: {  	[smem:$0x3F88] =	sst s3  }
0xc: {  	[smem:$0x3F89] =	sst s4  }
0xd: {  	[smem:$0x3F8A] =	sst s5  }
0xe: {  	[smem:$0x3F8B] =	sst s6  }
0xf: {  	[smem:$0x3F8C] =	sst s7  }
0x10: {  	[smem:$0x3F8D] =	sst s8  }
0x11: {  	[smem:$0x3F8E] =	sst s9;
	s0 =	simm.s32 @!p0 $0x0  }
0x12: {  	s1 =	sld [smem:$0x3F74];
	s0 =	simm.s32 @p0 $0x1  }
0x13: {  	[smem:$0x3F8F] =	sst s0;
	s0 =	simm.s32 @!p1 $0x0  }
0x14: {  	s2 =	sld [smem:$0x3F73];
	s0 =	simm.s32 @p1 $0x1  }
0x15: {  	[smem:$0x3F90] =	sst s0;
	s0 =	simm.s32 @!p2 $0x0  }
0x16: {  	s3 =	sld [smem:$0x3FDB];
	s0 =	simm.s32 @p2 $0x1  }
0x17: {  	s4 =	simm.s32 $0x1BF5;
	[smem:$0x3F92] =	sst s0  }
0x18: {  	s0 =	sld [smem:$0x3F75];
	_ =	swait.ge [sflag:s4], $0x0  }
0x19: {  	s7 =	sld [smem:$0x3F76]  }
0x1a: {  	s8 =	sadd.s32 $0xFFFFE003, lr  }
0x1b: {  	s9 =	sadd.s32 $0xFFFFFEF7, lr;
	s5 =	simm.s32 $0xFFFFFFFF;
	p2 =	slt.u32 s8, $0xFFFFF086  }
0x1c: {  	p1 =	slt.u32 s9, $0xF7A;
	s5 =	simm.s32 @!p2 $0x0  }
0x1d: {  	s5 =	simm.s32 @p1 $0x1;
	p0 =	seq.s32 s7, s2  }
0x1e: {  	s7 =	smul.u32 @!p0 $0xF7A, s2;
	p2 =	seq.s32 @!p0 s5, $0x0  }
0x1f: {  	s9 =	smul.u32 $0xF7A, s1;
	s8 =	simm.s32 @!p0 $0x1BF5;
	p2 =	por !p2, p0  }
0x20: {  	[sflag:s8] =	ssyncset.s32 @!p0 $0xFFFFF086;
	s6 =	sadd.s32 @!p0 s3, s7;
	s7 =	simm.s32 @!p0 $0x108  }
0x21: {  	s3 =	sadd.s32 s3, s9;
	s6 =	sadd.s32 @!p0 $0x88, s6;
	s7 =	simm.s32 @p2 $0x1082  }
0x22: {  	[simem:s7], [sflag:s8] =	dma.local @!p0 [hbm:s6], $0xF7A  }
0x23: {  	s9 =	sor.u32 $0xD0000000, s2;
	s6 =	simm.s32 $0x108;
	_ =	swait.ge @!p0 [sflag:s8], $0x0  }
0x24: {  	s3 =	sadd.s32 $0x88, s3;
	s6 =	simm.s32 @!p1 $0x1082;
	[sflag:s4] =	ssyncset.s32 $0xFFFFF086  }
0x25: {  	[simem:s6], [sflag:s4] =	dma.local [hbm:s3], $0xF7A  }
0x26: {  	[smem:$0x3F76] =	sst s1;
	(tag) =	ssettag s2;
	_ =	strace s9  }
0x27: {  	s1 =	sld [smem:$0x3F86]  }
0x28: {  	s2 =	sld [smem:$0x3F87]  }
0x29: {  	s4 =	sld [smem:$0x3F89]  }
0x2a: {  	p0 =	seq.s32 s5, $0x0;
	s5 =	sld [smem:$0x3F8A]  }
0x2b: {  	s6 =	sld [smem:$0x3F8B]  }
0x2c: {  	s7 =	sld [smem:$0x3F8C]  }
0x2d: {  	s3 =	simm.s32 $0x108;
	s8 =	sld [smem:$0x3F8D]  }
0x2e: {  	s3 =	simm.s32 @!p0 $0x1082;
	s9 =	sld [smem:$0x3F8E]  }
0x2f: {  	lr =	sadd.s32 s0, s3;
	s0 =	sld [smem:$0x3F85]  }
0x30: {  	s3 =	sld [smem:$0x3F88]  }
0x31: {  	[smem:$0x3F91] =	sst s10  }
0x32: {  	s10 =	sld [smem:$0x3F8F];
	_ =	sdelay $0x3  }
0x33: {  	p0 =	seq.s32 s10, $0x1;
	s10 =	sld [smem:$0x3F91];
	_ =	sdelay $0x3  }
0x34: {  	[smem:$0x3F91] =	sst s10  }
0x35: {  	s10 =	sld [smem:$0x3F90];
	_ =	sdelay $0x3  }
0x36: {  	p1 =	seq.s32 s10, $0x1;
	s10 =	sld [smem:$0x3F91];
	_ =	sdelay $0x3  }
0x37: {  	[smem:$0x3F91] =	sst s10  }
0x38: {  	s10 =	sld [smem:$0x3F92]  }
0x39: {  	_ = 	snop;
	(pc) =	sbr.ind lr, $3  }
0x3a: {  	_ = 	snop  }
0x3b: {  	_ = 	snop  }
0x3c: {  	p2 =	seq.s32 s10, $0x1;
	s10 =	sld [smem:$0x3F91]  }
0x3d: {  	_ =	shalt  }
0x3e: {  	_ =	shalt  }
0x3f: {  	_ =	shalt  }
0x40: {  	_ =	shalt  }
0x41: {  	_ =	shalt  }
0x42: {  	_ =	shalt  }
0x43: {  	_ =	shalt  }
0x44: {  	_ =	shalt  }
0x45: {  	_ =	shalt  }
0x46: {  	_ =	shalt  }
0x47: {  	_ =	shalt  }
0x48: {  	_ =	shalt  }
0x49: {  	_ =	shalt  }
0x4a: {  	_ =	shalt  }
0x4b: {  	_ =	shalt  }
0x4c: {  	_ =	shalt  }
0x4d: {  	_ =	shalt  }
0x4e: {  	_ =	shalt  }
0x4f: {  	_ =	shalt  }
0x50: {  	_ =	shalt  }
0x51: {  	_ =	shalt  }
0x52: {  	_ =	shalt  }
0x53: {  	_ =	shalt  }
0x54: {  	_ =	shalt  }
0x55: {  	_ =	shalt  }
0x56: {  	_ =	shalt  }
0x57: {  	_ =	shalt  }
0x58: {  	_ =	shalt  }
0x59: {  	_ =	shalt  }
0x5a: {  	_ =	shalt  }
0x5b: {  	_ =	shalt  }
0x5c: {  	_ =	shalt  }
0x5d: {  	_ =	shalt  }
0x5e: {  	_ =	shalt  }
0x5f: {  	_ =	shalt  }
0x60: {  	_ =	shalt  }
0x61: {  	_ =	shalt  }
0x62: {  	_ =	shalt  }
0x63: {  	_ =	shalt  }
0x64: {  	_ =	shalt  }
0x65: {  	_ =	shalt  }
0x66: {  	_ =	shalt  }
0x67: {  	_ =	shalt  }
0x68: {  	_ =	shalt  }
0x69: {  	_ =	shalt  }
0x6a: {  	_ =	shalt  }
0x6b: {  	_ =	shalt  }
0x6c: {  	_ =	shalt  }
0x6d: {  	_ =	shalt  }
0x6e: {  	_ =	shalt  }
0x6f: {  	_ =	shalt  }
0x70: {  	_ =	shalt  }
0x71: {  	_ =	shalt  }
0x72: {  	_ =	shalt  }
0x73: {  	_ =	shalt  }
0x74: {  	_ =	shalt  }
0x75: {  	_ =	shalt  }
0x76: {  	_ =	shalt  }
0x77: {  	_ =	shalt  }
0x78: {  	_ =	shalt  }
0x79: {  	_ =	shalt  }
0x7a: {  	_ =	shalt  }
0x7b: {  	_ =	shalt  }
0x7c: {  	_ =	shalt  }
0x7d: {  	_ =	shalt  }
0x7e: {  	_ =	shalt  }
0x7f: {  	_ =	shalt  }
0x80: {  	_ =	shalt  }
0x81: {  	_ =	shalt  }
0x82: {  	_ =	shalt  }
0x83: {  	_ =	shalt  }
0x84: {  	_ =	shalt  }
0x85: {  	_ =	shalt  }
0x86: {  	_ =	shalt  }
0x87: {  	_ =	shalt  }
.Lfunc_end0:
.L_simem_size_0:
called_computation.6_lowered:
.L_overlay_start_0:
0x88: {  	s2 =	sld [smem:$0x3FD9]  }
0x89: {  	s3 =	sld [smem:$0x3FFE];
	_ =	sdelay $0x1  }
0x8a: {  	s1 =	srdreg.scid  }
0x8b: {  	s0 =	sand.u32 $0x1, s1  }
0x8c: {  	s16 =	sshll.u32 s0, $0xA;
	s2 =	sadd.s32 s3, s2  }
0x8d: {  	s2 =	sadd.s32 s2, s16  }
0x8e: {  	[smem:$0x3F9D] =	sst s2  }
0x8f: {  	_ = 	snop  }
0x90: {  	(tm) =	ssettm $0x1  }
0x91: {  	s17 =	sld [smem:$0x3FFB];
	_ =	sdelay $0x3  }
0x92: {  	_ =	strace s17  }
0x93: {  	s2 =	sld [smem:$0x3FFC];
	_ =	sdelay $0x3  }
0x94: {  	_ =	strace s2  }
0x95: {  	s2 =	sld [smem:$0x3FFD];
	_ =	sdelay $0x3  }
0x96: {  	_ =	strace s2  }
0x97: {  	_ =	strace $0x8FFFFFFF  }
0x98: {  	s18 =	sld [smem:$0x3FDB];
	_ =	sdelay $0x1  }
0x99: {  	s19 =	simm.s32 $_scs_section_size  }
0x9a: {  	s4 =	simm.s32 $_size__tile_overlayer_lowered;
	s5 =	simm.s32 $_tile_overlayer_lowered  }
0x9b: {  	s22 =	simm.s32 $0x1BFF;
	s21 =	sshll.u32 s5, $0x1;
	s2 =	sadd.s32 s19, s18  }
0x9c: {  	s6 =	simm.s32 $0x0;
	s20 =	sshll.u32 s4, $0x1;
	s4 =	sadd.s32 s21, s2  }
0x9d: {  	[timem:s6], [sflag:s22] =	dma.local [hbm:s4], s20  }
0x9e: {  	_ =	swait.ge [sflag:s22], s20  }
0x9f: {  	s3 =	ssub.s32 $0x0, s20;
	[sflag:s22] =	ssyncset.done $0x0  }
0xa0: {  	[sflag:s22] =	ssyncadd.s32 s3;
	_ =	sdelay $0x1  }
0xa1: {  	s23 =	simm.s32 $0x1B8B  }
0xa2: {  	_ =	swait.ge [sflag:s23], $0x1  }
0xa3: {  	[sflag:s23] =	ssyncset.done $0x0  }
0xa4: {  	s25 =	simm.s32 $0x1B8E;
	s24 =	sld [smem:$0x3FFE];
	[sflag:s23] =	ssyncadd.s32 $0xFFFFFFFF  }
0xa5: {  	s26 =	simm.s32 $execute0_lowered;
	[smem:$0x3FD2] =	sst s25  }
0xa6: {  	s4 =	sshll.u32 s26, $0x1;
	_ =	strace $0x80000058;
	[dreg:$0x1] =	wrdreg $0xFFFFFFFF  }
0xa7: {  	s28 =	simm.s32 $_size_execute0_lowered;
	s2 =	sadd.s32 s2, s4;
	[dreg:$0x0] =	wrdreg $0x0  }
0xa8: {  	s4 =	sshll.u32 s28, $0x1;
	[dreg:$0x2] =	wrdreg s2  }
0xa9: {  	[dreg:$0x3] =	wrdreg s4  }
0xaa: {  	[dreg:$0x4] =	wrdreg $0xC0  }
0xab: {  	_ =	task [dreg:s6], $0x5FFFF  }
0xac: {  	[dreg:$0x1] =	wrdreg $0xFFFFFFFF  }
0xad: {  	[dreg:$0x0] =	wrdreg $0x60  }
0xae: {  	[dreg:$0x2] =	wrdreg s24  }
0xaf: {  	[dreg:$0x3] =	wrdreg $0x67200  }
0xb0: {  	[dreg:$0x4] =	wrdreg $0x9  }
0xb1: {  	_ =	task.clear_ibuf [dreg:s6], $0x5FFFF;
	_ =	strace $0x90000058  }
0xb2: {  	s29 =	simm.s32 $0x9;
	_ =	strace $0x8000005A  }
0xb3: {  	_ =	swait.ge [sflag:s29], $0x1  }
0xb4: {  	[sflag:s29] =	ssyncadd.s32 $0xFFFFFFFF  }
0xb5: {  	_ =	strace $0x9000005A  }
0xb6: {  	_ =	sfence  }
0xb7: {  	s30 =	sld [smem:$0x0];
	_ =	sdelay $0x2  }
0xb8: {  	s31 =	sshll.u32 s1, $0xD;
	s1 =	sshrl.u32 s1, $0x2  }
0xb9: {  	s3 =	sand.u32 $0x4000, s31;
	s1 =	sadd.s32 s1, s30  }
0xba: {  	s0 =	sor.u32 s3, s0;
	s1 =	sshll.u32 s1, $0x11  }
0xbb: {  	s0 =	sor.u32 s1, s0  }
0xbc: {  	s0 =	sadd.s32 $0x8F2B, s0  }
0xbd: {  	[sflag:s0] =	ssyncadd.remote.s32 $0x1  }
0xbe: {  	_ =	sfence.sel $0xFFFF  }
0xbf: {  	[dreg:$0x0] =	wrdreg $0xFFFFFFFF;
	(pc) =	sbr.abs _section_cstart, $3  }
0xc0: {  	[dreg:$0x1] =	wrdreg $0xFFFFFFFF  }
0xc1: {  	_ =	task.clear_ibuf [dreg:s6], $0x2FFFF;
	_ =	strace $0x9FFFFFFF  }
0xc2: {  	(tm) =	ssettm $0x7FFFFFFF  }
0xc3: {  	_ =	shalt  }
tec
execute0_lowered:
.L_overlay_start_1:
0x0: {  	(tag) =	ssettag $0x1  }
0x1: {  	s0 =	rddreg [dreg:$0x0]  }
0x2: {  	s1 =	rddreg [dreg:$0x1];
	s3 =	simm.s32 $0x0;
	s4 =	srdreg.scid  }
0x3: {  	s2 =	stileid.u32;
	s17 =	simm.s32 $0x1;
	s18 =	simm.s32 $0x2  }
0x4: {  	s19 =	simm.s32 $0x50;
	s20 =	simm.s32 $0x3;
	s8 =	smul.u32 $0x5000, s2  }
0x5: {  	s28 =	simm.s32 $0x2B20;
	s29 =	simm.s32 $0x0;
	s13 =	smul.u32 $0x4E20, s2  }
0x6: {  	[smem:$0x7FF] =	sst s3;
	s7 =	sand.u32 $0x1, s4;
	s16 =	smul.u32 $0x9C400, s2  }
0x7: {  	s22 =	sshll.u32 s2, $0x1;
	s4 =	sadd.s32 $0x38200, s0;
	s9 =	smul.u32 $0x50000, s7  }
0x8: {  	s5 =	sadd.s32 $0x2E400, s0;
	s6 =	sadd.s32 $0x6400, s0;
	s14 =	smul.u32 $0x2710, s7  }
0x9: {  	s24 =	sshll.u32 s2, $0x6;
	s10 =	sor.u32 s7, s22;
	s26 =	smul.u32 $0x4E200, s7  }
0xa: {  	_ =	strace $0x80000059;
	s12 =	ssub.s32 $0x2, s7;
	s11 =	smul.u32 $0x2710, s10  }
0xb: {  	s7 =	sor.u32 $0x1C04, s24;
	s10 =	smul.u32 $0x9C40, s10;
	s23 =	sshrl.u32 s12, $0x1  }
0xc: {  	s15 =	sadd.s32 s8, s1;
	s9 =	sadd.s32 s8, s9;
	s12 =	ssub.s32 s12, s23  }
0xd: {  	s30 =	sadd.s32 s14, s13;
	s31 =	sadd.s32 s26, s16;
	s14 =	sshrl.u32 s15, $0x3  }
0xe: {  	s15 =	simm.s32 $0x4;
	s16 =	simm.s32 $0x320;
	s26 =	simm.s32 $0x140  }
0xf: {  	s9 =	sshrl.u32 s9, $0x3;
	s25 =	sshrl.u32 s11, $0x3;
	s11 =	smax.u32 s12, $0x1  }
0x10: {  	s12 =	sadd.s32 $0x190, s30;
	s0 =	sadd.s32 s9, s0;
	s8 =	sadd.s32 s5, s25  }
0x11: {  	s9 =	sadd.s32 s4, s10;
	s10 =	sadd.s32 $0x6E00, s0;
	s0 =	sadd.s32 $0x3200, s31  }
.LBB2_1:
0x12: {  	[spmem:s14], [sflag:s7] =	dma.local [hbm:s6], $0xA00  }
0x13: {  	_ =	swait.ge [sflag:s15], $0xA00  }
0x14: {  	[sflag:s15] =	ssyncset.done $0x0  }
0x15: {  	[sflag:s15] =	ssyncadd.s32 $0xFFFFF600  }
0x16: {  	[bflag:$0x0] =	sbarrier.arrive $0xFFFF  }
0x17: {  	[tilespmem:s3], [sflag:$0x1] =	stream.linear.gather [hbm4b:s8+s3], $0x190, $0x38;
	[tilespmem:$0xB720] =	vst v63  }
0x18: {  	_ = 	snop  }
0x19: {  	[tilespmem:s16], [sflag:$0x2] =	stream.linear.gather [hbm4b:s9+s3], $0x3200, $0x38;
	[tilespmem:$0xB720] =	vst v63  }
0x1a: {  	s13 =	sand.u32 $0x1, s3;
	_ =	swait.ge [sflag:s17], $0x190  }
0x1b: {  	s30 =	sxor.u32 $0x1, s13;
	s31 =	smul.u32 $0xC800, s13;
	[sflag:s17] =	ssyncset.done $0x0  }
0x1c: {  	s2 =	sshrl.u32 s12, $0x3;
	s21 =	smul.u32 $0x640, s30;
	[sflag:s17] =	ssyncadd.s32 $0xFFFFFE70  }
0x1d: {  	s22 =	sshrl.u32 s0, $0x3;
	s30 =	smul.u32 $0xC800, s30;
	_ =	swait.ge [sflag:s18], $0x3200  }
0x1e: {  	s22 =	sadd.s32 s4, s22;
	s2 =	sadd.s32 s5, s2;
	[sflag:s18] =	ssyncset.done $0x0  }
0x1f: {  	s21 =	sshrl.u32 s21, $0x2;
	s30 =	sshrl.u32 s30, $0x2;
	[sflag:s18] =	ssyncadd.s32 $0xFFFFCE00  }
0x20: {  	[tilespmem:s21], [sflag:$0x1] =	stream.linear.gather [hbm4b:s2+s3], $0x190, $0x38;
	[tilespmem:$0xB720] =	vst v63  }
0x21: {  	s13 =	smul.u32 $0x640, s13;
	s25 =	sadd.s32 $0x320, s30;
	s2 =	sshrl.u32 s31, $0x2  }
0x22: {  	[tilespmem:s25], [sflag:$0x2] =	stream.linear.gather [hbm4b:s22+s3], $0x3200, $0x38;
	[tilespmem:$0xB720] =	vst v63  }
0x23: {  	s13 =	sshrl.u32 s13, $0x2;
	s23 =	sadd.s32 $0x320, s2  }
0x24: {  	[spmem:s1] =	stream.indirect.scatter.add.f32 [tilespmem:s23], [sflag:$0x3], $0x20, s13, s19, $0xb8;
	[tilespmem:$0xB720] =	vst v63  }
0x25: {  	s24 =	sadd.s32 $0xD20, s2;
	s25 =	sadd.s32 $0x50, s13  }
0x26: {  	[spmem:s1] =	stream.indirect.scatter.add.f32 [tilespmem:s24], [sflag:$0x3], $0x20, s25, s19, $0xb8;
	[tilespmem:$0xB720] =	vst v63  }
0x27: {  	s22 =	sadd.s32 $0x1720, s2;
	s23 =	sadd.s32 $0xA0, s13  }
0x28: {  	[spmem:s1] =	stream.indirect.scatter.add.f32 [tilespmem:s22], [sflag:$0x3], $0x20, s23, s19, $0xb8;
	[tilespmem:$0xB720] =	vst v63  }
0x29: {  	s24 =	sadd.s32 $0x2120, s2;
	s25 =	sadd.s32 $0xF0, s13  }
0x2a: {  	[spmem:s1] =	stream.indirect.scatter.add.f32 [tilespmem:s24], [sflag:$0x3], $0x20, s25, s19, $0xb8;
	[tilespmem:$0xB720] =	vst v63  }
0x2b: {  	s2 =	sadd.s32 $0x2B20, s2;
	s13 =	sadd.s32 $0x140, s13  }
0x2c: {  	[spmem:s1] =	stream.indirect.scatter.add.f32 [tilespmem:s2], [sflag:$0x3], $0x20, s13, s19, $0xb8;
	[tilespmem:$0xB720] =	vst v63  }
0x2d: {  	_ =	swait.ge [sflag:s20], $0xA00  }
0x2e: {  	[sflag:s20] =	ssyncset.done $0x0  }
0x2f: {  	[sflag:s20] =	ssyncadd.s32 $0xFFFFF600  }
0x30: {  	_ =	swait.ge [sflag:s20], $0xA00  }
0x31: {  	[sflag:s20] =	ssyncset.done $0x0  }
0x32: {  	[sflag:s20] =	ssyncadd.s32 $0xFFFFF600  }
0x33: {  	_ =	swait.ge [sflag:s20], $0xA00  }
0x34: {  	[sflag:s20] =	ssyncset.done $0x0  }
0x35: {  	[sflag:s20] =	ssyncadd.s32 $0xFFFFF600  }
0x36: {  	_ =	swait.ge [sflag:s20], $0xA00  }
0x37: {  	[sflag:s20] =	ssyncset.done $0x0  }
0x38: {  	s30 =	simm.s32 $0x1;
	[sflag:s20] =	ssyncadd.s32 $0xFFFFF600  }
0x39: {  	s31 =	smov.u32 s12;
	s13 =	smov.u32 s0;
	_ =	swait.ge [sflag:s20], $0xA00  }
.LBB2_2:
0x3a: {  	[sflag:s20] =	ssyncset.done $0x0;
	s31 =	sadd.s32 $0x190, s31;
	s13 =	sadd.s32 $0x3200, s13  }
0x3b: {  	p0 =	sne.s32 s30, $0x17;
	s2 =	sshrl.u32 s31, $0x3;
	[sflag:s20] =	ssyncadd.s32 $0xFFFFF600  }
0x3c: {  	s21 =	sand.u32 $0x1, s30;
	s22 =	sshrl.u32 s13, $0x3;
	_ =	swait.ge [sflag:s17], $0x190  }
0x3d: {  	s23 =	sxor.u32 $0x1, s21;
	s24 =	smul.u32 $0xC800, s21;
	[sflag:s17] =	ssyncset.done $0x0  }
0x3e: {  	s25 =	smul.u32 $0x640, s23;
	s22 =	sadd.s32 s4, s22;
	[sflag:s17] =	ssyncadd.s32 $0xFFFFFE70  }
0x3f: {  	s23 =	smul.u32 $0xC800, s23;
	s24 =	sshrl.u32 s24, $0x2;
	_ =	swait.ge [sflag:s18], $0x3200  }
0x40: {  	s2 =	sadd.s32 s5, s2;
	s25 =	sshrl.u32 s25, $0x2;
	[sflag:s18] =	ssyncset.done $0x0  }
0x41: {  	s21 =	smul.u32 $0x640, s21;
	s23 =	sshrl.u32 s23, $0x2;
	[sflag:s18] =	ssyncadd.s32 $0xFFFFCE00  }
0x42: {  	[tilespmem:s25], [sflag:$0x1] =	stream.linear.gather [hbm4b:s2+s3], $0x190, $0x38;
	[tilespmem:$0xB720] =	vst v63  }
0x43: {  	s21 =	sshrl.u32 s21, $0x2;
	s2 =	sadd.s32 $0x320, s23;
	s23 =	sadd.s32 $0x320, s24  }
0x44: {  	[tilespmem:s2], [sflag:$0x2] =	stream.linear.gather [hbm4b:s22+s3], $0x3200, $0x38;
	[tilespmem:$0xB720] =	vst v63  }
0x45: {  	s30 =	sadd.s32 $0x1, s30;
	s2 =	sadd.s32 $0xD20, s24;
	s22 =	sadd.s32 $0x50, s21  }
0x46: {  	[spmem:s1] =	stream.indirect.scatter.add.f32 [tilespmem:s23], [sflag:$0x3], $0x20, s21, s19, $0xb8;
	[tilespmem:$0xB720] =	vst v63  }
0x47: {  	s25 =	sadd.s32 $0xA0, s21;
	s23 =	sadd.s32 $0x1720, s24  }
0x48: {  	[spmem:s1] =	stream.indirect.scatter.add.f32 [tilespmem:s2], [sflag:$0x3], $0x20, s22, s19, $0xb8;
	[tilespmem:$0xB720] =	vst v63  }
0x49: {  	s2 =	sadd.s32 $0x2120, s24;
	s22 =	sadd.s32 $0xF0, s21  }
0x4a: {  	[spmem:s1] =	stream.indirect.scatter.add.f32 [tilespmem:s23], [sflag:$0x3], $0x20, s25, s19, $0xb8;
	[tilespmem:$0xB720] =	vst v63  }
0x4b: {  	s21 =	sadd.s32 $0x140, s21;
	s23 =	sadd.s32 $0x2B20, s24  }
0x4c: {  	[spmem:s1] =	stream.indirect.scatter.add.f32 [tilespmem:s2], [sflag:$0x3], $0x20, s22, s19, $0xb8;
	[tilespmem:$0xB720] =	vst v63  }
0x4d: {  	_ = 	snop  }
0x4e: {  	[spmem:s1] =	stream.indirect.scatter.add.f32 [tilespmem:s23], [sflag:$0x3], $0x20, s21, s19, $0xb8;
	[tilespmem:$0xB720] =	vst v63  }
0x4f: {  	_ =	swait.ge [sflag:s20], $0xA00  }
0x50: {  	[sflag:s20] =	ssyncset.done $0x0  }
0x51: {  	[sflag:s20] =	ssyncadd.s32 $0xFFFFF600  }
0x52: {  	_ =	swait.ge [sflag:s20], $0xA00  }
0x53: {  	[sflag:s20] =	ssyncset.done $0x0  }
0x54: {  	[sflag:s20] =	ssyncadd.s32 $0xFFFFF600  }
0x55: {  	_ =	swait.ge [sflag:s20], $0xA00  }
0x56: {  	[sflag:s20] =	ssyncset.done $0x0  }
.Ltmp0:
0x57: {  	[sflag:s20] =	ssyncadd.s32 $0xFFFFF600;
	(pc) =	sbr.rel @p0 .LBB2_2-.Ltmp0, $4  }
0x58: {  	_ =	swait.ge [sflag:s20], $0xA00  }
0x59: {  	[sflag:s20] =	ssyncset.done $0x0  }
0x5a: {  	[sflag:s20] =	ssyncadd.s32 $0xFFFFF600  }
0x5b: {  	_ =	swait.ge [sflag:s20], $0xA00  }
0x5c: {  	[sflag:s20] =	ssyncset.done $0x0  }
0x5d: {  	[sflag:s20] =	ssyncadd.s32 $0xFFFFF600  }
0x5e: {  	_ =	swait.ge [sflag:s17], $0x190  }
0x5f: {  	[sflag:s17] =	ssyncset.done $0x0  }
0x60: {  	[sflag:s17] =	ssyncadd.s32 $0xFFFFFE70  }
0x61: {  	_ =	swait.ge [sflag:s18], $0x3200  }
0x62: {  	[sflag:s18] =	ssyncset.done $0x0  }
0x63: {  	[sflag:s18] =	ssyncadd.s32 $0xFFFFCE00  }
0x64: {  	[spmem:s1] =	stream.indirect.scatter.add.f32 [tilespmem:s16], [sflag:$0x3], $0x20, s3, s19, $0xb8;
	[tilespmem:$0xB720] =	vst v63  }
0x65: {  	s2 =	simm.s32 $0xD20  }
0x66: {  	[spmem:s1] =	stream.indirect.scatter.add.f32 [tilespmem:s2], [sflag:$0x3], $0x20, s19, s19, $0xb8;
	[tilespmem:$0xB720] =	vst v63  }
0x67: {  	s25 =	simm.s32 $0xA0;
	s13 =	simm.s32 $0x1720  }
0x68: {  	[spmem:s1] =	stream.indirect.scatter.add.f32 [tilespmem:s13], [sflag:$0x3], $0x20, s25, s19, $0xb8;
	[tilespmem:$0xB720] =	vst v63  }
0x69: {  	s30 =	simm.s32 $0xF0;
	s31 =	simm.s32 $0x2120  }
0x6a: {  	[spmem:s1] =	stream.indirect.scatter.add.f32 [tilespmem:s31], [sflag:$0x3], $0x20, s30, s19, $0xb8;
	[tilespmem:$0xB720] =	vst v63  }
0x6b: {  	_ = 	snop  }
0x6c: {  	[spmem:s1] =	stream.indirect.scatter.add.f32 [tilespmem:s28], [sflag:$0x3], $0x20, s26, s19, $0xb8;
	[tilespmem:$0xB720] =	vst v63  }
0x6d: {  	_ =	swait.ge [sflag:s20], $0xA00  }
0x6e: {  	[sflag:s20] =	ssyncset.done $0x0  }
0x6f: {  	[sflag:s20] =	ssyncadd.s32 $0xFFFFF600  }
0x70: {  	_ =	swait.ge [sflag:s20], $0xA00  }
0x71: {  	[sflag:s20] =	ssyncset.done $0x0  }
0x72: {  	[sflag:s20] =	ssyncadd.s32 $0xFFFFF600  }
0x73: {  	_ =	swait.ge [sflag:s20], $0xA00  }
0x74: {  	[sflag:s20] =	ssyncset.done $0x0  }
0x75: {  	[sflag:s20] =	ssyncadd.s32 $0xFFFFF600  }
0x76: {  	_ =	swait.ge [sflag:s20], $0xA00  }
0x77: {  	[sflag:s20] =	ssyncset.done $0x0  }
0x78: {  	[sflag:s20] =	ssyncadd.s32 $0xFFFFF600  }
0x79: {  	_ =	swait.ge [sflag:s20], $0xA00  }
0x7a: {  	s29 =	sadd.s32 $0x1, s29;
	[sflag:s20] =	ssyncset.done $0x0  }
0x7b: {  	p0 =	sne.s32 s29, s11;
	[sflag:s20] =	ssyncadd.s32 $0xFFFFF600  }
.Ltmp1:
0x7c: {  	[bflag:$0x0] =	sbarrier.arrive $0xFFFF;
	(pc) =	sbr.rel @p0 .LBB2_1-.Ltmp1, $4  }
0x7d: {  	[hbm:s10], [sflag:s7] =	dma.local [spmem:s14], $0xA00  }
0x7e: {  	_ =	swait.ge [sflag:s15], $0xA00  }
0x7f: {  	[sflag:s15] =	ssyncset.done $0x0  }
0x80: {  	[sflag:s15] =	ssyncadd.s32 $0xFFFFF600  }
0x81: {  	_ =	sfence.sel $0x180000  }
0x82: {  	[bflag:$0x0] =	sbarrier.arrive $0xFFFF  }
0x83: {  	_ =	strace $0x90000059  }
0x84: {  	s0 =	stileid.u32;
	[bflag:$0x2] =	sbarrier.arrive $0xFFFF  }
0x85: {  	p0 =	sne.s32 s0, $0x0;
	s0 =	rddreg [dreg:$0x2]  }
0x86: {  	s0 =	sadd.s32 @!p0 $0x100000, s0  }
0x87: {  	[sflag:s0] =	ssyncadd.tile.s32 @!p0 $0x1;
	_ =	shalt  }
.Lfunc_end2:
_tile_overlayer_lowered:
.L_overlay_start_2:
0x88: {  	(tag) =	ssettag $0x2  }
0x89: {  	s0 =	rddreg [dreg:$0x0];
	s2 =	stileid.u32  }
0x8a: {  	s1 =	rddreg [dreg:$0x1];
	p0 =	sne.s32 s2, $0x0  }
0x8b: {  	s3 =	rddreg [dreg:$0x2];
	[bflag:$0x3] =	sbarrier.arrive $0xFFFF;
	s2 =	simm.s32 @!p0 $0x1C04  }
0x8c: {  	[timem:s3], [sflag:s2] =	dma.local @!p0 [hbm:s0], s1  }
0x8d: {  	s0 =	simm.s32 @!p0 $0x4  }
0x8e: {  	_ =	swait.ge @!p0 [sflag:s0], s1  }
0x8f: {  	s1 =	ssub.s32 @!p0 $0x0, s1;
	[sflag:s0] =	ssyncset.done @!p0 $0x0  }
0x90: {  	[sflag:s0] =	ssyncadd.s32 @!p0 s1  }
0x91: {  	[bflag:$0x3] =	sbarrier.arrive $0xFFFF  }
0x92: {  	_ =	shalt  }

// kernel: kernel.21.cloned.1.call-start
scs
__scs_entry_jumppad:
0x0: {  	(pc) =	sbr.rel $0x88, $3  }
0x1: {  	(tag) =	ssettag $0x0;
	lr =	simm.s32 $0x1  }
0x2: {  	[smem:$0x3F76] =	sst lr;
	_ =	strace $0xD0000000  }
0x3: {  	_ = 	snop  }
0x4: {  	_ = 	snop  }
0x5: {  	_ = 	snop  }
0x6: {  	_ = 	snop  }
0x7: {  	_ = 	snop  }
__scs_overlays_trampoline_lowered:
0x8: {  	[smem:$0x3F85] =	sst s0  }
0x9: {  	[smem:$0x3F86] =	sst s1  }
0xa: {  	[smem:$0x3F87] =	sst s2  }
0xb: {  	[smem:$0x3F88] =	sst s3  }
0xc: {  	[smem:$0x3F89] =	sst s4  }
0xd: {  	[smem:$0x3F8A] =	sst s5  }
0xe: {  	[smem:$0x3F8B] =	sst s6  }
0xf: {  	[smem:$0x3F8C] =	sst s7  }
0x10: {  	[smem:$0x3F8D] =	sst s8  }
0x11: {  	[smem:$0x3F8E] =	sst s9;
	s0 =	simm.s32 @!p0 $0x0  }
0x12: {  	s1 =	sld [smem:$0x3F74];
	s0 =	simm.s32 @p0 $0x1  }
0x13: {  	[smem:$0x3F8F] =	sst s0;
	s0 =	simm.s32 @!p1 $0x0  }
0x14: {  	s2 =	sld [smem:$0x3F73];
	s0 =	simm.s32 @p1 $0x1  }
0x15: {  	[smem:$0x3F90] =	sst s0;
	s0 =	simm.s32 @!p2 $0x0  }
0x16: {  	s3 =	sld [smem:$0x3FDB];
	s0 =	simm.s32 @p2 $0x1  }
0x17: {  	s4 =	simm.s32 $0x1BF5;
	[smem:$0x3F92] =	sst s0  }
0x18: {  	s0 =	sld [smem:$0x3F75];
	_ =	swait.ge [sflag:s4], $0x0  }
0x19: {  	s7 =	sld [smem:$0x3F76]  }
0x1a: {  	s8 =	sadd.s32 $0xFFFFE003, lr  }
0x1b: {  	s9 =	sadd.s32 $0xFFFFFEF7, lr;
	s5 =	simm.s32 $0xFFFFFFFF;
	p2 =	slt.u32 s8, $0xFFFFF086  }
0x1c: {  	p1 =	slt.u32 s9, $0xF7A;
	s5 =	simm.s32 @!p2 $0x0  }
0x1d: {  	s5 =	simm.s32 @p1 $0x1;
	p0 =	seq.s32 s7, s2  }
0x1e: {  	s7 =	smul.u32 @!p0 $0xF7A, s2;
	p2 =	seq.s32 @!p0 s5, $0x0  }
0x1f: {  	s9 =	smul.u32 $0xF7A, s1;
	s8 =	simm.s32 @!p0 $0x1BF5;
	p2 =	por !p2, p0  }
0x20: {  	[sflag:s8] =	ssyncset.s32 @!p0 $0xFFFFF086;
	s6 =	sadd.s32 @!p0 s3, s7;
	s7 =	simm.s32 @!p0 $0x108  }
0x21: {  	s3 =	sadd.s32 s3, s9;
	s6 =	sadd.s32 @!p0 $0x88, s6;
	s7 =	simm.s32 @p2 $0x1082  }
0x22: {  	[simem:s7], [sflag:s8] =	dma.local @!p0 [hbm:s6], $0xF7A  }
0x23: {  	s9 =	sor.u32 $0xD0000000, s2;
	s6 =	simm.s32 $0x108;
	_ =	swait.ge @!p0 [sflag:s8], $0x0  }
0x24: {  	s3 =	sadd.s32 $0x88, s3;
	s6 =	simm.s32 @!p1 $0x1082;
	[sflag:s4] =	ssyncset.s32 $0xFFFFF086  }
0x25: {  	[simem:s6], [sflag:s4] =	dma.local [hbm:s3], $0xF7A  }
0x26: {  	[smem:$0x3F76] =	sst s1;
	(tag) =	ssettag s2;
	_ =	strace s9  }
0x27: {  	s1 =	sld [smem:$0x3F86]  }
0x28: {  	s2 =	sld [smem:$0x3F87]  }
0x29: {  	s4 =	sld [smem:$0x3F89]  }
0x2a: {  	p0 =	seq.s32 s5, $0x0;
	s5 =	sld [smem:$0x3F8A]  }
0x2b: {  	s6 =	sld [smem:$0x3F8B]  }
0x2c: {  	s7 =	sld [smem:$0x3F8C]  }
0x2d: {  	s3 =	simm.s32 $0x108;
	s8 =	sld [smem:$0x3F8D]  }
0x2e: {  	s3 =	simm.s32 @!p0 $0x1082;
	s9 =	sld [smem:$0x3F8E]  }
0x2f: {  	lr =	sadd.s32 s0, s3;
	s0 =	sld [smem:$0x3F85]  }
0x30: {  	s3 =	sld [smem:$0x3F88]  }
0x31: {  	[smem:$0x3F91] =	sst s10  }
0x32: {  	s10 =	sld [smem:$0x3F8F];
	_ =	sdelay $0x3  }
0x33: {  	p0 =	seq.s32 s10, $0x1;
	s10 =	sld [smem:$0x3F91];
	_ =	sdelay $0x3  }
0x34: {  	[smem:$0x3F91] =	sst s10  }
0x35: {  	s10 =	sld [smem:$0x3F90];
	_ =	sdelay $0x3  }
0x36: {  	p1 =	seq.s32 s10, $0x1;
	s10 =	sld [smem:$0x3F91];
	_ =	sdelay $0x3  }
0x37: {  	[smem:$0x3F91] =	sst s10  }
0x38: {  	s10 =	sld [smem:$0x3F92]  }
0x39: {  	_ = 	snop;
	(pc) =	sbr.ind lr, $3  }
0x3a: {  	_ = 	snop  }
0x3b: {  	_ = 	snop  }
0x3c: {  	p2 =	seq.s32 s10, $0x1;
	s10 =	sld [smem:$0x3F91]  }
0x3d: {  	_ =	shalt  }
0x3e: {  	_ =	shalt  }
0x3f: {  	_ =	shalt  }
0x40: {  	_ =	shalt  }
0x41: {  	_ =	shalt  }
0x42: {  	_ =	shalt  }
0x43: {  	_ =	shalt  }
0x44: {  	_ =	shalt  }
0x45: {  	_ =	shalt  }
0x46: {  	_ =	shalt  }
0x47: {  	_ =	shalt  }
0x48: {  	_ =	shalt  }
0x49: {  	_ =	shalt  }
0x4a: {  	_ =	shalt  }
0x4b: {  	_ =	shalt  }
0x4c: {  	_ =	shalt  }
0x4d: {  	_ =	shalt  }
0x4e: {  	_ =	shalt  }
0x4f: {  	_ =	shalt  }
0x50: {  	_ =	shalt  }
0x51: {  	_ =	shalt  }
0x52: {  	_ =	shalt  }
0x53: {  	_ =	shalt  }
0x54: {  	_ =	shalt  }
0x55: {  	_ =	shalt  }
0x56: {  	_ =	shalt  }
0x57: {  	_ =	shalt  }
0x58: {  	_ =	shalt  }
0x59: {  	_ =	shalt  }
0x5a: {  	_ =	shalt  }
0x5b: {  	_ =	shalt  }
0x5c: {  	_ =	shalt  }
0x5d: {  	_ =	shalt  }
0x5e: {  	_ =	shalt  }
0x5f: {  	_ =	shalt  }
0x60: {  	_ =	shalt  }
0x61: {  	_ =	shalt  }
0x62: {  	_ =	shalt  }
0x63: {  	_ =	shalt  }
0x64: {  	_ =	shalt  }
0x65: {  	_ =	shalt  }
0x66: {  	_ =	shalt  }
0x67: {  	_ =	shalt  }
0x68: {  	_ =	shalt  }
0x69: {  	_ =	shalt  }
0x6a: {  	_ =	shalt  }
0x6b: {  	_ =	shalt  }
0x6c: {  	_ =	shalt  }
0x6d: {  	_ =	shalt  }
0x6e: {  	_ =	shalt  }
0x6f: {  	_ =	shalt  }
0x70: {  	_ =	shalt  }
0x71: {  	_ =	shalt  }
0x72: {  	_ =	shalt  }
0x73: {  	_ =	shalt  }
0x74: {  	_ =	shalt  }
0x75: {  	_ =	shalt  }
0x76: {  	_ =	shalt  }
0x77: {  	_ =	shalt  }
0x78: {  	_ =	shalt  }
0x79: {  	_ =	shalt  }
0x7a: {  	_ =	shalt  }
0x7b: {  	_ =	shalt  }
0x7c: {  	_ =	shalt  }
0x7d: {  	_ =	shalt  }
0x7e: {  	_ =	shalt  }
0x7f: {  	_ =	shalt  }
0x80: {  	_ =	shalt  }
0x81: {  	_ =	shalt  }
0x82: {  	_ =	shalt  }
0x83: {  	_ =	shalt  }
0x84: {  	_ =	shalt  }
0x85: {  	_ =	shalt  }
0x86: {  	_ =	shalt  }
0x87: {  	_ =	shalt  }
.Lfunc_end0:
.L_simem_size_0:
called_computation.7_lowered:
.L_overlay_start_0:
0x88: {  	s2 =	sld [smem:$0x3FD9]  }
0x89: {  	s3 =	sld [smem:$0x3FFE];
	_ =	sdelay $0x1  }
0x8a: {  	s1 =	srdreg.scid  }
0x8b: {  	s0 =	sand.u32 $0x1, s1  }
0x8c: {  	s16 =	sshll.u32 s0, $0xA;
	s2 =	sadd.s32 s3, s2  }
0x8d: {  	s2 =	sadd.s32 s2, s16  }
0x8e: {  	[smem:$0x3F9D] =	sst s2  }
0x8f: {  	_ = 	snop  }
0x90: {  	(tm) =	ssettm $0x1  }
0x91: {  	s17 =	sld [smem:$0x3FFB];
	_ =	sdelay $0x3  }
0x92: {  	_ =	strace s17  }
0x93: {  	s2 =	sld [smem:$0x3FFC];
	_ =	sdelay $0x3  }
0x94: {  	_ =	strace s2  }
0x95: {  	s2 =	sld [smem:$0x3FFD];
	_ =	sdelay $0x3  }
0x96: {  	_ =	strace s2  }
0x97: {  	_ =	strace $0x8FFFFFFF  }
0x98: {  	s18 =	sld [smem:$0x3FDB];
	_ =	sdelay $0x1  }
0x99: {  	s19 =	simm.s32 $_scs_section_size  }
0x9a: {  	s4 =	simm.s32 $_size__tile_overlayer_lowered;
	s5 =	simm.s32 $_tile_overlayer_lowered  }
0x9b: {  	s22 =	simm.s32 $0x1BFF;
	s21 =	sshll.u32 s5, $0x1;
	s2 =	sadd.s32 s19, s18  }
0x9c: {  	s6 =	simm.s32 $0x0;
	s20 =	sshll.u32 s4, $0x1;
	s4 =	sadd.s32 s21, s2  }
0x9d: {  	[timem:s6], [sflag:s22] =	dma.local [hbm:s4], s20  }
0x9e: {  	_ =	swait.ge [sflag:s22], s20  }
0x9f: {  	s3 =	ssub.s32 $0x0, s20;
	[sflag:s22] =	ssyncset.done $0x0  }
0xa0: {  	[sflag:s22] =	ssyncadd.s32 s3;
	_ =	sdelay $0x1  }
0xa1: {  	s23 =	simm.s32 $0x1B8B  }
0xa2: {  	_ =	swait.ge [sflag:s23], $0x1  }
0xa3: {  	[sflag:s23] =	ssyncset.done $0x0  }
0xa4: {  	s25 =	simm.s32 $0x1B8E;
	s24 =	sld [smem:$0x3FFE];
	[sflag:s23] =	ssyncadd.s32 $0xFFFFFFFF  }
0xa5: {  	s26 =	simm.s32 $execute0_lowered;
	[smem:$0x3FD2] =	sst s25  }
0xa6: {  	s4 =	sshll.u32 s26, $0x1;
	_ =	strace $0x8000005B;
	[dreg:$0x1] =	wrdreg $0xFFFFFFFF  }
0xa7: {  	s28 =	simm.s32 $_size_execute0_lowered;
	s2 =	sadd.s32 s2, s4;
	[dreg:$0x0] =	wrdreg $0x0  }
0xa8: {  	s4 =	sshll.u32 s28, $0x1;
	[dreg:$0x2] =	wrdreg s2  }
0xa9: {  	[dreg:$0x3] =	wrdreg s4  }
0xaa: {  	[dreg:$0x4] =	wrdreg $0xC0  }
0xab: {  	_ =	task [dreg:s6], $0x5FFFF  }
0xac: {  	[dreg:$0x1] =	wrdreg $0xFFFFFFFF  }
0xad: {  	[dreg:$0x0] =	wrdreg $0x60  }
0xae: {  	[dreg:$0x2] =	wrdreg s24  }
0xaf: {  	[dreg:$0x3] =	wrdreg $0x9  }
0xb0: {  	_ =	task.clear_ibuf [dreg:s6], $0x4FFFF;
	_ =	strace $0x9000005B  }
0xb1: {  	s29 =	simm.s32 $0x9;
	_ =	strace $0x8000005D  }
0xb2: {  	_ =	swait.ge [sflag:s29], $0x1  }
0xb3: {  	[sflag:s29] =	ssyncadd.s32 $0xFFFFFFFF  }
0xb4: {  	_ =	strace $0x9000005D  }
0xb5: {  	_ =	sfence  }
0xb6: {  	s30 =	sld [smem:$0x0];
	_ =	sdelay $0x2  }
0xb7: {  	s31 =	sshll.u32 s1, $0xD;
	s1 =	sshrl.u32 s1, $0x2  }
0xb8: {  	s3 =	sand.u32 $0x4000, s31;
	s1 =	sadd.s32 s1, s30  }
0xb9: {  	s0 =	sor.u32 s3, s0;
	s1 =	sshll.u32 s1, $0x11  }
0xba: {  	s0 =	sor.u32 s1, s0  }
0xbb: {  	s0 =	sadd.s32 $0x8F2B, s0  }
0xbc: {  	[sflag:s0] =	ssyncadd.remote.s32 $0x1  }
0xbd: {  	_ =	sfence.sel $0xFFFF  }
0xbe: {  	[dreg:$0x0] =	wrdreg $0xFFFFFFFF;
	(pc) =	sbr.abs _section_cstart, $3  }
0xbf: {  	[dreg:$0x1] =	wrdreg $0xFFFFFFFF  }
0xc0: {  	_ =	task.clear_ibuf [dreg:s6], $0x2FFFF;
	_ =	strace $0x9FFFFFFF  }
0xc1: {  	(tm) =	ssettm $0x7FFFFFFF  }
tec
execute0_lowered:
.L_overlay_start_1:
0x0: {  	(tag) =	ssettag $0x1  }
0x1: {  	s5 =	rddreg [dreg:$0x0]  }
0x2: {  	s3 =	srdreg.scid;
	s0 =	stileid.u32;
	s2 =	simm.s32 $0x0  }
0x3: {  	s14 =	simm.s32 $0x320;
	s15 =	simm.s32 $0x820;
	s16 =	simm.s32 $0xA0  }
0x4: {  	s17 =	simm.s32 $0xD20;
	s18 =	simm.s32 $0xF0;
	s19 =	simm.s32 $0x1220  }
0x5: {  	s20 =	simm.s32 $0x140;
	s21 =	simm.s32 $0x1720;
	s22 =	simm.s32 $0x0  }
0x6: {  	s7 =	sand.u32 $0x1, s3;
	s28 =	sshll.u32 s0, $0x1;
	s10 =	smul.u32 $0x4E20, s0  }
0x7: {  	[smem:$0x7FF] =	sst s2;
	s3 =	sadd.s32 $0x1B000, s5;
	s30 =	smul.u32 $0x9C40, s0  }
0x8: {  	s4 =	sadd.s32 $0x24600, s5;
	s6 =	sor.u32 s7, s28;
	s12 =	smul.u32 $0x2710, s7  }
0x9: {  	s9 =	sadd.s32 $0x86600, s5;
	s29 =	ssub.s32 $0x2, s7;
	s8 =	smul.u32 $0x2710, s6  }
0xa: {  	_ =	strace $0x8000005C;
	s6 =	smul.u32 $0x4E20, s6;
	s11 =	sshrl.u32 s29, $0x1  }
0xb: {  	s31 =	smul.u32 $0x4E20, s7;
	s11 =	ssub.s32 s29, s11;
	s10 =	sadd.s32 s12, s10  }
0xc: {  	s12 =	simm.s32 $0x2;
	s8 =	sshrl.u32 s8, $0x3;
	s13 =	sadd.s32 s9, s6  }
0xd: {  	s6 =	smax.u32 s11, $0x1;
	s9 =	sadd.s32 s30, s9;
	s11 =	simm.s32 $0x50  }
0xe: {  	s5 =	sadd.s32 s4, s8;
	s7 =	sadd.s32 $0x4B00, s13;
	s8 =	sadd.s32 $0x190, s10  }
0xf: {  	s9 =	sadd.s32 s31, s9;
	s10 =	simm.s32 $0x1;
	s13 =	simm.s32 $0x3  }
.LBB2_1:
0x10: {  	[tilespmem:s2], [sflag:$0x1] =	stream.linear.gather [hbm4b:s5+s2], $0x190, $0x38;
	[tilespmem:$0x3520] =	vst v63  }
0x11: {  	s23 =	sand.u32 $0x1, s2  }
0x12: {  	s25 =	sshrl.u32 s8, $0x3;
	s24 =	sxor.u32 $0x1, s23  }
0x13: {  	p0 =	por $0x1, $0x1;
	_ =	swait.ge [sflag:s10], $0x190;
	s24 =	smul.u32 $0x640, s24  }
0x14: {  	s25 =	sadd.s32 s4, s25;
	s26 =	smul.u32 $0x6400, s23;
	[sflag:s10] =	ssyncset.done $0x0  }
0x15: {  	s28 =	simm.s32 @!p0 $0x3;
	[sflag:s10] =	ssyncadd.s32 $0xFFFFFE70;
	s24 =	sshrl.u32 s24, $0x2  }
0x16: {  	[tilespmem:s24], [sflag:$0x1] =	stream.linear.gather [hbm4b:s25+s2], $0x190, $0x38;
	[tilespmem:$0x3520] =	vst v63  }
0x17: {  	s23 =	smul.u32 $0x640, s23;
	_ =	swait.ge @!p0 [sflag:s28], $0x1900  }
0x18: {  	s0 =	sshrl.u32 s26, $0x2;
	[sflag:s28] =	ssyncset.done @!p0 $0x0  }
0x19: {  	s23 =	sshrl.u32 s23, $0x2;
	s24 =	sadd.s32 $0x320, s0;
	[sflag:s28] =	ssyncadd.s32 @!p0 $0xFFFFE700  }
0x1a: {  	[tilespmem:s24], [sflag:$0x2] =	stream.indirect.gather [hbm4b:s3+s11], $0x10, s23, s11, $0xb8;
	[tilespmem:$0x3520] =	vst v63  }
0x1b: {  	s26 =	sadd.s32 $0x820, s0;
	s28 =	sadd.s32 $0x50, s23  }
0x1c: {  	[tilespmem:s26], [sflag:$0x2] =	stream.indirect.gather [hbm4b:s3+s11], $0x10, s28, s11, $0xb8;
	[tilespmem:$0x3520] =	vst v63  }
0x1d: {  	s1 =	sadd.s32 $0xD20, s0;
	s28 =	sadd.s32 $0xA0, s23  }
0x1e: {  	[tilespmem:s1], [sflag:$0x2] =	stream.indirect.gather [hbm4b:s3+s11], $0x10, s28, s11, $0xb8;
	[tilespmem:$0x3520] =	vst v63  }
0x1f: {  	s31 =	sadd.s32 $0x1220, s0;
	s28 =	sadd.s32 $0xF0, s23  }
0x20: {  	[tilespmem:s31], [sflag:$0x2] =	stream.indirect.gather [hbm4b:s3+s11], $0x10, s28, s11, $0xb8;
	[tilespmem:$0x3520] =	vst v63  }
0x21: {  	s25 =	sadd.s32 $0x1720, s0;
	s23 =	sadd.s32 $0x140, s23  }
0x22: {  	[tilespmem:s25], [sflag:$0x2] =	stream.indirect.gather [hbm4b:s3+s11], $0x10, s23, s11, $0xb8;
	[tilespmem:$0x3520] =	vst v63  }
0x23: {  	_ =	swait.ge [sflag:s12], $0x500  }
0x24: {  	[sflag:s12] =	ssyncset.done $0x0  }
0x25: {  	[sflag:s12] =	ssyncadd.s32 $0xFFFFFB00  }
0x26: {  	_ =	swait.ge [sflag:s12], $0x500  }
0x27: {  	[sflag:s12] =	ssyncset.done $0x0  }
0x28: {  	[sflag:s12] =	ssyncadd.s32 $0xFFFFFB00  }
0x29: {  	_ =	swait.ge [sflag:s12], $0x500  }
0x2a: {  	[sflag:s12] =	ssyncset.done $0x0  }
0x2b: {  	[sflag:s12] =	ssyncadd.s32 $0xFFFFFB00  }
0x2c: {  	s29 =	smov.u32 s9;
	s28 =	simm.s32 $0x1;
	_ =	swait.ge [sflag:s12], $0x500  }
0x2d: {  	s26 =	simm.s32 $0x2;
	s30 =	sand.u32 $0x1, s28;
	[sflag:s12] =	ssyncset.done $0x0  }
0x2e: {  	s23 =	sadd.s32 $0x320, s9;
	s25 =	sadd.s32 $0x190, s8;
	[sflag:s12] =	ssyncadd.s32 $0xFFFFFB00  }
.LBB2_2:
0x2f: {  	s31 =	sxor.u32 $0x1, s30  }
0x30: {  	_ =	swait.ge [sflag:s12], $0x500;
	s0 =	smov.u32 s26;
	s26 =	sadd.s32 $0x1, s26  }
0x31: {  	p0 =	sne.s32 s26, $0x18;
	s31 =	smul.u32 $0x640, s31;
	[sflag:s12] =	ssyncset.done $0x0  }
0x32: {  	s1 =	smul.u32 $0x640, s30;
	[sflag:s12] =	ssyncadd.s32 $0xFFFFFB00  }
0x33: {  	[hbm4b:s29+s2] =	stream.linear.scatter [tilespmem:s24], [sflag:$0x3], $0x1900, $0x38;
	[tilespmem:$0x3520] =	vst v63  }
0x34: {  	p1 =	slt.u32 s28, $0x2;
	s24 =	sshrl.u32 s25, $0x3;
	_ =	swait.ge [sflag:s10], $0x190  }
0x35: {  	s28 =	smul.u32 $0x6400, s30;
	s24 =	sadd.s32 s4, s24;
	[sflag:s10] =	ssyncset.done $0x0  }
0x36: {  	s30 =	simm.s32 @!p1 $0x3;
	s29 =	sshrl.u32 s31, $0x2;
	[sflag:s10] =	ssyncadd.s32 $0xFFFFFE70  }
0x37: {  	[tilespmem:s29], [sflag:$0x1] =	stream.linear.gather [hbm4b:s24+s2], $0x190, $0x38;
	[tilespmem:$0x3520] =	vst v63  }
0x38: {  	s31 =	sshrl.u32 s28, $0x2;
	s28 =	smov.u32 s0;
	_ =	swait.ge @!p1 [sflag:s30], $0x1900  }
0x39: {  	s0 =	sshrl.u32 s1, $0x2;
	s24 =	sadd.s32 $0x320, s31;
	[sflag:s30] =	ssyncset.done @!p1 $0x0  }
0x3a: {  	s29 =	smov.u32 s23;
	[sflag:s30] =	ssyncadd.s32 @!p1 $0xFFFFE700  }
0x3b: {  	[tilespmem:s24], [sflag:$0x2] =	stream.indirect.gather [hbm4b:s3+s11], $0x10, s0, s11, $0xb8;
	[tilespmem:$0x3520] =	vst v63  }
0x3c: {  	s1 =	sadd.s32 $0x820, s31;
	s30 =	sadd.s32 $0x50, s0  }
0x3d: {  	[tilespmem:s1], [sflag:$0x2] =	stream.indirect.gather [hbm4b:s3+s11], $0x10, s30, s11, $0xb8;
	[tilespmem:$0x3520] =	vst v63  }
0x3e: {  	s1 =	sadd.s32 $0xD20, s31;
	s30 =	sadd.s32 $0xA0, s0  }
0x3f: {  	[tilespmem:s1], [sflag:$0x2] =	stream.indirect.gather [hbm4b:s3+s11], $0x10, s30, s11, $0xb8;
	[tilespmem:$0x3520] =	vst v63  }
0x40: {  	s1 =	sadd.s32 $0x1220, s31;
	s30 =	sadd.s32 $0xF0, s0  }
0x41: {  	[tilespmem:s1], [sflag:$0x2] =	stream.indirect.gather [hbm4b:s3+s11], $0x10, s30, s11, $0xb8;
	[tilespmem:$0x3520] =	vst v63  }
0x42: {  	s0 =	sadd.s32 $0x140, s0;
	s1 =	sadd.s32 $0x1720, s31  }
0x43: {  	[tilespmem:s1], [sflag:$0x2] =	stream.indirect.gather [hbm4b:s3+s11], $0x10, s0, s11, $0xb8;
	[tilespmem:$0x3520] =	vst v63  }
0x44: {  	_ =	swait.ge [sflag:s12], $0x500  }
0x45: {  	[sflag:s12] =	ssyncset.done $0x0  }
0x46: {  	[sflag:s12] =	ssyncadd.s32 $0xFFFFFB00  }
0x47: {  	_ =	swait.ge [sflag:s12], $0x500  }
0x48: {  	[sflag:s12] =	ssyncset.done $0x0  }
0x49: {  	[sflag:s12] =	ssyncadd.s32 $0xFFFFFB00  }
0x4a: {  	_ =	swait.ge [sflag:s12], $0x500  }
.Ltmp0:
0x4b: {  	[sflag:s12] =	ssyncset.done $0x0;
	(pc) =	sbr.rel @p0 .LBB2_2-.Ltmp0, $4  }
0x4c: {  	[sflag:s12] =	ssyncadd.s32 $0xFFFFFB00  }
0x4d: {  	_ =	swait.ge [sflag:s12], $0x500  }
0x4e: {  	s23 =	sadd.s32 $0x320, s23;
	[sflag:s12] =	ssyncset.done $0x0  }
0x4f: {  	s25 =	sadd.s32 $0x190, s25;
	s30 =	sand.u32 $0x1, s28;
	[sflag:s12] =	ssyncadd.s32 $0xFFFFFB00  }
0x50: {  	_ =	swait.ge [sflag:s12], $0x500  }
0x51: {  	[sflag:s12] =	ssyncset.done $0x0  }
0x52: {  	s0 =	sxor.u32 $0x1, s30;
	s1 =	sshrl.u32 s25, $0x3;
	[sflag:s12] =	ssyncadd.s32 $0xFFFFFB00  }
0x53: {  	[hbm4b:s29+s2] =	stream.linear.scatter [tilespmem:s24], [sflag:$0x3], $0x1900, $0x38;
	[tilespmem:$0x3520] =	vst v63  }
0x54: {  	p0 =	slt.u32 s28, $0x2;
	s0 =	smul.u32 $0x640, s0;
	_ =	swait.ge [sflag:s10], $0x190  }
0x55: {  	s1 =	sadd.s32 s4, s1;
	s25 =	simm.s32 @!p0 $0x3;
	[sflag:s10] =	ssyncset.done $0x0  }
0x56: {  	s29 =	smul.u32 $0x6400, s30;
	s0 =	sshrl.u32 s0, $0x2;
	[sflag:s10] =	ssyncadd.s32 $0xFFFFFE70  }
0x57: {  	[tilespmem:s0], [sflag:$0x1] =	stream.linear.gather [hbm4b:s1+s2], $0x190, $0x38;
	[tilespmem:$0x3520] =	vst v63  }
0x58: {  	s30 =	smul.u32 $0x640, s30;
	_ =	swait.ge @!p0 [sflag:s25], $0x1900  }
0x59: {  	s1 =	sshrl.u32 s29, $0x2;
	[sflag:s25] =	ssyncset.done @!p0 $0x0  }
0x5a: {  	s0 =	sshrl.u32 s30, $0x2;
	s24 =	sadd.s32 $0x320, s1;
	[sflag:s25] =	ssyncadd.s32 @!p0 $0xFFFFE700  }
0x5b: {  	[tilespmem:s24], [sflag:$0x2] =	stream.indirect.gather [hbm4b:s3+s11], $0x10, s0, s11, $0xb8;
	[tilespmem:$0x3520] =	vst v63  }
0x5c: {  	s31 =	sadd.s32 $0x820, s1;
	s26 =	sadd.s32 $0x50, s0  }
0x5d: {  	[tilespmem:s31], [sflag:$0x2] =	stream.indirect.gather [hbm4b:s3+s11], $0x10, s26, s11, $0xb8;
	[tilespmem:$0x3520] =	vst v63  }
0x5e: {  	s28 =	sadd.s32 $0xD20, s1;
	s29 =	sadd.s32 $0xA0, s0  }
0x5f: {  	[tilespmem:s28], [sflag:$0x2] =	stream.indirect.gather [hbm4b:s3+s11], $0x10, s29, s11, $0xb8;
	[tilespmem:$0x3520] =	vst v63  }
0x60: {  	s30 =	sadd.s32 $0x1220, s1;
	s31 =	sadd.s32 $0xF0, s0  }
0x61: {  	[tilespmem:s30], [sflag:$0x2] =	stream.indirect.gather [hbm4b:s3+s11], $0x10, s31, s11, $0xb8;
	[tilespmem:$0x3520] =	vst v63  }
0x62: {  	s1 =	sadd.s32 $0x1720, s1;
	s0 =	sadd.s32 $0x140, s0  }
0x63: {  	[tilespmem:s1], [sflag:$0x2] =	stream.indirect.gather [hbm4b:s3+s11], $0x10, s0, s11, $0xb8;
	[tilespmem:$0x3520] =	vst v63  }
0x64: {  	_ =	swait.ge [sflag:s12], $0x500  }
0x65: {  	[sflag:s12] =	ssyncset.done $0x0  }
0x66: {  	[sflag:s12] =	ssyncadd.s32 $0xFFFFFB00  }
0x67: {  	_ =	swait.ge [sflag:s12], $0x500  }
0x68: {  	[sflag:s12] =	ssyncset.done $0x0  }
0x69: {  	[sflag:s12] =	ssyncadd.s32 $0xFFFFFB00  }
0x6a: {  	_ =	swait.ge [sflag:s12], $0x500  }
0x6b: {  	[sflag:s12] =	ssyncset.done $0x0  }
0x6c: {  	[sflag:s12] =	ssyncadd.s32 $0xFFFFFB00  }
0x6d: {  	_ =	swait.ge [sflag:s12], $0x500  }
0x6e: {  	[sflag:s12] =	ssyncset.done $0x0  }
0x6f: {  	[sflag:s12] =	ssyncadd.s32 $0xFFFFFB00  }
0x70: {  	_ =	swait.ge [sflag:s12], $0x500  }
0x71: {  	[sflag:s12] =	ssyncset.done $0x0  }
0x72: {  	[sflag:s12] =	ssyncadd.s32 $0xFFFFFB00  }
0x73: {  	[hbm4b:s23+s2] =	stream.linear.scatter [tilespmem:s24], [sflag:$0x3], $0x1900, $0x38;
	[tilespmem:$0x3520] =	vst v63  }
0x74: {  	_ =	swait.ge [sflag:s10], $0x190  }
0x75: {  	[sflag:s10] =	ssyncset.done $0x0  }
0x76: {  	[sflag:s10] =	ssyncadd.s32 $0xFFFFFE70  }
0x77: {  	_ =	swait.ge [sflag:s13], $0x1900  }
0x78: {  	[sflag:s13] =	ssyncset.done $0x0  }
0x79: {  	[sflag:s13] =	ssyncadd.s32 $0xFFFFE700  }
0x7a: {  	[tilespmem:s14], [sflag:$0x2] =	stream.indirect.gather [hbm4b:s3+s11], $0x10, s2, s11, $0xb8;
	[tilespmem:$0x3520] =	vst v63  }
0x7b: {  	_ = 	snop  }
0x7c: {  	[tilespmem:s15], [sflag:$0x2] =	stream.indirect.gather [hbm4b:s3+s11], $0x10, s11, s11, $0xb8;
	[tilespmem:$0x3520] =	vst v63  }
0x7d: {  	_ = 	snop  }
0x7e: {  	[tilespmem:s17], [sflag:$0x2] =	stream.indirect.gather [hbm4b:s3+s11], $0x10, s16, s11, $0xb8;
	[tilespmem:$0x3520] =	vst v63  }
0x7f: {  	_ = 	snop  }
0x80: {  	[tilespmem:s19], [sflag:$0x2] =	stream.indirect.gather [hbm4b:s3+s11], $0x10, s18, s11, $0xb8;
	[tilespmem:$0x3520] =	vst v63  }
0x81: {  	_ = 	snop  }
0x82: {  	[tilespmem:s21], [sflag:$0x2] =	stream.indirect.gather [hbm4b:s3+s11], $0x10, s20, s11, $0xb8;
	[tilespmem:$0x3520] =	vst v63  }
0x83: {  	_ =	swait.ge [sflag:s12], $0x500  }
0x84: {  	[sflag:s12] =	ssyncset.done $0x0  }
0x85: {  	[sflag:s12] =	ssyncadd.s32 $0xFFFFFB00  }
0x86: {  	_ =	swait.ge [sflag:s12], $0x500  }
0x87: {  	[sflag:s12] =	ssyncset.done $0x0  }
0x88: {  	[sflag:s12] =	ssyncadd.s32 $0xFFFFFB00  }
0x89: {  	_ =	swait.ge [sflag:s12], $0x500  }
0x8a: {  	[sflag:s12] =	ssyncset.done $0x0  }
0x8b: {  	[sflag:s12] =	ssyncadd.s32 $0xFFFFFB00  }
0x8c: {  	_ =	swait.ge [sflag:s12], $0x500  }
0x8d: {  	[sflag:s12] =	ssyncset.done $0x0  }
0x8e: {  	[sflag:s12] =	ssyncadd.s32 $0xFFFFFB00  }
0x8f: {  	_ =	swait.ge [sflag:s12], $0x500  }
0x90: {  	[sflag:s12] =	ssyncset.done $0x0  }
0x91: {  	s22 =	sadd.s32 $0x1, s22;
	[sflag:s12] =	ssyncadd.s32 $0xFFFFFB00  }
0x92: {  	[hbm4b:s7+s2] =	stream.linear.scatter [tilespmem:s14], [sflag:$0x3], $0x1900, $0x38;
	[tilespmem:$0x3520] =	vst v63  }
0x93: {  	p0 =	sne.s32 s22, s6;
	_ =	swait.ge [sflag:s13], $0x1900  }
.Ltmp1:
0x94: {  	[sflag:s13] =	ssyncset.done $0x0;
	(pc) =	sbr.rel @p0 .LBB2_1-.Ltmp1, $4  }
0x95: {  	[sflag:s13] =	ssyncadd.s32 $0xFFFFE700  }
0x96: {  	_ =	swait.ge [sflag:s13], $0x1900  }
0x97: {  	[sflag:s13] =	ssyncset.done $0x0  }
0x98: {  	[sflag:s13] =	ssyncadd.s32 $0xFFFFE700  }
0x99: {  	_ =	sfence.sel $0x180000  }
0x9a: {  	[bflag:$0x0] =	sbarrier.arrive $0xFFFF  }
0x9b: {  	_ =	strace $0x9000005C  }
0x9c: {  	s0 =	stileid.u32;
	[bflag:$0x2] =	sbarrier.arrive $0xFFFF  }
0x9d: {  	p0 =	sne.s32 s0, $0x0;
	s0 =	rddreg [dreg:$0x1]  }
0x9e: {  	s0 =	sadd.s32 @!p0 $0x100000, s0  }
0x9f: {  	[sflag:s0] =	ssyncadd.tile.s32 @!p0 $0x1;
	_ =	shalt  }
.Lfunc_end2:
_tile_overlayer_lowered:
.L_overlay_start_2:
0xa0: {  	(tag) =	ssettag $0x2  }
0xa1: {  	s0 =	rddreg [dreg:$0x0];
	s2 =	stileid.u32  }
0xa2: {  	s1 =	rddreg [dreg:$0x1];
	p0 =	sne.s32 s2, $0x0  }
0xa3: {  	s3 =	rddreg [dreg:$0x2];
	[bflag:$0x3] =	sbarrier.arrive $0xFFFF;
	s2 =	simm.s32 @!p0 $0x1C04  }
0xa4: {  	[timem:s3], [sflag:s2] =	dma.local @!p0 [hbm:s0], s1  }
0xa5: {  	s0 =	simm.s32 @!p0 $0x4  }
0xa6: {  	_ =	swait.ge @!p0 [sflag:s0], s1  }
0xa7: {  	s1 =	ssub.s32 @!p0 $0x0, s1;
	[sflag:s0] =	ssyncset.done @!p0 $0x0  }
0xa8: {  	[sflag:s0] =	ssyncadd.s32 @!p0 s1  }
0xa9: {  	[bflag:$0x3] =	sbarrier.arrive $0xFFFF  }
0xaa: {  	_ =	shalt  }

// kernel: kernel.24.cloned.1.call-start
scs
__scs_entry_jumppad:
0x0: {  	(pc) =	sbr.rel $0x88, $3  }
0x1: {  	(tag) =	ssettag $0x0;
	lr =	simm.s32 $0x1  }
0x2: {  	[smem:$0x3F76] =	sst lr;
	_ =	strace $0xD0000000  }
0x3: {  	_ = 	snop  }
0x4: {  	_ = 	snop  }
0x5: {  	_ = 	snop  }
0x6: {  	_ = 	snop  }
0x7: {  	_ = 	snop  }
__scs_overlays_trampoline_lowered:
0x8: {  	[smem:$0x3F85] =	sst s0  }
0x9: {  	[smem:$0x3F86] =	sst s1  }
0xa: {  	[smem:$0x3F87] =	sst s2  }
0xb: {  	[smem:$0x3F88] =	sst s3  }
0xc: {  	[smem:$0x3F89] =	sst s4  }
0xd: {  	[smem:$0x3F8A] =	sst s5  }
0xe: {  	[smem:$0x3F8B] =	sst s6  }
0xf: {  	[smem:$0x3F8C] =	sst s7  }
0x10: {  	[smem:$0x3F8D] =	sst s8  }
0x11: {  	[smem:$0x3F8E] =	sst s9;
	s0 =	simm.s32 @!p0 $0x0  }
0x12: {  	s1 =	sld [smem:$0x3F74];
	s0 =	simm.s32 @p0 $0x1  }
0x13: {  	[smem:$0x3F8F] =	sst s0;
	s0 =	simm.s32 @!p1 $0x0  }
0x14: {  	s2 =	sld [smem:$0x3F73];
	s0 =	simm.s32 @p1 $0x1  }
0x15: {  	[smem:$0x3F90] =	sst s0;
	s0 =	simm.s32 @!p2 $0x0  }
0x16: {  	s3 =	sld [smem:$0x3FDB];
	s0 =	simm.s32 @p2 $0x1  }
0x17: {  	s4 =	simm.s32 $0x1BF5;
	[smem:$0x3F92] =	sst s0  }
0x18: {  	s0 =	sld [smem:$0x3F75];
	_ =	swait.ge [sflag:s4], $0x0  }
0x19: {  	s7 =	sld [smem:$0x3F76]  }
0x1a: {  	s8 =	sadd.s32 $0xFFFFE003, lr  }
0x1b: {  	s9 =	sadd.s32 $0xFFFFFEF7, lr;
	s5 =	simm.s32 $0xFFFFFFFF;
	p2 =	slt.u32 s8, $0xFFFFF086  }
0x1c: {  	p1 =	slt.u32 s9, $0xF7A;
	s5 =	simm.s32 @!p2 $0x0  }
0x1d: {  	s5 =	simm.s32 @p1 $0x1;
	p0 =	seq.s32 s7, s2  }
0x1e: {  	s7 =	smul.u32 @!p0 $0xF7A, s2;
	p2 =	seq.s32 @!p0 s5, $0x0  }
0x1f: {  	s9 =	smul.u32 $0xF7A, s1;
	s8 =	simm.s32 @!p0 $0x1BF5;
	p2 =	por !p2, p0  }
0x20: {  	[sflag:s8] =	ssyncset.s32 @!p0 $0xFFFFF086;
	s6 =	sadd.s32 @!p0 s3, s7;
	s7 =	simm.s32 @!p0 $0x108  }
0x21: {  	s3 =	sadd.s32 s3, s9;
	s6 =	sadd.s32 @!p0 $0x88, s6;
	s7 =	simm.s32 @p2 $0x1082  }
0x22: {  	[simem:s7], [sflag:s8] =	dma.local @!p0 [hbm:s6], $0xF7A  }
0x23: {  	s9 =	sor.u32 $0xD0000000, s2;
	s6 =	simm.s32 $0x108;
	_ =	swait.ge @!p0 [sflag:s8], $0x0  }
0x24: {  	s3 =	sadd.s32 $0x88, s3;
	s6 =	simm.s32 @!p1 $0x1082;
	[sflag:s4] =	ssyncset.s32 $0xFFFFF086  }
0x25: {  	[simem:s6], [sflag:s4] =	dma.local [hbm:s3], $0xF7A  }
0x26: {  	[smem:$0x3F76] =	sst s1;
	(tag) =	ssettag s2;
	_ =	strace s9  }
0x27: {  	s1 =	sld [smem:$0x3F86]  }
0x28: {  	s2 =	sld [smem:$0x3F87]  }
0x29: {  	s4 =	sld [smem:$0x3F89]  }
0x2a: {  	p0 =	seq.s32 s5, $0x0;
	s5 =	sld [smem:$0x3F8A]  }
0x2b: {  	s6 =	sld [smem:$0x3F8B]  }
0x2c: {  	s7 =	sld [smem:$0x3F8C]  }
0x2d: {  	s3 =	simm.s32 $0x108;
	s8 =	sld [smem:$0x3F8D]  }
0x2e: {  	s3 =	simm.s32 @!p0 $0x1082;
	s9 =	sld [smem:$0x3F8E]  }
0x2f: {  	lr =	sadd.s32 s0, s3;
	s0 =	sld [smem:$0x3F85]  }
0x30: {  	s3 =	sld [smem:$0x3F88]  }
0x31: {  	[smem:$0x3F91] =	sst s10  }
0x32: {  	s10 =	sld [smem:$0x3F8F];
	_ =	sdelay $0x3  }
0x33: {  	p0 =	seq.s32 s10, $0x1;
	s10 =	sld [smem:$0x3F91];
	_ =	sdelay $0x3  }
0x34: {  	[smem:$0x3F91] =	sst s10  }
0x35: {  	s10 =	sld [smem:$0x3F90];
	_ =	sdelay $0x3  }
0x36: {  	p1 =	seq.s32 s10, $0x1;
	s10 =	sld [smem:$0x3F91];
	_ =	sdelay $0x3  }
0x37: {  	[smem:$0x3F91] =	sst s10  }
0x38: {  	s10 =	sld [smem:$0x3F92]  }
0x39: {  	_ = 	snop;
	(pc) =	sbr.ind lr, $3  }
0x3a: {  	_ = 	snop  }
0x3b: {  	_ = 	snop  }
0x3c: {  	p2 =	seq.s32 s10, $0x1;
	s10 =	sld [smem:$0x3F91]  }
0x3d: {  	_ =	shalt  }
0x3e: {  	_ =	shalt  }
0x3f: {  	_ =	shalt  }
0x40: {  	_ =	shalt  }
0x41: {  	_ =	shalt  }
0x42: {  	_ =	shalt  }
0x43: {  	_ =	shalt  }
0x44: {  	_ =	shalt  }
0x45: {  	_ =	shalt  }
0x46: {  	_ =	shalt  }
0x47: {  	_ =	shalt  }
0x48: {  	_ =	shalt  }
0x49: {  	_ =	shalt  }
0x4a: {  	_ =	shalt  }
0x4b: {  	_ =	shalt  }
0x4c: {  	_ =	shalt  }
0x4d: {  	_ =	shalt  }
0x4e: {  	_ =	shalt  }
0x4f: {  	_ =	shalt  }
0x50: {  	_ =	shalt  }
0x51: {  	_ =	shalt  }
0x52: {  	_ =	shalt  }
0x53: {  	_ =	shalt  }
0x54: {  	_ =	shalt  }
0x55: {  	_ =	shalt  }
0x56: {  	_ =	shalt  }
0x57: {  	_ =	shalt  }
0x58: {  	_ =	shalt  }
0x59: {  	_ =	shalt  }
0x5a: {  	_ =	shalt  }
0x5b: {  	_ =	shalt  }
0x5c: {  	_ =	shalt  }
0x5d: {  	_ =	shalt  }
0x5e: {  	_ =	shalt  }
0x5f: {  	_ =	shalt  }
0x60: {  	_ =	shalt  }
0x61: {  	_ =	shalt  }
0x62: {  	_ =	shalt  }
0x63: {  	_ =	shalt  }
0x64: {  	_ =	shalt  }
0x65: {  	_ =	shalt  }
0x66: {  	_ =	shalt  }
0x67: {  	_ =	shalt  }
0x68: {  	_ =	shalt  }
0x69: {  	_ =	shalt  }
0x6a: {  	_ =	shalt  }
0x6b: {  	_ =	shalt  }
0x6c: {  	_ =	shalt  }
0x6d: {  	_ =	shalt  }
0x6e: {  	_ =	shalt  }
0x6f: {  	_ =	shalt  }
0x70: {  	_ =	shalt  }
0x71: {  	_ =	shalt  }
0x72: {  	_ =	shalt  }
0x73: {  	_ =	shalt  }
0x74: {  	_ =	shalt  }
0x75: {  	_ =	shalt  }
0x76: {  	_ =	shalt  }
0x77: {  	_ =	shalt  }
0x78: {  	_ =	shalt  }
0x79: {  	_ =	shalt  }
0x7a: {  	_ =	shalt  }
0x7b: {  	_ =	shalt  }
0x7c: {  	_ =	shalt  }
0x7d: {  	_ =	shalt  }
0x7e: {  	_ =	shalt  }
0x7f: {  	_ =	shalt  }
0x80: {  	_ =	shalt  }
0x81: {  	_ =	shalt  }
0x82: {  	_ =	shalt  }
0x83: {  	_ =	shalt  }
0x84: {  	_ =	shalt  }
0x85: {  	_ =	shalt  }
0x86: {  	_ =	shalt  }
0x87: {  	_ =	shalt  }
.Lfunc_end0:
.L_simem_size_0:
called_computation.8_lowered:
.L_overlay_start_0:
0x88: {  	s2 =	sld [smem:$0x3FD9]  }
0x89: {  	s3 =	sld [smem:$0x3FFE];
	_ =	sdelay $0x1  }
0x8a: {  	s1 =	srdreg.scid  }
0x8b: {  	s0 =	sand.u32 $0x1, s1  }
0x8c: {  	s16 =	sshll.u32 s0, $0xA;
	s2 =	sadd.s32 s3, s2  }
0x8d: {  	s2 =	sadd.s32 s2, s16  }
0x8e: {  	[smem:$0x3F9D] =	sst s2  }
0x8f: {  	_ = 	snop  }
0x90: {  	(tm) =	ssettm $0x1  }
0x91: {  	s17 =	sld [smem:$0x3FFB];
	_ =	sdelay $0x3  }
0x92: {  	_ =	strace s17  }
0x93: {  	s2 =	sld [smem:$0x3FFC];
	_ =	sdelay $0x3  }
0x94: {  	_ =	strace s2  }
0x95: {  	s2 =	sld [smem:$0x3FFD];
	_ =	sdelay $0x3  }
0x96: {  	_ =	strace s2  }
0x97: {  	_ =	strace $0x8FFFFFFF  }
0x98: {  	s18 =	sld [smem:$0x3FDB];
	_ =	sdelay $0x1  }
0x99: {  	s19 =	simm.s32 $_scs_section_size  }
0x9a: {  	s4 =	simm.s32 $_size__tile_overlayer_lowered;
	s5 =	simm.s32 $_tile_overlayer_lowered  }
0x9b: {  	s22 =	simm.s32 $0x1BFF;
	s21 =	sshll.u32 s5, $0x1;
	s2 =	sadd.s32 s19, s18  }
0x9c: {  	s6 =	simm.s32 $0x0;
	s20 =	sshll.u32 s4, $0x1;
	s4 =	sadd.s32 s21, s2  }
0x9d: {  	[timem:s6], [sflag:s22] =	dma.local [hbm:s4], s20  }
0x9e: {  	_ =	swait.ge [sflag:s22], s20  }
0x9f: {  	s3 =	ssub.s32 $0x0, s20;
	[sflag:s22] =	ssyncset.done $0x0  }
0xa0: {  	[sflag:s22] =	ssyncadd.s32 s3;
	_ =	sdelay $0x1  }
0xa1: {  	s23 =	simm.s32 $0x1B8B  }
0xa2: {  	_ =	swait.ge [sflag:s23], $0x1  }
0xa3: {  	[sflag:s23] =	ssyncset.done $0x0  }
0xa4: {  	s25 =	simm.s32 $0x1B8E;
	s24 =	sld [smem:$0x3FFE];
	[sflag:s23] =	ssyncadd.s32 $0xFFFFFFFF  }
0xa5: {  	s26 =	simm.s32 $execute0_lowered;
	[smem:$0x3FD2] =	sst s25  }
0xa6: {  	s4 =	sshll.u32 s26, $0x1;
	_ =	strace $0x8000005E;
	[dreg:$0x1] =	wrdreg $0xFFFFFFFF  }
0xa7: {  	s28 =	simm.s32 $_size_execute0_lowered;
	s2 =	sadd.s32 s2, s4;
	[dreg:$0x0] =	wrdreg $0x0  }
0xa8: {  	s4 =	sshll.u32 s28, $0x1;
	[dreg:$0x2] =	wrdreg s2  }
0xa9: {  	[dreg:$0x3] =	wrdreg s4  }
0xaa: {  	[dreg:$0x4] =	wrdreg $0xC0  }
0xab: {  	_ =	task [dreg:s6], $0x5FFFF  }
0xac: {  	[dreg:$0x1] =	wrdreg $0xFFFFFFFF  }
0xad: {  	[dreg:$0x0] =	wrdreg $0x60  }
0xae: {  	[dreg:$0x2] =	wrdreg s24  }
0xaf: {  	[dreg:$0x3] =	wrdreg $0x35200  }
0xb0: {  	[dreg:$0x4] =	wrdreg $0x9  }
0xb1: {  	_ =	task.clear_ibuf [dreg:s6], $0x5FFFF;
	_ =	strace $0x9000005E  }
0xb2: {  	s29 =	simm.s32 $0x9;
	_ =	strace $0x80000060  }
0xb3: {  	_ =	swait.ge [sflag:s29], $0x1  }
0xb4: {  	[sflag:s29] =	ssyncadd.s32 $0xFFFFFFFF  }
0xb5: {  	_ =	strace $0x90000060  }
0xb6: {  	_ =	sfence  }
0xb7: {  	s30 =	sld [smem:$0x0];
	_ =	sdelay $0x2  }
0xb8: {  	s31 =	sshll.u32 s1, $0xD;
	s1 =	sshrl.u32 s1, $0x2  }
0xb9: {  	s3 =	sand.u32 $0x4000, s31;
	s1 =	sadd.s32 s1, s30  }
0xba: {  	s0 =	sor.u32 s3, s0;
	s1 =	sshll.u32 s1, $0x11  }
0xbb: {  	s0 =	sor.u32 s1, s0  }
0xbc: {  	s0 =	sadd.s32 $0x8F2B, s0  }
0xbd: {  	[sflag:s0] =	ssyncadd.remote.s32 $0x1  }
0xbe: {  	_ =	sfence.sel $0xFFFF  }
0xbf: {  	[dreg:$0x0] =	wrdreg $0xFFFFFFFF;
	(pc) =	sbr.abs _section_cstart, $3  }
0xc0: {  	[dreg:$0x1] =	wrdreg $0xFFFFFFFF  }
0xc1: {  	_ =	task.clear_ibuf [dreg:s6], $0x2FFFF;
	_ =	strace $0x9FFFFFFF  }
0xc2: {  	(tm) =	ssettm $0x7FFFFFFF  }
0xc3: {  	_ =	shalt  }
tec
execute0_lowered:
.L_overlay_start_1:
0x0: {  	(tag) =	ssettag $0x1  }
0x1: {  	s0 =	rddreg [dreg:$0x0]  }
0x2: {  	s1 =	rddreg [dreg:$0x1];
	s3 =	simm.s32 $0x0;
	s4 =	srdreg.scid  }
0x3: {  	s2 =	stileid.u32;
	s17 =	simm.s32 $0x1;
	s18 =	simm.s32 $0x2  }
0x4: {  	s19 =	simm.s32 $0x50;
	s20 =	simm.s32 $0x3;
	s8 =	smul.u32 $0x2800, s2  }
0x5: {  	s28 =	simm.s32 $0x1720;
	s29 =	simm.s32 $0x0;
	s13 =	smul.u32 $0x4E20, s2  }
0x6: {  	[smem:$0x7FF] =	sst s3;
	s7 =	sand.u32 $0x1, s4;
	s16 =	smul.u32 $0x4E200, s2  }
0x7: {  	s22 =	sshll.u32 s2, $0x1;
	s4 =	sadd.s32 $0x122A00, s0;
	s9 =	smul.u32 $0x28000, s7  }
0x8: {  	s5 =	sadd.s32 $0x2E400, s0;
	s6 =	sadd.s32 $0x20200, s0;
	s14 =	smul.u32 $0x2710, s7  }
0x9: {  	s24 =	sshll.u32 s2, $0x6;
	s10 =	sor.u32 s7, s22;
	s26 =	smul.u32 $0x27100, s7  }
0xa: {  	_ =	strace $0x8000005F;
	s12 =	ssub.s32 $0x2, s7;
	s11 =	smul.u32 $0x2710, s10  }
0xb: {  	s7 =	sor.u32 $0x1C04, s24;
	s10 =	smul.u32 $0x4E20, s10;
	s23 =	sshrl.u32 s12, $0x1  }
0xc: {  	s15 =	sadd.s32 s8, s1;
	s9 =	sadd.s32 s8, s9;
	s12 =	ssub.s32 s12, s23  }
0xd: {  	s30 =	sadd.s32 s14, s13;
	s31 =	sadd.s32 s26, s16;
	s14 =	sshrl.u32 s15, $0x3  }
0xe: {  	s15 =	simm.s32 $0x4;
	s16 =	simm.s32 $0x320;
	s26 =	simm.s32 $0x140  }
0xf: {  	s9 =	sshrl.u32 s9, $0x3;
	s25 =	sshrl.u32 s11, $0x3;
	s11 =	smax.u32 s12, $0x1  }
0x10: {  	s12 =	sadd.s32 $0x190, s30;
	s0 =	sadd.s32 s9, s0;
	s8 =	sadd.s32 s5, s25  }
0x11: {  	s9 =	sadd.s32 s4, s10;
	s10 =	sadd.s32 $0x6400, s0;
	s0 =	sadd.s32 $0x1900, s31  }
.LBB2_1:
0x12: {  	[spmem:s14], [sflag:s7] =	dma.local [hbm:s6], $0x500  }
0x13: {  	_ =	swait.ge [sflag:s15], $0x500  }
0x14: {  	[sflag:s15] =	ssyncset.done $0x0  }
0x15: {  	[sflag:s15] =	ssyncadd.s32 $0xFFFFFB00  }
0x16: {  	[bflag:$0x0] =	sbarrier.arrive $0xFFFF  }
0x17: {  	[tilespmem:s3], [sflag:$0x1] =	stream.linear.gather [hbm4b:s8+s3], $0x190, $0x38;
	[tilespmem:$0x5D20] =	vst v63  }
0x18: {  	_ = 	snop  }
0x19: {  	[tilespmem:s16], [sflag:$0x2] =	stream.linear.gather [hbm4b:s9+s3], $0x1900, $0x38;
	[tilespmem:$0x5D20] =	vst v63  }
0x1a: {  	s13 =	sand.u32 $0x1, s3;
	_ =	swait.ge [sflag:s17], $0x190  }
0x1b: {  	s30 =	sxor.u32 $0x1, s13;
	s31 =	smul.u32 $0x6400, s13;
	[sflag:s17] =	ssyncset.done $0x0  }
0x1c: {  	s2 =	sshrl.u32 s12, $0x3;
	s21 =	smul.u32 $0x640, s30;
	[sflag:s17] =	ssyncadd.s32 $0xFFFFFE70  }
0x1d: {  	s22 =	sshrl.u32 s0, $0x3;
	s30 =	smul.u32 $0x6400, s30;
	_ =	swait.ge [sflag:s18], $0x1900  }
0x1e: {  	s22 =	sadd.s32 s4, s22;
	s2 =	sadd.s32 s5, s2;
	[sflag:s18] =	ssyncset.done $0x0  }
0x1f: {  	s21 =	sshrl.u32 s21, $0x2;
	s30 =	sshrl.u32 s30, $0x2;
	[sflag:s18] =	ssyncadd.s32 $0xFFFFE700  }
0x20: {  	[tilespmem:s21], [sflag:$0x1] =	stream.linear.gather [hbm4b:s2+s3], $0x190, $0x38;
	[tilespmem:$0x5D20] =	vst v63  }
0x21: {  	s13 =	smul.u32 $0x640, s13;
	s25 =	sadd.s32 $0x320, s30;
	s2 =	sshrl.u32 s31, $0x2  }
0x22: {  	[tilespmem:s25], [sflag:$0x2] =	stream.linear.gather [hbm4b:s22+s3], $0x1900, $0x38;
	[tilespmem:$0x5D20] =	vst v63  }
0x23: {  	s13 =	sshrl.u32 s13, $0x2;
	s23 =	sadd.s32 $0x320, s2  }
0x24: {  	[spmem:s1] =	stream.indirect.scatter.add.f32 [tilespmem:s23], [sflag:$0x3], $0x10, s13, s19, $0xb8;
	[tilespmem:$0x5D20] =	vst v63  }
0x25: {  	s24 =	sadd.s32 $0x820, s2;
	s25 =	sadd.s32 $0x50, s13  }
0x26: {  	[spmem:s1] =	stream.indirect.scatter.add.f32 [tilespmem:s24], [sflag:$0x3], $0x10, s25, s19, $0xb8;
	[tilespmem:$0x5D20] =	vst v63  }
0x27: {  	s22 =	sadd.s32 $0xD20, s2;
	s23 =	sadd.s32 $0xA0, s13  }
0x28: {  	[spmem:s1] =	stream.indirect.scatter.add.f32 [tilespmem:s22], [sflag:$0x3], $0x10, s23, s19, $0xb8;
	[tilespmem:$0x5D20] =	vst v63  }
0x29: {  	s24 =	sadd.s32 $0x1220, s2;
	s25 =	sadd.s32 $0xF0, s13  }
0x2a: {  	[spmem:s1] =	stream.indirect.scatter.add.f32 [tilespmem:s24], [sflag:$0x3], $0x10, s25, s19, $0xb8;
	[tilespmem:$0x5D20] =	vst v63  }
0x2b: {  	s2 =	sadd.s32 $0x1720, s2;
	s13 =	sadd.s32 $0x140, s13  }
0x2c: {  	[spmem:s1] =	stream.indirect.scatter.add.f32 [tilespmem:s2], [sflag:$0x3], $0x10, s13, s19, $0xb8;
	[tilespmem:$0x5D20] =	vst v63  }
0x2d: {  	_ =	swait.ge [sflag:s20], $0x500  }
0x2e: {  	[sflag:s20] =	ssyncset.done $0x0  }
0x2f: {  	[sflag:s20] =	ssyncadd.s32 $0xFFFFFB00  }
0x30: {  	_ =	swait.ge [sflag:s20], $0x500  }
0x31: {  	[sflag:s20] =	ssyncset.done $0x0  }
0x32: {  	[sflag:s20] =	ssyncadd.s32 $0xFFFFFB00  }
0x33: {  	_ =	swait.ge [sflag:s20], $0x500  }
0x34: {  	[sflag:s20] =	ssyncset.done $0x0  }
0x35: {  	[sflag:s20] =	ssyncadd.s32 $0xFFFFFB00  }
0x36: {  	_ =	swait.ge [sflag:s20], $0x500  }
0x37: {  	[sflag:s20] =	ssyncset.done $0x0  }
0x38: {  	s30 =	simm.s32 $0x1;
	[sflag:s20] =	ssyncadd.s32 $0xFFFFFB00  }
0x39: {  	s31 =	smov.u32 s12;
	s13 =	smov.u32 s0;
	_ =	swait.ge [sflag:s20], $0x500  }
.LBB2_2:
0x3a: {  	[sflag:s20] =	ssyncset.done $0x0;
	s31 =	sadd.s32 $0x190, s31;
	s13 =	sadd.s32 $0x1900, s13  }
0x3b: {  	p0 =	sne.s32 s30, $0x17;
	s2 =	sshrl.u32 s31, $0x3;
	[sflag:s20] =	ssyncadd.s32 $0xFFFFFB00  }
0x3c: {  	s21 =	sand.u32 $0x1, s30;
	s22 =	sshrl.u32 s13, $0x3;
	_ =	swait.ge [sflag:s17], $0x190  }
0x3d: {  	s23 =	sxor.u32 $0x1, s21;
	s24 =	smul.u32 $0x6400, s21;
	[sflag:s17] =	ssyncset.done $0x0  }
0x3e: {  	s25 =	smul.u32 $0x640, s23;
	s22 =	sadd.s32 s4, s22;
	[sflag:s17] =	ssyncadd.s32 $0xFFFFFE70  }
0x3f: {  	s23 =	smul.u32 $0x6400, s23;
	s24 =	sshrl.u32 s24, $0x2;
	_ =	swait.ge [sflag:s18], $0x1900  }
0x40: {  	s2 =	sadd.s32 s5, s2;
	s25 =	sshrl.u32 s25, $0x2;
	[sflag:s18] =	ssyncset.done $0x0  }
0x41: {  	s21 =	smul.u32 $0x640, s21;
	s23 =	sshrl.u32 s23, $0x2;
	[sflag:s18] =	ssyncadd.s32 $0xFFFFE700  }
0x42: {  	[tilespmem:s25], [sflag:$0x1] =	stream.linear.gather [hbm4b:s2+s3], $0x190, $0x38;
	[tilespmem:$0x5D20] =	vst v63  }
0x43: {  	s21 =	sshrl.u32 s21, $0x2;
	s2 =	sadd.s32 $0x320, s23;
	s23 =	sadd.s32 $0x320, s24  }
0x44: {  	[tilespmem:s2], [sflag:$0x2] =	stream.linear.gather [hbm4b:s22+s3], $0x1900, $0x38;
	[tilespmem:$0x5D20] =	vst v63  }
0x45: {  	s30 =	sadd.s32 $0x1, s30;
	s2 =	sadd.s32 $0x820, s24;
	s22 =	sadd.s32 $0x50, s21  }
0x46: {  	[spmem:s1] =	stream.indirect.scatter.add.f32 [tilespmem:s23], [sflag:$0x3], $0x10, s21, s19, $0xb8;
	[tilespmem:$0x5D20] =	vst v63  }
0x47: {  	s25 =	sadd.s32 $0xA0, s21;
	s23 =	sadd.s32 $0xD20, s24  }
0x48: {  	[spmem:s1] =	stream.indirect.scatter.add.f32 [tilespmem:s2], [sflag:$0x3], $0x10, s22, s19, $0xb8;
	[tilespmem:$0x5D20] =	vst v63  }
0x49: {  	s2 =	sadd.s32 $0x1220, s24;
	s22 =	sadd.s32 $0xF0, s21  }
0x4a: {  	[spmem:s1] =	stream.indirect.scatter.add.f32 [tilespmem:s23], [sflag:$0x3], $0x10, s25, s19, $0xb8;
	[tilespmem:$0x5D20] =	vst v63  }
0x4b: {  	s21 =	sadd.s32 $0x140, s21;
	s23 =	sadd.s32 $0x1720, s24  }
0x4c: {  	[spmem:s1] =	stream.indirect.scatter.add.f32 [tilespmem:s2], [sflag:$0x3], $0x10, s22, s19, $0xb8;
	[tilespmem:$0x5D20] =	vst v63  }
0x4d: {  	_ = 	snop  }
0x4e: {  	[spmem:s1] =	stream.indirect.scatter.add.f32 [tilespmem:s23], [sflag:$0x3], $0x10, s21, s19, $0xb8;
	[tilespmem:$0x5D20] =	vst v63  }
0x4f: {  	_ =	swait.ge [sflag:s20], $0x500  }
0x50: {  	[sflag:s20] =	ssyncset.done $0x0  }
0x51: {  	[sflag:s20] =	ssyncadd.s32 $0xFFFFFB00  }
0x52: {  	_ =	swait.ge [sflag:s20], $0x500  }
0x53: {  	[sflag:s20] =	ssyncset.done $0x0  }
0x54: {  	[sflag:s20] =	ssyncadd.s32 $0xFFFFFB00  }
0x55: {  	_ =	swait.ge [sflag:s20], $0x500  }
0x56: {  	[sflag:s20] =	ssyncset.done $0x0  }
.Ltmp0:
0x57: {  	[sflag:s20] =	ssyncadd.s32 $0xFFFFFB00;
	(pc) =	sbr.rel @p0 .LBB2_2-.Ltmp0, $4  }
0x58: {  	_ =	swait.ge [sflag:s20], $0x500  }
0x59: {  	[sflag:s20] =	ssyncset.done $0x0  }
0x5a: {  	[sflag:s20] =	ssyncadd.s32 $0xFFFFFB00  }
0x5b: {  	_ =	swait.ge [sflag:s20], $0x500  }
0x5c: {  	[sflag:s20] =	ssyncset.done $0x0  }
0x5d: {  	[sflag:s20] =	ssyncadd.s32 $0xFFFFFB00  }
0x5e: {  	_ =	swait.ge [sflag:s17], $0x190  }
0x5f: {  	[sflag:s17] =	ssyncset.done $0x0  }
0x60: {  	[sflag:s17] =	ssyncadd.s32 $0xFFFFFE70  }
0x61: {  	_ =	swait.ge [sflag:s18], $0x1900  }
0x62: {  	[sflag:s18] =	ssyncset.done $0x0  }
0x63: {  	[sflag:s18] =	ssyncadd.s32 $0xFFFFE700  }
0x64: {  	[spmem:s1] =	stream.indirect.scatter.add.f32 [tilespmem:s16], [sflag:$0x3], $0x10, s3, s19, $0xb8;
	[tilespmem:$0x5D20] =	vst v63  }
0x65: {  	s2 =	simm.s32 $0x820  }
0x66: {  	[spmem:s1] =	stream.indirect.scatter.add.f32 [tilespmem:s2], [sflag:$0x3], $0x10, s19, s19, $0xb8;
	[tilespmem:$0x5D20] =	vst v63  }
0x67: {  	s25 =	simm.s32 $0xA0;
	s13 =	simm.s32 $0xD20  }
0x68: {  	[spmem:s1] =	stream.indirect.scatter.add.f32 [tilespmem:s13], [sflag:$0x3], $0x10, s25, s19, $0xb8;
	[tilespmem:$0x5D20] =	vst v63  }
0x69: {  	s30 =	simm.s32 $0xF0;
	s31 =	simm.s32 $0x1220  }
0x6a: {  	[spmem:s1] =	stream.indirect.scatter.add.f32 [tilespmem:s31], [sflag:$0x3], $0x10, s30, s19, $0xb8;
	[tilespmem:$0x5D20] =	vst v63  }
0x6b: {  	_ = 	snop  }
0x6c: {  	[spmem:s1] =	stream.indirect.scatter.add.f32 [tilespmem:s28], [sflag:$0x3], $0x10, s26, s19, $0xb8;
	[tilespmem:$0x5D20] =	vst v63  }
0x6d: {  	_ =	swait.ge [sflag:s20], $0x500  }
0x6e: {  	[sflag:s20] =	ssyncset.done $0x0  }
0x6f: {  	[sflag:s20] =	ssyncadd.s32 $0xFFFFFB00  }
0x70: {  	_ =	swait.ge [sflag:s20], $0x500  }
0x71: {  	[sflag:s20] =	ssyncset.done $0x0  }
0x72: {  	[sflag:s20] =	ssyncadd.s32 $0xFFFFFB00  }
0x73: {  	_ =	swait.ge [sflag:s20], $0x500  }
0x74: {  	[sflag:s20] =	ssyncset.done $0x0  }
0x75: {  	[sflag:s20] =	ssyncadd.s32 $0xFFFFFB00  }
0x76: {  	_ =	swait.ge [sflag:s20], $0x500  }
0x77: {  	[sflag:s20] =	ssyncset.done $0x0  }
0x78: {  	[sflag:s20] =	ssyncadd.s32 $0xFFFFFB00  }
0x79: {  	_ =	swait.ge [sflag:s20], $0x500  }
0x7a: {  	s29 =	sadd.s32 $0x1, s29;
	[sflag:s20] =	ssyncset.done $0x0  }
0x7b: {  	p0 =	sne.s32 s29, s11;
	[sflag:s20] =	ssyncadd.s32 $0xFFFFFB00  }
.Ltmp1:
0x7c: {  	[bflag:$0x0] =	sbarrier.arrive $0xFFFF;
	(pc) =	sbr.rel @p0 .LBB2_1-.Ltmp1, $4  }
0x7d: {  	[hbm:s10], [sflag:s7] =	dma.local [spmem:s14], $0x500  }
0x7e: {  	_ =	swait.ge [sflag:s15], $0x500  }
0x7f: {  	[sflag:s15] =	ssyncset.done $0x0  }
0x80: {  	[sflag:s15] =	ssyncadd.s32 $0xFFFFFB00  }
0x81: {  	_ =	sfence.sel $0x180000  }
0x82: {  	[bflag:$0x0] =	sbarrier.arrive $0xFFFF  }
0x83: {  	_ =	strace $0x9000005F  }
0x84: {  	s0 =	stileid.u32;
	[bflag:$0x2] =	sbarrier.arrive $0xFFFF  }
0x85: {  	p0 =	sne.s32 s0, $0x0;
	s0 =	rddreg [dreg:$0x2]  }
0x86: {  	s0 =	sadd.s32 @!p0 $0x100000, s0  }
0x87: {  	[sflag:s0] =	ssyncadd.tile.s32 @!p0 $0x1;
	_ =	shalt  }
.Lfunc_end2:
_tile_overlayer_lowered:
.L_overlay_start_2:
0x88: {  	(tag) =	ssettag $0x2  }
0x89: {  	s0 =	rddreg [dreg:$0x0];
	s2 =	stileid.u32  }
0x8a: {  	s1 =	rddreg [dreg:$0x1];
	p0 =	sne.s32 s2, $0x0  }
0x8b: {  	s3 =	rddreg [dreg:$0x2];
	[bflag:$0x3] =	sbarrier.arrive $0xFFFF;
	s2 =	simm.s32 @!p0 $0x1C04  }
0x8c: {  	[timem:s3], [sflag:s2] =	dma.local @!p0 [hbm:s0], s1  }
0x8d: {  	s0 =	simm.s32 @!p0 $0x4  }
0x8e: {  	_ =	swait.ge @!p0 [sflag:s0], s1  }
0x8f: {  	s1 =	ssub.s32 @!p0 $0x0, s1;
	[sflag:s0] =	ssyncset.done @!p0 $0x0  }
0x90: {  	[sflag:s0] =	ssyncadd.s32 @!p0 s1  }
0x91: {  	[bflag:$0x3] =	sbarrier.arrive $0xFFFF  }
0x92: {  	_ =	shalt  }

// kernel: kernel.27.cloned.1.call-start
scs
__scs_entry_jumppad:
0x0: {  	(pc) =	sbr.rel $0x88, $3  }
0x1: {  	(tag) =	ssettag $0x0;
	lr =	simm.s32 $0x1  }
0x2: {  	[smem:$0x3F76] =	sst lr;
	_ =	strace $0xD0000000  }
0x3: {  	_ = 	snop  }
0x4: {  	_ = 	snop  }
0x5: {  	_ = 	snop  }
0x6: {  	_ = 	snop  }
0x7: {  	_ = 	snop  }
__scs_overlays_trampoline_lowered:
0x8: {  	[smem:$0x3F85] =	sst s0  }
0x9: {  	[smem:$0x3F86] =	sst s1  }
0xa: {  	[smem:$0x3F87] =	sst s2  }
0xb: {  	[smem:$0x3F88] =	sst s3  }
0xc: {  	[smem:$0x3F89] =	sst s4  }
0xd: {  	[smem:$0x3F8A] =	sst s5  }
0xe: {  	[smem:$0x3F8B] =	sst s6  }
0xf: {  	[smem:$0x3F8C] =	sst s7  }
0x10: {  	[smem:$0x3F8D] =	sst s8  }
0x11: {  	[smem:$0x3F8E] =	sst s9;
	s0 =	simm.s32 @!p0 $0x0  }
0x12: {  	s1 =	sld [smem:$0x3F74];
	s0 =	simm.s32 @p0 $0x1  }
0x13: {  	[smem:$0x3F8F] =	sst s0;
	s0 =	simm.s32 @!p1 $0x0  }
0x14: {  	s2 =	sld [smem:$0x3F73];
	s0 =	simm.s32 @p1 $0x1  }
0x15: {  	[smem:$0x3F90] =	sst s0;
	s0 =	simm.s32 @!p2 $0x0  }
0x16: {  	s3 =	sld [smem:$0x3FDB];
	s0 =	simm.s32 @p2 $0x1  }
0x17: {  	s4 =	simm.s32 $0x1BF5;
	[smem:$0x3F92] =	sst s0  }
0x18: {  	s0 =	sld [smem:$0x3F75];
	_ =	swait.ge [sflag:s4], $0x0  }
0x19: {  	s7 =	sld [smem:$0x3F76]  }
0x1a: {  	s8 =	sadd.s32 $0xFFFFE003, lr  }
0x1b: {  	s9 =	sadd.s32 $0xFFFFFEF7, lr;
	s5 =	simm.s32 $0xFFFFFFFF;
	p2 =	slt.u32 s8, $0xFFFFF086  }
0x1c: {  	p1 =	slt.u32 s9, $0xF7A;
	s5 =	simm.s32 @!p2 $0x0  }
0x1d: {  	s5 =	simm.s32 @p1 $0x1;
	p0 =	seq.s32 s7, s2  }
0x1e: {  	s7 =	smul.u32 @!p0 $0xF7A, s2;
	p2 =	seq.s32 @!p0 s5, $0x0  }
0x1f: {  	s9 =	smul.u32 $0xF7A, s1;
	s8 =	simm.s32 @!p0 $0x1BF5;
	p2 =	por !p2, p0  }
0x20: {  	[sflag:s8] =	ssyncset.s32 @!p0 $0xFFFFF086;
	s6 =	sadd.s32 @!p0 s3, s7;
	s7 =	simm.s32 @!p0 $0x108  }
0x21: {  	s3 =	sadd.s32 s3, s9;
	s6 =	sadd.s32 @!p0 $0x88, s6;
	s7 =	simm.s32 @p2 $0x1082  }
0x22: {  	[simem:s7], [sflag:s8] =	dma.local @!p0 [hbm:s6], $0xF7A  }
0x23: {  	s9 =	sor.u32 $0xD0000000, s2;
	s6 =	simm.s32 $0x108;
	_ =	swait.ge @!p0 [sflag:s8], $0x0  }
0x24: {  	s3 =	sadd.s32 $0x88, s3;
	s6 =	simm.s32 @!p1 $0x1082;
	[sflag:s4] =	ssyncset.s32 $0xFFFFF086  }
0x25: {  	[simem:s6], [sflag:s4] =	dma.local [hbm:s3], $0xF7A  }
0x26: {  	[smem:$0x3F76] =	sst s1;
	(tag) =	ssettag s2;
	_ =	strace s9  }
0x27: {  	s1 =	sld [smem:$0x3F86]  }
0x28: {  	s2 =	sld [smem:$0x3F87]  }
0x29: {  	s4 =	sld [smem:$0x3F89]  }
0x2a: {  	p0 =	seq.s32 s5, $0x0;
	s5 =	sld [smem:$0x3F8A]  }
0x2b: {  	s6 =	sld [smem:$0x3F8B]  }
0x2c: {  	s7 =	sld [smem:$0x3F8C]  }
0x2d: {  	s3 =	simm.s32 $0x108;
	s8 =	sld [smem:$0x3F8D]  }
0x2e: {  	s3 =	simm.s32 @!p0 $0x1082;
	s9 =	sld [smem:$0x3F8E]  }
0x2f: {  	lr =	sadd.s32 s0, s3;
	s0 =	sld [smem:$0x3F85]  }
0x30: {  	s3 =	sld [smem:$0x3F88]  }
0x31: {  	[smem:$0x3F91] =	sst s10  }
0x32: {  	s10 =	sld [smem:$0x3F8F];
	_ =	sdelay $0x3  }
0x33: {  	p0 =	seq.s32 s10, $0x1;
	s10 =	sld [smem:$0x3F91];
	_ =	sdelay $0x3  }
0x34: {  	[smem:$0x3F91] =	sst s10  }
0x35: {  	s10 =	sld [smem:$0x3F90];
	_ =	sdelay $0x3  }
0x36: {  	p1 =	seq.s32 s10, $0x1;
	s10 =	sld [smem:$0x3F91];
	_ =	sdelay $0x3  }
0x37: {  	[smem:$0x3F91] =	sst s10  }
0x38: {  	s10 =	sld [smem:$0x3F92]  }
0x39: {  	_ = 	snop;
	(pc) =	sbr.ind lr, $3  }
0x3a: {  	_ = 	snop  }
0x3b: {  	_ = 	snop  }
0x3c: {  	p2 =	seq.s32 s10, $0x1;
	s10 =	sld [smem:$0x3F91]  }
0x3d: {  	_ =	shalt  }
0x3e: {  	_ =	shalt  }
0x3f: {  	_ =	shalt  }
0x40: {  	_ =	shalt  }
0x41: {  	_ =	shalt  }
0x42: {  	_ =	shalt  }
0x43: {  	_ =	shalt  }
0x44: {  	_ =	shalt  }
0x45: {  	_ =	shalt  }
0x46: {  	_ =	shalt  }
0x47: {  	_ =	shalt  }
0x48: {  	_ =	shalt  }
0x49: {  	_ =	shalt  }
0x4a: {  	_ =	shalt  }
0x4b: {  	_ =	shalt  }
0x4c: {  	_ =	shalt  }
0x4d: {  	_ =	shalt  }
0x4e: {  	_ =	shalt  }
0x4f: {  	_ =	shalt  }
0x50: {  	_ =	shalt  }
0x51: {  	_ =	shalt  }
0x52: {  	_ =	shalt  }
0x53: {  	_ =	shalt  }
0x54: {  	_ =	shalt  }
0x55: {  	_ =	shalt  }
0x56: {  	_ =	shalt  }
0x57: {  	_ =	shalt  }
0x58: {  	_ =	shalt  }
0x59: {  	_ =	shalt  }
0x5a: {  	_ =	shalt  }
0x5b: {  	_ =	shalt  }
0x5c: {  	_ =	shalt  }
0x5d: {  	_ =	shalt  }
0x5e: {  	_ =	shalt  }
0x5f: {  	_ =	shalt  }
0x60: {  	_ =	shalt  }
0x61: {  	_ =	shalt  }
0x62: {  	_ =	shalt  }
0x63: {  	_ =	shalt  }
0x64: {  	_ =	shalt  }
0x65: {  	_ =	shalt  }
0x66: {  	_ =	shalt  }
0x67: {  	_ =	shalt  }
0x68: {  	_ =	shalt  }
0x69: {  	_ =	shalt  }
0x6a: {  	_ =	shalt  }
0x6b: {  	_ =	shalt  }
0x6c: {  	_ =	shalt  }
0x6d: {  	_ =	shalt  }
0x6e: {  	_ =	shalt  }
0x6f: {  	_ =	shalt  }
0x70: {  	_ =	shalt  }
0x71: {  	_ =	shalt  }
0x72: {  	_ =	shalt  }
0x73: {  	_ =	shalt  }
0x74: {  	_ =	shalt  }
0x75: {  	_ =	shalt  }
0x76: {  	_ =	shalt  }
0x77: {  	_ =	shalt  }
0x78: {  	_ =	shalt  }
0x79: {  	_ =	shalt  }
0x7a: {  	_ =	shalt  }
0x7b: {  	_ =	shalt  }
0x7c: {  	_ =	shalt  }
0x7d: {  	_ =	shalt  }
0x7e: {  	_ =	shalt  }
0x7f: {  	_ =	shalt  }
0x80: {  	_ =	shalt  }
0x81: {  	_ =	shalt  }
0x82: {  	_ =	shalt  }
0x83: {  	_ =	shalt  }
0x84: {  	_ =	shalt  }
0x85: {  	_ =	shalt  }
0x86: {  	_ =	shalt  }
0x87: {  	_ =	shalt  }
.Lfunc_end0:
.L_simem_size_0:
called_computation.9_lowered:
.L_overlay_start_0:
0x88: {  	s2 =	sld [smem:$0x3FD9]  }
0x89: {  	s3 =	sld [smem:$0x3FFE];
	_ =	sdelay $0x1  }
0x8a: {  	s1 =	srdreg.scid  }
0x8b: {  	s0 =	sand.u32 $0x1, s1  }
0x8c: {  	s16 =	sshll.u32 s0, $0xA;
	s2 =	sadd.s32 s3, s2  }
0x8d: {  	s2 =	sadd.s32 s2, s16  }
0x8e: {  	[smem:$0x3F9D] =	sst s2  }
0x8f: {  	_ = 	snop  }
0x90: {  	(tm) =	ssettm $0x1  }
0x91: {  	s17 =	sld [smem:$0x3FFB];
	_ =	sdelay $0x3  }
0x92: {  	_ =	strace s17  }
0x93: {  	s2 =	sld [smem:$0x3FFC];
	_ =	sdelay $0x3  }
0x94: {  	_ =	strace s2  }
0x95: {  	s2 =	sld [smem:$0x3FFD];
	_ =	sdelay $0x3  }
0x96: {  	_ =	strace s2  }
0x97: {  	_ =	strace $0x8FFFFFFF  }
0x98: {  	s18 =	sld [smem:$0x3FDB];
	_ =	sdelay $0x1  }
0x99: {  	s19 =	simm.s32 $_scs_section_size  }
0x9a: {  	s4 =	simm.s32 $_size__tile_overlayer_lowered;
	s5 =	simm.s32 $_tile_overlayer_lowered  }
0x9b: {  	s22 =	simm.s32 $0x1BFF;
	s21 =	sshll.u32 s5, $0x1;
	s2 =	sadd.s32 s19, s18  }
0x9c: {  	s6 =	simm.s32 $0x0;
	s20 =	sshll.u32 s4, $0x1;
	s4 =	sadd.s32 s21, s2  }
0x9d: {  	[timem:s6], [sflag:s22] =	dma.local [hbm:s4], s20  }
0x9e: {  	_ =	swait.ge [sflag:s22], s20  }
0x9f: {  	s3 =	ssub.s32 $0x0, s20;
	[sflag:s22] =	ssyncset.done $0x0  }
0xa0: {  	[sflag:s22] =	ssyncadd.s32 s3;
	_ =	sdelay $0x1  }
0xa1: {  	s23 =	simm.s32 $0x1B8B  }
0xa2: {  	_ =	swait.ge [sflag:s23], $0x1  }
0xa3: {  	[sflag:s23] =	ssyncset.done $0x0  }
0xa4: {  	s25 =	simm.s32 $0x1B8E;
	s24 =	sld [smem:$0x3FFE];
	[sflag:s23] =	ssyncadd.s32 $0xFFFFFFFF  }
0xa5: {  	s26 =	simm.s32 $execute0_lowered;
	[smem:$0x3FD2] =	sst s25  }
0xa6: {  	s4 =	sshll.u32 s26, $0x1;
	_ =	strace $0x80000061;
	[dreg:$0x1] =	wrdreg $0xFFFFFFFF  }
0xa7: {  	s28 =	simm.s32 $_size_execute0_lowered;
	s2 =	sadd.s32 s2, s4;
	[dreg:$0x0] =	wrdreg $0x0  }
0xa8: {  	s4 =	sshll.u32 s28, $0x1;
	[dreg:$0x2] =	wrdreg s2  }
0xa9: {  	[dreg:$0x3] =	wrdreg s4  }
0xaa: {  	[dreg:$0x4] =	wrdreg $0xC0  }
0xab: {  	_ =	task [dreg:s6], $0x5FFFF  }
0xac: {  	[dreg:$0x1] =	wrdreg $0xFFFFFFFF  }
0xad: {  	[dreg:$0x0] =	wrdreg $0x60  }
0xae: {  	[dreg:$0x2] =	wrdreg s24  }
0xaf: {  	[dreg:$0x3] =	wrdreg $0x9  }
0xb0: {  	_ =	task.clear_ibuf [dreg:s6], $0x4FFFF;
	_ =	strace $0x90000061  }
0xb1: {  	s29 =	simm.s32 $0x9;
	_ =	strace $0x80000063  }
0xb2: {  	_ =	swait.ge [sflag:s29], $0x1  }
0xb3: {  	[sflag:s29] =	ssyncadd.s32 $0xFFFFFFFF  }
0xb4: {  	_ =	strace $0x90000063  }
0xb5: {  	_ =	sfence  }
0xb6: {  	s30 =	sld [smem:$0x0];
	_ =	sdelay $0x2  }
0xb7: {  	s31 =	sshll.u32 s1, $0xD;
	s1 =	sshrl.u32 s1, $0x2  }
0xb8: {  	s3 =	sand.u32 $0x4000, s31;
	s1 =	sadd.s32 s1, s30  }
0xb9: {  	s0 =	sor.u32 s3, s0;
	s1 =	sshll.u32 s1, $0x11  }
0xba: {  	s0 =	sor.u32 s1, s0  }
0xbb: {  	s0 =	sadd.s32 $0x8F2B, s0  }
0xbc: {  	[sflag:s0] =	ssyncadd.remote.s32 $0x1  }
0xbd: {  	_ =	sfence.sel $0xFFFF  }
0xbe: {  	[dreg:$0x0] =	wrdreg $0xFFFFFFFF;
	(pc) =	sbr.abs _section_cstart, $3  }
0xbf: {  	[dreg:$0x1] =	wrdreg $0xFFFFFFFF  }
0xc0: {  	_ =	task.clear_ibuf [dreg:s6], $0x2FFFF;
	_ =	strace $0x9FFFFFFF  }
0xc1: {  	(tm) =	ssettm $0x7FFFFFFF  }
tec
execute0_lowered:
.L_overlay_start_1:
0x0: {  	(tag) =	ssettag $0x1  }
0x1: {  	s5 =	rddreg [dreg:$0x0]  }
0x2: {  	s3 =	srdreg.scid;
	s0 =	stileid.u32;
	s2 =	simm.s32 $0x0  }
0x3: {  	s14 =	simm.s32 $0x320;
	s15 =	simm.s32 $0x820;
	s16 =	simm.s32 $0xA0  }
0x4: {  	s17 =	simm.s32 $0xD20;
	s18 =	simm.s32 $0xF0;
	s19 =	simm.s32 $0x1220  }
0x5: {  	s20 =	simm.s32 $0x140;
	s21 =	simm.s32 $0x1720;
	s22 =	simm.s32 $0x0  }
0x6: {  	s7 =	sand.u32 $0x1, s3;
	s28 =	sshll.u32 s0, $0x1;
	s10 =	smul.u32 $0x4E20, s0  }
0x7: {  	[smem:$0x7FF] =	sst s2;
	s3 =	sadd.s32 $0x6400, s5;
	s30 =	smul.u32 $0x9C40, s0  }
0x8: {  	s4 =	sadd.s32 $0x24600, s5;
	s6 =	sor.u32 s7, s28;
	s12 =	smul.u32 $0x2710, s7  }
0x9: {  	s9 =	sadd.s32 $0x38200, s5;
	s29 =	ssub.s32 $0x2, s7;
	s8 =	smul.u32 $0x2710, s6  }
0xa: {  	_ =	strace $0x80000062;
	s6 =	smul.u32 $0x4E20, s6;
	s11 =	sshrl.u32 s29, $0x1  }
0xb: {  	s31 =	smul.u32 $0x4E20, s7;
	s11 =	ssub.s32 s29, s11;
	s10 =	sadd.s32 s12, s10  }
0xc: {  	s12 =	simm.s32 $0x2;
	s8 =	sshrl.u32 s8, $0x3;
	s13 =	sadd.s32 s9, s6  }
0xd: {  	s6 =	smax.u32 s11, $0x1;
	s9 =	sadd.s32 s30, s9;
	s11 =	simm.s32 $0x50  }
0xe: {  	s5 =	sadd.s32 s4, s8;
	s7 =	sadd.s32 $0x4B00, s13;
	s8 =	sadd.s32 $0x190, s10  }
0xf: {  	s9 =	sadd.s32 s31, s9;
	s10 =	simm.s32 $0x1;
	s13 =	simm.s32 $0x3  }
.LBB2_1:
0x10: {  	[tilespmem:s2], [sflag:$0x1] =	stream.linear.gather [hbm4b:s5+s2], $0x190, $0x38;
	[tilespmem:$0x3520] =	vst v63  }
0x11: {  	s23 =	sand.u32 $0x1, s2  }
0x12: {  	s25 =	sshrl.u32 s8, $0x3;
	s24 =	sxor.u32 $0x1, s23  }
0x13: {  	p0 =	por $0x1, $0x1;
	_ =	swait.ge [sflag:s10], $0x190;
	s24 =	smul.u32 $0x640, s24  }
0x14: {  	s25 =	sadd.s32 s4, s25;
	s26 =	smul.u32 $0x6400, s23;
	[sflag:s10] =	ssyncset.done $0x0  }
0x15: {  	s28 =	simm.s32 @!p0 $0x3;
	[sflag:s10] =	ssyncadd.s32 $0xFFFFFE70;
	s24 =	sshrl.u32 s24, $0x2  }
0x16: {  	[tilespmem:s24], [sflag:$0x1] =	stream.linear.gather [hbm4b:s25+s2], $0x190, $0x38;
	[tilespmem:$0x3520] =	vst v63  }
0x17: {  	s23 =	smul.u32 $0x640, s23;
	_ =	swait.ge @!p0 [sflag:s28], $0x1900  }
0x18: {  	s0 =	sshrl.u32 s26, $0x2;
	[sflag:s28] =	ssyncset.done @!p0 $0x0  }
0x19: {  	s23 =	sshrl.u32 s23, $0x2;
	s24 =	sadd.s32 $0x320, s0;
	[sflag:s28] =	ssyncadd.s32 @!p0 $0xFFFFE700  }
0x1a: {  	[tilespmem:s24], [sflag:$0x2] =	stream.indirect.gather [hbm4b:s3+s11], $0x10, s23, s11, $0xb8;
	[tilespmem:$0x3520] =	vst v63  }
0x1b: {  	s26 =	sadd.s32 $0x820, s0;
	s28 =	sadd.s32 $0x50, s23  }
0x1c: {  	[tilespmem:s26], [sflag:$0x2] =	stream.indirect.gather [hbm4b:s3+s11], $0x10, s28, s11, $0xb8;
	[tilespmem:$0x3520] =	vst v63  }
0x1d: {  	s1 =	sadd.s32 $0xD20, s0;
	s28 =	sadd.s32 $0xA0, s23  }
0x1e: {  	[tilespmem:s1], [sflag:$0x2] =	stream.indirect.gather [hbm4b:s3+s11], $0x10, s28, s11, $0xb8;
	[tilespmem:$0x3520] =	vst v63  }
0x1f: {  	s31 =	sadd.s32 $0x1220, s0;
	s28 =	sadd.s32 $0xF0, s23  }
0x20: {  	[tilespmem:s31], [sflag:$0x2] =	stream.indirect.gather [hbm4b:s3+s11], $0x10, s28, s11, $0xb8;
	[tilespmem:$0x3520] =	vst v63  }
0x21: {  	s25 =	sadd.s32 $0x1720, s0;
	s23 =	sadd.s32 $0x140, s23  }
0x22: {  	[tilespmem:s25], [sflag:$0x2] =	stream.indirect.gather [hbm4b:s3+s11], $0x10, s23, s11, $0xb8;
	[tilespmem:$0x3520] =	vst v63  }
0x23: {  	_ =	swait.ge [sflag:s12], $0x500  }
0x24: {  	[sflag:s12] =	ssyncset.done $0x0  }
0x25: {  	[sflag:s12] =	ssyncadd.s32 $0xFFFFFB00  }
0x26: {  	_ =	swait.ge [sflag:s12], $0x500  }
0x27: {  	[sflag:s12] =	ssyncset.done $0x0  }
0x28: {  	[sflag:s12] =	ssyncadd.s32 $0xFFFFFB00  }
0x29: {  	_ =	swait.ge [sflag:s12], $0x500  }
0x2a: {  	[sflag:s12] =	ssyncset.done $0x0  }
0x2b: {  	[sflag:s12] =	ssyncadd.s32 $0xFFFFFB00  }
0x2c: {  	s29 =	smov.u32 s9;
	s28 =	simm.s32 $0x1;
	_ =	swait.ge [sflag:s12], $0x500  }
0x2d: {  	s26 =	simm.s32 $0x2;
	s30 =	sand.u32 $0x1, s28;
	[sflag:s12] =	ssyncset.done $0x0  }
0x2e: {  	s23 =	sadd.s32 $0x320, s9;
	s25 =	sadd.s32 $0x190, s8;
	[sflag:s12] =	ssyncadd.s32 $0xFFFFFB00  }
.LBB2_2:
0x2f: {  	s31 =	sxor.u32 $0x1, s30  }
0x30: {  	_ =	swait.ge [sflag:s12], $0x500;
	s0 =	smov.u32 s26;
	s26 =	sadd.s32 $0x1, s26  }
0x31: {  	p0 =	sne.s32 s26, $0x18;
	s31 =	smul.u32 $0x640, s31;
	[sflag:s12] =	ssyncset.done $0x0  }
0x32: {  	s1 =	smul.u32 $0x640, s30;
	[sflag:s12] =	ssyncadd.s32 $0xFFFFFB00  }
0x33: {  	[hbm4b:s29+s2] =	stream.linear.scatter [tilespmem:s24], [sflag:$0x3], $0x1900, $0x38;
	[tilespmem:$0x3520] =	vst v63  }
0x34: {  	p1 =	slt.u32 s28, $0x2;
	s24 =	sshrl.u32 s25, $0x3;
	_ =	swait.ge [sflag:s10], $0x190  }
0x35: {  	s28 =	smul.u32 $0x6400, s30;
	s24 =	sadd.s32 s4, s24;
	[sflag:s10] =	ssyncset.done $0x0  }
0x36: {  	s30 =	simm.s32 @!p1 $0x3;
	s29 =	sshrl.u32 s31, $0x2;
	[sflag:s10] =	ssyncadd.s32 $0xFFFFFE70  }
0x37: {  	[tilespmem:s29], [sflag:$0x1] =	stream.linear.gather [hbm4b:s24+s2], $0x190, $0x38;
	[tilespmem:$0x3520] =	vst v63  }
0x38: {  	s31 =	sshrl.u32 s28, $0x2;
	s28 =	smov.u32 s0;
	_ =	swait.ge @!p1 [sflag:s30], $0x1900  }
0x39: {  	s0 =	sshrl.u32 s1, $0x2;
	s24 =	sadd.s32 $0x320, s31;
	[sflag:s30] =	ssyncset.done @!p1 $0x0  }
0x3a: {  	s29 =	smov.u32 s23;
	[sflag:s30] =	ssyncadd.s32 @!p1 $0xFFFFE700  }
0x3b: {  	[tilespmem:s24], [sflag:$0x2] =	stream.indirect.gather [hbm4b:s3+s11], $0x10, s0, s11, $0xb8;
	[tilespmem:$0x3520] =	vst v63  }
0x3c: {  	s1 =	sadd.s32 $0x820, s31;
	s30 =	sadd.s32 $0x50, s0  }
0x3d: {  	[tilespmem:s1], [sflag:$0x2] =	stream.indirect.gather [hbm4b:s3+s11], $0x10, s30, s11, $0xb8;
	[tilespmem:$0x3520] =	vst v63  }
0x3e: {  	s1 =	sadd.s32 $0xD20, s31;
	s30 =	sadd.s32 $0xA0, s0  }
0x3f: {  	[tilespmem:s1], [sflag:$0x2] =	stream.indirect.gather [hbm4b:s3+s11], $0x10, s30, s11, $0xb8;
	[tilespmem:$0x3520] =	vst v63  }
0x40: {  	s1 =	sadd.s32 $0x1220, s31;
	s30 =	sadd.s32 $0xF0, s0  }
0x41: {  	[tilespmem:s1], [sflag:$0x2] =	stream.indirect.gather [hbm4b:s3+s11], $0x10, s30, s11, $0xb8;
	[tilespmem:$0x3520] =	vst v63  }
0x42: {  	s0 =	sadd.s32 $0x140, s0;
	s1 =	sadd.s32 $0x1720, s31  }
0x43: {  	[tilespmem:s1], [sflag:$0x2] =	stream.indirect.gather [hbm4b:s3+s11], $0x10, s0, s11, $0xb8;
	[tilespmem:$0x3520] =	vst v63  }
0x44: {  	_ =	swait.ge [sflag:s12], $0x500  }
0x45: {  	[sflag:s12] =	ssyncset.done $0x0  }
0x46: {  	[sflag:s12] =	ssyncadd.s32 $0xFFFFFB00  }
0x47: {  	_ =	swait.ge [sflag:s12], $0x500  }
0x48: {  	[sflag:s12] =	ssyncset.done $0x0  }
0x49: {  	[sflag:s12] =	ssyncadd.s32 $0xFFFFFB00  }
0x4a: {  	_ =	swait.ge [sflag:s12], $0x500  }
.Ltmp0:
0x4b: {  	[sflag:s12] =	ssyncset.done $0x0;
	(pc) =	sbr.rel @p0 .LBB2_2-.Ltmp0, $4  }
0x4c: {  	[sflag:s12] =	ssyncadd.s32 $0xFFFFFB00  }
0x4d: {  	_ =	swait.ge [sflag:s12], $0x500  }
0x4e: {  	s23 =	sadd.s32 $0x320, s23;
	[sflag:s12] =	ssyncset.done $0x0  }
0x4f: {  	s25 =	sadd.s32 $0x190, s25;
	s30 =	sand.u32 $0x1, s28;
	[sflag:s12] =	ssyncadd.s32 $0xFFFFFB00  }
0x50: {  	_ =	swait.ge [sflag:s12], $0x500  }
0x51: {  	[sflag:s12] =	ssyncset.done $0x0  }
0x52: {  	s0 =	sxor.u32 $0x1, s30;
	s1 =	sshrl.u32 s25, $0x3;
	[sflag:s12] =	ssyncadd.s32 $0xFFFFFB00  }
0x53: {  	[hbm4b:s29+s2] =	stream.linear.scatter [tilespmem:s24], [sflag:$0x3], $0x1900, $0x38;
	[tilespmem:$0x3520] =	vst v63  }
0x54: {  	p0 =	slt.u32 s28, $0x2;
	s0 =	smul.u32 $0x640, s0;
	_ =	swait.ge [sflag:s10], $0x190  }
0x55: {  	s1 =	sadd.s32 s4, s1;
	s25 =	simm.s32 @!p0 $0x3;
	[sflag:s10] =	ssyncset.done $0x0  }
0x56: {  	s29 =	smul.u32 $0x6400, s30;
	s0 =	sshrl.u32 s0, $0x2;
	[sflag:s10] =	ssyncadd.s32 $0xFFFFFE70  }
0x57: {  	[tilespmem:s0], [sflag:$0x1] =	stream.linear.gather [hbm4b:s1+s2], $0x190, $0x38;
	[tilespmem:$0x3520] =	vst v63  }
0x58: {  	s30 =	smul.u32 $0x640, s30;
	_ =	swait.ge @!p0 [sflag:s25], $0x1900  }
0x59: {  	s1 =	sshrl.u32 s29, $0x2;
	[sflag:s25] =	ssyncset.done @!p0 $0x0  }
0x5a: {  	s0 =	sshrl.u32 s30, $0x2;
	s24 =	sadd.s32 $0x320, s1;
	[sflag:s25] =	ssyncadd.s32 @!p0 $0xFFFFE700  }
0x5b: {  	[tilespmem:s24], [sflag:$0x2] =	stream.indirect.gather [hbm4b:s3+s11], $0x10, s0, s11, $0xb8;
	[tilespmem:$0x3520] =	vst v63  }
0x5c: {  	s31 =	sadd.s32 $0x820, s1;
	s26 =	sadd.s32 $0x50, s0  }
0x5d: {  	[tilespmem:s31], [sflag:$0x2] =	stream.indirect.gather [hbm4b:s3+s11], $0x10, s26, s11, $0xb8;
	[tilespmem:$0x3520] =	vst v63  }
0x5e: {  	s28 =	sadd.s32 $0xD20, s1;
	s29 =	sadd.s32 $0xA0, s0  }
0x5f: {  	[tilespmem:s28], [sflag:$0x2] =	stream.indirect.gather [hbm4b:s3+s11], $0x10, s29, s11, $0xb8;
	[tilespmem:$0x3520] =	vst v63  }
0x60: {  	s30 =	sadd.s32 $0x1220, s1;
	s31 =	sadd.s32 $0xF0, s0  }
0x61: {  	[tilespmem:s30], [sflag:$0x2] =	stream.indirect.gather [hbm4b:s3+s11], $0x10, s31, s11, $0xb8;
	[tilespmem:$0x3520] =	vst v63  }
0x62: {  	s1 =	sadd.s32 $0x1720, s1;
	s0 =	sadd.s32 $0x140, s0  }
0x63: {  	[tilespmem:s1], [sflag:$0x2] =	stream.indirect.gather [hbm4b:s3+s11], $0x10, s0, s11, $0xb8;
	[tilespmem:$0x3520] =	vst v63  }
0x64: {  	_ =	swait.ge [sflag:s12], $0x500  }
0x65: {  	[sflag:s12] =	ssyncset.done $0x0  }
0x66: {  	[sflag:s12] =	ssyncadd.s32 $0xFFFFFB00  }
0x67: {  	_ =	swait.ge [sflag:s12], $0x500  }
0x68: {  	[sflag:s12] =	ssyncset.done $0x0  }
0x69: {  	[sflag:s12] =	ssyncadd.s32 $0xFFFFFB00  }
0x6a: {  	_ =	swait.ge [sflag:s12], $0x500  }
0x6b: {  	[sflag:s12] =	ssyncset.done $0x0  }
0x6c: {  	[sflag:s12] =	ssyncadd.s32 $0xFFFFFB00  }
0x6d: {  	_ =	swait.ge [sflag:s12], $0x500  }
0x6e: {  	[sflag:s12] =	ssyncset.done $0x0  }
0x6f: {  	[sflag:s12] =	ssyncadd.s32 $0xFFFFFB00  }
0x70: {  	_ =	swait.ge [sflag:s12], $0x500  }
0x71: {  	[sflag:s12] =	ssyncset.done $0x0  }
0x72: {  	[sflag:s12] =	ssyncadd.s32 $0xFFFFFB00  }
0x73: {  	[hbm4b:s23+s2] =	stream.linear.scatter [tilespmem:s24], [sflag:$0x3], $0x1900, $0x38;
	[tilespmem:$0x3520] =	vst v63  }
0x74: {  	_ =	swait.ge [sflag:s10], $0x190  }
0x75: {  	[sflag:s10] =	ssyncset.done $0x0  }
0x76: {  	[sflag:s10] =	ssyncadd.s32 $0xFFFFFE70  }
0x77: {  	_ =	swait.ge [sflag:s13], $0x1900  }
0x78: {  	[sflag:s13] =	ssyncset.done $0x0  }
0x79: {  	[sflag:s13] =	ssyncadd.s32 $0xFFFFE700  }
0x7a: {  	[tilespmem:s14], [sflag:$0x2] =	stream.indirect.gather [hbm4b:s3+s11], $0x10, s2, s11, $0xb8;
	[tilespmem:$0x3520] =	vst v63  }
0x7b: {  	_ = 	snop  }
0x7c: {  	[tilespmem:s15], [sflag:$0x2] =	stream.indirect.gather [hbm4b:s3+s11], $0x10, s11, s11, $0xb8;
	[tilespmem:$0x3520] =	vst v63  }
0x7d: {  	_ = 	snop  }
0x7e: {  	[tilespmem:s17], [sflag:$0x2] =	stream.indirect.gather [hbm4b:s3+s11], $0x10, s16, s11, $0xb8;
	[tilespmem:$0x3520] =	vst v63  }
0x7f: {  	_ = 	snop  }
0x80: {  	[tilespmem:s19], [sflag:$0x2] =	stream.indirect.gather [hbm4b:s3+s11], $0x10, s18, s11, $0xb8;
	[tilespmem:$0x3520] =	vst v63  }
0x81: {  	_ = 	snop  }
0x82: {  	[tilespmem:s21], [sflag:$0x2] =	stream.indirect.gather [hbm4b:s3+s11], $0x10, s20, s11, $0xb8;
	[tilespmem:$0x3520] =	vst v63  }
0x83: {  	_ =	swait.ge [sflag:s12], $0x500  }
0x84: {  	[sflag:s12] =	ssyncset.done $0x0  }
0x85: {  	[sflag:s12] =	ssyncadd.s32 $0xFFFFFB00  }
0x86: {  	_ =	swait.ge [sflag:s12], $0x500  }
0x87: {  	[sflag:s12] =	ssyncset.done $0x0  }
0x88: {  	[sflag:s12] =	ssyncadd.s32 $0xFFFFFB00  }
0x89: {  	_ =	swait.ge [sflag:s12], $0x500  }
0x8a: {  	[sflag:s12] =	ssyncset.done $0x0  }
0x8b: {  	[sflag:s12] =	ssyncadd.s32 $0xFFFFFB00  }
0x8c: {  	_ =	swait.ge [sflag:s12], $0x500  }
0x8d: {  	[sflag:s12] =	ssyncset.done $0x0  }
0x8e: {  	[sflag:s12] =	ssyncadd.s32 $0xFFFFFB00  }
0x8f: {  	_ =	swait.ge [sflag:s12], $0x500  }
0x90: {  	[sflag:s12] =	ssyncset.done $0x0  }
0x91: {  	s22 =	sadd.s32 $0x1, s22;
	[sflag:s12] =	ssyncadd.s32 $0xFFFFFB00  }
0x92: {  	[hbm4b:s7+s2] =	stream.linear.scatter [tilespmem:s14], [sflag:$0x3], $0x1900, $0x38;
	[tilespmem:$0x3520] =	vst v63  }
0x93: {  	p0 =	sne.s32 s22, s6;
	_ =	swait.ge [sflag:s13], $0x1900  }
.Ltmp1:
0x94: {  	[sflag:s13] =	ssyncset.done $0x0;
	(pc) =	sbr.rel @p0 .LBB2_1-.Ltmp1, $4  }
0x95: {  	[sflag:s13] =	ssyncadd.s32 $0xFFFFE700  }
0x96: {  	_ =	swait.ge [sflag:s13], $0x1900  }
0x97: {  	[sflag:s13] =	ssyncset.done $0x0  }
0x98: {  	[sflag:s13] =	ssyncadd.s32 $0xFFFFE700  }
0x99: {  	_ =	sfence.sel $0x180000  }
0x9a: {  	[bflag:$0x0] =	sbarrier.arrive $0xFFFF  }
0x9b: {  	_ =	strace $0x90000062  }
0x9c: {  	s0 =	stileid.u32;
	[bflag:$0x2] =	sbarrier.arrive $0xFFFF  }
0x9d: {  	p0 =	sne.s32 s0, $0x0;
	s0 =	rddreg [dreg:$0x1]  }
0x9e: {  	s0 =	sadd.s32 @!p0 $0x100000, s0  }
0x9f: {  	[sflag:s0] =	ssyncadd.tile.s32 @!p0 $0x1;
	_ =	shalt  }
.Lfunc_end2:
_tile_overlayer_lowered:
.L_overlay_start_2:
0xa0: {  	(tag) =	ssettag $0x2  }
0xa1: {  	s0 =	rddreg [dreg:$0x0];
	s2 =	stileid.u32  }
0xa2: {  	s1 =	rddreg [dreg:$0x1];
	p0 =	sne.s32 s2, $0x0  }
0xa3: {  	s3 =	rddreg [dreg:$0x2];
	[bflag:$0x3] =	sbarrier.arrive $0xFFFF;
	s2 =	simm.s32 @!p0 $0x1C04  }
0xa4: {  	[timem:s3], [sflag:s2] =	dma.local @!p0 [hbm:s0], s1  }
0xa5: {  	s0 =	simm.s32 @!p0 $0x4  }
0xa6: {  	_ =	swait.ge @!p0 [sflag:s0], s1  }
0xa7: {  	s1 =	ssub.s32 @!p0 $0x0, s1;
	[sflag:s0] =	ssyncset.done @!p0 $0x0  }
0xa8: {  	[sflag:s0] =	ssyncadd.s32 @!p0 s1  }
0xa9: {  	[bflag:$0x3] =	sbarrier.arrive $0xFFFF  }
0xaa: {  	_ =	shalt  }

// kernel: kernel.30.cloned.1.call-start
scs
__scs_entry_jumppad:
0x0: {  	(pc) =	sbr.rel $0x88, $3  }
0x1: {  	(tag) =	ssettag $0x0;
	lr =	simm.s32 $0x1  }
0x2: {  	[smem:$0x3F76] =	sst lr;
	_ =	strace $0xD0000000  }
0x3: {  	_ = 	snop  }
0x4: {  	_ = 	snop  }
0x5: {  	_ = 	snop  }
0x6: {  	_ = 	snop  }
0x7: {  	_ = 	snop  }
__scs_overlays_trampoline_lowered:
0x8: {  	[smem:$0x3F85] =	sst s0  }
0x9: {  	[smem:$0x3F86] =	sst s1  }
0xa: {  	[smem:$0x3F87] =	sst s2  }
0xb: {  	[smem:$0x3F88] =	sst s3  }
0xc: {  	[smem:$0x3F89] =	sst s4  }
0xd: {  	[smem:$0x3F8A] =	sst s5  }
0xe: {  	[smem:$0x3F8B] =	sst s6  }
0xf: {  	[smem:$0x3F8C] =	sst s7  }
0x10: {  	[smem:$0x3F8D] =	sst s8  }
0x11: {  	[smem:$0x3F8E] =	sst s9;
	s0 =	simm.s32 @!p0 $0x0  }
0x12: {  	s1 =	sld [smem:$0x3F74];
	s0 =	simm.s32 @p0 $0x1  }
0x13: {  	[smem:$0x3F8F] =	sst s0;
	s0 =	simm.s32 @!p1 $0x0  }
0x14: {  	s2 =	sld [smem:$0x3F73];
	s0 =	simm.s32 @p1 $0x1  }
0x15: {  	[smem:$0x3F90] =	sst s0;
	s0 =	simm.s32 @!p2 $0x0  }
0x16: {  	s3 =	sld [smem:$0x3FDB];
	s0 =	simm.s32 @p2 $0x1  }
0x17: {  	s4 =	simm.s32 $0x1BF5;
	[smem:$0x3F92] =	sst s0  }
0x18: {  	s0 =	sld [smem:$0x3F75];
	_ =	swait.ge [sflag:s4], $0x0  }
0x19: {  	s7 =	sld [smem:$0x3F76]  }
0x1a: {  	s8 =	sadd.s32 $0xFFFFE003, lr  }
0x1b: {  	s9 =	sadd.s32 $0xFFFFFEF7, lr;
	s5 =	simm.s32 $0xFFFFFFFF;
	p2 =	slt.u32 s8, $0xFFFFF086  }
0x1c: {  	p1 =	slt.u32 s9, $0xF7A;
	s5 =	simm.s32 @!p2 $0x0  }
0x1d: {  	s5 =	simm.s32 @p1 $0x1;
	p0 =	seq.s32 s7, s2  }
0x1e: {  	s7 =	smul.u32 @!p0 $0xF7A, s2;
	p2 =	seq.s32 @!p0 s5, $0x0  }
0x1f: {  	s9 =	smul.u32 $0xF7A, s1;
	s8 =	simm.s32 @!p0 $0x1BF5;
	p2 =	por !p2, p0  }
0x20: {  	[sflag:s8] =	ssyncset.s32 @!p0 $0xFFFFF086;
	s6 =	sadd.s32 @!p0 s3, s7;
	s7 =	simm.s32 @!p0 $0x108  }
0x21: {  	s3 =	sadd.s32 s3, s9;
	s6 =	sadd.s32 @!p0 $0x88, s6;
	s7 =	simm.s32 @p2 $0x1082  }
0x22: {  	[simem:s7], [sflag:s8] =	dma.local @!p0 [hbm:s6], $0xF7A  }
0x23: {  	s9 =	sor.u32 $0xD0000000, s2;
	s6 =	simm.s32 $0x108;
	_ =	swait.ge @!p0 [sflag:s8], $0x0  }
0x24: {  	s3 =	sadd.s32 $0x88, s3;
	s6 =	simm.s32 @!p1 $0x1082;
	[sflag:s4] =	ssyncset.s32 $0xFFFFF086  }
0x25: {  	[simem:s6], [sflag:s4] =	dma.local [hbm:s3], $0xF7A  }
0x26: {  	[smem:$0x3F76] =	sst s1;
	(tag) =	ssettag s2;
	_ =	strace s9  }
0x27: {  	s1 =	sld [smem:$0x3F86]  }
0x28: {  	s2 =	sld [smem:$0x3F87]  }
0x29: {  	s4 =	sld [smem:$0x3F89]  }
0x2a: {  	p0 =	seq.s32 s5, $0x0;
	s5 =	sld [smem:$0x3F8A]  }
0x2b: {  	s6 =	sld [smem:$0x3F8B]  }
0x2c: {  	s7 =	sld [smem:$0x3F8C]  }
0x2d: {  	s3 =	simm.s32 $0x108;
	s8 =	sld [smem:$0x3F8D]  }
0x2e: {  	s3 =	simm.s32 @!p0 $0x1082;
	s9 =	sld [smem:$0x3F8E]  }
0x2f: {  	lr =	sadd.s32 s0, s3;
	s0 =	sld [smem:$0x3F85]  }
0x30: {  	s3 =	sld [smem:$0x3F88]  }
0x31: {  	[smem:$0x3F91] =	sst s10  }
0x32: {  	s10 =	sld [smem:$0x3F8F];
	_ =	sdelay $0x3  }
0x33: {  	p0 =	seq.s32 s10, $0x1;
	s10 =	sld [smem:$0x3F91];
	_ =	sdelay $0x3  }
0x34: {  	[smem:$0x3F91] =	sst s10  }
0x35: {  	s10 =	sld [smem:$0x3F90];
	_ =	sdelay $0x3  }
0x36: {  	p1 =	seq.s32 s10, $0x1;
	s10 =	sld [smem:$0x3F91];
	_ =	sdelay $0x3  }
0x37: {  	[smem:$0x3F91] =	sst s10  }
0x38: {  	s10 =	sld [smem:$0x3F92]  }
0x39: {  	_ = 	snop;
	(pc) =	sbr.ind lr, $3  }
0x3a: {  	_ = 	snop  }
0x3b: {  	_ = 	snop  }
0x3c: {  	p2 =	seq.s32 s10, $0x1;
	s10 =	sld [smem:$0x3F91]  }
0x3d: {  	_ =	shalt  }
0x3e: {  	_ =	shalt  }
0x3f: {  	_ =	shalt  }
0x40: {  	_ =	shalt  }
0x41: {  	_ =	shalt  }
0x42: {  	_ =	shalt  }
0x43: {  	_ =	shalt  }
0x44: {  	_ =	shalt  }
0x45: {  	_ =	shalt  }
0x46: {  	_ =	shalt  }
0x47: {  	_ =	shalt  }
0x48: {  	_ =	shalt  }
0x49: {  	_ =	shalt  }
0x4a: {  	_ =	shalt  }
0x4b: {  	_ =	shalt  }
0x4c: {  	_ =	shalt  }
0x4d: {  	_ =	shalt  }
0x4e: {  	_ =	shalt  }
0x4f: {  	_ =	shalt  }
0x50: {  	_ =	shalt  }
0x51: {  	_ =	shalt  }
0x52: {  	_ =	shalt  }
0x53: {  	_ =	shalt  }
0x54: {  	_ =	shalt  }
0x55: {  	_ =	shalt  }
0x56: {  	_ =	shalt  }
0x57: {  	_ =	shalt  }
0x58: {  	_ =	shalt  }
0x59: {  	_ =	shalt  }
0x5a: {  	_ =	shalt  }
0x5b: {  	_ =	shalt  }
0x5c: {  	_ =	shalt  }
0x5d: {  	_ =	shalt  }
0x5e: {  	_ =	shalt  }
0x5f: {  	_ =	shalt  }
0x60: {  	_ =	shalt  }
0x61: {  	_ =	shalt  }
0x62: {  	_ =	shalt  }
0x63: {  	_ =	shalt  }
0x64: {  	_ =	shalt  }
0x65: {  	_ =	shalt  }
0x66: {  	_ =	shalt  }
0x67: {  	_ =	shalt  }
0x68: {  	_ =	shalt  }
0x69: {  	_ =	shalt  }
0x6a: {  	_ =	shalt  }
0x6b: {  	_ =	shalt  }
0x6c: {  	_ =	shalt  }
0x6d: {  	_ =	shalt  }
0x6e: {  	_ =	shalt  }
0x6f: {  	_ =	shalt  }
0x70: {  	_ =	shalt  }
0x71: {  	_ =	shalt  }
0x72: {  	_ =	shalt  }
0x73: {  	_ =	shalt  }
0x74: {  	_ =	shalt  }
0x75: {  	_ =	shalt  }
0x76: {  	_ =	shalt  }
0x77: {  	_ =	shalt  }
0x78: {  	_ =	shalt  }
0x79: {  	_ =	shalt  }
0x7a: {  	_ =	shalt  }
0x7b: {  	_ =	shalt  }
0x7c: {  	_ =	shalt  }
0x7d: {  	_ =	shalt  }
0x7e: {  	_ =	shalt  }
0x7f: {  	_ =	shalt  }
0x80: {  	_ =	shalt  }
0x81: {  	_ =	shalt  }
0x82: {  	_ =	shalt  }
0x83: {  	_ =	shalt  }
0x84: {  	_ =	shalt  }
0x85: {  	_ =	shalt  }
0x86: {  	_ =	shalt  }
0x87: {  	_ =	shalt  }
.Lfunc_end0:
.L_simem_size_0:
called_computation.10_lowered:
.L_overlay_start_0:
0x88: {  	s2 =	sld [smem:$0x3FD9]  }
0x89: {  	s3 =	sld [smem:$0x3FFE];
	_ =	sdelay $0x1  }
0x8a: {  	s1 =	srdreg.scid  }
0x8b: {  	s0 =	sand.u32 $0x1, s1  }
0x8c: {  	s16 =	sshll.u32 s0, $0xA;
	s2 =	sadd.s32 s3, s2  }
0x8d: {  	s2 =	sadd.s32 s2, s16  }
0x8e: {  	[smem:$0x3F9D] =	sst s2  }
0x8f: {  	_ = 	snop  }
0x90: {  	(tm) =	ssettm $0x1  }
0x91: {  	s17 =	sld [smem:$0x3FFB];
	_ =	sdelay $0x3  }
0x92: {  	_ =	strace s17  }
0x93: {  	s2 =	sld [smem:$0x3FFC];
	_ =	sdelay $0x3  }
0x94: {  	_ =	strace s2  }
0x95: {  	s2 =	sld [smem:$0x3FFD];
	_ =	sdelay $0x3  }
0x96: {  	_ =	strace s2  }
0x97: {  	_ =	strace $0x8FFFFFFF  }
0x98: {  	s18 =	sld [smem:$0x3FDB];
	_ =	sdelay $0x1  }
0x99: {  	s19 =	simm.s32 $_scs_section_size  }
0x9a: {  	s4 =	simm.s32 $_size__tile_overlayer_lowered;
	s5 =	simm.s32 $_tile_overlayer_lowered  }
0x9b: {  	s22 =	simm.s32 $0x1BFF;
	s21 =	sshll.u32 s5, $0x1;
	s2 =	sadd.s32 s19, s18  }
0x9c: {  	s6 =	simm.s32 $0x0;
	s20 =	sshll.u32 s4, $0x1;
	s4 =	sadd.s32 s21, s2  }
0x9d: {  	[timem:s6], [sflag:s22] =	dma.local [hbm:s4], s20  }
0x9e: {  	_ =	swait.ge [sflag:s22], s20  }
0x9f: {  	s3 =	ssub.s32 $0x0, s20;
	[sflag:s22] =	ssyncset.done $0x0  }
0xa0: {  	[sflag:s22] =	ssyncadd.s32 s3;
	_ =	sdelay $0x1  }
0xa1: {  	s23 =	simm.s32 $0x1B8B  }
0xa2: {  	_ =	swait.ge [sflag:s23], $0x1  }
0xa3: {  	[sflag:s23] =	ssyncset.done $0x0  }
0xa4: {  	s25 =	simm.s32 $0x1B8E;
	s24 =	sld [smem:$0x3FFE];
	[sflag:s23] =	ssyncadd.s32 $0xFFFFFFFF  }
0xa5: {  	s26 =	simm.s32 $execute0_lowered;
	[smem:$0x3FD2] =	sst s25  }
0xa6: {  	s4 =	sshll.u32 s26, $0x1;
	_ =	strace $0x80000064;
	[dreg:$0x1] =	wrdreg $0xFFFFFFFF  }
0xa7: {  	s28 =	simm.s32 $_size_execute0_lowered;
	s2 =	sadd.s32 s2, s4;
	[dreg:$0x0] =	wrdreg $0x0  }
0xa8: {  	s4 =	sshll.u32 s28, $0x1;
	[dreg:$0x2] =	wrdreg s2  }
0xa9: {  	[dreg:$0x3] =	wrdreg s4  }
0xaa: {  	[dreg:$0x4] =	wrdreg $0xC0  }
0xab: {  	_ =	task [dreg:s6], $0x5FFFF  }
0xac: {  	[dreg:$0x1] =	wrdreg $0xFFFFFFFF  }
0xad: {  	[dreg:$0x0] =	wrdreg $0x60  }
0xae: {  	[dreg:$0x2] =	wrdreg s24  }
0xaf: {  	[dreg:$0x3] =	wrdreg $0x35200  }
0xb0: {  	[dreg:$0x4] =	wrdreg $0x9  }
0xb1: {  	_ =	task.clear_ibuf [dreg:s6], $0x5FFFF;
	_ =	strace $0x90000064  }
0xb2: {  	s29 =	simm.s32 $0x9;
	_ =	strace $0x80000066  }
0xb3: {  	_ =	swait.ge [sflag:s29], $0x1  }
0xb4: {  	[sflag:s29] =	ssyncadd.s32 $0xFFFFFFFF  }
0xb5: {  	_ =	strace $0x90000066  }
0xb6: {  	_ =	sfence  }
0xb7: {  	s30 =	sld [smem:$0x0];
	_ =	sdelay $0x2  }
0xb8: {  	s31 =	sshll.u32 s1, $0xD;
	s1 =	sshrl.u32 s1, $0x2  }
0xb9: {  	s3 =	sand.u32 $0x4000, s31;
	s1 =	sadd.s32 s1, s30  }
0xba: {  	s0 =	sor.u32 s3, s0;
	s1 =	sshll.u32 s1, $0x11  }
0xbb: {  	s0 =	sor.u32 s1, s0  }
0xbc: {  	s0 =	sadd.s32 $0x8F2B, s0  }
0xbd: {  	[sflag:s0] =	ssyncadd.remote.s32 $0x1  }
0xbe: {  	_ =	sfence.sel $0xFFFF  }
0xbf: {  	[dreg:$0x0] =	wrdreg $0xFFFFFFFF;
	(pc) =	sbr.abs _section_cstart, $3  }
0xc0: {  	[dreg:$0x1] =	wrdreg $0xFFFFFFFF  }
0xc1: {  	_ =	task.clear_ibuf [dreg:s6], $0x2FFFF;
	_ =	strace $0x9FFFFFFF  }
0xc2: {  	(tm) =	ssettm $0x7FFFFFFF  }
0xc3: {  	_ =	shalt  }
tec
execute0_lowered:
.L_overlay_start_1:
0x0: {  	(tag) =	ssettag $0x1  }
0x1: {  	s0 =	rddreg [dreg:$0x0]  }
0x2: {  	s1 =	rddreg [dreg:$0x1];
	s3 =	simm.s32 $0x0;
	s4 =	srdreg.scid  }
0x3: {  	s2 =	stileid.u32;
	s17 =	simm.s32 $0x1;
	s18 =	simm.s32 $0x2  }
0x4: {  	s19 =	simm.s32 $0x50;
	s20 =	simm.s32 $0x3;
	s8 =	smul.u32 $0x2800, s2  }
0x5: {  	s28 =	simm.s32 $0x1720;
	s29 =	simm.s32 $0x0;
	s13 =	smul.u32 $0x4E20, s2  }
0x6: {  	[smem:$0x7FF] =	sst s3;
	s7 =	sand.u32 $0x1, s4;
	s16 =	smul.u32 $0x4E200, s2  }
0x7: {  	s22 =	sshll.u32 s2, $0x1;
	s4 =	sadd.s32 $0xD4600, s0;
	s9 =	smul.u32 $0x28000, s7  }
0x8: {  	s5 =	sadd.s32 $0x2E400, s0;
	s6 =	sadd.s32 $0x20200, s0;
	s14 =	smul.u32 $0x2710, s7  }
0x9: {  	s24 =	sshll.u32 s2, $0x6;
	s10 =	sor.u32 s7, s22;
	s26 =	smul.u32 $0x27100, s7  }
0xa: {  	_ =	strace $0x80000065;
	s12 =	ssub.s32 $0x2, s7;
	s11 =	smul.u32 $0x2710, s10  }
0xb: {  	s7 =	sor.u32 $0x1C04, s24;
	s10 =	smul.u32 $0x4E20, s10;
	s23 =	sshrl.u32 s12, $0x1  }
0xc: {  	s15 =	sadd.s32 s8, s1;
	s9 =	sadd.s32 s8, s9;
	s12 =	ssub.s32 s12, s23  }
0xd: {  	s30 =	sadd.s32 s14, s13;
	s31 =	sadd.s32 s26, s16;
	s14 =	sshrl.u32 s15, $0x3  }
0xe: {  	s15 =	simm.s32 $0x4;
	s16 =	simm.s32 $0x320;
	s26 =	simm.s32 $0x140  }
0xf: {  	s9 =	sshrl.u32 s9, $0x3;
	s25 =	sshrl.u32 s11, $0x3;
	s11 =	smax.u32 s12, $0x1  }
0x10: {  	s12 =	sadd.s32 $0x190, s30;
	s0 =	sadd.s32 s9, s0;
	s8 =	sadd.s32 s5, s25  }
0x11: {  	s9 =	sadd.s32 s4, s10;
	s10 =	sadd.s32 $0x20800, s0;
	s0 =	sadd.s32 $0x1900, s31  }
.LBB2_1:
0x12: {  	[spmem:s14], [sflag:s7] =	dma.local [hbm:s6], $0x500  }
0x13: {  	_ =	swait.ge [sflag:s15], $0x500  }
0x14: {  	[sflag:s15] =	ssyncset.done $0x0  }
0x15: {  	[sflag:s15] =	ssyncadd.s32 $0xFFFFFB00  }
0x16: {  	[bflag:$0x0] =	sbarrier.arrive $0xFFFF  }
0x17: {  	[tilespmem:s3], [sflag:$0x1] =	stream.linear.gather [hbm4b:s8+s3], $0x190, $0x38;
	[tilespmem:$0x5D20] =	vst v63  }
0x18: {  	_ = 	snop  }
0x19: {  	[tilespmem:s16], [sflag:$0x2] =	stream.linear.gather [hbm4b:s9+s3], $0x1900, $0x38;
	[tilespmem:$0x5D20] =	vst v63  }
0x1a: {  	s13 =	sand.u32 $0x1, s3;
	_ =	swait.ge [sflag:s17], $0x190  }
0x1b: {  	s30 =	sxor.u32 $0x1, s13;
	s31 =	smul.u32 $0x6400, s13;
	[sflag:s17] =	ssyncset.done $0x0  }
0x1c: {  	s2 =	sshrl.u32 s12, $0x3;
	s21 =	smul.u32 $0x640, s30;
	[sflag:s17] =	ssyncadd.s32 $0xFFFFFE70  }
0x1d: {  	s22 =	sshrl.u32 s0, $0x3;
	s30 =	smul.u32 $0x6400, s30;
	_ =	swait.ge [sflag:s18], $0x1900  }
0x1e: {  	s22 =	sadd.s32 s4, s22;
	s2 =	sadd.s32 s5, s2;
	[sflag:s18] =	ssyncset.done $0x0  }
0x1f: {  	s21 =	sshrl.u32 s21, $0x2;
	s30 =	sshrl.u32 s30, $0x2;
	[sflag:s18] =	ssyncadd.s32 $0xFFFFE700  }
0x20: {  	[tilespmem:s21], [sflag:$0x1] =	stream.linear.gather [hbm4b:s2+s3], $0x190, $0x38;
	[tilespmem:$0x5D20] =	vst v63  }
0x21: {  	s13 =	smul.u32 $0x640, s13;
	s25 =	sadd.s32 $0x320, s30;
	s2 =	sshrl.u32 s31, $0x2  }
0x22: {  	[tilespmem:s25], [sflag:$0x2] =	stream.linear.gather [hbm4b:s22+s3], $0x1900, $0x38;
	[tilespmem:$0x5D20] =	vst v63  }
0x23: {  	s13 =	sshrl.u32 s13, $0x2;
	s23 =	sadd.s32 $0x320, s2  }
0x24: {  	[spmem:s1] =	stream.indirect.scatter.add.f32 [tilespmem:s23], [sflag:$0x3], $0x10, s13, s19, $0xb8;
	[tilespmem:$0x5D20] =	vst v63  }
0x25: {  	s24 =	sadd.s32 $0x820, s2;
	s25 =	sadd.s32 $0x50, s13  }
0x26: {  	[spmem:s1] =	stream.indirect.scatter.add.f32 [tilespmem:s24], [sflag:$0x3], $0x10, s25, s19, $0xb8;
	[tilespmem:$0x5D20] =	vst v63  }
0x27: {  	s22 =	sadd.s32 $0xD20, s2;
	s23 =	sadd.s32 $0xA0, s13  }
0x28: {  	[spmem:s1] =	stream.indirect.scatter.add.f32 [tilespmem:s22], [sflag:$0x3], $0x10, s23, s19, $0xb8;
	[tilespmem:$0x5D20] =	vst v63  }
0x29: {  	s24 =	sadd.s32 $0x1220, s2;
	s25 =	sadd.s32 $0xF0, s13  }
0x2a: {  	[spmem:s1] =	stream.indirect.scatter.add.f32 [tilespmem:s24], [sflag:$0x3], $0x10, s25, s19, $0xb8;
	[tilespmem:$0x5D20] =	vst v63  }
0x2b: {  	s2 =	sadd.s32 $0x1720, s2;
	s13 =	sadd.s32 $0x140, s13  }
0x2c: {  	[spmem:s1] =	stream.indirect.scatter.add.f32 [tilespmem:s2], [sflag:$0x3], $0x10, s13, s19, $0xb8;
	[tilespmem:$0x5D20] =	vst v63  }
0x2d: {  	_ =	swait.ge [sflag:s20], $0x500  }
0x2e: {  	[sflag:s20] =	ssyncset.done $0x0  }
0x2f: {  	[sflag:s20] =	ssyncadd.s32 $0xFFFFFB00  }
0x30: {  	_ =	swait.ge [sflag:s20], $0x500  }
0x31: {  	[sflag:s20] =	ssyncset.done $0x0  }
0x32: {  	[sflag:s20] =	ssyncadd.s32 $0xFFFFFB00  }
0x33: {  	_ =	swait.ge [sflag:s20], $0x500  }
0x34: {  	[sflag:s20] =	ssyncset.done $0x0  }
0x35: {  	[sflag:s20] =	ssyncadd.s32 $0xFFFFFB00  }
0x36: {  	_ =	swait.ge [sflag:s20], $0x500  }
0x37: {  	[sflag:s20] =	ssyncset.done $0x0  }
0x38: {  	s30 =	simm.s32 $0x1;
	[sflag:s20] =	ssyncadd.s32 $0xFFFFFB00  }
0x39: {  	s31 =	smov.u32 s12;
	s13 =	smov.u32 s0;
	_ =	swait.ge [sflag:s20], $0x500  }
.LBB2_2:
0x3a: {  	[sflag:s20] =	ssyncset.done $0x0;
	s31 =	sadd.s32 $0x190, s31;
	s13 =	sadd.s32 $0x1900, s13  }
0x3b: {  	p0 =	sne.s32 s30, $0x17;
	s2 =	sshrl.u32 s31, $0x3;
	[sflag:s20] =	ssyncadd.s32 $0xFFFFFB00  }
0x3c: {  	s21 =	sand.u32 $0x1, s30;
	s22 =	sshrl.u32 s13, $0x3;
	_ =	swait.ge [sflag:s17], $0x190  }
0x3d: {  	s23 =	sxor.u32 $0x1, s21;
	s24 =	smul.u32 $0x6400, s21;
	[sflag:s17] =	ssyncset.done $0x0  }
0x3e: {  	s25 =	smul.u32 $0x640, s23;
	s22 =	sadd.s32 s4, s22;
	[sflag:s17] =	ssyncadd.s32 $0xFFFFFE70  }
0x3f: {  	s23 =	smul.u32 $0x6400, s23;
	s24 =	sshrl.u32 s24, $0x2;
	_ =	swait.ge [sflag:s18], $0x1900  }
0x40: {  	s2 =	sadd.s32 s5, s2;
	s25 =	sshrl.u32 s25, $0x2;
	[sflag:s18] =	ssyncset.done $0x0  }
0x41: {  	s21 =	smul.u32 $0x640, s21;
	s23 =	sshrl.u32 s23, $0x2;
	[sflag:s18] =	ssyncadd.s32 $0xFFFFE700  }
0x42: {  	[tilespmem:s25], [sflag:$0x1] =	stream.linear.gather [hbm4b:s2+s3], $0x190, $0x38;
	[tilespmem:$0x5D20] =	vst v63  }
0x43: {  	s21 =	sshrl.u32 s21, $0x2;
	s2 =	sadd.s32 $0x320, s23;
	s23 =	sadd.s32 $0x320, s24  }
0x44: {  	[tilespmem:s2], [sflag:$0x2] =	stream.linear.gather [hbm4b:s22+s3], $0x1900, $0x38;
	[tilespmem:$0x5D20] =	vst v63  }
0x45: {  	s30 =	sadd.s32 $0x1, s30;
	s2 =	sadd.s32 $0x820, s24;
	s22 =	sadd.s32 $0x50, s21  }
0x46: {  	[spmem:s1] =	stream.indirect.scatter.add.f32 [tilespmem:s23], [sflag:$0x3], $0x10, s21, s19, $0xb8;
	[tilespmem:$0x5D20] =	vst v63  }
0x47: {  	s25 =	sadd.s32 $0xA0, s21;
	s23 =	sadd.s32 $0xD20, s24  }
0x48: {  	[spmem:s1] =	stream.indirect.scatter.add.f32 [tilespmem:s2], [sflag:$0x3], $0x10, s22, s19, $0xb8;
	[tilespmem:$0x5D20] =	vst v63  }
0x49: {  	s2 =	sadd.s32 $0x1220, s24;
	s22 =	sadd.s32 $0xF0, s21  }
0x4a: {  	[spmem:s1] =	stream.indirect.scatter.add.f32 [tilespmem:s23], [sflag:$0x3], $0x10, s25, s19, $0xb8;
	[tilespmem:$0x5D20] =	vst v63  }
0x4b: {  	s21 =	sadd.s32 $0x140, s21;
	s23 =	sadd.s32 $0x1720, s24  }
0x4c: {  	[spmem:s1] =	stream.indirect.scatter.add.f32 [tilespmem:s2], [sflag:$0x3], $0x10, s22, s19, $0xb8;
	[tilespmem:$0x5D20] =	vst v63  }
0x4d: {  	_ = 	snop  }
0x4e: {  	[spmem:s1] =	stream.indirect.scatter.add.f32 [tilespmem:s23], [sflag:$0x3], $0x10, s21, s19, $0xb8;
	[tilespmem:$0x5D20] =	vst v63  }
0x4f: {  	_ =	swait.ge [sflag:s20], $0x500  }
0x50: {  	[sflag:s20] =	ssyncset.done $0x0  }
0x51: {  	[sflag:s20] =	ssyncadd.s32 $0xFFFFFB00  }
0x52: {  	_ =	swait.ge [sflag:s20], $0x500  }
0x53: {  	[sflag:s20] =	ssyncset.done $0x0  }
0x54: {  	[sflag:s20] =	ssyncadd.s32 $0xFFFFFB00  }
0x55: {  	_ =	swait.ge [sflag:s20], $0x500  }
0x56: {  	[sflag:s20] =	ssyncset.done $0x0  }
.Ltmp0:
0x57: {  	[sflag:s20] =	ssyncadd.s32 $0xFFFFFB00;
	(pc) =	sbr.rel @p0 .LBB2_2-.Ltmp0, $4  }
0x58: {  	_ =	swait.ge [sflag:s20], $0x500  }
0x59: {  	[sflag:s20] =	ssyncset.done $0x0  }
0x5a: {  	[sflag:s20] =	ssyncadd.s32 $0xFFFFFB00  }
0x5b: {  	_ =	swait.ge [sflag:s20], $0x500  }
0x5c: {  	[sflag:s20] =	ssyncset.done $0x0  }
0x5d: {  	[sflag:s20] =	ssyncadd.s32 $0xFFFFFB00  }
0x5e: {  	_ =	swait.ge [sflag:s17], $0x190  }
0x5f: {  	[sflag:s17] =	ssyncset.done $0x0  }
0x60: {  	[sflag:s17] =	ssyncadd.s32 $0xFFFFFE70  }
0x61: {  	_ =	swait.ge [sflag:s18], $0x1900  }
0x62: {  	[sflag:s18] =	ssyncset.done $0x0  }
0x63: {  	[sflag:s18] =	ssyncadd.s32 $0xFFFFE700  }
0x64: {  	[spmem:s1] =	stream.indirect.scatter.add.f32 [tilespmem:s16], [sflag:$0x3], $0x10, s3, s19, $0xb8;
	[tilespmem:$0x5D20] =	vst v63  }
0x65: {  	s2 =	simm.s32 $0x820  }
0x66: {  	[spmem:s1] =	stream.indirect.scatter.add.f32 [tilespmem:s2], [sflag:$0x3], $0x10, s19, s19, $0xb8;
	[tilespmem:$0x5D20] =	vst v63  }
0x67: {  	s25 =	simm.s32 $0xA0;
	s13 =	simm.s32 $0xD20  }
0x68: {  	[spmem:s1] =	stream.indirect.scatter.add.f32 [tilespmem:s13], [sflag:$0x3], $0x10, s25, s19, $0xb8;
	[tilespmem:$0x5D20] =	vst v63  }
0x69: {  	s30 =	simm.s32 $0xF0;
	s31 =	simm.s32 $0x1220  }
0x6a: {  	[spmem:s1] =	stream.indirect.scatter.add.f32 [tilespmem:s31], [sflag:$0x3], $0x10, s30, s19, $0xb8;
	[tilespmem:$0x5D20] =	vst v63  }
0x6b: {  	_ = 	snop  }
0x6c: {  	[spmem:s1] =	stream.indirect.scatter.add.f32 [tilespmem:s28], [sflag:$0x3], $0x10, s26, s19, $0xb8;
	[tilespmem:$0x5D20] =	vst v63  }
0x6d: {  	_ =	swait.ge [sflag:s20], $0x500  }
0x6e: {  	[sflag:s20] =	ssyncset.done $0x0  }
0x6f: {  	[sflag:s20] =	ssyncadd.s32 $0xFFFFFB00  }
0x70: {  	_ =	swait.ge [sflag:s20], $0x500  }
0x71: {  	[sflag:s20] =	ssyncset.done $0x0  }
0x72: {  	[sflag:s20] =	ssyncadd.s32 $0xFFFFFB00  }
0x73: {  	_ =	swait.ge [sflag:s20], $0x500  }
0x74: {  	[sflag:s20] =	ssyncset.done $0x0  }
0x75: {  	[sflag:s20] =	ssyncadd.s32 $0xFFFFFB00  }
0x76: {  	_ =	swait.ge [sflag:s20], $0x500  }
0x77: {  	[sflag:s20] =	ssyncset.done $0x0  }
0x78: {  	[sflag:s20] =	ssyncadd.s32 $0xFFFFFB00  }
0x79: {  	_ =	swait.ge [sflag:s20], $0x500  }
0x7a: {  	s29 =	sadd.s32 $0x1, s29;
	[sflag:s20] =	ssyncset.done $0x0  }
0x7b: {  	p0 =	sne.s32 s29, s11;
	[sflag:s20] =	ssyncadd.s32 $0xFFFFFB00  }
.Ltmp1:
0x7c: {  	[bflag:$0x0] =	sbarrier.arrive $0xFFFF;
	(pc) =	sbr.rel @p0 .LBB2_1-.Ltmp1, $4  }
0x7d: {  	[hbm:s10], [sflag:s7] =	dma.local [spmem:s14], $0x500  }
0x7e: {  	_ =	swait.ge [sflag:s15], $0x500  }
0x7f: {  	[sflag:s15] =	ssyncset.done $0x0  }
0x80: {  	[sflag:s15] =	ssyncadd.s32 $0xFFFFFB00  }
0x81: {  	_ =	sfence.sel $0x180000  }
0x82: {  	[bflag:$0x0] =	sbarrier.arrive $0xFFFF  }
0x83: {  	_ =	strace $0x90000065  }
0x84: {  	s0 =	stileid.u32;
	[bflag:$0x2] =	sbarrier.arrive $0xFFFF  }
0x85: {  	p0 =	sne.s32 s0, $0x0;
	s0 =	rddreg [dreg:$0x2]  }
0x86: {  	s0 =	sadd.s32 @!p0 $0x100000, s0  }
0x87: {  	[sflag:s0] =	ssyncadd.tile.s32 @!p0 $0x1;
	_ =	shalt  }
.Lfunc_end2:
_tile_overlayer_lowered:
.L_overlay_start_2:
0x88: {  	(tag) =	ssettag $0x2  }
0x89: {  	s0 =	rddreg [dreg:$0x0];
	s2 =	stileid.u32  }
0x8a: {  	s1 =	rddreg [dreg:$0x1];
	p0 =	sne.s32 s2, $0x0  }
0x8b: {  	s3 =	rddreg [dreg:$0x2];
	[bflag:$0x3] =	sbarrier.arrive $0xFFFF;
	s2 =	simm.s32 @!p0 $0x1C04  }
0x8c: {  	[timem:s3], [sflag:s2] =	dma.local @!p0 [hbm:s0], s1  }
0x8d: {  	s0 =	simm.s32 @!p0 $0x4  }
0x8e: {  	_ =	swait.ge @!p0 [sflag:s0], s1  }
0x8f: {  	s1 =	ssub.s32 @!p0 $0x0, s1;
	[sflag:s0] =	ssyncset.done @!p0 $0x0  }
0x90: {  	[sflag:s0] =	ssyncadd.s32 @!p0 s1  }
0x91: {  	[bflag:$0x3] =	sbarrier.arrive $0xFFFF  }
0x92: {  	_ =	shalt  }

</sc_bundles>
